<compile_context>
chip_gen: v7x
topology: tpu7x:2x2x1
jax: 0.10.2.dev20260603
libtpu: 0.0.44.dev20260713+nightly
codegen_flags: <defaults>
</compile_context>

<pallas_src>
import jax
import jax.numpy as jnp
from jax import lax
from jax.experimental import pallas as pl
from jax.experimental.pallas import tpu as pltpu
from jax.experimental.pallas import tpu_sc as plsc

N = 10000
E = 320000
F = 16
NW = 32
NSUB = 16
EW = E // NW
CHK = 1000
NCH = EW // CHK
NBUF = 4
NPAD = 10112
RPS = NPAD // NSUB


def _mesh():
    return plsc.VectorSubcoreMesh(core_axis_name="c", subcore_axis_name="s")


def _deg_body(edge_hbm, deg_out, colv, degv):
    cid = lax.axis_index("c")
    sid = lax.axis_index("s")
    wid = cid * NSUB + sid
    pltpu.sync_copy(edge_hbm.at[pl.ds(E + wid * EW, EW)], colv)

    def zero(i, _):
        degv[pl.ds(i * 16, 16)] = jnp.zeros((16,), jnp.float32)
        return 0

    lax.fori_loop(0, NPAD // 16, zero, 0)
    ones = jnp.ones((16,), jnp.float32)

    def upd(i, _):
        idx = colv[pl.ds(i * 16, 16)]
        plsc.addupdate_scatter(degv, [idx], ones)
        return 0

    lax.fori_loop(0, EW // 16, upd, 0)
    pltpu.sync_copy(degv, deg_out.at[wid])


_deg_call = pl.kernel(
    _deg_body,
    out_type=jax.ShapeDtypeStruct((NW, NPAD), jnp.float32),
    mesh=_mesh(),
    scratch_types=[
        pltpu.VMEM((EW,), jnp.int32),
        pltpu.VMEM((NPAD,), jnp.float32),
    ],
    compiler_params=pltpu.CompilerParams(needs_layout_passes=False),
)


def _msg_body(y_hbm, edge_hbm, zero_hbm, out_hbm,
              rowv, colv, gbuf0, gbuf1, gbuf2, gbuf3, shy, shacc,
              semi, semg, sems):
    cid = lax.axis_index("c")
    sid = lax.axis_index("s")
    wid = cid * NSUB + sid
    idxd = []
    for j in range(NCH):
        idxd.append(pltpu.async_copy(
            edge_hbm.at[pl.ds(wid * EW + j * CHK, CHK)], rowv.at[j], semi))
        idxd.append(pltpu.async_copy(
            edge_hbm.at[pl.ds(E + wid * EW + j * CHK, CHK)], colv.at[j], semi))
    pltpu.sync_copy(y_hbm.at[pl.ds(sid * RPS, RPS)], shy.at[pl.ds(sid * RPS, RPS)])
    pltpu.sync_copy(zero_hbm.at[pl.ds(sid * RPS, RPS)], shacc.at[pl.ds(sid * RPS, RPS)])
    for d in idxd:
        d.wait()
    plsc.subcore_barrier()

    bufs = [gbuf0, gbuf1, gbuf2, gbuf3]
    gd = [None] * NCH
    sd = [None] * NCH
    gd[0] = pltpu.async_copy(shy.at[rowv.at[0]], bufs[0], semg)
    for j in range(NCH):
        gd[j].wait()
        if j + 1 < NCH:
            if j + 1 >= NBUF:
                sd[j + 1 - NBUF].wait()
            gd[j + 1] = pltpu.async_copy(
                shy.at[rowv.at[j + 1]], bufs[(j + 1) % NBUF], semg)
        sd[j] = pltpu.async_copy(
            bufs[j % NBUF], shacc.at[colv.at[j]], sems, add=True)
    for j in range(max(0, NCH - NBUF), NCH):
        sd[j].wait()
    plsc.subcore_barrier()
    pltpu.sync_copy(shacc.at[pl.ds(sid * RPS, RPS)],
                    out_hbm.at[cid, pl.ds(sid * RPS, RPS)])


_msg_call = pl.kernel(
    _msg_body,
    out_type=jax.ShapeDtypeStruct((2, NPAD, F), jnp.float32),
    mesh=_mesh(),
    scratch_types=[
        pltpu.VMEM((NCH, CHK), jnp.int32),
        pltpu.VMEM((NCH, CHK), jnp.int32),
        pltpu.VMEM((CHK, F), jnp.float32),
        pltpu.VMEM((CHK, F), jnp.float32),
        pltpu.VMEM((CHK, F), jnp.float32),
        pltpu.VMEM((CHK, F), jnp.float32),
        pltpu.VMEM_SHARED((NPAD, F), jnp.float32),
        pltpu.VMEM_SHARED((NPAD, F), jnp.float32),
        pltpu.SemaphoreType.DMA,
        pltpu.SemaphoreType.DMA,
        pltpu.SemaphoreType.DMA,
    ],
    compiler_params=pltpu.CompilerParams(use_tc_tiling_on_sc=False),
)


def _tc0_body(x_ref, wnn_ref, bnn_ref, glob_ref, wgn_ref, bgn_ref, x1_ref):
    gl = glob_ref[...] @ wgn_ref[...] + bgn_ref[...]
    x1_ref[...] = x_ref[...] @ wnn_ref[...] + bnn_ref[...] + gl


def _tc1_body(x1_ref, degp_ref, y1_ref, dis_ref):
    deg = jnp.sum(degp_ref[...], axis=0)[:N] + 1.0
    dis16 = jnp.broadcast_to(lax.rsqrt(deg)[:, None], (N, F))
    dis_ref[...] = dis16
    y1_ref[pl.ds(0, N), :] = dis16 * x1_ref[...]
    y1_ref[pl.ds(N, NPAD - N), :] = jnp.zeros((NPAD - N, F), jnp.float32)


def _tc2_body(acc_ref, y1_ref, dis_ref, glob_ref, wgg_ref, bgg_ref, wng_ref,
              bng_ref, wnn2_ref, bnn2_ref, wgn2_ref, bgn2_ref, y2_ref):
    acc = acc_ref[...]
    dis16 = dis_ref[...]
    out1 = dis16 * (acc[0, :N] + acc[1, :N] + y1_ref[pl.ds(0, N), :])
    gp = jnp.max(out1, axis=0, keepdims=True)
    glob2 = (glob_ref[...] @ wgg_ref[...] + bgg_ref[...]
             + gp @ wng_ref[...] + bng_ref[...])
    h1 = jnp.maximum(out1, 0.0)
    x2 = h1 @ wnn2_ref[...] + bnn2_ref[...] + glob2 @ wgn2_ref[...] + bgn2_ref[...]
    y2_ref[pl.ds(0, N), :] = dis16 * x2
    y2_ref[pl.ds(N, NPAD - N), :] = jnp.zeros((NPAD - N, F), jnp.float32)


def _tc3_body(acc_ref, y2_ref, dis_ref, o_ref):
    acc = acc_ref[...]
    out2 = dis_ref[...] * (acc[0, :N] + acc[1, :N] + y2_ref[pl.ds(0, N), :])
    o_ref[...] = jax.nn.sigmoid(out2)


def _sds(shape):
    return jax.ShapeDtypeStruct(shape, jnp.float32)


def kernel(x, edge_index, glob_init,
           W_nn1, b_nn1, W_gn1, b_gn1, W_gg1, b_gg1, W_ng1, b_ng1,
           W_nn2, b_nn2, W_gn2, b_gn2, W_gg2, b_gg2, W_ng2, b_ng2):
    edge_flat = edge_index.reshape(2 * E)
    zeros_hbm = jnp.zeros((NPAD, F), jnp.float32)
    b_nn1r = b_nn1.reshape(1, F)
    b_gn1r = b_gn1.reshape(1, F)
    b_gg1r = b_gg1.reshape(1, F)
    b_ng1r = b_ng1.reshape(1, F)
    b_nn2r = b_nn2.reshape(1, F)
    b_gn2r = b_gn2.reshape(1, F)

    degp = _deg_call(edge_flat)

    x1 = pl.pallas_call(
        _tc0_body,
        out_shape=_sds((N, F)),
    )(x, W_nn1, b_nn1r, glob_init, W_gn1, b_gn1r)

    y1, dis16 = pl.pallas_call(
        _tc1_body,
        out_shape=(_sds((NPAD, F)), _sds((N, F))),
    )(x1, degp)

    acc1 = _msg_call(y1, edge_flat, zeros_hbm)

    y2 = pl.pallas_call(
        _tc2_body,
        out_shape=_sds((NPAD, F)),
    )(acc1, y1, dis16, glob_init, W_gg1, b_gg1r, W_ng1, b_ng1r,
      W_nn2, b_nn2r, W_gn2, b_gn2r)

    acc2 = _msg_call(y2, edge_flat, zeros_hbm)

    out = pl.pallas_call(
        _tc3_body,
        out_shape=_sds((N, F)),
    )(acc2, y2, dis16)
    return out

# --- scband reference (transcript-rebuilt; emitter-appended) ---
"""Pipeline reference for scband-gcn-with-glob-16673063043611 (READ-ONLY COPY).

The authoritative reference and input builder live on the scoring server;
editing this copy changes nothing except your own understanding.
"""

import jax, jax.numpy as jnp
import numpy as np

N = 10000
E = 320000
D_IN = 128
D_HID = 16
D_OUT = 16
GD = 16


def _mk(key, shape, fan_in):
    return jax.random.normal(key, shape, dtype=jnp.float32) * (1.0 / np.sqrt(fan_in))


def setup_inputs(seed: int = 0) -> dict:
    key = jax.random.key(seed)
    ks = jax.random.split(key, 24)
    inp = {}
    inp["x"] = jax.random.normal(ks[0], (N, D_IN), dtype=jnp.float32)
    inp["edge_index"] = jax.random.randint(ks[1], (2, E), 0, N, dtype=jnp.int32)
    inp["glob_init"] = jax.random.normal(ks[2], (1, GD), dtype=jnp.float32)
    # layer 1 (in=D_IN, out=D_HID)
    inp["W_nn1"] = _mk(ks[3], (D_IN, D_HID), D_IN)
    inp["b_nn1"] = jnp.zeros((D_HID,), jnp.float32)
    inp["W_gn1"] = _mk(ks[4], (GD, D_HID), GD)
    inp["b_gn1"] = jnp.zeros((D_HID,), jnp.float32)
    inp["W_gg1"] = _mk(ks[5], (GD, GD), GD)
    inp["b_gg1"] = jnp.zeros((GD,), jnp.float32)
    inp["W_ng1"] = _mk(ks[6], (D_HID, GD), D_HID)
    inp["b_ng1"] = jnp.zeros((GD,), jnp.float32)
    # layer 2 (in=D_HID, out=D_OUT)
    inp["W_nn2"] = _mk(ks[7], (D_HID, D_OUT), D_HID)
    inp["b_nn2"] = jnp.zeros((D_OUT,), jnp.float32)
    inp["W_gn2"] = _mk(ks[8], (GD, D_OUT), GD)
    inp["b_gn2"] = jnp.zeros((D_OUT,), jnp.float32)
    inp["W_gg2"] = _mk(ks[9], (GD, GD), GD)
    inp["b_gg2"] = jnp.zeros((GD,), jnp.float32)
    inp["W_ng2"] = _mk(ks[10], (D_OUT, GD), D_OUT)
    inp["b_ng2"] = jnp.zeros((GD,), jnp.float32)
    return inp


def _gcn_conv_glob(x, edge_index, glob, W_nn, b_nn, W_gn, b_gn, W_gg, b_gg, W_ng, b_ng):
    n = x.shape[0]
    loop = jnp.arange(n, dtype=edge_index.dtype)
    row = jnp.concatenate([edge_index[0], loop])
    col = jnp.concatenate([edge_index[1], loop])
    x = x @ W_nn + b_nn
    globs = glob @ W_gn + b_gn
    # binary_matrix is ones(N,1) for a single graph: broadcast globs to all nodes
    x = x + globs
    deg = jnp.zeros((n,), x.dtype).at[col].add(1.0)
    deg_inv_sqrt = jnp.where(deg > 0, deg ** -0.5, 0.0)
    norm = deg_inv_sqrt[row] * deg_inv_sqrt[col]
    msgs = norm[:, None] * x[row]
    out = jnp.zeros_like(x).at[col].add(msgs)
    glob2 = glob @ W_gg + b_gg
    # scatter-max over graph_indices (all zeros for single graph)
    graph_parts = jnp.max(out, axis=0, keepdims=True)
    glob2 = glob2 + graph_parts @ W_ng + b_ng
    return out, glob2


def reference(x, edge_index, glob_init,
              W_nn1, b_nn1, W_gn1, b_gn1, W_gg1, b_gg1, W_ng1, b_ng1,
              W_nn2, b_nn2, W_gn2, b_gn2, W_gg2, b_gg2, W_ng2, b_ng2):
    glob = glob_init  # num_graphs=1, repeat(1,1)
    h, glob = _gcn_conv_glob(x, edge_index, glob, W_nn1, b_nn1, W_gn1, b_gn1, W_gg1, b_gg1, W_ng1, b_ng1)
    h = jax.nn.relu(h)
    h, glob = _gcn_conv_glob(h, edge_index, glob, W_nn2, b_nn2, W_gn2, b_gn2, W_gg2, b_gg2, W_ng2, b_ng2)
    return jax.nn.sigmoid(h)

if __name__ == "__main__":
    import jax
    _d = setup_inputs()
    print(jax.jit(kernel)(*tuple(_d.values())))

</pallas_src>

<mosaic_0001>
#map = affine_map<(d0, d1) -> (0, 0)>
#map1 = affine_map<(d0, d1) -> (0)>
#map2 = affine_map<(d0, d1) -> (0, 0, 0)>
module attributes {stable_mosaic.version = 14 : i64} {
  func.func @_msg_body(%arg0: i32, %arg1: i32, %arg2: memref<10112x16xf32, #tpu.memory_space<hbm>>, %arg3: memref<640000xi32, #tpu.memory_space<hbm>>, %arg4: memref<10112x16xf32, #tpu.memory_space<hbm>>, %arg5: memref<2x10112x16xf32, #tpu.memory_space<hbm>>, %arg6: memref<10x1000xi32, #tpu.memory_space<vmem>>, %arg7: memref<10x1000xi32, #tpu.memory_space<vmem>>, %arg8: memref<1000x16xf32, #tpu.memory_space<vmem>>, %arg9: memref<1000x16xf32, #tpu.memory_space<vmem>>, %arg10: memref<1000x16xf32, #tpu.memory_space<vmem>>, %arg11: memref<1000x16xf32, #tpu.memory_space<vmem>>, %arg12: memref<10112x16xf32, #tpu.memory_space<vmem_shared>>, %arg13: memref<10112x16xf32, #tpu.memory_space<vmem_shared>>, %arg14: memref<!tpu.dma_semaphore, #tpu.memory_space<semaphore_mem>>, %arg15: memref<!tpu.dma_semaphore, #tpu.memory_space<semaphore_mem>>, %arg16: memref<!tpu.dma_semaphore, #tpu.memory_space<semaphore_mem>>) attributes {dimension_semantics = [#tpu.dimension_semantics<core_parallel>, #tpu.dimension_semantics<subcore_parallel>], iteration_bounds = array<i64: 2, 16>, scalar_prefetch = 0 : i64, scratch_operands = 11 : i64, tpu.core_type = #tpu.core_type<sc_vector_subcore>, window_params = [{transform_indices = #map}, {transform_indices = #map1}, {transform_indices = #map}, {transform_indices = #map2}]} {
    %mul3A = arith.constant 16 : i32
    %mul3A_0 = arith.muli %arg0, %mul3A : i32
    %add3A = arith.addi %mul3A_0, %arg1 : i32
    %mul3A_1 = arith.constant 10000 : i32
    %mul3A_2 = arith.muli %add3A, %mul3A_1 : i32
    %add3A_3 = arith.constant 0 : i32
    %add3A_4 = arith.addi %mul3A_2, %add3A_3 : i32
    %dma_start3A = arith.constant 0 : i32
    %dma_start3A_5 = arith.constant 0 : i32
    %dma_start3A_6 = tpu.memref_slice %arg6[%dma_start3A, %dma_start3A_5] : memref<10x1000xi32, #tpu.memory_space<vmem>> -> memref<1x1000xi32, #tpu.memory_space<vmem>>
    %dma_start3A_7 = tpu.memref_squeeze %dma_start3A_6 : memref<1x1000xi32, #tpu.memory_space<vmem>> -> memref<1000xi32, #tpu.memory_space<vmem>>
    %dma_start3A_8 = tpu.memref_slice %arg3[%add3A_4] : memref<640000xi32, #tpu.memory_space<hbm>> -> memref<1000xi32, #tpu.memory_space<hbm>>
    %dma_start3A_9 = arith.constant 0 : i32
    %dma_start3A_10 = tpu.memref_slice %arg6[%dma_start3A, %dma_start3A_9] : memref<10x1000xi32, #tpu.memory_space<vmem>> -> memref<1x1000xi32, #tpu.memory_space<vmem>>
    %dma_start3A_11 = tpu.memref_squeeze %dma_start3A_10 : memref<1x1000xi32, #tpu.memory_space<vmem>> -> memref<1000xi32, #tpu.memory_space<vmem>>
    %dma_start3A_12 = tpu.memref_slice %arg3[%add3A_4] : memref<640000xi32, #tpu.memory_space<hbm>> -> memref<1000xi32, #tpu.memory_space<hbm>>
    tpu.enqueue_dma source(%dma_start3A_12 : memref<1000xi32, #tpu.memory_space<hbm>>) target(%dma_start3A_11 : memref<1000xi32, #tpu.memory_space<vmem>>) target_semaphore(%arg14 : memref<!tpu.dma_semaphore, #tpu.memory_space<semaphore_mem>>)
    %mul3A_13 = arith.constant 10000 : i32
    %mul3A_14 = arith.muli %add3A, %mul3A_13 : i32
    %add3A_15 = arith.constant 320000 : i32
    %add3A_16 = arith.addi %add3A_15, %mul3A_14 : i32
    %add3A_17 = arith.constant 0 : i32
    %add3A_18 = arith.addi %add3A_16, %add3A_17 : i32
    %dma_start3A_19 = arith.constant 0 : i32
    %dma_start3A_20 = arith.constant 0 : i32
    %dma_start3A_21 = tpu.memref_slice %arg7[%dma_start3A_19, %dma_start3A_20] : memref<10x1000xi32, #tpu.memory_space<vmem>> -> memref<1x1000xi32, #tpu.memory_space<vmem>>
    %dma_start3A_22 = tpu.memref_squeeze %dma_start3A_21 : memref<1x1000xi32, #tpu.memory_space<vmem>> -> memref<1000xi32, #tpu.memory_space<vmem>>
    %dma_start3A_23 = tpu.memref_slice %arg3[%add3A_18] : memref<640000xi32, #tpu.memory_space<hbm>> -> memref<1000xi32, #tpu.memory_space<hbm>>
    %dma_start3A_24 = arith.constant 0 : i32
    %dma_start3A_25 = tpu.memref_slice %arg7[%dma_start3A_19, %dma_start3A_24] : memref<10x1000xi32, #tpu.memory_space<vmem>> -> memref<1x1000xi32, #tpu.memory_space<vmem>>
    %dma_start3A_26 = tpu.memref_squeeze %dma_start3A_25 : memref<1x1000xi32, #tpu.memory_space<vmem>> -> memref<1000xi32, #tpu.memory_space<vmem>>
    %dma_start3A_27 = tpu.memref_slice %arg3[%add3A_18] : memref<640000xi32, #tpu.memory_space<hbm>> -> memref<1000xi32, #tpu.memory_space<hbm>>
    tpu.enqueue_dma source(%dma_start3A_27 : memref<1000xi32, #tpu.memory_space<hbm>>) target(%dma_start3A_26 : memref<1000xi32, #tpu.memory_space<vmem>>) target_semaphore(%arg14 : memref<!tpu.dma_semaphore, #tpu.memory_space<semaphore_mem>>)
    %mul3A_28 = arith.constant 10000 : i32
    %mul3A_29 = arith.muli %add3A, %mul3A_28 : i32
    %add3A_30 = arith.constant 1000 : i32
    %add3A_31 = arith.addi %mul3A_29, %add3A_30 : i32
    %dma_start3A_32 = arith.constant 1 : i32
    %dma_start3A_33 = arith.constant 0 : i32
    %dma_start3A_34 = tpu.memref_slice %arg6[%dma_start3A_32, %dma_start3A_33] : memref<10x1000xi32, #tpu.memory_space<vmem>> -> memref<1x1000xi32, #tpu.memory_space<vmem>>
    %dma_start3A_35 = tpu.memref_squeeze %dma_start3A_34 : memref<1x1000xi32, #tpu.memory_space<vmem>> -> memref<1000xi32, #tpu.memory_space<vmem>>
    %dma_start3A_36 = tpu.memref_slice %arg3[%add3A_31] : memref<640000xi32, #tpu.memory_space<hbm>> -> memref<1000xi32, #tpu.memory_space<hbm>>
    %dma_start3A_37 = arith.constant 0 : i32
    %dma_start3A_38 = tpu.memref_slice %arg6[%dma_start3A_32, %dma_start3A_37] : memref<10x1000xi32, #tpu.memory_space<vmem>> -> memref<1x1000xi32, #tpu.memory_space<vmem>>
    %dma_start3A_39 = tpu.memref_squeeze %dma_start3A_38 : memref<1x1000xi32, #tpu.memory_space<vmem>> -> memref<1000xi32, #tpu.memory_space<vmem>>
    %dma_start3A_40 = tpu.memref_slice %arg3[%add3A_31] : memref<640000xi32, #tpu.memory_space<hbm>> -> memref<1000xi32, #tpu.memory_space<hbm>>
    tpu.enqueue_dma source(%dma_start3A_40 : memref<1000xi32, #tpu.memory_space<hbm>>) target(%dma_start3A_39 : memref<1000xi32, #tpu.memory_space<vmem>>) target_semaphore(%arg14 : memref<!tpu.dma_semaphore, #tpu.memory_space<semaphore_mem>>)
    %mul3A_41 = arith.constant 10000 : i32
    %mul3A_42 = arith.muli %add3A, %mul3A_41 : i32
    %add3A_43 = arith.constant 320000 : i32
    %add3A_44 = arith.addi %add3A_43, %mul3A_42 : i32
    %add3A_45 = arith.constant 1000 : i32
    %add3A_46 = arith.addi %add3A_44, %add3A_45 : i32
    %dma_start3A_47 = arith.constant 1 : i32
    %dma_start3A_48 = arith.constant 0 : i32
    %dma_start3A_49 = tpu.memref_slice %arg7[%dma_start3A_47, %dma_start3A_48] : memref<10x1000xi32, #tpu.memory_space<vmem>> -> memref<1x1000xi32, #tpu.memory_space<vmem>>
    %dma_start3A_50 = tpu.memref_squeeze %dma_start3A_49 : memref<1x1000xi32, #tpu.memory_space<vmem>> -> memref<1000xi32, #tpu.memory_space<vmem>>
    %dma_start3A_51 = tpu.memref_slice %arg3[%add3A_46] : memref<640000xi32, #tpu.memory_space<hbm>> -> memref<1000xi32, #tpu.memory_space<hbm>>
    %dma_start3A_52 = arith.constant 0 : i32
    %dma_start3A_53 = tpu.memref_slice %arg7[%dma_start3A_47, %dma_start3A_52] : memref<10x1000xi32, #tpu.memory_space<vmem>> -> memref<1x1000xi32, #tpu.memory_space<vmem>>
    %dma_start3A_54 = tpu.memref_squeeze %dma_start3A_53 : memref<1x1000xi32, #tpu.memory_space<vmem>> -> memref<1000xi32, #tpu.memory_space<vmem>>
    %dma_start3A_55 = tpu.memref_slice %arg3[%add3A_46] : memref<640000xi32, #tpu.memory_space<hbm>> -> memref<1000xi32, #tpu.memory_space<hbm>>
    tpu.enqueue_dma source(%dma_start3A_55 : memref<1000xi32, #tpu.memory_space<hbm>>) target(%dma_start3A_54 : memref<1000xi32, #tpu.memory_space<vmem>>) target_semaphore(%arg14 : memref<!tpu.dma_semaphore, #tpu.memory_space<semaphore_mem>>)
    %mul3A_56 = arith.constant 10000 : i32
    %mul3A_57 = arith.muli %add3A, %mul3A_56 : i32
    %add3A_58 = arith.constant 2000 : i32
    %add3A_59 = arith.addi %mul3A_57, %add3A_58 : i32
    %dma_start3A_60 = arith.constant 2 : i32
    %dma_start3A_61 = arith.constant 0 : i32
    %dma_start3A_62 = tpu.memref_slice %arg6[%dma_start3A_60, %dma_start3A_61] : memref<10x1000xi32, #tpu.memory_space<vmem>> -> memref<1x1000xi32, #tpu.memory_space<vmem>>
    %dma_start3A_63 = tpu.memref_squeeze %dma_start3A_62 : memref<1x1000xi32, #tpu.memory_space<vmem>> -> memref<1000xi32, #tpu.memory_space<vmem>>
    %dma_start3A_64 = tpu.memref_slice %arg3[%add3A_59] : memref<640000xi32, #tpu.memory_space<hbm>> -> memref<1000xi32, #tpu.memory_space<hbm>>
    %dma_start3A_65 = arith.constant 0 : i32
    %dma_start3A_66 = tpu.memref_slice %arg6[%dma_start3A_60, %dma_start3A_65] : memref<10x1000xi32, #tpu.memory_space<vmem>> -> memref<1x1000xi32, #tpu.memory_space<vmem>>
    %dma_start3A_67 = tpu.memref_squeeze %dma_start3A_66 : memref<1x1000xi32, #tpu.memory_space<vmem>> -> memref<1000xi32, #tpu.memory_space<vmem>>
    %dma_start3A_68 = tpu.memref_slice %arg3[%add3A_59] : memref<640000xi32, #tpu.memory_space<hbm>> -> memref<1000xi32, #tpu.memory_space<hbm>>
    tpu.enqueue_dma source(%dma_start3A_68 : memref<1000xi32, #tpu.memory_space<hbm>>) target(%dma_start3A_67 : memref<1000xi32, #tpu.memory_space<vmem>>) target_semaphore(%arg14 : memref<!tpu.dma_semaphore, #tpu.memory_space<semaphore_mem>>)
    %mul3A_69 = arith.constant 10000 : i32
    %mul3A_70 = arith.muli %add3A, %mul3A_69 : i32
    %add3A_71 = arith.constant 320000 : i32
    %add3A_72 = arith.addi %add3A_71, %mul3A_70 : i32
    %add3A_73 = arith.constant 2000 : i32
    %add3A_74 = arith.addi %add3A_72, %add3A_73 : i32
    %dma_start3A_75 = arith.constant 2 : i32
    %dma_start3A_76 = arith.constant 0 : i32
    %dma_start3A_77 = tpu.memref_slice %arg7[%dma_start3A_75, %dma_start3A_76] : memref<10x1000xi32, #tpu.memory_space<vmem>> -> memref<1x1000xi32, #tpu.memory_space<vmem>>
    %dma_start3A_78 = tpu.memref_squeeze %dma_start3A_77 : memref<1x1000xi32, #tpu.memory_space<vmem>> -> memref<1000xi32, #tpu.memory_space<vmem>>
    %dma_start3A_79 = tpu.memref_slice %arg3[%add3A_74] : memref<640000xi32, #tpu.memory_space<hbm>> -> memref<1000xi32, #tpu.memory_space<hbm>>
    %dma_start3A_80 = arith.constant 0 : i32
    %dma_start3A_81 = tpu.memref_slice %arg7[%dma_start3A_75, %dma_start3A_80] : memref<10x1000xi32, #tpu.memory_space<vmem>> -> memref<1x1000xi32, #tpu.memory_space<vmem>>
    %dma_start3A_82 = tpu.memref_squeeze %dma_start3A_81 : memref<1x1000xi32, #tpu.memory_space<vmem>> -> memref<1000xi32, #tpu.memory_space<vmem>>
    %dma_start3A_83 = tpu.memref_slice %arg3[%add3A_74] : memref<640000xi32, #tpu.memory_space<hbm>> -> memref<1000xi32, #tpu.memory_space<hbm>>
    tpu.enqueue_dma source(%dma_start3A_83 : memref<1000xi32, #tpu.memory_space<hbm>>) target(%dma_start3A_82 : memref<1000xi32, #tpu.memory_space<vmem>>) target_semaphore(%arg14 : memref<!tpu.dma_semaphore, #tpu.memory_space<semaphore_mem>>)
    %mul3A_84 = arith.constant 10000 : i32
    %mul3A_85 = arith.muli %add3A, %mul3A_84 : i32
    %add3A_86 = arith.constant 3000 : i32
    %add3A_87 = arith.addi %mul3A_85, %add3A_86 : i32
    %dma_start3A_88 = arith.constant 3 : i32
    %dma_start3A_89 = arith.constant 0 : i32
    %dma_start3A_90 = tpu.memref_slice %arg6[%dma_start3A_88, %dma_start3A_89] : memref<10x1000xi32, #tpu.memory_space<vmem>> -> memref<1x1000xi32, #tpu.memory_space<vmem>>
    %dma_start3A_91 = tpu.memref_squeeze %dma_start3A_90 : memref<1x1000xi32, #tpu.memory_space<vmem>> -> memref<1000xi32, #tpu.memory_space<vmem>>
    %dma_start3A_92 = tpu.memref_slice %arg3[%add3A_87] : memref<640000xi32, #tpu.memory_space<hbm>> -> memref<1000xi32, #tpu.memory_space<hbm>>
    %dma_start3A_93 = arith.constant 0 : i32
    %dma_start3A_94 = tpu.memref_slice %arg6[%dma_start3A_88, %dma_start3A_93] : memref<10x1000xi32, #tpu.memory_space<vmem>> -> memref<1x1000xi32, #tpu.memory_space<vmem>>
    %dma_start3A_95 = tpu.memref_squeeze %dma_start3A_94 : memref<1x1000xi32, #tpu.memory_space<vmem>> -> memref<1000xi32, #tpu.memory_space<vmem>>
    %dma_start3A_96 = tpu.memref_slice %arg3[%add3A_87] : memref<640000xi32, #tpu.memory_space<hbm>> -> memref<1000xi32, #tpu.memory_space<hbm>>
    tpu.enqueue_dma source(%dma_start3A_96 : memref<1000xi32, #tpu.memory_space<hbm>>) target(%dma_start3A_95 : memref<1000xi32, #tpu.memory_space<vmem>>) target_semaphore(%arg14 : memref<!tpu.dma_semaphore, #tpu.memory_space<semaphore_mem>>)
    %mul3A_97 = arith.constant 10000 : i32
    %mul3A_98 = arith.muli %add3A, %mul3A_97 : i32
    %add3A_99 = arith.constant 320000 : i32
    %add3A_100 = arith.addi %add3A_99, %mul3A_98 : i32
    %add3A_101 = arith.constant 3000 : i32
    %add3A_102 = arith.addi %add3A_100, %add3A_101 : i32
    %dma_start3A_103 = arith.constant 3 : i32
    %dma_start3A_104 = arith.constant 0 : i32
    %dma_start3A_105 = tpu.memref_slice %arg7[%dma_start3A_103, %dma_start3A_104] : memref<10x1000xi32, #tpu.memory_space<vmem>> -> memref<1x1000xi32, #tpu.memory_space<vmem>>
    %dma_start3A_106 = tpu.memref_squeeze %dma_start3A_105 : memref<1x1000xi32, #tpu.memory_space<vmem>> -> memref<1000xi32, #tpu.memory_space<vmem>>
    %dma_start3A_107 = tpu.memref_slice %arg3[%add3A_102] : memref<640000xi32, #tpu.memory_space<hbm>> -> memref<1000xi32, #tpu.memory_space<hbm>>
    %dma_start3A_108 = arith.constant 0 : i32
    %dma_start3A_109 = tpu.memref_slice %arg7[%dma_start3A_103, %dma_start3A_108] : memref<10x1000xi32, #tpu.memory_space<vmem>> -> memref<1x1000xi32, #tpu.memory_space<vmem>>
    %dma_start3A_110 = tpu.memref_squeeze %dma_start3A_109 : memref<1x1000xi32, #tpu.memory_space<vmem>> -> memref<1000xi32, #tpu.memory_space<vmem>>
    %dma_start3A_111 = tpu.memref_slice %arg3[%add3A_102] : memref<640000xi32, #tpu.memory_space<hbm>> -> memref<1000xi32, #tpu.memory_space<hbm>>
    tpu.enqueue_dma source(%dma_start3A_111 : memref<1000xi32, #tpu.memory_space<hbm>>) target(%dma_start3A_110 : memref<1000xi32, #tpu.memory_space<vmem>>) target_semaphore(%arg14 : memref<!tpu.dma_semaphore, #tpu.memory_space<semaphore_mem>>)
    %mul3A_112 = arith.constant 10000 : i32
    %mul3A_113 = arith.muli %add3A, %mul3A_112 : i32
    %add3A_114 = arith.constant 4000 : i32
    %add3A_115 = arith.addi %mul3A_113, %add3A_114 : i32
    %dma_start3A_116 = arith.constant 4 : i32
    %dma_start3A_117 = arith.constant 0 : i32
    %dma_start3A_118 = tpu.memref_slice %arg6[%dma_start3A_116, %dma_start3A_117] : memref<10x1000xi32, #tpu.memory_space<vmem>> -> memref<1x1000xi32, #tpu.memory_space<vmem>>
    %dma_start3A_119 = tpu.memref_squeeze %dma_start3A_118 : memref<1x1000xi32, #tpu.memory_space<vmem>> -> memref<1000xi32, #tpu.memory_space<vmem>>
    %dma_start3A_120 = tpu.memref_slice %arg3[%add3A_115] : memref<640000xi32, #tpu.memory_space<hbm>> -> memref<1000xi32, #tpu.memory_space<hbm>>
    %dma_start3A_121 = arith.constant 0 : i32
    %dma_start3A_122 = tpu.memref_slice %arg6[%dma_start3A_116, %dma_start3A_121] : memref<10x1000xi32, #tpu.memory_space<vmem>> -> memref<1x1000xi32, #tpu.memory_space<vmem>>
    %dma_start3A_123 = tpu.memref_squeeze %dma_start3A_122 : memref<1x1000xi32, #tpu.memory_space<vmem>> -> memref<1000xi32, #tpu.memory_space<vmem>>
    %dma_start3A_124 = tpu.memref_slice %arg3[%add3A_115] : memref<640000xi32, #tpu.memory_space<hbm>> -> memref<1000xi32, #tpu.memory_space<hbm>>
    tpu.enqueue_dma source(%dma_start3A_124 : memref<1000xi32, #tpu.memory_space<hbm>>) target(%dma_start3A_123 : memref<1000xi32, #tpu.memory_space<vmem>>) target_semaphore(%arg14 : memref<!tpu.dma_semaphore, #tpu.memory_space<semaphore_mem>>)
    %mul3A_125 = arith.constant 10000 : i32
    %mul3A_126 = arith.muli %add3A, %mul3A_125 : i32
    %add3A_127 = arith.constant 320000 : i32
    %add3A_128 = arith.addi %add3A_127, %mul3A_126 : i32
    %add3A_129 = arith.constant 4000 : i32
    %add3A_130 = arith.addi %add3A_128, %add3A_129 : i32
    %dma_start3A_131 = arith.constant 4 : i32
    %dma_start3A_132 = arith.constant 0 : i32
    %dma_start3A_133 = tpu.memref_slice %arg7[%dma_start3A_131, %dma_start3A_132] : memref<10x1000xi32, #tpu.memory_space<vmem>> -> memref<1x1000xi32, #tpu.memory_space<vmem>>
    %dma_start3A_134 = tpu.memref_squeeze %dma_start3A_133 : memref<1x1000xi32, #tpu.memory_space<vmem>> -> memref<1000xi32, #tpu.memory_space<vmem>>
    %dma_start3A_135 = tpu.memref_slice %arg3[%add3A_130] : memref<640000xi32, #tpu.memory_space<hbm>> -> memref<1000xi32, #tpu.memory_space<hbm>>
    %dma_start3A_136 = arith.constant 0 : i32
    %dma_start3A_137 = tpu.memref_slice %arg7[%dma_start3A_131, %dma_start3A_136] : memref<10x1000xi32, #tpu.memory_space<vmem>> -> memref<1x1000xi32, #tpu.memory_space<vmem>>
    %dma_start3A_138 = tpu.memref_squeeze %dma_start3A_137 : memref<1x1000xi32, #tpu.memory_space<vmem>> -> memref<1000xi32, #tpu.memory_space<vmem>>
    %dma_start3A_139 = tpu.memref_slice %arg3[%add3A_130] : memref<640000xi32, #tpu.memory_space<hbm>> -> memref<1000xi32, #tpu.memory_space<hbm>>
    tpu.enqueue_dma source(%dma_start3A_139 : memref<1000xi32, #tpu.memory_space<hbm>>) target(%dma_start3A_138 : memref<1000xi32, #tpu.memory_space<vmem>>) target_semaphore(%arg14 : memref<!tpu.dma_semaphore, #tpu.memory_space<semaphore_mem>>)
    %mul3A_140 = arith.constant 10000 : i32
    %mul3A_141 = arith.muli %add3A, %mul3A_140 : i32
    %add3A_142 = arith.constant 5000 : i32
    %add3A_143 = arith.addi %mul3A_141, %add3A_142 : i32
    %dma_start3A_144 = arith.constant 5 : i32
    %dma_start3A_145 = arith.constant 0 : i32
    %dma_start3A_146 = tpu.memref_slice %arg6[%dma_start3A_144, %dma_start3A_145] : memref<10x1000xi32, #tpu.memory_space<vmem>> -> memref<1x1000xi32, #tpu.memory_space<vmem>>
    %dma_start3A_147 = tpu.memref_squeeze %dma_start3A_146 : memref<1x1000xi32, #tpu.memory_space<vmem>> -> memref<1000xi32, #tpu.memory_space<vmem>>
    %dma_start3A_148 = tpu.memref_slice %arg3[%add3A_143] : memref<640000xi32, #tpu.memory_space<hbm>> -> memref<1000xi32, #tpu.memory_space<hbm>>
    %dma_start3A_149 = arith.constant 0 : i32
    %dma_start3A_150 = tpu.memref_slice %arg6[%dma_start3A_144, %dma_start3A_149] : memref<10x1000xi32, #tpu.memory_space<vmem>> -> memref<1x1000xi32, #tpu.memory_space<vmem>>
    %dma_start3A_151 = tpu.memref_squeeze %dma_start3A_150 : memref<1x1000xi32, #tpu.memory_space<vmem>> -> memref<1000xi32, #tpu.memory_space<vmem>>
    %dma_start3A_152 = tpu.memref_slice %arg3[%add3A_143] : memref<640000xi32, #tpu.memory_space<hbm>> -> memref<1000xi32, #tpu.memory_space<hbm>>
    tpu.enqueue_dma source(%dma_start3A_152 : memref<1000xi32, #tpu.memory_space<hbm>>) target(%dma_start3A_151 : memref<1000xi32, #tpu.memory_space<vmem>>) target_semaphore(%arg14 : memref<!tpu.dma_semaphore, #tpu.memory_space<semaphore_mem>>)
    %mul3A_153 = arith.constant 10000 : i32
    %mul3A_154 = arith.muli %add3A, %mul3A_153 : i32
    %add3A_155 = arith.constant 320000 : i32
    %add3A_156 = arith.addi %add3A_155, %mul3A_154 : i32
    %add3A_157 = arith.constant 5000 : i32
    %add3A_158 = arith.addi %add3A_156, %add3A_157 : i32
    %dma_start3A_159 = arith.constant 5 : i32
    %dma_start3A_160 = arith.constant 0 : i32
    %dma_start3A_161 = tpu.memref_slice %arg7[%dma_start3A_159, %dma_start3A_160] : memref<10x1000xi32, #tpu.memory_space<vmem>> -> memref<1x1000xi32, #tpu.memory_space<vmem>>
    %dma_start3A_162 = tpu.memref_squeeze %dma_start3A_161 : memref<1x1000xi32, #tpu.memory_space<vmem>> -> memref<1000xi32, #tpu.memory_space<vmem>>
    %dma_start3A_163 = tpu.memref_slice %arg3[%add3A_158] : memref<640000xi32, #tpu.memory_space<hbm>> -> memref<1000xi32, #tpu.memory_space<hbm>>
    %dma_start3A_164 = arith.constant 0 : i32
    %dma_start3A_165 = tpu.memref_slice %arg7[%dma_start3A_159, %dma_start3A_164] : memref<10x1000xi32, #tpu.memory_space<vmem>> -> memref<1x1000xi32, #tpu.memory_space<vmem>>
    %dma_start3A_166 = tpu.memref_squeeze %dma_start3A_165 : memref<1x1000xi32, #tpu.memory_space<vmem>> -> memref<1000xi32, #tpu.memory_space<vmem>>
    %dma_start3A_167 = tpu.memref_slice %arg3[%add3A_158] : memref<640000xi32, #tpu.memory_space<hbm>> -> memref<1000xi32, #tpu.memory_space<hbm>>
    tpu.enqueue_dma source(%dma_start3A_167 : memref<1000xi32, #tpu.memory_space<hbm>>) target(%dma_start3A_166 : memref<1000xi32, #tpu.memory_space<vmem>>) target_semaphore(%arg14 : memref<!tpu.dma_semaphore, #tpu.memory_space<semaphore_mem>>)
    %mul3A_168 = arith.constant 10000 : i32
    %mul3A_169 = arith.muli %add3A, %mul3A_168 : i32
    %add3A_170 = arith.constant 6000 : i32
    %add3A_171 = arith.addi %mul3A_169, %add3A_170 : i32
    %dma_start3A_172 = arith.constant 6 : i32
    %dma_start3A_173 = arith.constant 0 : i32
    %dma_start3A_174 = tpu.memref_slice %arg6[%dma_start3A_172, %dma_start3A_173] : memref<10x1000xi32, #tpu.memory_space<vmem>> -> memref<1x1000xi32, #tpu.memory_space<vmem>>
    %dma_start3A_175 = tpu.memref_squeeze %dma_start3A_174 : memref<1x1000xi32, #tpu.memory_space<vmem>> -> memref<1000xi32, #tpu.memory_space<vmem>>
    %dma_start3A_176 = tpu.memref_slice %arg3[%add3A_171] : memref<640000xi32, #tpu.memory_space<hbm>> -> memref<1000xi32, #tpu.memory_space<hbm>>
    %dma_start3A_177 = arith.constant 0 : i32
    %dma_start3A_178 = tpu.memref_slice %arg6[%dma_start3A_172, %dma_start3A_177] : memref<10x1000xi32, #tpu.memory_space<vmem>> -> memref<1x1000xi32, #tpu.memory_space<vmem>>
    %dma_start3A_179 = tpu.memref_squeeze %dma_start3A_178 : memref<1x1000xi32, #tpu.memory_space<vmem>> -> memref<1000xi32, #tpu.memory_space<vmem>>
    %dma_start3A_180 = tpu.memref_slice %arg3[%add3A_171] : memref<640000xi32, #tpu.memory_space<hbm>> -> memref<1000xi32, #tpu.memory_space<hbm>>
    tpu.enqueue_dma source(%dma_start3A_180 : memref<1000xi32, #tpu.memory_space<hbm>>) target(%dma_start3A_179 : memref<1000xi32, #tpu.memory_space<vmem>>) target_semaphore(%arg14 : memref<!tpu.dma_semaphore, #tpu.memory_space<semaphore_mem>>)
    %mul3A_181 = arith.constant 10000 : i32
    %mul3A_182 = arith.muli %add3A, %mul3A_181 : i32
    %add3A_183 = arith.constant 320000 : i32
    %add3A_184 = arith.addi %add3A_183, %mul3A_182 : i32
    %add3A_185 = arith.constant 6000 : i32
    %add3A_186 = arith.addi %add3A_184, %add3A_185 : i32
    %dma_start3A_187 = arith.constant 6 : i32
    %dma_start3A_188 = arith.constant 0 : i32
    %dma_start3A_189 = tpu.memref_slice %arg7[%dma_start3A_187, %dma_start3A_188] : memref<10x1000xi32, #tpu.memory_space<vmem>> -> memref<1x1000xi32, #tpu.memory_space<vmem>>
    %dma_start3A_190 = tpu.memref_squeeze %dma_start3A_189 : memref<1x1000xi32, #tpu.memory_space<vmem>> -> memref<1000xi32, #tpu.memory_space<vmem>>
    %dma_start3A_191 = tpu.memref_slice %arg3[%add3A_186] : memref<640000xi32, #tpu.memory_space<hbm>> -> memref<1000xi32, #tpu.memory_space<hbm>>
    %dma_start3A_192 = arith.constant 0 : i32
    %dma_start3A_193 = tpu.memref_slice %arg7[%dma_start3A_187, %dma_start3A_192] : memref<10x1000xi32, #tpu.memory_space<vmem>> -> memref<1x1000xi32, #tpu.memory_space<vmem>>
    %dma_start3A_194 = tpu.memref_squeeze %dma_start3A_193 : memref<1x1000xi32, #tpu.memory_space<vmem>> -> memref<1000xi32, #tpu.memory_space<vmem>>
    %dma_start3A_195 = tpu.memref_slice %arg3[%add3A_186] : memref<640000xi32, #tpu.memory_space<hbm>> -> memref<1000xi32, #tpu.memory_space<hbm>>
    tpu.enqueue_dma source(%dma_start3A_195 : memref<1000xi32, #tpu.memory_space<hbm>>) target(%dma_start3A_194 : memref<1000xi32, #tpu.memory_space<vmem>>) target_semaphore(%arg14 : memref<!tpu.dma_semaphore, #tpu.memory_space<semaphore_mem>>)
    %mul3A_196 = arith.constant 10000 : i32
    %mul3A_197 = arith.muli %add3A, %mul3A_196 : i32
    %add3A_198 = arith.constant 7000 : i32
    %add3A_199 = arith.addi %mul3A_197, %add3A_198 : i32
    %dma_start3A_200 = arith.constant 7 : i32
    %dma_start3A_201 = arith.constant 0 : i32
    %dma_start3A_202 = tpu.memref_slice %arg6[%dma_start3A_200, %dma_start3A_201] : memref<10x1000xi32, #tpu.memory_space<vmem>> -> memref<1x1000xi32, #tpu.memory_space<vmem>>
    %dma_start3A_203 = tpu.memref_squeeze %dma_start3A_202 : memref<1x1000xi32, #tpu.memory_space<vmem>> -> memref<1000xi32, #tpu.memory_space<vmem>>
    %dma_start3A_204 = tpu.memref_slice %arg3[%add3A_199] : memref<640000xi32, #tpu.memory_space<hbm>> -> memref<1000xi32, #tpu.memory_space<hbm>>
    %dma_start3A_205 = arith.constant 0 : i32
    %dma_start3A_206 = tpu.memref_slice %arg6[%dma_start3A_200, %dma_start3A_205] : memref<10x1000xi32, #tpu.memory_space<vmem>> -> memref<1x1000xi32, #tpu.memory_space<vmem>>
    %dma_start3A_207 = tpu.memref_squeeze %dma_start3A_206 : memref<1x1000xi32, #tpu.memory_space<vmem>> -> memref<1000xi32, #tpu.memory_space<vmem>>
    %dma_start3A_208 = tpu.memref_slice %arg3[%add3A_199] : memref<640000xi32, #tpu.memory_space<hbm>> -> memref<1000xi32, #tpu.memory_space<hbm>>
    tpu.enqueue_dma source(%dma_start3A_208 : memref<1000xi32, #tpu.memory_space<hbm>>) target(%dma_start3A_207 : memref<1000xi32, #tpu.memory_space<vmem>>) target_semaphore(%arg14 : memref<!tpu.dma_semaphore, #tpu.memory_space<semaphore_mem>>)
    %mul3A_209 = arith.constant 10000 : i32
    %mul3A_210 = arith.muli %add3A, %mul3A_209 : i32
    %add3A_211 = arith.constant 320000 : i32
    %add3A_212 = arith.addi %add3A_211, %mul3A_210 : i32
    %add3A_213 = arith.constant 7000 : i32
    %add3A_214 = arith.addi %add3A_212, %add3A_213 : i32
    %dma_start3A_215 = arith.constant 7 : i32
    %dma_start3A_216 = arith.constant 0 : i32
    %dma_start3A_217 = tpu.memref_slice %arg7[%dma_start3A_215, %dma_start3A_216] : memref<10x1000xi32, #tpu.memory_space<vmem>> -> memref<1x1000xi32, #tpu.memory_space<vmem>>
    %dma_start3A_218 = tpu.memref_squeeze %dma_start3A_217 : memref<1x1000xi32, #tpu.memory_space<vmem>> -> memref<1000xi32, #tpu.memory_space<vmem>>
    %dma_start3A_219 = tpu.memref_slice %arg3[%add3A_214] : memref<640000xi32, #tpu.memory_space<hbm>> -> memref<1000xi32, #tpu.memory_space<hbm>>
    %dma_start3A_220 = arith.constant 0 : i32
    %dma_start3A_221 = tpu.memref_slice %arg7[%dma_start3A_215, %dma_start3A_220] : memref<10x1000xi32, #tpu.memory_space<vmem>> -> memref<1x1000xi32, #tpu.memory_space<vmem>>
    %dma_start3A_222 = tpu.memref_squeeze %dma_start3A_221 : memref<1x1000xi32, #tpu.memory_space<vmem>> -> memref<1000xi32, #tpu.memory_space<vmem>>
    %dma_start3A_223 = tpu.memref_slice %arg3[%add3A_214] : memref<640000xi32, #tpu.memory_space<hbm>> -> memref<1000xi32, #tpu.memory_space<hbm>>
    tpu.enqueue_dma source(%dma_start3A_223 : memref<1000xi32, #tpu.memory_space<hbm>>) target(%dma_start3A_222 : memref<1000xi32, #tpu.memory_space<vmem>>) target_semaphore(%arg14 : memref<!tpu.dma_semaphore, #tpu.memory_space<semaphore_mem>>)
    %mul3A_224 = arith.constant 10000 : i32
    %mul3A_225 = arith.muli %add3A, %mul3A_224 : i32
    %add3A_226 = arith.constant 8000 : i32
    %add3A_227 = arith.addi %mul3A_225, %add3A_226 : i32
    %dma_start3A_228 = arith.constant 8 : i32
    %dma_start3A_229 = arith.constant 0 : i32
    %dma_start3A_230 = tpu.memref_slice %arg6[%dma_start3A_228, %dma_start3A_229] : memref<10x1000xi32, #tpu.memory_space<vmem>> -> memref<1x1000xi32, #tpu.memory_space<vmem>>
    %dma_start3A_231 = tpu.memref_squeeze %dma_start3A_230 : memref<1x1000xi32, #tpu.memory_space<vmem>> -> memref<1000xi32, #tpu.memory_space<vmem>>
    %dma_start3A_232 = tpu.memref_slice %arg3[%add3A_227] : memref<640000xi32, #tpu.memory_space<hbm>> -> memref<1000xi32, #tpu.memory_space<hbm>>
    %dma_start3A_233 = arith.constant 0 : i32
    %dma_start3A_234 = tpu.memref_slice %arg6[%dma_start3A_228, %dma_start3A_233] : memref<10x1000xi32, #tpu.memory_space<vmem>> -> memref<1x1000xi32, #tpu.memory_space<vmem>>
    %dma_start3A_235 = tpu.memref_squeeze %dma_start3A_234 : memref<1x1000xi32, #tpu.memory_space<vmem>> -> memref<1000xi32, #tpu.memory_space<vmem>>
    %dma_start3A_236 = tpu.memref_slice %arg3[%add3A_227] : memref<640000xi32, #tpu.memory_space<hbm>> -> memref<1000xi32, #tpu.memory_space<hbm>>
    tpu.enqueue_dma source(%dma_start3A_236 : memref<1000xi32, #tpu.memory_space<hbm>>) target(%dma_start3A_235 : memref<1000xi32, #tpu.memory_space<vmem>>) target_semaphore(%arg14 : memref<!tpu.dma_semaphore, #tpu.memory_space<semaphore_mem>>)
    %mul3A_237 = arith.constant 10000 : i32
    %mul3A_238 = arith.muli %add3A, %mul3A_237 : i32
    %add3A_239 = arith.constant 320000 : i32
    %add3A_240 = arith.addi %add3A_239, %mul3A_238 : i32
    %add3A_241 = arith.constant 8000 : i32
    %add3A_242 = arith.addi %add3A_240, %add3A_241 : i32
    %dma_start3A_243 = arith.constant 8 : i32
    %dma_start3A_244 = arith.constant 0 : i32
    %dma_start3A_245 = tpu.memref_slice %arg7[%dma_start3A_243, %dma_start3A_244] : memref<10x1000xi32, #tpu.memory_space<vmem>> -> memref<1x1000xi32, #tpu.memory_space<vmem>>
    %dma_start3A_246 = tpu.memref_squeeze %dma_start3A_245 : memref<1x1000xi32, #tpu.memory_space<vmem>> -> memref<1000xi32, #tpu.memory_space<vmem>>
    %dma_start3A_247 = tpu.memref_slice %arg3[%add3A_242] : memref<640000xi32, #tpu.memory_space<hbm>> -> memref<1000xi32, #tpu.memory_space<hbm>>
    %dma_start3A_248 = arith.constant 0 : i32
    %dma_start3A_249 = tpu.memref_slice %arg7[%dma_start3A_243, %dma_start3A_248] : memref<10x1000xi32, #tpu.memory_space<vmem>> -> memref<1x1000xi32, #tpu.memory_space<vmem>>
    %dma_start3A_250 = tpu.memref_squeeze %dma_start3A_249 : memref<1x1000xi32, #tpu.memory_space<vmem>> -> memref<1000xi32, #tpu.memory_space<vmem>>
    %dma_start3A_251 = tpu.memref_slice %arg3[%add3A_242] : memref<640000xi32, #tpu.memory_space<hbm>> -> memref<1000xi32, #tpu.memory_space<hbm>>
    tpu.enqueue_dma source(%dma_start3A_251 : memref<1000xi32, #tpu.memory_space<hbm>>) target(%dma_start3A_250 : memref<1000xi32, #tpu.memory_space<vmem>>) target_semaphore(%arg14 : memref<!tpu.dma_semaphore, #tpu.memory_space<semaphore_mem>>)
    %mul3A_252 = arith.constant 10000 : i32
    %mul3A_253 = arith.muli %add3A, %mul3A_252 : i32
    %add3A_254 = arith.constant 9000 : i32
    %add3A_255 = arith.addi %mul3A_253, %add3A_254 : i32
    %dma_start3A_256 = arith.constant 9 : i32
    %dma_start3A_257 = arith.constant 0 : i32
    %dma_start3A_258 = tpu.memref_slice %arg6[%dma_start3A_256, %dma_start3A_257] : memref<10x1000xi32, #tpu.memory_space<vmem>> -> memref<1x1000xi32, #tpu.memory_space<vmem>>
    %dma_start3A_259 = tpu.memref_squeeze %dma_start3A_258 : memref<1x1000xi32, #tpu.memory_space<vmem>> -> memref<1000xi32, #tpu.memory_space<vmem>>
    %dma_start3A_260 = tpu.memref_slice %arg3[%add3A_255] : memref<640000xi32, #tpu.memory_space<hbm>> -> memref<1000xi32, #tpu.memory_space<hbm>>
    %dma_start3A_261 = arith.constant 0 : i32
    %dma_start3A_262 = tpu.memref_slice %arg6[%dma_start3A_256, %dma_start3A_261] : memref<10x1000xi32, #tpu.memory_space<vmem>> -> memref<1x1000xi32, #tpu.memory_space<vmem>>
    %dma_start3A_263 = tpu.memref_squeeze %dma_start3A_262 : memref<1x1000xi32, #tpu.memory_space<vmem>> -> memref<1000xi32, #tpu.memory_space<vmem>>
    %dma_start3A_264 = tpu.memref_slice %arg3[%add3A_255] : memref<640000xi32, #tpu.memory_space<hbm>> -> memref<1000xi32, #tpu.memory_space<hbm>>
    tpu.enqueue_dma source(%dma_start3A_264 : memref<1000xi32, #tpu.memory_space<hbm>>) target(%dma_start3A_263 : memref<1000xi32, #tpu.memory_space<vmem>>) target_semaphore(%arg14 : memref<!tpu.dma_semaphore, #tpu.memory_space<semaphore_mem>>)
    %mul3A_265 = arith.constant 10000 : i32
    %mul3A_266 = arith.muli %add3A, %mul3A_265 : i32
    %add3A_267 = arith.constant 320000 : i32
    %add3A_268 = arith.addi %add3A_267, %mul3A_266 : i32
    %add3A_269 = arith.constant 9000 : i32
    %add3A_270 = arith.addi %add3A_268, %add3A_269 : i32
    %dma_start3A_271 = arith.constant 9 : i32
    %dma_start3A_272 = arith.constant 0 : i32
    %dma_start3A_273 = tpu.memref_slice %arg7[%dma_start3A_271, %dma_start3A_272] : memref<10x1000xi32, #tpu.memory_space<vmem>> -> memref<1x1000xi32, #tpu.memory_space<vmem>>
    %dma_start3A_274 = tpu.memref_squeeze %dma_start3A_273 : memref<1x1000xi32, #tpu.memory_space<vmem>> -> memref<1000xi32, #tpu.memory_space<vmem>>
    %dma_start3A_275 = tpu.memref_slice %arg3[%add3A_270] : memref<640000xi32, #tpu.memory_space<hbm>> -> memref<1000xi32, #tpu.memory_space<hbm>>
    %dma_start3A_276 = arith.constant 0 : i32
    %dma_start3A_277 = tpu.memref_slice %arg7[%dma_start3A_271, %dma_start3A_276] : memref<10x1000xi32, #tpu.memory_space<vmem>> -> memref<1x1000xi32, #tpu.memory_space<vmem>>
    %dma_start3A_278 = tpu.memref_squeeze %dma_start3A_277 : memref<1x1000xi32, #tpu.memory_space<vmem>> -> memref<1000xi32, #tpu.memory_space<vmem>>
    %dma_start3A_279 = tpu.memref_slice %arg3[%add3A_270] : memref<640000xi32, #tpu.memory_space<hbm>> -> memref<1000xi32, #tpu.memory_space<hbm>>
    tpu.enqueue_dma source(%dma_start3A_279 : memref<1000xi32, #tpu.memory_space<hbm>>) target(%dma_start3A_278 : memref<1000xi32, #tpu.memory_space<vmem>>) target_semaphore(%arg14 : memref<!tpu.dma_semaphore, #tpu.memory_space<semaphore_mem>>)
    %mul3A_280 = arith.constant 632 : i32
    %mul3A_281 = arith.muli %arg1, %mul3A_280 : i32
    %mul3A_282 = arith.constant 632 : i32
    %mul3A_283 = arith.muli %arg1, %mul3A_282 : i32
    "tpu.region"() ({
      %run_scoped3A = tpu.sem_alloc : memref<!tpu.dma_semaphore, #tpu.memory_space<semaphore_mem>>
      %dma_start3A_752 = arith.constant 0 : i32
      %dma_start3A_753 = tpu.memref_slice %arg12[%mul3A_283, %dma_start3A_752] : memref<10112x16xf32, #tpu.memory_space<vmem_shared>> -> memref<632x16xf32, #tpu.memory_space<vmem_shared>>
      %dma_start3A_754 = arith.constant 0 : i32
      %dma_start3A_755 = tpu.memref_slice %arg2[%mul3A_281, %dma_start3A_754] : memref<10112x16xf32, #tpu.memory_space<hbm>> -> memref<632x16xf32, #tpu.memory_space<hbm>>
      tpu.enqueue_dma source(%dma_start3A_755 : memref<632x16xf32, #tpu.memory_space<hbm>>) target(%dma_start3A_753 : memref<632x16xf32, #tpu.memory_space<vmem_shared>>) target_semaphore(%run_scoped3A : memref<!tpu.dma_semaphore, #tpu.memory_space<semaphore_mem>>)
      %dma_wait3A_756 = arith.constant 0 : i32
      %dma_wait3A_757 = tpu.memref_slice %arg12[%mul3A_283, %dma_wait3A_756] : memref<10112x16xf32, #tpu.memory_space<vmem_shared>> -> memref<632x16xf32, #tpu.memory_space<vmem_shared>>
      %dma_wait3A_758 = arith.constant 0 : i32
      %dma_wait3A_759 = tpu.memref_slice %arg2[%mul3A_281, %dma_wait3A_758] : memref<10112x16xf32, #tpu.memory_space<hbm>> -> memref<632x16xf32, #tpu.memory_space<hbm>>
      tpu.wait_dma2 semaphore(%run_scoped3A : memref<!tpu.dma_semaphore, #tpu.memory_space<semaphore_mem>>) src(%dma_wait3A_759 : memref<632x16xf32, #tpu.memory_space<hbm>>) dst(%dma_wait3A_757 : memref<632x16xf32, #tpu.memory_space<vmem_shared>>)
      tpu.yield
    }) : () -> ()
    %mul3A_284 = arith.constant 632 : i32
    %mul3A_285 = arith.muli %arg1, %mul3A_284 : i32
    %mul3A_286 = arith.constant 632 : i32
    %mul3A_287 = arith.muli %arg1, %mul3A_286 : i32
    "tpu.region"() ({
      %run_scoped3A = tpu.sem_alloc : memref<!tpu.dma_semaphore, #tpu.memory_space<semaphore_mem>>
      %dma_start3A_752 = arith.constant 0 : i32
      %dma_start3A_753 = tpu.memref_slice %arg13[%mul3A_287, %dma_start3A_752] : memref<10112x16xf32, #tpu.memory_space<vmem_shared>> -> memref<632x16xf32, #tpu.memory_space<vmem_shared>>
      %dma_start3A_754 = arith.constant 0 : i32
      %dma_start3A_755 = tpu.memref_slice %arg4[%mul3A_285, %dma_start3A_754] : memref<10112x16xf32, #tpu.memory_space<hbm>> -> memref<632x16xf32, #tpu.memory_space<hbm>>
      tpu.enqueue_dma source(%dma_start3A_755 : memref<632x16xf32, #tpu.memory_space<hbm>>) target(%dma_start3A_753 : memref<632x16xf32, #tpu.memory_space<vmem_shared>>) target_semaphore(%run_scoped3A : memref<!tpu.dma_semaphore, #tpu.memory_space<semaphore_mem>>)
      %dma_wait3A_756 = arith.constant 0 : i32
      %dma_wait3A_757 = tpu.memref_slice %arg13[%mul3A_287, %dma_wait3A_756] : memref<10112x16xf32, #tpu.memory_space<vmem_shared>> -> memref<632x16xf32, #tpu.memory_space<vmem_shared>>
      %dma_wait3A_758 = arith.constant 0 : i32
      %dma_wait3A_759 = tpu.memref_slice %arg4[%mul3A_285, %dma_wait3A_758] : memref<10112x16xf32, #tpu.memory_space<hbm>> -> memref<632x16xf32, #tpu.memory_space<hbm>>
      tpu.wait_dma2 semaphore(%run_scoped3A : memref<!tpu.dma_semaphore, #tpu.memory_space<semaphore_mem>>) src(%dma_wait3A_759 : memref<632x16xf32, #tpu.memory_space<hbm>>) dst(%dma_wait3A_757 : memref<632x16xf32, #tpu.memory_space<vmem_shared>>)
      tpu.yield
    }) : () -> ()
    %dma_wait3A = arith.constant 0 : i32
    %dma_wait3A_288 = arith.constant 0 : i32
    %dma_wait3A_289 = tpu.memref_slice %arg6[%dma_wait3A, %dma_wait3A_288] : memref<10x1000xi32, #tpu.memory_space<vmem>> -> memref<1x1000xi32, #tpu.memory_space<vmem>>
    %dma_wait3A_290 = tpu.memref_squeeze %dma_wait3A_289 : memref<1x1000xi32, #tpu.memory_space<vmem>> -> memref<1000xi32, #tpu.memory_space<vmem>>
    %dma_wait3A_291 = tpu.memref_slice %arg3[%add3A_4] : memref<640000xi32, #tpu.memory_space<hbm>> -> memref<1000xi32, #tpu.memory_space<hbm>>
    %dma_wait3A_292 = arith.constant 0 : i32
    %dma_wait3A_293 = tpu.memref_slice %arg6[%dma_wait3A, %dma_wait3A_292] : memref<10x1000xi32, #tpu.memory_space<vmem>> -> memref<1x1000xi32, #tpu.memory_space<vmem>>
    %dma_wait3A_294 = tpu.memref_squeeze %dma_wait3A_293 : memref<1x1000xi32, #tpu.memory_space<vmem>> -> memref<1000xi32, #tpu.memory_space<vmem>>
    %dma_wait3A_295 = tpu.memref_slice %arg3[%add3A_4] : memref<640000xi32, #tpu.memory_space<hbm>> -> memref<1000xi32, #tpu.memory_space<hbm>>
    tpu.wait_dma2 semaphore(%arg14 : memref<!tpu.dma_semaphore, #tpu.memory_space<semaphore_mem>>) src(%dma_wait3A_295 : memref<1000xi32, #tpu.memory_space<hbm>>) dst(%dma_wait3A_294 : memref<1000xi32, #tpu.memory_space<vmem>>)
    %dma_wait3A_296 = arith.constant 0 : i32
    %dma_wait3A_297 = arith.constant 0 : i32
    %dma_wait3A_298 = tpu.memref_slice %arg7[%dma_wait3A_296, %dma_wait3A_297] : memref<10x1000xi32, #tpu.memory_space<vmem>> -> memref<1x1000xi32, #tpu.memory_space<vmem>>
    %dma_wait3A_299 = tpu.memref_squeeze %dma_wait3A_298 : memref<1x1000xi32, #tpu.memory_space<vmem>> -> memref<1000xi32, #tpu.memory_space<vmem>>
    %dma_wait3A_300 = tpu.memref_slice %arg3[%add3A_18] : memref<640000xi32, #tpu.memory_space<hbm>> -> memref<1000xi32, #tpu.memory_space<hbm>>
    %dma_wait3A_301 = arith.constant 0 : i32
    %dma_wait3A_302 = tpu.memref_slice %arg7[%dma_wait3A_296, %dma_wait3A_301] : memref<10x1000xi32, #tpu.memory_space<vmem>> -> memref<1x1000xi32, #tpu.memory_space<vmem>>
    %dma_wait3A_303 = tpu.memref_squeeze %dma_wait3A_302 : memref<1x1000xi32, #tpu.memory_space<vmem>> -> memref<1000xi32, #tpu.memory_space<vmem>>
    %dma_wait3A_304 = tpu.memref_slice %arg3[%add3A_18] : memref<640000xi32, #tpu.memory_space<hbm>> -> memref<1000xi32, #tpu.memory_space<hbm>>
    tpu.wait_dma2 semaphore(%arg14 : memref<!tpu.dma_semaphore, #tpu.memory_space<semaphore_mem>>) src(%dma_wait3A_304 : memref<1000xi32, #tpu.memory_space<hbm>>) dst(%dma_wait3A_303 : memref<1000xi32, #tpu.memory_space<vmem>>)
    %dma_wait3A_305 = arith.constant 1 : i32
    %dma_wait3A_306 = arith.constant 0 : i32
    %dma_wait3A_307 = tpu.memref_slice %arg6[%dma_wait3A_305, %dma_wait3A_306] : memref<10x1000xi32, #tpu.memory_space<vmem>> -> memref<1x1000xi32, #tpu.memory_space<vmem>>
    %dma_wait3A_308 = tpu.memref_squeeze %dma_wait3A_307 : memref<1x1000xi32, #tpu.memory_space<vmem>> -> memref<1000xi32, #tpu.memory_space<vmem>>
    %dma_wait3A_309 = tpu.memref_slice %arg3[%add3A_31] : memref<640000xi32, #tpu.memory_space<hbm>> -> memref<1000xi32, #tpu.memory_space<hbm>>
    %dma_wait3A_310 = arith.constant 0 : i32
    %dma_wait3A_311 = tpu.memref_slice %arg6[%dma_wait3A_305, %dma_wait3A_310] : memref<10x1000xi32, #tpu.memory_space<vmem>> -> memref<1x1000xi32, #tpu.memory_space<vmem>>
    %dma_wait3A_312 = tpu.memref_squeeze %dma_wait3A_311 : memref<1x1000xi32, #tpu.memory_space<vmem>> -> memref<1000xi32, #tpu.memory_space<vmem>>
    %dma_wait3A_313 = tpu.memref_slice %arg3[%add3A_31] : memref<640000xi32, #tpu.memory_space<hbm>> -> memref<1000xi32, #tpu.memory_space<hbm>>
    tpu.wait_dma2 semaphore(%arg14 : memref<!tpu.dma_semaphore, #tpu.memory_space<semaphore_mem>>) src(%dma_wait3A_313 : memref<1000xi32, #tpu.memory_space<hbm>>) dst(%dma_wait3A_312 : memref<1000xi32, #tpu.memory_space<vmem>>)
    %dma_wait3A_314 = arith.constant 1 : i32
    %dma_wait3A_315 = arith.constant 0 : i32
    %dma_wait3A_316 = tpu.memref_slice %arg7[%dma_wait3A_314, %dma_wait3A_315] : memref<10x1000xi32, #tpu.memory_space<vmem>> -> memref<1x1000xi32, #tpu.memory_space<vmem>>
    %dma_wait3A_317 = tpu.memref_squeeze %dma_wait3A_316 : memref<1x1000xi32, #tpu.memory_space<vmem>> -> memref<1000xi32, #tpu.memory_space<vmem>>
    %dma_wait3A_318 = tpu.memref_slice %arg3[%add3A_46] : memref<640000xi32, #tpu.memory_space<hbm>> -> memref<1000xi32, #tpu.memory_space<hbm>>
    %dma_wait3A_319 = arith.constant 0 : i32
    %dma_wait3A_320 = tpu.memref_slice %arg7[%dma_wait3A_314, %dma_wait3A_319] : memref<10x1000xi32, #tpu.memory_space<vmem>> -> memref<1x1000xi32, #tpu.memory_space<vmem>>
    %dma_wait3A_321 = tpu.memref_squeeze %dma_wait3A_320 : memref<1x1000xi32, #tpu.memory_space<vmem>> -> memref<1000xi32, #tpu.memory_space<vmem>>
    %dma_wait3A_322 = tpu.memref_slice %arg3[%add3A_46] : memref<640000xi32, #tpu.memory_space<hbm>> -> memref<1000xi32, #tpu.memory_space<hbm>>
    tpu.wait_dma2 semaphore(%arg14 : memref<!tpu.dma_semaphore, #tpu.memory_space<semaphore_mem>>) src(%dma_wait3A_322 : memref<1000xi32, #tpu.memory_space<hbm>>) dst(%dma_wait3A_321 : memref<1000xi32, #tpu.memory_space<vmem>>)
    %dma_wait3A_323 = arith.constant 2 : i32
    %dma_wait3A_324 = arith.constant 0 : i32
    %dma_wait3A_325 = tpu.memref_slice %arg6[%dma_wait3A_323, %dma_wait3A_324] : memref<10x1000xi32, #tpu.memory_space<vmem>> -> memref<1x1000xi32, #tpu.memory_space<vmem>>
    %dma_wait3A_326 = tpu.memref_squeeze %dma_wait3A_325 : memref<1x1000xi32, #tpu.memory_space<vmem>> -> memref<1000xi32, #tpu.memory_space<vmem>>
    %dma_wait3A_327 = tpu.memref_slice %arg3[%add3A_59] : memref<640000xi32, #tpu.memory_space<hbm>> -> memref<1000xi32, #tpu.memory_space<hbm>>
    %dma_wait3A_328 = arith.constant 0 : i32
    %dma_wait3A_329 = tpu.memref_slice %arg6[%dma_wait3A_323, %dma_wait3A_328] : memref<10x1000xi32, #tpu.memory_space<vmem>> -> memref<1x1000xi32, #tpu.memory_space<vmem>>
    %dma_wait3A_330 = tpu.memref_squeeze %dma_wait3A_329 : memref<1x1000xi32, #tpu.memory_space<vmem>> -> memref<1000xi32, #tpu.memory_space<vmem>>
    %dma_wait3A_331 = tpu.memref_slice %arg3[%add3A_59] : memref<640000xi32, #tpu.memory_space<hbm>> -> memref<1000xi32, #tpu.memory_space<hbm>>
    tpu.wait_dma2 semaphore(%arg14 : memref<!tpu.dma_semaphore, #tpu.memory_space<semaphore_mem>>) src(%dma_wait3A_331 : memref<1000xi32, #tpu.memory_space<hbm>>) dst(%dma_wait3A_330 : memref<1000xi32, #tpu.memory_space<vmem>>)
    %dma_wait3A_332 = arith.constant 2 : i32
    %dma_wait3A_333 = arith.constant 0 : i32
    %dma_wait3A_334 = tpu.memref_slice %arg7[%dma_wait3A_332, %dma_wait3A_333] : memref<10x1000xi32, #tpu.memory_space<vmem>> -> memref<1x1000xi32, #tpu.memory_space<vmem>>
    %dma_wait3A_335 = tpu.memref_squeeze %dma_wait3A_334 : memref<1x1000xi32, #tpu.memory_space<vmem>> -> memref<1000xi32, #tpu.memory_space<vmem>>
    %dma_wait3A_336 = tpu.memref_slice %arg3[%add3A_74] : memref<640000xi32, #tpu.memory_space<hbm>> -> memref<1000xi32, #tpu.memory_space<hbm>>
    %dma_wait3A_337 = arith.constant 0 : i32
    %dma_wait3A_338 = tpu.memref_slice %arg7[%dma_wait3A_332, %dma_wait3A_337] : memref<10x1000xi32, #tpu.memory_space<vmem>> -> memref<1x1000xi32, #tpu.memory_space<vmem>>
    %dma_wait3A_339 = tpu.memref_squeeze %dma_wait3A_338 : memref<1x1000xi32, #tpu.memory_space<vmem>> -> memref<1000xi32, #tpu.memory_space<vmem>>
    %dma_wait3A_340 = tpu.memref_slice %arg3[%add3A_74] : memref<640000xi32, #tpu.memory_space<hbm>> -> memref<1000xi32, #tpu.memory_space<hbm>>
    tpu.wait_dma2 semaphore(%arg14 : memref<!tpu.dma_semaphore, #tpu.memory_space<semaphore_mem>>) src(%dma_wait3A_340 : memref<1000xi32, #tpu.memory_space<hbm>>) dst(%dma_wait3A_339 : memref<1000xi32, #tpu.memory_space<vmem>>)
    %dma_wait3A_341 = arith.constant 3 : i32
    %dma_wait3A_342 = arith.constant 0 : i32
    %dma_wait3A_343 = tpu.memref_slice %arg6[%dma_wait3A_341, %dma_wait3A_342] : memref<10x1000xi32, #tpu.memory_space<vmem>> -> memref<1x1000xi32, #tpu.memory_space<vmem>>
    %dma_wait3A_344 = tpu.memref_squeeze %dma_wait3A_343 : memref<1x1000xi32, #tpu.memory_space<vmem>> -> memref<1000xi32, #tpu.memory_space<vmem>>
    %dma_wait3A_345 = tpu.memref_slice %arg3[%add3A_87] : memref<640000xi32, #tpu.memory_space<hbm>> -> memref<1000xi32, #tpu.memory_space<hbm>>
    %dma_wait3A_346 = arith.constant 0 : i32
    %dma_wait3A_347 = tpu.memref_slice %arg6[%dma_wait3A_341, %dma_wait3A_346] : memref<10x1000xi32, #tpu.memory_space<vmem>> -> memref<1x1000xi32, #tpu.memory_space<vmem>>
    %dma_wait3A_348 = tpu.memref_squeeze %dma_wait3A_347 : memref<1x1000xi32, #tpu.memory_space<vmem>> -> memref<1000xi32, #tpu.memory_space<vmem>>
    %dma_wait3A_349 = tpu.memref_slice %arg3[%add3A_87] : memref<640000xi32, #tpu.memory_space<hbm>> -> memref<1000xi32, #tpu.memory_space<hbm>>
    tpu.wait_dma2 semaphore(%arg14 : memref<!tpu.dma_semaphore, #tpu.memory_space<semaphore_mem>>) src(%dma_wait3A_349 : memref<1000xi32, #tpu.memory_space<hbm>>) dst(%dma_wait3A_348 : memref<1000xi32, #tpu.memory_space<vmem>>)
    %dma_wait3A_350 = arith.constant 3 : i32
    %dma_wait3A_351 = arith.constant 0 : i32
    %dma_wait3A_352 = tpu.memref_slice %arg7[%dma_wait3A_350, %dma_wait3A_351] : memref<10x1000xi32, #tpu.memory_space<vmem>> -> memref<1x1000xi32, #tpu.memory_space<vmem>>
    %dma_wait3A_353 = tpu.memref_squeeze %dma_wait3A_352 : memref<1x1000xi32, #tpu.memory_space<vmem>> -> memref<1000xi32, #tpu.memory_space<vmem>>
    %dma_wait3A_354 = tpu.memref_slice %arg3[%add3A_102] : memref<640000xi32, #tpu.memory_space<hbm>> -> memref<1000xi32, #tpu.memory_space<hbm>>
    %dma_wait3A_355 = arith.constant 0 : i32
    %dma_wait3A_356 = tpu.memref_slice %arg7[%dma_wait3A_350, %dma_wait3A_355] : memref<10x1000xi32, #tpu.memory_space<vmem>> -> memref<1x1000xi32, #tpu.memory_space<vmem>>
    %dma_wait3A_357 = tpu.memref_squeeze %dma_wait3A_356 : memref<1x1000xi32, #tpu.memory_space<vmem>> -> memref<1000xi32, #tpu.memory_space<vmem>>
    %dma_wait3A_358 = tpu.memref_slice %arg3[%add3A_102] : memref<640000xi32, #tpu.memory_space<hbm>> -> memref<1000xi32, #tpu.memory_space<hbm>>
    tpu.wait_dma2 semaphore(%arg14 : memref<!tpu.dma_semaphore, #tpu.memory_space<semaphore_mem>>) src(%dma_wait3A_358 : memref<1000xi32, #tpu.memory_space<hbm>>) dst(%dma_wait3A_357 : memref<1000xi32, #tpu.memory_space<vmem>>)
    %dma_wait3A_359 = arith.constant 4 : i32
    %dma_wait3A_360 = arith.constant 0 : i32
    %dma_wait3A_361 = tpu.memref_slice %arg6[%dma_wait3A_359, %dma_wait3A_360] : memref<10x1000xi32, #tpu.memory_space<vmem>> -> memref<1x1000xi32, #tpu.memory_space<vmem>>
    %dma_wait3A_362 = tpu.memref_squeeze %dma_wait3A_361 : memref<1x1000xi32, #tpu.memory_space<vmem>> -> memref<1000xi32, #tpu.memory_space<vmem>>
    %dma_wait3A_363 = tpu.memref_slice %arg3[%add3A_115] : memref<640000xi32, #tpu.memory_space<hbm>> -> memref<1000xi32, #tpu.memory_space<hbm>>
    %dma_wait3A_364 = arith.constant 0 : i32
    %dma_wait3A_365 = tpu.memref_slice %arg6[%dma_wait3A_359, %dma_wait3A_364] : memref<10x1000xi32, #tpu.memory_space<vmem>> -> memref<1x1000xi32, #tpu.memory_space<vmem>>
    %dma_wait3A_366 = tpu.memref_squeeze %dma_wait3A_365 : memref<1x1000xi32, #tpu.memory_space<vmem>> -> memref<1000xi32, #tpu.memory_space<vmem>>
    %dma_wait3A_367 = tpu.memref_slice %arg3[%add3A_115] : memref<640000xi32, #tpu.memory_space<hbm>> -> memref<1000xi32, #tpu.memory_space<hbm>>
    tpu.wait_dma2 semaphore(%arg14 : memref<!tpu.dma_semaphore, #tpu.memory_space<semaphore_mem>>) src(%dma_wait3A_367 : memref<1000xi32, #tpu.memory_space<hbm>>) dst(%dma_wait3A_366 : memref<1000xi32, #tpu.memory_space<vmem>>)
    %dma_wait3A_368 = arith.constant 4 : i32
    %dma_wait3A_369 = arith.constant 0 : i32
    %dma_wait3A_370 = tpu.memref_slice %arg7[%dma_wait3A_368, %dma_wait3A_369] : memref<10x1000xi32, #tpu.memory_space<vmem>> -> memref<1x1000xi32, #tpu.memory_space<vmem>>
    %dma_wait3A_371 = tpu.memref_squeeze %dma_wait3A_370 : memref<1x1000xi32, #tpu.memory_space<vmem>> -> memref<1000xi32, #tpu.memory_space<vmem>>
    %dma_wait3A_372 = tpu.memref_slice %arg3[%add3A_130] : memref<640000xi32, #tpu.memory_space<hbm>> -> memref<1000xi32, #tpu.memory_space<hbm>>
    %dma_wait3A_373 = arith.constant 0 : i32
    %dma_wait3A_374 = tpu.memref_slice %arg7[%dma_wait3A_368, %dma_wait3A_373] : memref<10x1000xi32, #tpu.memory_space<vmem>> -> memref<1x1000xi32, #tpu.memory_space<vmem>>
    %dma_wait3A_375 = tpu.memref_squeeze %dma_wait3A_374 : memref<1x1000xi32, #tpu.memory_space<vmem>> -> memref<1000xi32, #tpu.memory_space<vmem>>
    %dma_wait3A_376 = tpu.memref_slice %arg3[%add3A_130] : memref<640000xi32, #tpu.memory_space<hbm>> -> memref<1000xi32, #tpu.memory_space<hbm>>
    tpu.wait_dma2 semaphore(%arg14 : memref<!tpu.dma_semaphore, #tpu.memory_space<semaphore_mem>>) src(%dma_wait3A_376 : memref<1000xi32, #tpu.memory_space<hbm>>) dst(%dma_wait3A_375 : memref<1000xi32, #tpu.memory_space<vmem>>)
    %dma_wait3A_377 = arith.constant 5 : i32
    %dma_wait3A_378 = arith.constant 0 : i32
    %dma_wait3A_379 = tpu.memref_slice %arg6[%dma_wait3A_377, %dma_wait3A_378] : memref<10x1000xi32, #tpu.memory_space<vmem>> -> memref<1x1000xi32, #tpu.memory_space<vmem>>
    %dma_wait3A_380 = tpu.memref_squeeze %dma_wait3A_379 : memref<1x1000xi32, #tpu.memory_space<vmem>> -> memref<1000xi32, #tpu.memory_space<vmem>>
    %dma_wait3A_381 = tpu.memref_slice %arg3[%add3A_143] : memref<640000xi32, #tpu.memory_space<hbm>> -> memref<1000xi32, #tpu.memory_space<hbm>>
    %dma_wait3A_382 = arith.constant 0 : i32
    %dma_wait3A_383 = tpu.memref_slice %arg6[%dma_wait3A_377, %dma_wait3A_382] : memref<10x1000xi32, #tpu.memory_space<vmem>> -> memref<1x1000xi32, #tpu.memory_space<vmem>>
    %dma_wait3A_384 = tpu.memref_squeeze %dma_wait3A_383 : memref<1x1000xi32, #tpu.memory_space<vmem>> -> memref<1000xi32, #tpu.memory_space<vmem>>
    %dma_wait3A_385 = tpu.memref_slice %arg3[%add3A_143] : memref<640000xi32, #tpu.memory_space<hbm>> -> memref<1000xi32, #tpu.memory_space<hbm>>
    tpu.wait_dma2 semaphore(%arg14 : memref<!tpu.dma_semaphore, #tpu.memory_space<semaphore_mem>>) src(%dma_wait3A_385 : memref<1000xi32, #tpu.memory_space<hbm>>) dst(%dma_wait3A_384 : memref<1000xi32, #tpu.memory_space<vmem>>)
    %dma_wait3A_386 = arith.constant 5 : i32
    %dma_wait3A_387 = arith.constant 0 : i32
    %dma_wait3A_388 = tpu.memref_slice %arg7[%dma_wait3A_386, %dma_wait3A_387] : memref<10x1000xi32, #tpu.memory_space<vmem>> -> memref<1x1000xi32, #tpu.memory_space<vmem>>
    %dma_wait3A_389 = tpu.memref_squeeze %dma_wait3A_388 : memref<1x1000xi32, #tpu.memory_space<vmem>> -> memref<1000xi32, #tpu.memory_space<vmem>>
    %dma_wait3A_390 = tpu.memref_slice %arg3[%add3A_158] : memref<640000xi32, #tpu.memory_space<hbm>> -> memref<1000xi32, #tpu.memory_space<hbm>>
    %dma_wait3A_391 = arith.constant 0 : i32
    %dma_wait3A_392 = tpu.memref_slice %arg7[%dma_wait3A_386, %dma_wait3A_391] : memref<10x1000xi32, #tpu.memory_space<vmem>> -> memref<1x1000xi32, #tpu.memory_space<vmem>>
    %dma_wait3A_393 = tpu.memref_squeeze %dma_wait3A_392 : memref<1x1000xi32, #tpu.memory_space<vmem>> -> memref<1000xi32, #tpu.memory_space<vmem>>
    %dma_wait3A_394 = tpu.memref_slice %arg3[%add3A_158] : memref<640000xi32, #tpu.memory_space<hbm>> -> memref<1000xi32, #tpu.memory_space<hbm>>
    tpu.wait_dma2 semaphore(%arg14 : memref<!tpu.dma_semaphore, #tpu.memory_space<semaphore_mem>>) src(%dma_wait3A_394 : memref<1000xi32, #tpu.memory_space<hbm>>) dst(%dma_wait3A_393 : memref<1000xi32, #tpu.memory_space<vmem>>)
    %dma_wait3A_395 = arith.constant 6 : i32
    %dma_wait3A_396 = arith.constant 0 : i32
    %dma_wait3A_397 = tpu.memref_slice %arg6[%dma_wait3A_395, %dma_wait3A_396] : memref<10x1000xi32, #tpu.memory_space<vmem>> -> memref<1x1000xi32, #tpu.memory_space<vmem>>
    %dma_wait3A_398 = tpu.memref_squeeze %dma_wait3A_397 : memref<1x1000xi32, #tpu.memory_space<vmem>> -> memref<1000xi32, #tpu.memory_space<vmem>>
    %dma_wait3A_399 = tpu.memref_slice %arg3[%add3A_171] : memref<640000xi32, #tpu.memory_space<hbm>> -> memref<1000xi32, #tpu.memory_space<hbm>>
    %dma_wait3A_400 = arith.constant 0 : i32
    %dma_wait3A_401 = tpu.memref_slice %arg6[%dma_wait3A_395, %dma_wait3A_400] : memref<10x1000xi32, #tpu.memory_space<vmem>> -> memref<1x1000xi32, #tpu.memory_space<vmem>>
    %dma_wait3A_402 = tpu.memref_squeeze %dma_wait3A_401 : memref<1x1000xi32, #tpu.memory_space<vmem>> -> memref<1000xi32, #tpu.memory_space<vmem>>
    %dma_wait3A_403 = tpu.memref_slice %arg3[%add3A_171] : memref<640000xi32, #tpu.memory_space<hbm>> -> memref<1000xi32, #tpu.memory_space<hbm>>
    tpu.wait_dma2 semaphore(%arg14 : memref<!tpu.dma_semaphore, #tpu.memory_space<semaphore_mem>>) src(%dma_wait3A_403 : memref<1000xi32, #tpu.memory_space<hbm>>) dst(%dma_wait3A_402 : memref<1000xi32, #tpu.memory_space<vmem>>)
    %dma_wait3A_404 = arith.constant 6 : i32
    %dma_wait3A_405 = arith.constant 0 : i32
    %dma_wait3A_406 = tpu.memref_slice %arg7[%dma_wait3A_404, %dma_wait3A_405] : memref<10x1000xi32, #tpu.memory_space<vmem>> -> memref<1x1000xi32, #tpu.memory_space<vmem>>
    %dma_wait3A_407 = tpu.memref_squeeze %dma_wait3A_406 : memref<1x1000xi32, #tpu.memory_space<vmem>> -> memref<1000xi32, #tpu.memory_space<vmem>>
    %dma_wait3A_408 = tpu.memref_slice %arg3[%add3A_186] : memref<640000xi32, #tpu.memory_space<hbm>> -> memref<1000xi32, #tpu.memory_space<hbm>>
    %dma_wait3A_409 = arith.constant 0 : i32
    %dma_wait3A_410 = tpu.memref_slice %arg7[%dma_wait3A_404, %dma_wait3A_409] : memref<10x1000xi32, #tpu.memory_space<vmem>> -> memref<1x1000xi32, #tpu.memory_space<vmem>>
    %dma_wait3A_411 = tpu.memref_squeeze %dma_wait3A_410 : memref<1x1000xi32, #tpu.memory_space<vmem>> -> memref<1000xi32, #tpu.memory_space<vmem>>
    %dma_wait3A_412 = tpu.memref_slice %arg3[%add3A_186] : memref<640000xi32, #tpu.memory_space<hbm>> -> memref<1000xi32, #tpu.memory_space<hbm>>
    tpu.wait_dma2 semaphore(%arg14 : memref<!tpu.dma_semaphore, #tpu.memory_space<semaphore_mem>>) src(%dma_wait3A_412 : memref<1000xi32, #tpu.memory_space<hbm>>) dst(%dma_wait3A_411 : memref<1000xi32, #tpu.memory_space<vmem>>)
    %dma_wait3A_413 = arith.constant 7 : i32
    %dma_wait3A_414 = arith.constant 0 : i32
    %dma_wait3A_415 = tpu.memref_slice %arg6[%dma_wait3A_413, %dma_wait3A_414] : memref<10x1000xi32, #tpu.memory_space<vmem>> -> memref<1x1000xi32, #tpu.memory_space<vmem>>
    %dma_wait3A_416 = tpu.memref_squeeze %dma_wait3A_415 : memref<1x1000xi32, #tpu.memory_space<vmem>> -> memref<1000xi32, #tpu.memory_space<vmem>>
    %dma_wait3A_417 = tpu.memref_slice %arg3[%add3A_199] : memref<640000xi32, #tpu.memory_space<hbm>> -> memref<1000xi32, #tpu.memory_space<hbm>>
    %dma_wait3A_418 = arith.constant 0 : i32
    %dma_wait3A_419 = tpu.memref_slice %arg6[%dma_wait3A_413, %dma_wait3A_418] : memref<10x1000xi32, #tpu.memory_space<vmem>> -> memref<1x1000xi32, #tpu.memory_space<vmem>>
    %dma_wait3A_420 = tpu.memref_squeeze %dma_wait3A_419 : memref<1x1000xi32, #tpu.memory_space<vmem>> -> memref<1000xi32, #tpu.memory_space<vmem>>
    %dma_wait3A_421 = tpu.memref_slice %arg3[%add3A_199] : memref<640000xi32, #tpu.memory_space<hbm>> -> memref<1000xi32, #tpu.memory_space<hbm>>
    tpu.wait_dma2 semaphore(%arg14 : memref<!tpu.dma_semaphore, #tpu.memory_space<semaphore_mem>>) src(%dma_wait3A_421 : memref<1000xi32, #tpu.memory_space<hbm>>) dst(%dma_wait3A_420 : memref<1000xi32, #tpu.memory_space<vmem>>)
    %dma_wait3A_422 = arith.constant 7 : i32
    %dma_wait3A_423 = arith.constant 0 : i32
    %dma_wait3A_424 = tpu.memref_slice %arg7[%dma_wait3A_422, %dma_wait3A_423] : memref<10x1000xi32, #tpu.memory_space<vmem>> -> memref<1x1000xi32, #tpu.memory_space<vmem>>
    %dma_wait3A_425 = tpu.memref_squeeze %dma_wait3A_424 : memref<1x1000xi32, #tpu.memory_space<vmem>> -> memref<1000xi32, #tpu.memory_space<vmem>>
    %dma_wait3A_426 = tpu.memref_slice %arg3[%add3A_214] : memref<640000xi32, #tpu.memory_space<hbm>> -> memref<1000xi32, #tpu.memory_space<hbm>>
    %dma_wait3A_427 = arith.constant 0 : i32
    %dma_wait3A_428 = tpu.memref_slice %arg7[%dma_wait3A_422, %dma_wait3A_427] : memref<10x1000xi32, #tpu.memory_space<vmem>> -> memref<1x1000xi32, #tpu.memory_space<vmem>>
    %dma_wait3A_429 = tpu.memref_squeeze %dma_wait3A_428 : memref<1x1000xi32, #tpu.memory_space<vmem>> -> memref<1000xi32, #tpu.memory_space<vmem>>
    %dma_wait3A_430 = tpu.memref_slice %arg3[%add3A_214] : memref<640000xi32, #tpu.memory_space<hbm>> -> memref<1000xi32, #tpu.memory_space<hbm>>
    tpu.wait_dma2 semaphore(%arg14 : memref<!tpu.dma_semaphore, #tpu.memory_space<semaphore_mem>>) src(%dma_wait3A_430 : memref<1000xi32, #tpu.memory_space<hbm>>) dst(%dma_wait3A_429 : memref<1000xi32, #tpu.memory_space<vmem>>)
    %dma_wait3A_431 = arith.constant 8 : i32
    %dma_wait3A_432 = arith.constant 0 : i32
    %dma_wait3A_433 = tpu.memref_slice %arg6[%dma_wait3A_431, %dma_wait3A_432] : memref<10x1000xi32, #tpu.memory_space<vmem>> -> memref<1x1000xi32, #tpu.memory_space<vmem>>
    %dma_wait3A_434 = tpu.memref_squeeze %dma_wait3A_433 : memref<1x1000xi32, #tpu.memory_space<vmem>> -> memref<1000xi32, #tpu.memory_space<vmem>>
    %dma_wait3A_435 = tpu.memref_slice %arg3[%add3A_227] : memref<640000xi32, #tpu.memory_space<hbm>> -> memref<1000xi32, #tpu.memory_space<hbm>>
    %dma_wait3A_436 = arith.constant 0 : i32
    %dma_wait3A_437 = tpu.memref_slice %arg6[%dma_wait3A_431, %dma_wait3A_436] : memref<10x1000xi32, #tpu.memory_space<vmem>> -> memref<1x1000xi32, #tpu.memory_space<vmem>>
    %dma_wait3A_438 = tpu.memref_squeeze %dma_wait3A_437 : memref<1x1000xi32, #tpu.memory_space<vmem>> -> memref<1000xi32, #tpu.memory_space<vmem>>
    %dma_wait3A_439 = tpu.memref_slice %arg3[%add3A_227] : memref<640000xi32, #tpu.memory_space<hbm>> -> memref<1000xi32, #tpu.memory_space<hbm>>
    tpu.wait_dma2 semaphore(%arg14 : memref<!tpu.dma_semaphore, #tpu.memory_space<semaphore_mem>>) src(%dma_wait3A_439 : memref<1000xi32, #tpu.memory_space<hbm>>) dst(%dma_wait3A_438 : memref<1000xi32, #tpu.memory_space<vmem>>)
    %dma_wait3A_440 = arith.constant 8 : i32
    %dma_wait3A_441 = arith.constant 0 : i32
    %dma_wait3A_442 = tpu.memref_slice %arg7[%dma_wait3A_440, %dma_wait3A_441] : memref<10x1000xi32, #tpu.memory_space<vmem>> -> memref<1x1000xi32, #tpu.memory_space<vmem>>
    %dma_wait3A_443 = tpu.memref_squeeze %dma_wait3A_442 : memref<1x1000xi32, #tpu.memory_space<vmem>> -> memref<1000xi32, #tpu.memory_space<vmem>>
    %dma_wait3A_444 = tpu.memref_slice %arg3[%add3A_242] : memref<640000xi32, #tpu.memory_space<hbm>> -> memref<1000xi32, #tpu.memory_space<hbm>>
    %dma_wait3A_445 = arith.constant 0 : i32
    %dma_wait3A_446 = tpu.memref_slice %arg7[%dma_wait3A_440, %dma_wait3A_445] : memref<10x1000xi32, #tpu.memory_space<vmem>> -> memref<1x1000xi32, #tpu.memory_space<vmem>>
    %dma_wait3A_447 = tpu.memref_squeeze %dma_wait3A_446 : memref<1x1000xi32, #tpu.memory_space<vmem>> -> memref<1000xi32, #tpu.memory_space<vmem>>
    %dma_wait3A_448 = tpu.memref_slice %arg3[%add3A_242] : memref<640000xi32, #tpu.memory_space<hbm>> -> memref<1000xi32, #tpu.memory_space<hbm>>
    tpu.wait_dma2 semaphore(%arg14 : memref<!tpu.dma_semaphore, #tpu.memory_space<semaphore_mem>>) src(%dma_wait3A_448 : memref<1000xi32, #tpu.memory_space<hbm>>) dst(%dma_wait3A_447 : memref<1000xi32, #tpu.memory_space<vmem>>)
    %dma_wait3A_449 = arith.constant 9 : i32
    %dma_wait3A_450 = arith.constant 0 : i32
    %dma_wait3A_451 = tpu.memref_slice %arg6[%dma_wait3A_449, %dma_wait3A_450] : memref<10x1000xi32, #tpu.memory_space<vmem>> -> memref<1x1000xi32, #tpu.memory_space<vmem>>
    %dma_wait3A_452 = tpu.memref_squeeze %dma_wait3A_451 : memref<1x1000xi32, #tpu.memory_space<vmem>> -> memref<1000xi32, #tpu.memory_space<vmem>>
    %dma_wait3A_453 = tpu.memref_slice %arg3[%add3A_255] : memref<640000xi32, #tpu.memory_space<hbm>> -> memref<1000xi32, #tpu.memory_space<hbm>>
    %dma_wait3A_454 = arith.constant 0 : i32
    %dma_wait3A_455 = tpu.memref_slice %arg6[%dma_wait3A_449, %dma_wait3A_454] : memref<10x1000xi32, #tpu.memory_space<vmem>> -> memref<1x1000xi32, #tpu.memory_space<vmem>>
    %dma_wait3A_456 = tpu.memref_squeeze %dma_wait3A_455 : memref<1x1000xi32, #tpu.memory_space<vmem>> -> memref<1000xi32, #tpu.memory_space<vmem>>
    %dma_wait3A_457 = tpu.memref_slice %arg3[%add3A_255] : memref<640000xi32, #tpu.memory_space<hbm>> -> memref<1000xi32, #tpu.memory_space<hbm>>
    tpu.wait_dma2 semaphore(%arg14 : memref<!tpu.dma_semaphore, #tpu.memory_space<semaphore_mem>>) src(%dma_wait3A_457 : memref<1000xi32, #tpu.memory_space<hbm>>) dst(%dma_wait3A_456 : memref<1000xi32, #tpu.memory_space<vmem>>)
    %dma_wait3A_458 = arith.constant 9 : i32
    %dma_wait3A_459 = arith.constant 0 : i32
    %dma_wait3A_460 = tpu.memref_slice %arg7[%dma_wait3A_458, %dma_wait3A_459] : memref<10x1000xi32, #tpu.memory_space<vmem>> -> memref<1x1000xi32, #tpu.memory_space<vmem>>
    %dma_wait3A_461 = tpu.memref_squeeze %dma_wait3A_460 : memref<1x1000xi32, #tpu.memory_space<vmem>> -> memref<1000xi32, #tpu.memory_space<vmem>>
    %dma_wait3A_462 = tpu.memref_slice %arg3[%add3A_270] : memref<640000xi32, #tpu.memory_space<hbm>> -> memref<1000xi32, #tpu.memory_space<hbm>>
    %dma_wait3A_463 = arith.constant 0 : i32
    %dma_wait3A_464 = tpu.memref_slice %arg7[%dma_wait3A_458, %dma_wait3A_463] : memref<10x1000xi32, #tpu.memory_space<vmem>> -> memref<1x1000xi32, #tpu.memory_space<vmem>>
    %dma_wait3A_465 = tpu.memref_squeeze %dma_wait3A_464 : memref<1x1000xi32, #tpu.memory_space<vmem>> -> memref<1000xi32, #tpu.memory_space<vmem>>
    %dma_wait3A_466 = tpu.memref_slice %arg3[%add3A_270] : memref<640000xi32, #tpu.memory_space<hbm>> -> memref<1000xi32, #tpu.memory_space<hbm>>
    tpu.wait_dma2 semaphore(%arg14 : memref<!tpu.dma_semaphore, #tpu.memory_space<semaphore_mem>>) src(%dma_wait3A_466 : memref<1000xi32, #tpu.memory_space<hbm>>) dst(%dma_wait3A_465 : memref<1000xi32, #tpu.memory_space<vmem>>)
    %barrier3A = arith.constant 0 : index
    tpu.barrier barrier_id(%barrier3A)
    %dma_start3A_467 = arith.constant 0 : i32
    %dma_start3A_468 = arith.constant 0 : i32
    %dma_start3A_469 = tpu.memref_slice %arg6[%dma_start3A_467, %dma_start3A_468] : memref<10x1000xi32, #tpu.memory_space<vmem>> -> memref<1x1000xi32, #tpu.memory_space<vmem>>
    %dma_start3A_470 = tpu.memref_squeeze %dma_start3A_469 : memref<1x1000xi32, #tpu.memory_space<vmem>> -> memref<1000xi32, #tpu.memory_space<vmem>>
    %dma_start3A_471 = arith.constant 0 : i32
    %dma_start3A_472 = arith.constant 0 : i32
    %dma_start3A_473 = tpu.memref_slice %arg12[%dma_start3A_471, %dma_start3A_472] : memref<10112x16xf32, #tpu.memory_space<vmem_shared>> -> memref<10112x16xf32, #tpu.memory_space<vmem_shared>>
    tpu.enqueue_indirect_dma source(%dma_start3A_473 : memref<10112x16xf32, #tpu.memory_space<vmem_shared>>) target(%arg8 : memref<1000x16xf32, #tpu.memory_space<vmem>>) offsets(%dma_start3A_470 : memref<1000xi32, #tpu.memory_space<vmem>>) semaphore(%arg15 : memref<!tpu.dma_semaphore, #tpu.memory_space<semaphore_mem>>)
    %dma_wait3A_474 = arith.constant 0 : i32
    %dma_wait3A_475 = arith.constant 0 : i32
    %dma_wait3A_476 = tpu.memref_slice %arg6[%dma_wait3A_474, %dma_wait3A_475] : memref<10x1000xi32, #tpu.memory_space<vmem>> -> memref<1x1000xi32, #tpu.memory_space<vmem>>
    %dma_wait3A_477 = tpu.memref_squeeze %dma_wait3A_476 : memref<1x1000xi32, #tpu.memory_space<vmem>> -> memref<1000xi32, #tpu.memory_space<vmem>>
    %dma_wait3A_478 = arith.constant 0 : i32
    %dma_wait3A_479 = arith.constant 0 : i32
    %dma_wait3A_480 = tpu.memref_slice %arg12[%dma_wait3A_478, %dma_wait3A_479] : memref<10112x16xf32, #tpu.memory_space<vmem_shared>> -> memref<10112x16xf32, #tpu.memory_space<vmem_shared>>
    tpu.wait_indirect_dma semaphore(%arg15 : memref<!tpu.dma_semaphore, #tpu.memory_space<semaphore_mem>>) src(%dma_wait3A_480 : memref<10112x16xf32, #tpu.memory_space<vmem_shared>>) dst(%arg8 : memref<1000x16xf32, #tpu.memory_space<vmem>>)
    %dma_start3A_481 = arith.constant 1 : i32
    %dma_start3A_482 = arith.constant 0 : i32
    %dma_start3A_483 = tpu.memref_slice %arg6[%dma_start3A_481, %dma_start3A_482] : memref<10x1000xi32, #tpu.memory_space<vmem>> -> memref<1x1000xi32, #tpu.memory_space<vmem>>
    %dma_start3A_484 = tpu.memref_squeeze %dma_start3A_483 : memref<1x1000xi32, #tpu.memory_space<vmem>> -> memref<1000xi32, #tpu.memory_space<vmem>>
    %dma_start3A_485 = arith.constant 0 : i32
    %dma_start3A_486 = arith.constant 0 : i32
    %dma_start3A_487 = tpu.memref_slice %arg12[%dma_start3A_485, %dma_start3A_486] : memref<10112x16xf32, #tpu.memory_space<vmem_shared>> -> memref<10112x16xf32, #tpu.memory_space<vmem_shared>>
    tpu.enqueue_indirect_dma source(%dma_start3A_487 : memref<10112x16xf32, #tpu.memory_space<vmem_shared>>) target(%arg9 : memref<1000x16xf32, #tpu.memory_space<vmem>>) offsets(%dma_start3A_484 : memref<1000xi32, #tpu.memory_space<vmem>>) semaphore(%arg15 : memref<!tpu.dma_semaphore, #tpu.memory_space<semaphore_mem>>)
    %dma_start3A_488 = arith.constant 0 : i32
    %dma_start3A_489 = arith.constant 0 : i32
    %dma_start3A_490 = tpu.memref_slice %arg7[%dma_start3A_488, %dma_start3A_489] : memref<10x1000xi32, #tpu.memory_space<vmem>> -> memref<1x1000xi32, #tpu.memory_space<vmem>>
    %dma_start3A_491 = tpu.memref_squeeze %dma_start3A_490 : memref<1x1000xi32, #tpu.memory_space<vmem>> -> memref<1000xi32, #tpu.memory_space<vmem>>
    %dma_start3A_492 = arith.constant 0 : i32
    %dma_start3A_493 = arith.constant 0 : i32
    %dma_start3A_494 = tpu.memref_slice %arg13[%dma_start3A_492, %dma_start3A_493] : memref<10112x16xf32, #tpu.memory_space<vmem_shared>> -> memref<10112x16xf32, #tpu.memory_space<vmem_shared>>
    tpu.enqueue_indirect_dma source(%arg8 : memref<1000x16xf32, #tpu.memory_space<vmem>>) target(%dma_start3A_494 : memref<10112x16xf32, #tpu.memory_space<vmem_shared>>) offsets(%dma_start3A_491 : memref<1000xi32, #tpu.memory_space<vmem>>) semaphore(%arg16 : memref<!tpu.dma_semaphore, #tpu.memory_space<semaphore_mem>>) {add = true}
    %dma_wait3A_495 = arith.constant 1 : i32
    %dma_wait3A_496 = arith.constant 0 : i32
    %dma_wait3A_497 = tpu.memref_slice %arg6[%dma_wait3A_495, %dma_wait3A_496] : memref<10x1000xi32, #tpu.memory_space<vmem>> -> memref<1x1000xi32, #tpu.memory_space<vmem>>
    %dma_wait3A_498 = tpu.memref_squeeze %dma_wait3A_497 : memref<1x1000xi32, #tpu.memory_space<vmem>> -> memref<1000xi32, #tpu.memory_space<vmem>>
    %dma_wait3A_499 = arith.constant 0 : i32
    %dma_wait3A_500 = arith.constant 0 : i32
    %dma_wait3A_501 = tpu.memref_slice %arg12[%dma_wait3A_499, %dma_wait3A_500] : memref<10112x16xf32, #tpu.memory_space<vmem_shared>> -> memref<10112x16xf32, #tpu.memory_space<vmem_shared>>
    tpu.wait_indirect_dma semaphore(%arg15 : memref<!tpu.dma_semaphore, #tpu.memory_space<semaphore_mem>>) src(%dma_wait3A_501 : memref<10112x16xf32, #tpu.memory_space<vmem_shared>>) dst(%arg9 : memref<1000x16xf32, #tpu.memory_space<vmem>>)
    %dma_start3A_502 = arith.constant 2 : i32
    %dma_start3A_503 = arith.constant 0 : i32
    %dma_start3A_504 = tpu.memref_slice %arg6[%dma_start3A_502, %dma_start3A_503] : memref<10x1000xi32, #tpu.memory_space<vmem>> -> memref<1x1000xi32, #tpu.memory_space<vmem>>
    %dma_start3A_505 = tpu.memref_squeeze %dma_start3A_504 : memref<1x1000xi32, #tpu.memory_space<vmem>> -> memref<1000xi32, #tpu.memory_space<vmem>>
    %dma_start3A_506 = arith.constant 0 : i32
    %dma_start3A_507 = arith.constant 0 : i32
    %dma_start3A_508 = tpu.memref_slice %arg12[%dma_start3A_506, %dma_start3A_507] : memref<10112x16xf32, #tpu.memory_space<vmem_shared>> -> memref<10112x16xf32, #tpu.memory_space<vmem_shared>>
    tpu.enqueue_indirect_dma source(%dma_start3A_508 : memref<10112x16xf32, #tpu.memory_space<vmem_shared>>) target(%arg10 : memref<1000x16xf32, #tpu.memory_space<vmem>>) offsets(%dma_start3A_505 : memref<1000xi32, #tpu.memory_space<vmem>>) semaphore(%arg15 : memref<!tpu.dma_semaphore, #tpu.memory_space<semaphore_mem>>)
    %dma_start3A_509 = arith.constant 1 : i32
    %dma_start3A_510 = arith.constant 0 : i32
    %dma_start3A_511 = tpu.memref_slice %arg7[%dma_start3A_509, %dma_start3A_510] : memref<10x1000xi32, #tpu.memory_space<vmem>> -> memref<1x1000xi32, #tpu.memory_space<vmem>>
    %dma_start3A_512 = tpu.memref_squeeze %dma_start3A_511 : memref<1x1000xi32, #tpu.memory_space<vmem>> -> memref<1000xi32, #tpu.memory_space<vmem>>
    %dma_start3A_513 = arith.constant 0 : i32
    %dma_start3A_514 = arith.constant 0 : i32
    %dma_start3A_515 = tpu.memref_slice %arg13[%dma_start3A_513, %dma_start3A_514] : memref<10112x16xf32, #tpu.memory_space<vmem_shared>> -> memref<10112x16xf32, #tpu.memory_space<vmem_shared>>
    tpu.enqueue_indirect_dma source(%arg9 : memref<1000x16xf32, #tpu.memory_space<vmem>>) target(%dma_start3A_515 : memref<10112x16xf32, #tpu.memory_space<vmem_shared>>) offsets(%dma_start3A_512 : memref<1000xi32, #tpu.memory_space<vmem>>) semaphore(%arg16 : memref<!tpu.dma_semaphore, #tpu.memory_space<semaphore_mem>>) {add = true}
    %dma_wait3A_516 = arith.constant 2 : i32
    %dma_wait3A_517 = arith.constant 0 : i32
    %dma_wait3A_518 = tpu.memref_slice %arg6[%dma_wait3A_516, %dma_wait3A_517] : memref<10x1000xi32, #tpu.memory_space<vmem>> -> memref<1x1000xi32, #tpu.memory_space<vmem>>
    %dma_wait3A_519 = tpu.memref_squeeze %dma_wait3A_518 : memref<1x1000xi32, #tpu.memory_space<vmem>> -> memref<1000xi32, #tpu.memory_space<vmem>>
    %dma_wait3A_520 = arith.constant 0 : i32
    %dma_wait3A_521 = arith.constant 0 : i32
    %dma_wait3A_522 = tpu.memref_slice %arg12[%dma_wait3A_520, %dma_wait3A_521] : memref<10112x16xf32, #tpu.memory_space<vmem_shared>> -> memref<10112x16xf32, #tpu.memory_space<vmem_shared>>
    tpu.wait_indirect_dma semaphore(%arg15 : memref<!tpu.dma_semaphore, #tpu.memory_space<semaphore_mem>>) src(%dma_wait3A_522 : memref<10112x16xf32, #tpu.memory_space<vmem_shared>>) dst(%arg10 : memref<1000x16xf32, #tpu.memory_space<vmem>>)
    %dma_start3A_523 = arith.constant 3 : i32
    %dma_start3A_524 = arith.constant 0 : i32
    %dma_start3A_525 = tpu.memref_slice %arg6[%dma_start3A_523, %dma_start3A_524] : memref<10x1000xi32, #tpu.memory_space<vmem>> -> memref<1x1000xi32, #tpu.memory_space<vmem>>
    %dma_start3A_526 = tpu.memref_squeeze %dma_start3A_525 : memref<1x1000xi32, #tpu.memory_space<vmem>> -> memref<1000xi32, #tpu.memory_space<vmem>>
    %dma_start3A_527 = arith.constant 0 : i32
    %dma_start3A_528 = arith.constant 0 : i32
    %dma_start3A_529 = tpu.memref_slice %arg12[%dma_start3A_527, %dma_start3A_528] : memref<10112x16xf32, #tpu.memory_space<vmem_shared>> -> memref<10112x16xf32, #tpu.memory_space<vmem_shared>>
    tpu.enqueue_indirect_dma source(%dma_start3A_529 : memref<10112x16xf32, #tpu.memory_space<vmem_shared>>) target(%arg11 : memref<1000x16xf32, #tpu.memory_space<vmem>>) offsets(%dma_start3A_526 : memref<1000xi32, #tpu.memory_space<vmem>>) semaphore(%arg15 : memref<!tpu.dma_semaphore, #tpu.memory_space<semaphore_mem>>)
    %dma_start3A_530 = arith.constant 2 : i32
    %dma_start3A_531 = arith.constant 0 : i32
    %dma_start3A_532 = tpu.memref_slice %arg7[%dma_start3A_530, %dma_start3A_531] : memref<10x1000xi32, #tpu.memory_space<vmem>> -> memref<1x1000xi32, #tpu.memory_space<vmem>>
    %dma_start3A_533 = tpu.memref_squeeze %dma_start3A_532 : memref<1x1000xi32, #tpu.memory_space<vmem>> -> memref<1000xi32, #tpu.memory_space<vmem>>
    %dma_start3A_534 = arith.constant 0 : i32
    %dma_start3A_535 = arith.constant 0 : i32
    %dma_start3A_536 = tpu.memref_slice %arg13[%dma_start3A_534, %dma_start3A_535] : memref<10112x16xf32, #tpu.memory_space<vmem_shared>> -> memref<10112x16xf32, #tpu.memory_space<vmem_shared>>
    tpu.enqueue_indirect_dma source(%arg10 : memref<1000x16xf32, #tpu.memory_space<vmem>>) target(%dma_start3A_536 : memref<10112x16xf32, #tpu.memory_space<vmem_shared>>) offsets(%dma_start3A_533 : memref<1000xi32, #tpu.memory_space<vmem>>) semaphore(%arg16 : memref<!tpu.dma_semaphore, #tpu.memory_space<semaphore_mem>>) {add = true}
    %dma_wait3A_537 = arith.constant 3 : i32
    %dma_wait3A_538 = arith.constant 0 : i32
    %dma_wait3A_539 = tpu.memref_slice %arg6[%dma_wait3A_537, %dma_wait3A_538] : memref<10x1000xi32, #tpu.memory_space<vmem>> -> memref<1x1000xi32, #tpu.memory_space<vmem>>
    %dma_wait3A_540 = tpu.memref_squeeze %dma_wait3A_539 : memref<1x1000xi32, #tpu.memory_space<vmem>> -> memref<1000xi32, #tpu.memory_space<vmem>>
    %dma_wait3A_541 = arith.constant 0 : i32
    %dma_wait3A_542 = arith.constant 0 : i32
    %dma_wait3A_543 = tpu.memref_slice %arg12[%dma_wait3A_541, %dma_wait3A_542] : memref<10112x16xf32, #tpu.memory_space<vmem_shared>> -> memref<10112x16xf32, #tpu.memory_space<vmem_shared>>
    tpu.wait_indirect_dma semaphore(%arg15 : memref<!tpu.dma_semaphore, #tpu.memory_space<semaphore_mem>>) src(%dma_wait3A_543 : memref<10112x16xf32, #tpu.memory_space<vmem_shared>>) dst(%arg11 : memref<1000x16xf32, #tpu.memory_space<vmem>>)
    %dma_wait3A_544 = arith.constant 0 : i32
    %dma_wait3A_545 = arith.constant 0 : i32
    %dma_wait3A_546 = tpu.memref_slice %arg7[%dma_wait3A_544, %dma_wait3A_545] : memref<10x1000xi32, #tpu.memory_space<vmem>> -> memref<1x1000xi32, #tpu.memory_space<vmem>>
    %dma_wait3A_547 = tpu.memref_squeeze %dma_wait3A_546 : memref<1x1000xi32, #tpu.memory_space<vmem>> -> memref<1000xi32, #tpu.memory_space<vmem>>
    %dma_wait3A_548 = arith.constant 0 : i32
    %dma_wait3A_549 = arith.constant 0 : i32
    %dma_wait3A_550 = tpu.memref_slice %arg13[%dma_wait3A_548, %dma_wait3A_549] : memref<10112x16xf32, #tpu.memory_space<vmem_shared>> -> memref<10112x16xf32, #tpu.memory_space<vmem_shared>>
    tpu.wait_indirect_dma semaphore(%arg16 : memref<!tpu.dma_semaphore, #tpu.memory_space<semaphore_mem>>) src(%arg8 : memref<1000x16xf32, #tpu.memory_space<vmem>>) dst(%dma_wait3A_550 : memref<10112x16xf32, #tpu.memory_space<vmem_shared>>)
    %dma_start3A_551 = arith.constant 4 : i32
    %dma_start3A_552 = arith.constant 0 : i32
    %dma_start3A_553 = tpu.memref_slice %arg6[%dma_start3A_551, %dma_start3A_552] : memref<10x1000xi32, #tpu.memory_space<vmem>> -> memref<1x1000xi32, #tpu.memory_space<vmem>>
    %dma_start3A_554 = tpu.memref_squeeze %dma_start3A_553 : memref<1x1000xi32, #tpu.memory_space<vmem>> -> memref<1000xi32, #tpu.memory_space<vmem>>
    %dma_start3A_555 = arith.constant 0 : i32
    %dma_start3A_556 = arith.constant 0 : i32
    %dma_start3A_557 = tpu.memref_slice %arg12[%dma_start3A_555, %dma_start3A_556] : memref<10112x16xf32, #tpu.memory_space<vmem_shared>> -> memref<10112x16xf32, #tpu.memory_space<vmem_shared>>
    tpu.enqueue_indirect_dma source(%dma_start3A_557 : memref<10112x16xf32, #tpu.memory_space<vmem_shared>>) target(%arg8 : memref<1000x16xf32, #tpu.memory_space<vmem>>) offsets(%dma_start3A_554 : memref<1000xi32, #tpu.memory_space<vmem>>) semaphore(%arg15 : memref<!tpu.dma_semaphore, #tpu.memory_space<semaphore_mem>>)
    %dma_start3A_558 = arith.constant 3 : i32
    %dma_start3A_559 = arith.constant 0 : i32
    %dma_start3A_560 = tpu.memref_slice %arg7[%dma_start3A_558, %dma_start3A_559] : memref<10x1000xi32, #tpu.memory_space<vmem>> -> memref<1x1000xi32, #tpu.memory_space<vmem>>
    %dma_start3A_561 = tpu.memref_squeeze %dma_start3A_560 : memref<1x1000xi32, #tpu.memory_space<vmem>> -> memref<1000xi32, #tpu.memory_space<vmem>>
    %dma_start3A_562 = arith.constant 0 : i32
    %dma_start3A_563 = arith.constant 0 : i32
    %dma_start3A_564 = tpu.memref_slice %arg13[%dma_start3A_562, %dma_start3A_563] : memref<10112x16xf32, #tpu.memory_space<vmem_shared>> -> memref<10112x16xf32, #tpu.memory_space<vmem_shared>>
    tpu.enqueue_indirect_dma source(%arg11 : memref<1000x16xf32, #tpu.memory_space<vmem>>) target(%dma_start3A_564 : memref<10112x16xf32, #tpu.memory_space<vmem_shared>>) offsets(%dma_start3A_561 : memref<1000xi32, #tpu.memory_space<vmem>>) semaphore(%arg16 : memref<!tpu.dma_semaphore, #tpu.memory_space<semaphore_mem>>) {add = true}
    %dma_wait3A_565 = arith.constant 4 : i32
    %dma_wait3A_566 = arith.constant 0 : i32
    %dma_wait3A_567 = tpu.memref_slice %arg6[%dma_wait3A_565, %dma_wait3A_566] : memref<10x1000xi32, #tpu.memory_space<vmem>> -> memref<1x1000xi32, #tpu.memory_space<vmem>>
    %dma_wait3A_568 = tpu.memref_squeeze %dma_wait3A_567 : memref<1x1000xi32, #tpu.memory_space<vmem>> -> memref<1000xi32, #tpu.memory_space<vmem>>
    %dma_wait3A_569 = arith.constant 0 : i32
    %dma_wait3A_570 = arith.constant 0 : i32
    %dma_wait3A_571 = tpu.memref_slice %arg12[%dma_wait3A_569, %dma_wait3A_570] : memref<10112x16xf32, #tpu.memory_space<vmem_shared>> -> memref<10112x16xf32, #tpu.memory_space<vmem_shared>>
    tpu.wait_indirect_dma semaphore(%arg15 : memref<!tpu.dma_semaphore, #tpu.memory_space<semaphore_mem>>) src(%dma_wait3A_571 : memref<10112x16xf32, #tpu.memory_space<vmem_shared>>) dst(%arg8 : memref<1000x16xf32, #tpu.memory_space<vmem>>)
    %dma_wait3A_572 = arith.constant 1 : i32
    %dma_wait3A_573 = arith.constant 0 : i32
    %dma_wait3A_574 = tpu.memref_slice %arg7[%dma_wait3A_572, %dma_wait3A_573] : memref<10x1000xi32, #tpu.memory_space<vmem>> -> memref<1x1000xi32, #tpu.memory_space<vmem>>
    %dma_wait3A_575 = tpu.memref_squeeze %dma_wait3A_574 : memref<1x1000xi32, #tpu.memory_space<vmem>> -> memref<1000xi32, #tpu.memory_space<vmem>>
    %dma_wait3A_576 = arith.constant 0 : i32
    %dma_wait3A_577 = arith.constant 0 : i32
    %dma_wait3A_578 = tpu.memref_slice %arg13[%dma_wait3A_576, %dma_wait3A_577] : memref<10112x16xf32, #tpu.memory_space<vmem_shared>> -> memref<10112x16xf32, #tpu.memory_space<vmem_shared>>
    tpu.wait_indirect_dma semaphore(%arg16 : memref<!tpu.dma_semaphore, #tpu.memory_space<semaphore_mem>>) src(%arg9 : memref<1000x16xf32, #tpu.memory_space<vmem>>) dst(%dma_wait3A_578 : memref<10112x16xf32, #tpu.memory_space<vmem_shared>>)
    %dma_start3A_579 = arith.constant 5 : i32
    %dma_start3A_580 = arith.constant 0 : i32
    %dma_start3A_581 = tpu.memref_slice %arg6[%dma_start3A_579, %dma_start3A_580] : memref<10x1000xi32, #tpu.memory_space<vmem>> -> memref<1x1000xi32, #tpu.memory_space<vmem>>
    %dma_start3A_582 = tpu.memref_squeeze %dma_start3A_581 : memref<1x1000xi32, #tpu.memory_space<vmem>> -> memref<1000xi32, #tpu.memory_space<vmem>>
    %dma_start3A_583 = arith.constant 0 : i32
    %dma_start3A_584 = arith.constant 0 : i32
    %dma_start3A_585 = tpu.memref_slice %arg12[%dma_start3A_583, %dma_start3A_584] : memref<10112x16xf32, #tpu.memory_space<vmem_shared>> -> memref<10112x16xf32, #tpu.memory_space<vmem_shared>>
    tpu.enqueue_indirect_dma source(%dma_start3A_585 : memref<10112x16xf32, #tpu.memory_space<vmem_shared>>) target(%arg9 : memref<1000x16xf32, #tpu.memory_space<vmem>>) offsets(%dma_start3A_582 : memref<1000xi32, #tpu.memory_space<vmem>>) semaphore(%arg15 : memref<!tpu.dma_semaphore, #tpu.memory_space<semaphore_mem>>)
    %dma_start3A_586 = arith.constant 4 : i32
    %dma_start3A_587 = arith.constant 0 : i32
    %dma_start3A_588 = tpu.memref_slice %arg7[%dma_start3A_586, %dma_start3A_587] : memref<10x1000xi32, #tpu.memory_space<vmem>> -> memref<1x1000xi32, #tpu.memory_space<vmem>>
    %dma_start3A_589 = tpu.memref_squeeze %dma_start3A_588 : memref<1x1000xi32, #tpu.memory_space<vmem>> -> memref<1000xi32, #tpu.memory_space<vmem>>
    %dma_start3A_590 = arith.constant 0 : i32
    %dma_start3A_591 = arith.constant 0 : i32
    %dma_start3A_592 = tpu.memref_slice %arg13[%dma_start3A_590, %dma_start3A_591] : memref<10112x16xf32, #tpu.memory_space<vmem_shared>> -> memref<10112x16xf32, #tpu.memory_space<vmem_shared>>
    tpu.enqueue_indirect_dma source(%arg8 : memref<1000x16xf32, #tpu.memory_space<vmem>>) target(%dma_start3A_592 : memref<10112x16xf32, #tpu.memory_space<vmem_shared>>) offsets(%dma_start3A_589 : memref<1000xi32, #tpu.memory_space<vmem>>) semaphore(%arg16 : memref<!tpu.dma_semaphore, #tpu.memory_space<semaphore_mem>>) {add = true}
    %dma_wait3A_593 = arith.constant 5 : i32
    %dma_wait3A_594 = arith.constant 0 : i32
    %dma_wait3A_595 = tpu.memref_slice %arg6[%dma_wait3A_593, %dma_wait3A_594] : memref<10x1000xi32, #tpu.memory_space<vmem>> -> memref<1x1000xi32, #tpu.memory_space<vmem>>
    %dma_wait3A_596 = tpu.memref_squeeze %dma_wait3A_595 : memref<1x1000xi32, #tpu.memory_space<vmem>> -> memref<1000xi32, #tpu.memory_space<vmem>>
    %dma_wait3A_597 = arith.constant 0 : i32
    %dma_wait3A_598 = arith.constant 0 : i32
    %dma_wait3A_599 = tpu.memref_slice %arg12[%dma_wait3A_597, %dma_wait3A_598] : memref<10112x16xf32, #tpu.memory_space<vmem_shared>> -> memref<10112x16xf32, #tpu.memory_space<vmem_shared>>
    tpu.wait_indirect_dma semaphore(%arg15 : memref<!tpu.dma_semaphore, #tpu.memory_space<semaphore_mem>>) src(%dma_wait3A_599 : memref<10112x16xf32, #tpu.memory_space<vmem_shared>>) dst(%arg9 : memref<1000x16xf32, #tpu.memory_space<vmem>>)
    %dma_wait3A_600 = arith.constant 2 : i32
    %dma_wait3A_601 = arith.constant 0 : i32
    %dma_wait3A_602 = tpu.memref_slice %arg7[%dma_wait3A_600, %dma_wait3A_601] : memref<10x1000xi32, #tpu.memory_space<vmem>> -> memref<1x1000xi32, #tpu.memory_space<vmem>>
    %dma_wait3A_603 = tpu.memref_squeeze %dma_wait3A_602 : memref<1x1000xi32, #tpu.memory_space<vmem>> -> memref<1000xi32, #tpu.memory_space<vmem>>
    %dma_wait3A_604 = arith.constant 0 : i32
    %dma_wait3A_605 = arith.constant 0 : i32
    %dma_wait3A_606 = tpu.memref_slice %arg13[%dma_wait3A_604, %dma_wait3A_605] : memref<10112x16xf32, #tpu.memory_space<vmem_shared>> -> memref<10112x16xf32, #tpu.memory_space<vmem_shared>>
    tpu.wait_indirect_dma semaphore(%arg16 : memref<!tpu.dma_semaphore, #tpu.memory_space<semaphore_mem>>) src(%arg10 : memref<1000x16xf32, #tpu.memory_space<vmem>>) dst(%dma_wait3A_606 : memref<10112x16xf32, #tpu.memory_space<vmem_shared>>)
    %dma_start3A_607 = arith.constant 6 : i32
    %dma_start3A_608 = arith.constant 0 : i32
    %dma_start3A_609 = tpu.memref_slice %arg6[%dma_start3A_607, %dma_start3A_608] : memref<10x1000xi32, #tpu.memory_space<vmem>> -> memref<1x1000xi32, #tpu.memory_space<vmem>>
    %dma_start3A_610 = tpu.memref_squeeze %dma_start3A_609 : memref<1x1000xi32, #tpu.memory_space<vmem>> -> memref<1000xi32, #tpu.memory_space<vmem>>
    %dma_start3A_611 = arith.constant 0 : i32
    %dma_start3A_612 = arith.constant 0 : i32
    %dma_start3A_613 = tpu.memref_slice %arg12[%dma_start3A_611, %dma_start3A_612] : memref<10112x16xf32, #tpu.memory_space<vmem_shared>> -> memref<10112x16xf32, #tpu.memory_space<vmem_shared>>
    tpu.enqueue_indirect_dma source(%dma_start3A_613 : memref<10112x16xf32, #tpu.memory_space<vmem_shared>>) target(%arg10 : memref<1000x16xf32, #tpu.memory_space<vmem>>) offsets(%dma_start3A_610 : memref<1000xi32, #tpu.memory_space<vmem>>) semaphore(%arg15 : memref<!tpu.dma_semaphore, #tpu.memory_space<semaphore_mem>>)
    %dma_start3A_614 = arith.constant 5 : i32
    %dma_start3A_615 = arith.constant 0 : i32
    %dma_start3A_616 = tpu.memref_slice %arg7[%dma_start3A_614, %dma_start3A_615] : memref<10x1000xi32, #tpu.memory_space<vmem>> -> memref<1x1000xi32, #tpu.memory_space<vmem>>
    %dma_start3A_617 = tpu.memref_squeeze %dma_start3A_616 : memref<1x1000xi32, #tpu.memory_space<vmem>> -> memref<1000xi32, #tpu.memory_space<vmem>>
    %dma_start3A_618 = arith.constant 0 : i32
    %dma_start3A_619 = arith.constant 0 : i32
    %dma_start3A_620 = tpu.memref_slice %arg13[%dma_start3A_618, %dma_start3A_619] : memref<10112x16xf32, #tpu.memory_space<vmem_shared>> -> memref<10112x16xf32, #tpu.memory_space<vmem_shared>>
    tpu.enqueue_indirect_dma source(%arg9 : memref<1000x16xf32, #tpu.memory_space<vmem>>) target(%dma_start3A_620 : memref<10112x16xf32, #tpu.memory_space<vmem_shared>>) offsets(%dma_start3A_617 : memref<1000xi32, #tpu.memory_space<vmem>>) semaphore(%arg16 : memref<!tpu.dma_semaphore, #tpu.memory_space<semaphore_mem>>) {add = true}
    %dma_wait3A_621 = arith.constant 6 : i32
    %dma_wait3A_622 = arith.constant 0 : i32
    %dma_wait3A_623 = tpu.memref_slice %arg6[%dma_wait3A_621, %dma_wait3A_622] : memref<10x1000xi32, #tpu.memory_space<vmem>> -> memref<1x1000xi32, #tpu.memory_space<vmem>>
    %dma_wait3A_624 = tpu.memref_squeeze %dma_wait3A_623 : memref<1x1000xi32, #tpu.memory_space<vmem>> -> memref<1000xi32, #tpu.memory_space<vmem>>
    %dma_wait3A_625 = arith.constant 0 : i32
    %dma_wait3A_626 = arith.constant 0 : i32
    %dma_wait3A_627 = tpu.memref_slice %arg12[%dma_wait3A_625, %dma_wait3A_626] : memref<10112x16xf32, #tpu.memory_space<vmem_shared>> -> memref<10112x16xf32, #tpu.memory_space<vmem_shared>>
    tpu.wait_indirect_dma semaphore(%arg15 : memref<!tpu.dma_semaphore, #tpu.memory_space<semaphore_mem>>) src(%dma_wait3A_627 : memref<10112x16xf32, #tpu.memory_space<vmem_shared>>) dst(%arg10 : memref<1000x16xf32, #tpu.memory_space<vmem>>)
    %dma_wait3A_628 = arith.constant 3 : i32
    %dma_wait3A_629 = arith.constant 0 : i32
    %dma_wait3A_630 = tpu.memref_slice %arg7[%dma_wait3A_628, %dma_wait3A_629] : memref<10x1000xi32, #tpu.memory_space<vmem>> -> memref<1x1000xi32, #tpu.memory_space<vmem>>
    %dma_wait3A_631 = tpu.memref_squeeze %dma_wait3A_630 : memref<1x1000xi32, #tpu.memory_space<vmem>> -> memref<1000xi32, #tpu.memory_space<vmem>>
    %dma_wait3A_632 = arith.constant 0 : i32
    %dma_wait3A_633 = arith.constant 0 : i32
    %dma_wait3A_634 = tpu.memref_slice %arg13[%dma_wait3A_632, %dma_wait3A_633] : memref<10112x16xf32, #tpu.memory_space<vmem_shared>> -> memref<10112x16xf32, #tpu.memory_space<vmem_shared>>
    tpu.wait_indirect_dma semaphore(%arg16 : memref<!tpu.dma_semaphore, #tpu.memory_space<semaphore_mem>>) src(%arg11 : memref<1000x16xf32, #tpu.memory_space<vmem>>) dst(%dma_wait3A_634 : memref<10112x16xf32, #tpu.memory_space<vmem_shared>>)
    %dma_start3A_635 = arith.constant 7 : i32
    %dma_start3A_636 = arith.constant 0 : i32
    %dma_start3A_637 = tpu.memref_slice %arg6[%dma_start3A_635, %dma_start3A_636] : memref<10x1000xi32, #tpu.memory_space<vmem>> -> memref<1x1000xi32, #tpu.memory_space<vmem>>
    %dma_start3A_638 = tpu.memref_squeeze %dma_start3A_637 : memref<1x1000xi32, #tpu.memory_space<vmem>> -> memref<1000xi32, #tpu.memory_space<vmem>>
    %dma_start3A_639 = arith.constant 0 : i32
    %dma_start3A_640 = arith.constant 0 : i32
    %dma_start3A_641 = tpu.memref_slice %arg12[%dma_start3A_639, %dma_start3A_640] : memref<10112x16xf32, #tpu.memory_space<vmem_shared>> -> memref<10112x16xf32, #tpu.memory_space<vmem_shared>>
    tpu.enqueue_indirect_dma source(%dma_start3A_641 : memref<10112x16xf32, #tpu.memory_space<vmem_shared>>) target(%arg11 : memref<1000x16xf32, #tpu.memory_space<vmem>>) offsets(%dma_start3A_638 : memref<1000xi32, #tpu.memory_space<vmem>>) semaphore(%arg15 : memref<!tpu.dma_semaphore, #tpu.memory_space<semaphore_mem>>)
    %dma_start3A_642 = arith.constant 6 : i32
    %dma_start3A_643 = arith.constant 0 : i32
    %dma_start3A_644 = tpu.memref_slice %arg7[%dma_start3A_642, %dma_start3A_643] : memref<10x1000xi32, #tpu.memory_space<vmem>> -> memref<1x1000xi32, #tpu.memory_space<vmem>>
    %dma_start3A_645 = tpu.memref_squeeze %dma_start3A_644 : memref<1x1000xi32, #tpu.memory_space<vmem>> -> memref<1000xi32, #tpu.memory_space<vmem>>
    %dma_start3A_646 = arith.constant 0 : i32
    %dma_start3A_647 = arith.constant 0 : i32
    %dma_start3A_648 = tpu.memref_slice %arg13[%dma_start3A_646, %dma_start3A_647] : memref<10112x16xf32, #tpu.memory_space<vmem_shared>> -> memref<10112x16xf32, #tpu.memory_space<vmem_shared>>
    tpu.enqueue_indirect_dma source(%arg10 : memref<1000x16xf32, #tpu.memory_space<vmem>>) target(%dma_start3A_648 : memref<10112x16xf32, #tpu.memory_space<vmem_shared>>) offsets(%dma_start3A_645 : memref<1000xi32, #tpu.memory_space<vmem>>) semaphore(%arg16 : memref<!tpu.dma_semaphore, #tpu.memory_space<semaphore_mem>>) {add = true}
    %dma_wait3A_649 = arith.constant 7 : i32
    %dma_wait3A_650 = arith.constant 0 : i32
    %dma_wait3A_651 = tpu.memref_slice %arg6[%dma_wait3A_649, %dma_wait3A_650] : memref<10x1000xi32, #tpu.memory_space<vmem>> -> memref<1x1000xi32, #tpu.memory_space<vmem>>
    %dma_wait3A_652 = tpu.memref_squeeze %dma_wait3A_651 : memref<1x1000xi32, #tpu.memory_space<vmem>> -> memref<1000xi32, #tpu.memory_space<vmem>>
    %dma_wait3A_653 = arith.constant 0 : i32
    %dma_wait3A_654 = arith.constant 0 : i32
    %dma_wait3A_655 = tpu.memref_slice %arg12[%dma_wait3A_653, %dma_wait3A_654] : memref<10112x16xf32, #tpu.memory_space<vmem_shared>> -> memref<10112x16xf32, #tpu.memory_space<vmem_shared>>
    tpu.wait_indirect_dma semaphore(%arg15 : memref<!tpu.dma_semaphore, #tpu.memory_space<semaphore_mem>>) src(%dma_wait3A_655 : memref<10112x16xf32, #tpu.memory_space<vmem_shared>>) dst(%arg11 : memref<1000x16xf32, #tpu.memory_space<vmem>>)
    %dma_wait3A_656 = arith.constant 4 : i32
    %dma_wait3A_657 = arith.constant 0 : i32
    %dma_wait3A_658 = tpu.memref_slice %arg7[%dma_wait3A_656, %dma_wait3A_657] : memref<10x1000xi32, #tpu.memory_space<vmem>> -> memref<1x1000xi32, #tpu.memory_space<vmem>>
    %dma_wait3A_659 = tpu.memref_squeeze %dma_wait3A_658 : memref<1x1000xi32, #tpu.memory_space<vmem>> -> memref<1000xi32, #tpu.memory_space<vmem>>
    %dma_wait3A_660 = arith.constant 0 : i32
    %dma_wait3A_661 = arith.constant 0 : i32
    %dma_wait3A_662 = tpu.memref_slice %arg13[%dma_wait3A_660, %dma_wait3A_661] : memref<10112x16xf32, #tpu.memory_space<vmem_shared>> -> memref<10112x16xf32, #tpu.memory_space<vmem_shared>>
    tpu.wait_indirect_dma semaphore(%arg16 : memref<!tpu.dma_semaphore, #tpu.memory_space<semaphore_mem>>) src(%arg8 : memref<1000x16xf32, #tpu.memory_space<vmem>>) dst(%dma_wait3A_662 : memref<10112x16xf32, #tpu.memory_space<vmem_shared>>)
    %dma_start3A_663 = arith.constant 8 : i32
    %dma_start3A_664 = arith.constant 0 : i32
    %dma_start3A_665 = tpu.memref_slice %arg6[%dma_start3A_663, %dma_start3A_664] : memref<10x1000xi32, #tpu.memory_space<vmem>> -> memref<1x1000xi32, #tpu.memory_space<vmem>>
    %dma_start3A_666 = tpu.memref_squeeze %dma_start3A_665 : memref<1x1000xi32, #tpu.memory_space<vmem>> -> memref<1000xi32, #tpu.memory_space<vmem>>
    %dma_start3A_667 = arith.constant 0 : i32
    %dma_start3A_668 = arith.constant 0 : i32
    %dma_start3A_669 = tpu.memref_slice %arg12[%dma_start3A_667, %dma_start3A_668] : memref<10112x16xf32, #tpu.memory_space<vmem_shared>> -> memref<10112x16xf32, #tpu.memory_space<vmem_shared>>
    tpu.enqueue_indirect_dma source(%dma_start3A_669 : memref<10112x16xf32, #tpu.memory_space<vmem_shared>>) target(%arg8 : memref<1000x16xf32, #tpu.memory_space<vmem>>) offsets(%dma_start3A_666 : memref<1000xi32, #tpu.memory_space<vmem>>) semaphore(%arg15 : memref<!tpu.dma_semaphore, #tpu.memory_space<semaphore_mem>>)
    %dma_start3A_670 = arith.constant 7 : i32
    %dma_start3A_671 = arith.constant 0 : i32
    %dma_start3A_672 = tpu.memref_slice %arg7[%dma_start3A_670, %dma_start3A_671] : memref<10x1000xi32, #tpu.memory_space<vmem>> -> memref<1x1000xi32, #tpu.memory_space<vmem>>
    %dma_start3A_673 = tpu.memref_squeeze %dma_start3A_672 : memref<1x1000xi32, #tpu.memory_space<vmem>> -> memref<1000xi32, #tpu.memory_space<vmem>>
    %dma_start3A_674 = arith.constant 0 : i32
    %dma_start3A_675 = arith.constant 0 : i32
    %dma_start3A_676 = tpu.memref_slice %arg13[%dma_start3A_674, %dma_start3A_675] : memref<10112x16xf32, #tpu.memory_space<vmem_shared>> -> memref<10112x16xf32, #tpu.memory_space<vmem_shared>>
    tpu.enqueue_indirect_dma source(%arg11 : memref<1000x16xf32, #tpu.memory_space<vmem>>) target(%dma_start3A_676 : memref<10112x16xf32, #tpu.memory_space<vmem_shared>>) offsets(%dma_start3A_673 : memref<1000xi32, #tpu.memory_space<vmem>>) semaphore(%arg16 : memref<!tpu.dma_semaphore, #tpu.memory_space<semaphore_mem>>) {add = true}
    %dma_wait3A_677 = arith.constant 8 : i32
    %dma_wait3A_678 = arith.constant 0 : i32
    %dma_wait3A_679 = tpu.memref_slice %arg6[%dma_wait3A_677, %dma_wait3A_678] : memref<10x1000xi32, #tpu.memory_space<vmem>> -> memref<1x1000xi32, #tpu.memory_space<vmem>>
    %dma_wait3A_680 = tpu.memref_squeeze %dma_wait3A_679 : memref<1x1000xi32, #tpu.memory_space<vmem>> -> memref<1000xi32, #tpu.memory_space<vmem>>
    %dma_wait3A_681 = arith.constant 0 : i32
    %dma_wait3A_682 = arith.constant 0 : i32
    %dma_wait3A_683 = tpu.memref_slice %arg12[%dma_wait3A_681, %dma_wait3A_682] : memref<10112x16xf32, #tpu.memory_space<vmem_shared>> -> memref<10112x16xf32, #tpu.memory_space<vmem_shared>>
    tpu.wait_indirect_dma semaphore(%arg15 : memref<!tpu.dma_semaphore, #tpu.memory_space<semaphore_mem>>) src(%dma_wait3A_683 : memref<10112x16xf32, #tpu.memory_space<vmem_shared>>) dst(%arg8 : memref<1000x16xf32, #tpu.memory_space<vmem>>)
    %dma_wait3A_684 = arith.constant 5 : i32
    %dma_wait3A_685 = arith.constant 0 : i32
    %dma_wait3A_686 = tpu.memref_slice %arg7[%dma_wait3A_684, %dma_wait3A_685] : memref<10x1000xi32, #tpu.memory_space<vmem>> -> memref<1x1000xi32, #tpu.memory_space<vmem>>
    %dma_wait3A_687 = tpu.memref_squeeze %dma_wait3A_686 : memref<1x1000xi32, #tpu.memory_space<vmem>> -> memref<1000xi32, #tpu.memory_space<vmem>>
    %dma_wait3A_688 = arith.constant 0 : i32
    %dma_wait3A_689 = arith.constant 0 : i32
    %dma_wait3A_690 = tpu.memref_slice %arg13[%dma_wait3A_688, %dma_wait3A_689] : memref<10112x16xf32, #tpu.memory_space<vmem_shared>> -> memref<10112x16xf32, #tpu.memory_space<vmem_shared>>
    tpu.wait_indirect_dma semaphore(%arg16 : memref<!tpu.dma_semaphore, #tpu.memory_space<semaphore_mem>>) src(%arg9 : memref<1000x16xf32, #tpu.memory_space<vmem>>) dst(%dma_wait3A_690 : memref<10112x16xf32, #tpu.memory_space<vmem_shared>>)
    %dma_start3A_691 = arith.constant 9 : i32
    %dma_start3A_692 = arith.constant 0 : i32
    %dma_start3A_693 = tpu.memref_slice %arg6[%dma_start3A_691, %dma_start3A_692] : memref<10x1000xi32, #tpu.memory_space<vmem>> -> memref<1x1000xi32, #tpu.memory_space<vmem>>
    %dma_start3A_694 = tpu.memref_squeeze %dma_start3A_693 : memref<1x1000xi32, #tpu.memory_space<vmem>> -> memref<1000xi32, #tpu.memory_space<vmem>>
    %dma_start3A_695 = arith.constant 0 : i32
    %dma_start3A_696 = arith.constant 0 : i32
    %dma_start3A_697 = tpu.memref_slice %arg12[%dma_start3A_695, %dma_start3A_696] : memref<10112x16xf32, #tpu.memory_space<vmem_shared>> -> memref<10112x16xf32, #tpu.memory_space<vmem_shared>>
    tpu.enqueue_indirect_dma source(%dma_start3A_697 : memref<10112x16xf32, #tpu.memory_space<vmem_shared>>) target(%arg9 : memref<1000x16xf32, #tpu.memory_space<vmem>>) offsets(%dma_start3A_694 : memref<1000xi32, #tpu.memory_space<vmem>>) semaphore(%arg15 : memref<!tpu.dma_semaphore, #tpu.memory_space<semaphore_mem>>)
    %dma_start3A_698 = arith.constant 8 : i32
    %dma_start3A_699 = arith.constant 0 : i32
    %dma_start3A_700 = tpu.memref_slice %arg7[%dma_start3A_698, %dma_start3A_699] : memref<10x1000xi32, #tpu.memory_space<vmem>> -> memref<1x1000xi32, #tpu.memory_space<vmem>>
    %dma_start3A_701 = tpu.memref_squeeze %dma_start3A_700 : memref<1x1000xi32, #tpu.memory_space<vmem>> -> memref<1000xi32, #tpu.memory_space<vmem>>
    %dma_start3A_702 = arith.constant 0 : i32
    %dma_start3A_703 = arith.constant 0 : i32
    %dma_start3A_704 = tpu.memref_slice %arg13[%dma_start3A_702, %dma_start3A_703] : memref<10112x16xf32, #tpu.memory_space<vmem_shared>> -> memref<10112x16xf32, #tpu.memory_space<vmem_shared>>
    tpu.enqueue_indirect_dma source(%arg8 : memref<1000x16xf32, #tpu.memory_space<vmem>>) target(%dma_start3A_704 : memref<10112x16xf32, #tpu.memory_space<vmem_shared>>) offsets(%dma_start3A_701 : memref<1000xi32, #tpu.memory_space<vmem>>) semaphore(%arg16 : memref<!tpu.dma_semaphore, #tpu.memory_space<semaphore_mem>>) {add = true}
    %dma_wait3A_705 = arith.constant 9 : i32
    %dma_wait3A_706 = arith.constant 0 : i32
    %dma_wait3A_707 = tpu.memref_slice %arg6[%dma_wait3A_705, %dma_wait3A_706] : memref<10x1000xi32, #tpu.memory_space<vmem>> -> memref<1x1000xi32, #tpu.memory_space<vmem>>
    %dma_wait3A_708 = tpu.memref_squeeze %dma_wait3A_707 : memref<1x1000xi32, #tpu.memory_space<vmem>> -> memref<1000xi32, #tpu.memory_space<vmem>>
    %dma_wait3A_709 = arith.constant 0 : i32
    %dma_wait3A_710 = arith.constant 0 : i32
    %dma_wait3A_711 = tpu.memref_slice %arg12[%dma_wait3A_709, %dma_wait3A_710] : memref<10112x16xf32, #tpu.memory_space<vmem_shared>> -> memref<10112x16xf32, #tpu.memory_space<vmem_shared>>
    tpu.wait_indirect_dma semaphore(%arg15 : memref<!tpu.dma_semaphore, #tpu.memory_space<semaphore_mem>>) src(%dma_wait3A_711 : memref<10112x16xf32, #tpu.memory_space<vmem_shared>>) dst(%arg9 : memref<1000x16xf32, #tpu.memory_space<vmem>>)
    %dma_start3A_712 = arith.constant 9 : i32
    %dma_start3A_713 = arith.constant 0 : i32
    %dma_start3A_714 = tpu.memref_slice %arg7[%dma_start3A_712, %dma_start3A_713] : memref<10x1000xi32, #tpu.memory_space<vmem>> -> memref<1x1000xi32, #tpu.memory_space<vmem>>
    %dma_start3A_715 = tpu.memref_squeeze %dma_start3A_714 : memref<1x1000xi32, #tpu.memory_space<vmem>> -> memref<1000xi32, #tpu.memory_space<vmem>>
    %dma_start3A_716 = arith.constant 0 : i32
    %dma_start3A_717 = arith.constant 0 : i32
    %dma_start3A_718 = tpu.memref_slice %arg13[%dma_start3A_716, %dma_start3A_717] : memref<10112x16xf32, #tpu.memory_space<vmem_shared>> -> memref<10112x16xf32, #tpu.memory_space<vmem_shared>>
    tpu.enqueue_indirect_dma source(%arg9 : memref<1000x16xf32, #tpu.memory_space<vmem>>) target(%dma_start3A_718 : memref<10112x16xf32, #tpu.memory_space<vmem_shared>>) offsets(%dma_start3A_715 : memref<1000xi32, #tpu.memory_space<vmem>>) semaphore(%arg16 : memref<!tpu.dma_semaphore, #tpu.memory_space<semaphore_mem>>) {add = true}
    %dma_wait3A_719 = arith.constant 6 : i32
    %dma_wait3A_720 = arith.constant 0 : i32
    %dma_wait3A_721 = tpu.memref_slice %arg7[%dma_wait3A_719, %dma_wait3A_720] : memref<10x1000xi32, #tpu.memory_space<vmem>> -> memref<1x1000xi32, #tpu.memory_space<vmem>>
    %dma_wait3A_722 = tpu.memref_squeeze %dma_wait3A_721 : memref<1x1000xi32, #tpu.memory_space<vmem>> -> memref<1000xi32, #tpu.memory_space<vmem>>
    %dma_wait3A_723 = arith.constant 0 : i32
    %dma_wait3A_724 = arith.constant 0 : i32
    %dma_wait3A_725 = tpu.memref_slice %arg13[%dma_wait3A_723, %dma_wait3A_724] : memref<10112x16xf32, #tpu.memory_space<vmem_shared>> -> memref<10112x16xf32, #tpu.memory_space<vmem_shared>>
    tpu.wait_indirect_dma semaphore(%arg16 : memref<!tpu.dma_semaphore, #tpu.memory_space<semaphore_mem>>) src(%arg10 : memref<1000x16xf32, #tpu.memory_space<vmem>>) dst(%dma_wait3A_725 : memref<10112x16xf32, #tpu.memory_space<vmem_shared>>)
    %dma_wait3A_726 = arith.constant 7 : i32
    %dma_wait3A_727 = arith.constant 0 : i32
    %dma_wait3A_728 = tpu.memref_slice %arg7[%dma_wait3A_726, %dma_wait3A_727] : memref<10x1000xi32, #tpu.memory_space<vmem>> -> memref<1x1000xi32, #tpu.memory_space<vmem>>
    %dma_wait3A_729 = tpu.memref_squeeze %dma_wait3A_728 : memref<1x1000xi32, #tpu.memory_space<vmem>> -> memref<1000xi32, #tpu.memory_space<vmem>>
    %dma_wait3A_730 = arith.constant 0 : i32
    %dma_wait3A_731 = arith.constant 0 : i32
    %dma_wait3A_732 = tpu.memref_slice %arg13[%dma_wait3A_730, %dma_wait3A_731] : memref<10112x16xf32, #tpu.memory_space<vmem_shared>> -> memref<10112x16xf32, #tpu.memory_space<vmem_shared>>
    tpu.wait_indirect_dma semaphore(%arg16 : memref<!tpu.dma_semaphore, #tpu.memory_space<semaphore_mem>>) src(%arg11 : memref<1000x16xf32, #tpu.memory_space<vmem>>) dst(%dma_wait3A_732 : memref<10112x16xf32, #tpu.memory_space<vmem_shared>>)
    %dma_wait3A_733 = arith.constant 8 : i32
    %dma_wait3A_734 = arith.constant 0 : i32
    %dma_wait3A_735 = tpu.memref_slice %arg7[%dma_wait3A_733, %dma_wait3A_734] : memref<10x1000xi32, #tpu.memory_space<vmem>> -> memref<1x1000xi32, #tpu.memory_space<vmem>>
    %dma_wait3A_736 = tpu.memref_squeeze %dma_wait3A_735 : memref<1x1000xi32, #tpu.memory_space<vmem>> -> memref<1000xi32, #tpu.memory_space<vmem>>
    %dma_wait3A_737 = arith.constant 0 : i32
    %dma_wait3A_738 = arith.constant 0 : i32
    %dma_wait3A_739 = tpu.memref_slice %arg13[%dma_wait3A_737, %dma_wait3A_738] : memref<10112x16xf32, #tpu.memory_space<vmem_shared>> -> memref<10112x16xf32, #tpu.memory_space<vmem_shared>>
    tpu.wait_indirect_dma semaphore(%arg16 : memref<!tpu.dma_semaphore, #tpu.memory_space<semaphore_mem>>) src(%arg8 : memref<1000x16xf32, #tpu.memory_space<vmem>>) dst(%dma_wait3A_739 : memref<10112x16xf32, #tpu.memory_space<vmem_shared>>)
    %dma_wait3A_740 = arith.constant 9 : i32
    %dma_wait3A_741 = arith.constant 0 : i32
    %dma_wait3A_742 = tpu.memref_slice %arg7[%dma_wait3A_740, %dma_wait3A_741] : memref<10x1000xi32, #tpu.memory_space<vmem>> -> memref<1x1000xi32, #tpu.memory_space<vmem>>
    %dma_wait3A_743 = tpu.memref_squeeze %dma_wait3A_742 : memref<1x1000xi32, #tpu.memory_space<vmem>> -> memref<1000xi32, #tpu.memory_space<vmem>>
    %dma_wait3A_744 = arith.constant 0 : i32
    %dma_wait3A_745 = arith.constant 0 : i32
    %dma_wait3A_746 = tpu.memref_slice %arg13[%dma_wait3A_744, %dma_wait3A_745] : memref<10112x16xf32, #tpu.memory_space<vmem_shared>> -> memref<10112x16xf32, #tpu.memory_space<vmem_shared>>
    tpu.wait_indirect_dma semaphore(%arg16 : memref<!tpu.dma_semaphore, #tpu.memory_space<semaphore_mem>>) src(%arg9 : memref<1000x16xf32, #tpu.memory_space<vmem>>) dst(%dma_wait3A_746 : memref<10112x16xf32, #tpu.memory_space<vmem_shared>>)
    %barrier3A_747 = arith.constant 0 : index
    tpu.barrier barrier_id(%barrier3A_747)
    %mul3A_748 = arith.constant 632 : i32
    %mul3A_749 = arith.muli %arg1, %mul3A_748 : i32
    %mul3A_750 = arith.constant 632 : i32
    %mul3A_751 = arith.muli %arg1, %mul3A_750 : i32
    "tpu.region"() ({
      %run_scoped3A = tpu.sem_alloc : memref<!tpu.dma_semaphore, #tpu.memory_space<semaphore_mem>>
      %dma_start3A_752 = arith.constant 0 : i32
      %dma_start3A_753 = tpu.memref_slice %arg5[%arg0, %mul3A_751, %dma_start3A_752] : memref<2x10112x16xf32, #tpu.memory_space<hbm>> -> memref<1x632x16xf32, #tpu.memory_space<hbm>>
      %dma_start3A_754 = tpu.memref_squeeze %dma_start3A_753 : memref<1x632x16xf32, #tpu.memory_space<hbm>> -> memref<632x16xf32, #tpu.memory_space<hbm>>
      %dma_start3A_755 = arith.constant 0 : i32
      %dma_start3A_756 = tpu.memref_slice %arg13[%mul3A_749, %dma_start3A_755] : memref<10112x16xf32, #tpu.memory_space<vmem_shared>> -> memref<632x16xf32, #tpu.memory_space<vmem_shared>>
      tpu.enqueue_dma source(%dma_start3A_756 : memref<632x16xf32, #tpu.memory_space<vmem_shared>>) target(%dma_start3A_754 : memref<632x16xf32, #tpu.memory_space<hbm>>) target_semaphore(%run_scoped3A : memref<!tpu.dma_semaphore, #tpu.memory_space<semaphore_mem>>)
      %dma_wait3A_757 = arith.constant 0 : i32
      %dma_wait3A_758 = tpu.memref_slice %arg5[%arg0, %mul3A_751, %dma_wait3A_757] : memref<2x10112x16xf32, #tpu.memory_space<hbm>> -> memref<1x632x16xf32, #tpu.memory_space<hbm>>
      %dma_wait3A_759 = tpu.memref_squeeze %dma_wait3A_758 : memref<1x632x16xf32, #tpu.memory_space<hbm>> -> memref<632x16xf32, #tpu.memory_space<hbm>>
      %dma_wait3A_760 = arith.constant 0 : i32
      %dma_wait3A_761 = tpu.memref_slice %arg13[%mul3A_749, %dma_wait3A_760] : memref<10112x16xf32, #tpu.memory_space<vmem_shared>> -> memref<632x16xf32, #tpu.memory_space<vmem_shared>>
      tpu.wait_dma2 semaphore(%run_scoped3A : memref<!tpu.dma_semaphore, #tpu.memory_space<semaphore_mem>>) src(%dma_wait3A_761 : memref<632x16xf32, #tpu.memory_space<vmem_shared>>) dst(%dma_wait3A_759 : memref<632x16xf32, #tpu.memory_space<hbm>>)
      tpu.yield
    }) : () -> ()
    return
  }
}

#map = affine_map<(d0, d1) -> (0)>
#map1 = affine_map<(d0, d1) -> (0, 0)>
module attributes {stable_mosaic.version = 14 : i64} {
  func.func @_deg_body(%arg0: i32, %arg1: i32, %arg2: memref<640000xi32, #tpu.memory_space<hbm>>, %arg3: memref<32x10112xf32, #tpu.memory_space<hbm>>, %arg4: memref<10000xi32, #tpu.memory_space<vmem>>, %arg5: memref<10112xf32, #tpu.memory_space<vmem>>) attributes {dimension_semantics = [#tpu.dimension_semantics<core_parallel>, #tpu.dimension_semantics<subcore_parallel>], iteration_bounds = array<i64: 2, 16>, scalar_prefetch = 0 : i64, scratch_operands = 2 : i64, tpu.core_type = #tpu.core_type<sc_vector_subcore>, window_params = [{transform_indices = #map}, {transform_indices = #map1}]} {
    %mul3A = arith.constant 16 : i32
    %mul3A_0 = arith.muli %arg0, %mul3A : i32
    %add3A = arith.addi %mul3A_0, %arg1 : i32
    %mul3A_1 = arith.constant 10000 : i32
    %mul3A_2 = arith.muli %add3A, %mul3A_1 : i32
    %add3A_3 = arith.constant 320000 : i32
    %add3A_4 = arith.addi %add3A_3, %mul3A_2 : i32
    "tpu.region"() ({
      %run_scoped3A = tpu.sem_alloc : memref<!tpu.dma_semaphore, #tpu.memory_space<semaphore_mem>>
      %dma_start3A = tpu.memref_slice %arg2[%add3A_4] : memref<640000xi32, #tpu.memory_space<hbm>> -> memref<10000xi32, #tpu.memory_space<hbm>>
      %dma_start3A_19 = tpu.memref_slice %arg2[%add3A_4] : memref<640000xi32, #tpu.memory_space<hbm>> -> memref<10000xi32, #tpu.memory_space<hbm>>
      tpu.enqueue_dma source(%dma_start3A_19 : memref<10000xi32, #tpu.memory_space<hbm>>) target(%arg4 : memref<10000xi32, #tpu.memory_space<vmem>>) target_semaphore(%run_scoped3A : memref<!tpu.dma_semaphore, #tpu.memory_space<semaphore_mem>>)
      %dma_wait3A = tpu.memref_slice %arg2[%add3A_4] : memref<640000xi32, #tpu.memory_space<hbm>> -> memref<10000xi32, #tpu.memory_space<hbm>>
      %dma_wait3A_20 = tpu.memref_slice %arg2[%add3A_4] : memref<640000xi32, #tpu.memory_space<hbm>> -> memref<10000xi32, #tpu.memory_space<hbm>>
      tpu.wait_dma2 semaphore(%run_scoped3A : memref<!tpu.dma_semaphore, #tpu.memory_space<semaphore_mem>>) src(%dma_wait3A_20 : memref<10000xi32, #tpu.memory_space<hbm>>) dst(%arg4 : memref<10000xi32, #tpu.memory_space<vmem>>)
      tpu.yield
    }) : () -> ()
    %scan3A = arith.constant 0 : i32
    %scan3A_5 = arith.constant 0 : i32
    %scan3A_6 = arith.constant 632 : i32
    %scan3A_7 = arith.addi %scan3A_5, %scan3A_6 : i32
    %scan3A_8 = arith.constant 1 : i32
    %scan3A_9 = scf.for %scan3A_19 = %scan3A_5 to %scan3A_7 step %scan3A_8 iter_args(%scan3A_20 = %scan3A) -> (i32)  : i32 {
      %broadcast_in_dim3A_21 = arith.constant 0.000000e+00 : f32
      %broadcast_in_dim3A_22 = vector.broadcast %broadcast_in_dim3A_21 : f32 to vector<16xf32>
      %mul3A_23 = arith.constant 16 : i32
      %mul3A_24 = arith.muli %scan3A_19, %mul3A_23 : i32
      %swap3A = arith.index_cast %mul3A_24 : i32 to index
      %swap3A_25 = tpu.vector_load %arg5[%swap3A] {strides = array<i32>} : memref<10112xf32, #tpu.memory_space<vmem>>, vector<16xf32>,
      tpu.vector_store %arg5[%swap3A], %broadcast_in_dim3A_22 {strides = array<i32>} : memref<10112xf32, #tpu.memory_space<vmem>>, vector<16xf32>,
      %scan3A_26 = arith.constant 0 : i32
      scf.yield %scan3A_26 : i32
    }
    %scan3A_10 = arith.constant 632 : i32
    %broadcast_in_dim3A = arith.constant 1.000000e+00 : f32
    %broadcast_in_dim3A_11 = vector.broadcast %broadcast_in_dim3A : f32 to vector<16xf32>
    %scan3A_12 = arith.constant 0 : i32
    %scan3A_13 = arith.constant 0 : i32
    %scan3A_14 = arith.constant 625 : i32
    %scan3A_15 = arith.addi %scan3A_13, %scan3A_14 : i32
    %scan3A_16 = arith.constant 1 : i32
    %scan3A_17 = scf.for %scan3A_19 = %scan3A_13 to %scan3A_15 step %scan3A_16 iter_args(%scan3A_20 = %scan3A_12) -> (i32)  : i32 {
      %mul3A_21 = arith.constant 16 : i32
      %mul3A_22 = arith.muli %scan3A_19, %mul3A_21 : i32
      %get3A = arith.index_cast %mul3A_22 : i32 to index
      %get3A_23 = tpu.vector_load %arg4[%get3A] {strides = array<i32>} : memref<10000xi32, #tpu.memory_space<vmem>>, vector<16xi32>,
      tpu.vector_store_idx %arg5[%get3A_23], %broadcast_in_dim3A_11 {add = true} : memref<10112xf32, #tpu.memory_space<vmem>>[vector<16xi32>], vector<16xf32>,
      %scan3A_24 = arith.constant 0 : i32
      scf.yield %scan3A_24 : i32
    }
    %scan3A_18 = arith.constant 625 : i32
    "tpu.region"() ({
      %run_scoped3A = tpu.sem_alloc : memref<!tpu.dma_semaphore, #tpu.memory_space<semaphore_mem>>
      %dma_start3A = arith.constant 0 : i32
      %dma_start3A_19 = tpu.memref_slice %arg3[%add3A, %dma_start3A] : memref<32x10112xf32, #tpu.memory_space<hbm>> -> memref<1x10112xf32, #tpu.memory_space<hbm>>
      %dma_start3A_20 = tpu.memref_squeeze %dma_start3A_19 : memref<1x10112xf32, #tpu.memory_space<hbm>> -> memref<10112xf32, #tpu.memory_space<hbm>>
      %dma_start3A_21 = arith.constant 0 : i32
      %dma_start3A_22 = tpu.memref_slice %arg3[%add3A, %dma_start3A_21] : memref<32x10112xf32, #tpu.memory_space<hbm>> -> memref<1x10112xf32, #tpu.memory_space<hbm>>
      %dma_start3A_23 = tpu.memref_squeeze %dma_start3A_22 : memref<1x10112xf32, #tpu.memory_space<hbm>> -> memref<10112xf32, #tpu.memory_space<hbm>>
      tpu.enqueue_dma source(%arg5 : memref<10112xf32, #tpu.memory_space<vmem>>) target(%dma_start3A_23 : memref<10112xf32, #tpu.memory_space<hbm>>) target_semaphore(%run_scoped3A : memref<!tpu.dma_semaphore, #tpu.memory_space<semaphore_mem>>)
      %dma_wait3A = arith.constant 0 : i32
      %dma_wait3A_24 = tpu.memref_slice %arg3[%add3A, %dma_wait3A] : memref<32x10112xf32, #tpu.memory_space<hbm>> -> memref<1x10112xf32, #tpu.memory_space<hbm>>
      %dma_wait3A_25 = tpu.memref_squeeze %dma_wait3A_24 : memref<1x10112xf32, #tpu.memory_space<hbm>> -> memref<10112xf32, #tpu.memory_space<hbm>>
      %dma_wait3A_26 = arith.constant 0 : i32
      %dma_wait3A_27 = tpu.memref_slice %arg3[%add3A, %dma_wait3A_26] : memref<32x10112xf32, #tpu.memory_space<hbm>> -> memref<1x10112xf32, #tpu.memory_space<hbm>>
      %dma_wait3A_28 = tpu.memref_squeeze %dma_wait3A_27 : memref<1x10112xf32, #tpu.memory_space<hbm>> -> memref<10112xf32, #tpu.memory_space<hbm>>
      tpu.wait_dma2 semaphore(%run_scoped3A : memref<!tpu.dma_semaphore, #tpu.memory_space<semaphore_mem>>) src(%arg5 : memref<10112xf32, #tpu.memory_space<vmem>>) dst(%dma_wait3A_28 : memref<10112xf32, #tpu.memory_space<hbm>>)
      tpu.yield
    }) : () -> ()
    return
  }
}

#map = affine_map<(d0, d1) -> (0, 0)>
#map1 = affine_map<(d0, d1) -> (0)>
#map2 = affine_map<(d0, d1) -> (0, 0, 0)>
module attributes {stable_mosaic.version = 14 : i64} {
  func.func @_msg_body(%arg0: i32, %arg1: i32, %arg2: memref<10112x16xf32, #tpu.memory_space<hbm>>, %arg3: memref<640000xi32, #tpu.memory_space<hbm>>, %arg4: memref<10112x16xf32, #tpu.memory_space<hbm>>, %arg5: memref<2x10112x16xf32, #tpu.memory_space<hbm>>, %arg6: memref<10x1000xi32, #tpu.memory_space<vmem>>, %arg7: memref<10x1000xi32, #tpu.memory_space<vmem>>, %arg8: memref<1000x16xf32, #tpu.memory_space<vmem>>, %arg9: memref<1000x16xf32, #tpu.memory_space<vmem>>, %arg10: memref<1000x16xf32, #tpu.memory_space<vmem>>, %arg11: memref<1000x16xf32, #tpu.memory_space<vmem>>, %arg12: memref<10112x16xf32, #tpu.memory_space<vmem_shared>>, %arg13: memref<10112x16xf32, #tpu.memory_space<vmem_shared>>, %arg14: memref<!tpu.dma_semaphore, #tpu.memory_space<semaphore_mem>>, %arg15: memref<!tpu.dma_semaphore, #tpu.memory_space<semaphore_mem>>, %arg16: memref<!tpu.dma_semaphore, #tpu.memory_space<semaphore_mem>>) attributes {dimension_semantics = [#tpu.dimension_semantics<core_parallel>, #tpu.dimension_semantics<subcore_parallel>], iteration_bounds = array<i64: 2, 16>, scalar_prefetch = 0 : i64, scratch_operands = 11 : i64, tpu.core_type = #tpu.core_type<sc_vector_subcore>, window_params = [{transform_indices = #map}, {transform_indices = #map1}, {transform_indices = #map}, {transform_indices = #map2}]} {
    %mul3A = arith.constant 16 : i32
    %mul3A_0 = arith.muli %arg0, %mul3A : i32
    %add3A = arith.addi %mul3A_0, %arg1 : i32
    %mul3A_1 = arith.constant 10000 : i32
    %mul3A_2 = arith.muli %add3A, %mul3A_1 : i32
    %add3A_3 = arith.constant 0 : i32
    %add3A_4 = arith.addi %mul3A_2, %add3A_3 : i32
    %dma_start3A = arith.constant 0 : i32
    %dma_start3A_5 = arith.constant 0 : i32
    %dma_start3A_6 = tpu.memref_slice %arg6[%dma_start3A, %dma_start3A_5] : memref<10x1000xi32, #tpu.memory_space<vmem>> -> memref<1x1000xi32, #tpu.memory_space<vmem>>
    %dma_start3A_7 = tpu.memref_squeeze %dma_start3A_6 : memref<1x1000xi32, #tpu.memory_space<vmem>> -> memref<1000xi32, #tpu.memory_space<vmem>>
    %dma_start3A_8 = tpu.memref_slice %arg3[%add3A_4] : memref<640000xi32, #tpu.memory_space<hbm>> -> memref<1000xi32, #tpu.memory_space<hbm>>
    %dma_start3A_9 = arith.constant 0 : i32
    %dma_start3A_10 = tpu.memref_slice %arg6[%dma_start3A, %dma_start3A_9] : memref<10x1000xi32, #tpu.memory_space<vmem>> -> memref<1x1000xi32, #tpu.memory_space<vmem>>
    %dma_start3A_11 = tpu.memref_squeeze %dma_start3A_10 : memref<1x1000xi32, #tpu.memory_space<vmem>> -> memref<1000xi32, #tpu.memory_space<vmem>>
    %dma_start3A_12 = tpu.memref_slice %arg3[%add3A_4] : memref<640000xi32, #tpu.memory_space<hbm>> -> memref<1000xi32, #tpu.memory_space<hbm>>
    tpu.enqueue_dma source(%dma_start3A_12 : memref<1000xi32, #tpu.memory_space<hbm>>) target(%dma_start3A_11 : memref<1000xi32, #tpu.memory_space<vmem>>) target_semaphore(%arg14 : memref<!tpu.dma_semaphore, #tpu.memory_space<semaphore_mem>>)
    %mul3A_13 = arith.constant 10000 : i32
    %mul3A_14 = arith.muli %add3A, %mul3A_13 : i32
    %add3A_15 = arith.constant 320000 : i32
    %add3A_16 = arith.addi %add3A_15, %mul3A_14 : i32
    %add3A_17 = arith.constant 0 : i32
    %add3A_18 = arith.addi %add3A_16, %add3A_17 : i32
    %dma_start3A_19 = arith.constant 0 : i32
    %dma_start3A_20 = arith.constant 0 : i32
    %dma_start3A_21 = tpu.memref_slice %arg7[%dma_start3A_19, %dma_start3A_20] : memref<10x1000xi32, #tpu.memory_space<vmem>> -> memref<1x1000xi32, #tpu.memory_space<vmem>>
    %dma_start3A_22 = tpu.memref_squeeze %dma_start3A_21 : memref<1x1000xi32, #tpu.memory_space<vmem>> -> memref<1000xi32, #tpu.memory_space<vmem>>
    %dma_start3A_23 = tpu.memref_slice %arg3[%add3A_18] : memref<640000xi32, #tpu.memory_space<hbm>> -> memref<1000xi32, #tpu.memory_space<hbm>>
    %dma_start3A_24 = arith.constant 0 : i32
    %dma_start3A_25 = tpu.memref_slice %arg7[%dma_start3A_19, %dma_start3A_24] : memref<10x1000xi32, #tpu.memory_space<vmem>> -> memref<1x1000xi32, #tpu.memory_space<vmem>>
    %dma_start3A_26 = tpu.memref_squeeze %dma_start3A_25 : memref<1x1000xi32, #tpu.memory_space<vmem>> -> memref<1000xi32, #tpu.memory_space<vmem>>
    %dma_start3A_27 = tpu.memref_slice %arg3[%add3A_18] : memref<640000xi32, #tpu.memory_space<hbm>> -> memref<1000xi32, #tpu.memory_space<hbm>>
    tpu.enqueue_dma source(%dma_start3A_27 : memref<1000xi32, #tpu.memory_space<hbm>>) target(%dma_start3A_26 : memref<1000xi32, #tpu.memory_space<vmem>>) target_semaphore(%arg14 : memref<!tpu.dma_semaphore, #tpu.memory_space<semaphore_mem>>)
    %mul3A_28 = arith.constant 10000 : i32
    %mul3A_29 = arith.muli %add3A, %mul3A_28 : i32
    %add3A_30 = arith.constant 1000 : i32
    %add3A_31 = arith.addi %mul3A_29, %add3A_30 : i32
    %dma_start3A_32 = arith.constant 1 : i32
    %dma_start3A_33 = arith.constant 0 : i32
    %dma_start3A_34 = tpu.memref_slice %arg6[%dma_start3A_32, %dma_start3A_33] : memref<10x1000xi32, #tpu.memory_space<vmem>> -> memref<1x1000xi32, #tpu.memory_space<vmem>>
    %dma_start3A_35 = tpu.memref_squeeze %dma_start3A_34 : memref<1x1000xi32, #tpu.memory_space<vmem>> -> memref<1000xi32, #tpu.memory_space<vmem>>
    %dma_start3A_36 = tpu.memref_slice %arg3[%add3A_31] : memref<640000xi32, #tpu.memory_space<hbm>> -> memref<1000xi32, #tpu.memory_space<hbm>>
    %dma_start3A_37 = arith.constant 0 : i32
    %dma_start3A_38 = tpu.memref_slice %arg6[%dma_start3A_32, %dma_start3A_37] : memref<10x1000xi32, #tpu.memory_space<vmem>> -> memref<1x1000xi32, #tpu.memory_space<vmem>>
    %dma_start3A_39 = tpu.memref_squeeze %dma_start3A_38 : memref<1x1000xi32, #tpu.memory_space<vmem>> -> memref<1000xi32, #tpu.memory_space<vmem>>
    %dma_start3A_40 = tpu.memref_slice %arg3[%add3A_31] : memref<640000xi32, #tpu.memory_space<hbm>> -> memref<1000xi32, #tpu.memory_space<hbm>>
    tpu.enqueue_dma source(%dma_start3A_40 : memref<1000xi32, #tpu.memory_space<hbm>>) target(%dma_start3A_39 : memref<1000xi32, #tpu.memory_space<vmem>>) target_semaphore(%arg14 : memref<!tpu.dma_semaphore, #tpu.memory_space<semaphore_mem>>)
    %mul3A_41 = arith.constant 10000 : i32
    %mul3A_42 = arith.muli %add3A, %mul3A_41 : i32
    %add3A_43 = arith.constant 320000 : i32
    %add3A_44 = arith.addi %add3A_43, %mul3A_42 : i32
    %add3A_45 = arith.constant 1000 : i32
    %add3A_46 = arith.addi %add3A_44, %add3A_45 : i32
    %dma_start3A_47 = arith.constant 1 : i32
    %dma_start3A_48 = arith.constant 0 : i32
    %dma_start3A_49 = tpu.memref_slice %arg7[%dma_start3A_47, %dma_start3A_48] : memref<10x1000xi32, #tpu.memory_space<vmem>> -> memref<1x1000xi32, #tpu.memory_space<vmem>>
    %dma_start3A_50 = tpu.memref_squeeze %dma_start3A_49 : memref<1x1000xi32, #tpu.memory_space<vmem>> -> memref<1000xi32, #tpu.memory_space<vmem>>
    %dma_start3A_51 = tpu.memref_slice %arg3[%add3A_46] : memref<640000xi32, #tpu.memory_space<hbm>> -> memref<1000xi32, #tpu.memory_space<hbm>>
    %dma_start3A_52 = arith.constant 0 : i32
    %dma_start3A_53 = tpu.memref_slice %arg7[%dma_start3A_47, %dma_start3A_52] : memref<10x1000xi32, #tpu.memory_space<vmem>> -> memref<1x1000xi32, #tpu.memory_space<vmem>>
    %dma_start3A_54 = tpu.memref_squeeze %dma_start3A_53 : memref<1x1000xi32, #tpu.memory_space<vmem>> -> memref<1000xi32, #tpu.memory_space<vmem>>
    %dma_start3A_55 = tpu.memref_slice %arg3[%add3A_46] : memref<640000xi32, #tpu.memory_space<hbm>> -> memref<1000xi32, #tpu.memory_space<hbm>>
    tpu.enqueue_dma source(%dma_start3A_55 : memref<1000xi32, #tpu.memory_space<hbm>>) target(%dma_start3A_54 : memref<1000xi32, #tpu.memory_space<vmem>>) target_semaphore(%arg14 : memref<!tpu.dma_semaphore, #tpu.memory_space<semaphore_mem>>)
    %mul3A_56 = arith.constant 10000 : i32
    %mul3A_57 = arith.muli %add3A, %mul3A_56 : i32
    %add3A_58 = arith.constant 2000 : i32
    %add3A_59 = arith.addi %mul3A_57, %add3A_58 : i32
    %dma_start3A_60 = arith.constant 2 : i32
    %dma_start3A_61 = arith.constant 0 : i32
    %dma_start3A_62 = tpu.memref_slice %arg6[%dma_start3A_60, %dma_start3A_61] : memref<10x1000xi32, #tpu.memory_space<vmem>> -> memref<1x1000xi32, #tpu.memory_space<vmem>>
    %dma_start3A_63 = tpu.memref_squeeze %dma_start3A_62 : memref<1x1000xi32, #tpu.memory_space<vmem>> -> memref<1000xi32, #tpu.memory_space<vmem>>
    %dma_start3A_64 = tpu.memref_slice %arg3[%add3A_59] : memref<640000xi32, #tpu.memory_space<hbm>> -> memref<1000xi32, #tpu.memory_space<hbm>>
    %dma_start3A_65 = arith.constant 0 : i32
    %dma_start3A_66 = tpu.memref_slice %arg6[%dma_start3A_60, %dma_start3A_65] : memref<10x1000xi32, #tpu.memory_space<vmem>> -> memref<1x1000xi32, #tpu.memory_space<vmem>>
    %dma_start3A_67 = tpu.memref_squeeze %dma_start3A_66 : memref<1x1000xi32, #tpu.memory_space<vmem>> -> memref<1000xi32, #tpu.memory_space<vmem>>
    %dma_start3A_68 = tpu.memref_slice %arg3[%add3A_59] : memref<640000xi32, #tpu.memory_space<hbm>> -> memref<1000xi32, #tpu.memory_space<hbm>>
    tpu.enqueue_dma source(%dma_start3A_68 : memref<1000xi32, #tpu.memory_space<hbm>>) target(%dma_start3A_67 : memref<1000xi32, #tpu.memory_space<vmem>>) target_semaphore(%arg14 : memref<!tpu.dma_semaphore, #tpu.memory_space<semaphore_mem>>)
    %mul3A_69 = arith.constant 10000 : i32
    %mul3A_70 = arith.muli %add3A, %mul3A_69 : i32
    %add3A_71 = arith.constant 320000 : i32
    %add3A_72 = arith.addi %add3A_71, %mul3A_70 : i32
    %add3A_73 = arith.constant 2000 : i32
    %add3A_74 = arith.addi %add3A_72, %add3A_73 : i32
    %dma_start3A_75 = arith.constant 2 : i32
    %dma_start3A_76 = arith.constant 0 : i32
    %dma_start3A_77 = tpu.memref_slice %arg7[%dma_start3A_75, %dma_start3A_76] : memref<10x1000xi32, #tpu.memory_space<vmem>> -> memref<1x1000xi32, #tpu.memory_space<vmem>>
    %dma_start3A_78 = tpu.memref_squeeze %dma_start3A_77 : memref<1x1000xi32, #tpu.memory_space<vmem>> -> memref<1000xi32, #tpu.memory_space<vmem>>
    %dma_start3A_79 = tpu.memref_slice %arg3[%add3A_74] : memref<640000xi32, #tpu.memory_space<hbm>> -> memref<1000xi32, #tpu.memory_space<hbm>>
    %dma_start3A_80 = arith.constant 0 : i32
    %dma_start3A_81 = tpu.memref_slice %arg7[%dma_start3A_75, %dma_start3A_80] : memref<10x1000xi32, #tpu.memory_space<vmem>> -> memref<1x1000xi32, #tpu.memory_space<vmem>>
    %dma_start3A_82 = tpu.memref_squeeze %dma_start3A_81 : memref<1x1000xi32, #tpu.memory_space<vmem>> -> memref<1000xi32, #tpu.memory_space<vmem>>
    %dma_start3A_83 = tpu.memref_slice %arg3[%add3A_74] : memref<640000xi32, #tpu.memory_space<hbm>> -> memref<1000xi32, #tpu.memory_space<hbm>>
    tpu.enqueue_dma source(%dma_start3A_83 : memref<1000xi32, #tpu.memory_space<hbm>>) target(%dma_start3A_82 : memref<1000xi32, #tpu.memory_space<vmem>>) target_semaphore(%arg14 : memref<!tpu.dma_semaphore, #tpu.memory_space<semaphore_mem>>)
    %mul3A_84 = arith.constant 10000 : i32
    %mul3A_85 = arith.muli %add3A, %mul3A_84 : i32
    %add3A_86 = arith.constant 3000 : i32
    %add3A_87 = arith.addi %mul3A_85, %add3A_86 : i32
    %dma_start3A_88 = arith.constant 3 : i32
    %dma_start3A_89 = arith.constant 0 : i32
    %dma_start3A_90 = tpu.memref_slice %arg6[%dma_start3A_88, %dma_start3A_89] : memref<10x1000xi32, #tpu.memory_space<vmem>> -> memref<1x1000xi32, #tpu.memory_space<vmem>>
    %dma_start3A_91 = tpu.memref_squeeze %dma_start3A_90 : memref<1x1000xi32, #tpu.memory_space<vmem>> -> memref<1000xi32, #tpu.memory_space<vmem>>
    %dma_start3A_92 = tpu.memref_slice %arg3[%add3A_87] : memref<640000xi32, #tpu.memory_space<hbm>> -> memref<1000xi32, #tpu.memory_space<hbm>>
    %dma_start3A_93 = arith.constant 0 : i32
    %dma_start3A_94 = tpu.memref_slice %arg6[%dma_start3A_88, %dma_start3A_93] : memref<10x1000xi32, #tpu.memory_space<vmem>> -> memref<1x1000xi32, #tpu.memory_space<vmem>>
    %dma_start3A_95 = tpu.memref_squeeze %dma_start3A_94 : memref<1x1000xi32, #tpu.memory_space<vmem>> -> memref<1000xi32, #tpu.memory_space<vmem>>
    %dma_start3A_96 = tpu.memref_slice %arg3[%add3A_87] : memref<640000xi32, #tpu.memory_space<hbm>> -> memref<1000xi32, #tpu.memory_space<hbm>>
    tpu.enqueue_dma source(%dma_start3A_96 : memref<1000xi32, #tpu.memory_space<hbm>>) target(%dma_start3A_95 : memref<1000xi32, #tpu.memory_space<vmem>>) target_semaphore(%arg14 : memref<!tpu.dma_semaphore, #tpu.memory_space<semaphore_mem>>)
    %mul3A_97 = arith.constant 10000 : i32
    %mul3A_98 = arith.muli %add3A, %mul3A_97 : i32
    %add3A_99 = arith.constant 320000 : i32
    %add3A_100 = arith.addi %add3A_99, %mul3A_98 : i32
    %add3A_101 = arith.constant 3000 : i32
    %add3A_102 = arith.addi %add3A_100, %add3A_101 : i32
    %dma_start3A_103 = arith.constant 3 : i32
    %dma_start3A_104 = arith.constant 0 : i32
    %dma_start3A_105 = tpu.memref_slice %arg7[%dma_start3A_103, %dma_start3A_104] : memref<10x1000xi32, #tpu.memory_space<vmem>> -> memref<1x1000xi32, #tpu.memory_space<vmem>>
    %dma_start3A_106 = tpu.memref_squeeze %dma_start3A_105 : memref<1x1000xi32, #tpu.memory_space<vmem>> -> memref<1000xi32, #tpu.memory_space<vmem>>
    %dma_start3A_107 = tpu.memref_slice %arg3[%add3A_102] : memref<640000xi32, #tpu.memory_space<hbm>> -> memref<1000xi32, #tpu.memory_space<hbm>>
    %dma_start3A_108 = arith.constant 0 : i32
    %dma_start3A_109 = tpu.memref_slice %arg7[%dma_start3A_103, %dma_start3A_108] : memref<10x1000xi32, #tpu.memory_space<vmem>> -> memref<1x1000xi32, #tpu.memory_space<vmem>>
    %dma_start3A_110 = tpu.memref_squeeze %dma_start3A_109 : memref<1x1000xi32, #tpu.memory_space<vmem>> -> memref<1000xi32, #tpu.memory_space<vmem>>
    %dma_start3A_111 = tpu.memref_slice %arg3[%add3A_102] : memref<640000xi32, #tpu.memory_space<hbm>> -> memref<1000xi32, #tpu.memory_space<hbm>>
    tpu.enqueue_dma source(%dma_start3A_111 : memref<1000xi32, #tpu.memory_space<hbm>>) target(%dma_start3A_110 : memref<1000xi32, #tpu.memory_space<vmem>>) target_semaphore(%arg14 : memref<!tpu.dma_semaphore, #tpu.memory_space<semaphore_mem>>)
    %mul3A_112 = arith.constant 10000 : i32
    %mul3A_113 = arith.muli %add3A, %mul3A_112 : i32
    %add3A_114 = arith.constant 4000 : i32
    %add3A_115 = arith.addi %mul3A_113, %add3A_114 : i32
    %dma_start3A_116 = arith.constant 4 : i32
    %dma_start3A_117 = arith.constant 0 : i32
    %dma_start3A_118 = tpu.memref_slice %arg6[%dma_start3A_116, %dma_start3A_117] : memref<10x1000xi32, #tpu.memory_space<vmem>> -> memref<1x1000xi32, #tpu.memory_space<vmem>>
    %dma_start3A_119 = tpu.memref_squeeze %dma_start3A_118 : memref<1x1000xi32, #tpu.memory_space<vmem>> -> memref<1000xi32, #tpu.memory_space<vmem>>
    %dma_start3A_120 = tpu.memref_slice %arg3[%add3A_115] : memref<640000xi32, #tpu.memory_space<hbm>> -> memref<1000xi32, #tpu.memory_space<hbm>>
    %dma_start3A_121 = arith.constant 0 : i32
    %dma_start3A_122 = tpu.memref_slice %arg6[%dma_start3A_116, %dma_start3A_121] : memref<10x1000xi32, #tpu.memory_space<vmem>> -> memref<1x1000xi32, #tpu.memory_space<vmem>>
    %dma_start3A_123 = tpu.memref_squeeze %dma_start3A_122 : memref<1x1000xi32, #tpu.memory_space<vmem>> -> memref<1000xi32, #tpu.memory_space<vmem>>
    %dma_start3A_124 = tpu.memref_slice %arg3[%add3A_115] : memref<640000xi32, #tpu.memory_space<hbm>> -> memref<1000xi32, #tpu.memory_space<hbm>>
    tpu.enqueue_dma source(%dma_start3A_124 : memref<1000xi32, #tpu.memory_space<hbm>>) target(%dma_start3A_123 : memref<1000xi32, #tpu.memory_space<vmem>>) target_semaphore(%arg14 : memref<!tpu.dma_semaphore, #tpu.memory_space<semaphore_mem>>)
    %mul3A_125 = arith.constant 10000 : i32
    %mul3A_126 = arith.muli %add3A, %mul3A_125 : i32
    %add3A_127 = arith.constant 320000 : i32
    %add3A_128 = arith.addi %add3A_127, %mul3A_126 : i32
    %add3A_129 = arith.constant 4000 : i32
    %add3A_130 = arith.addi %add3A_128, %add3A_129 : i32
    %dma_start3A_131 = arith.constant 4 : i32
    %dma_start3A_132 = arith.constant 0 : i32
    %dma_start3A_133 = tpu.memref_slice %arg7[%dma_start3A_131, %dma_start3A_132] : memref<10x1000xi32, #tpu.memory_space<vmem>> -> memref<1x1000xi32, #tpu.memory_space<vmem>>
    %dma_start3A_134 = tpu.memref_squeeze %dma_start3A_133 : memref<1x1000xi32, #tpu.memory_space<vmem>> -> memref<1000xi32, #tpu.memory_space<vmem>>
    %dma_start3A_135 = tpu.memref_slice %arg3[%add3A_130] : memref<640000xi32, #tpu.memory_space<hbm>> -> memref<1000xi32, #tpu.memory_space<hbm>>
    %dma_start3A_136 = arith.constant 0 : i32
    %dma_start3A_137 = tpu.memref_slice %arg7[%dma_start3A_131, %dma_start3A_136] : memref<10x1000xi32, #tpu.memory_space<vmem>> -> memref<1x1000xi32, #tpu.memory_space<vmem>>
    %dma_start3A_138 = tpu.memref_squeeze %dma_start3A_137 : memref<1x1000xi32, #tpu.memory_space<vmem>> -> memref<1000xi32, #tpu.memory_space<vmem>>
    %dma_start3A_139 = tpu.memref_slice %arg3[%add3A_130] : memref<640000xi32, #tpu.memory_space<hbm>> -> memref<1000xi32, #tpu.memory_space<hbm>>
    tpu.enqueue_dma source(%dma_start3A_139 : memref<1000xi32, #tpu.memory_space<hbm>>) target(%dma_start3A_138 : memref<1000xi32, #tpu.memory_space<vmem>>) target_semaphore(%arg14 : memref<!tpu.dma_semaphore, #tpu.memory_space<semaphore_mem>>)
    %mul3A_140 = arith.constant 10000 : i32
    %mul3A_141 = arith.muli %add3A, %mul3A_140 : i32
    %add3A_142 = arith.constant 5000 : i32
    %add3A_143 = arith.addi %mul3A_141, %add3A_142 : i32
    %dma_start3A_144 = arith.constant 5 : i32
    %dma_start3A_145 = arith.constant 0 : i32
    %dma_start3A_146 = tpu.memref_slice %arg6[%dma_start3A_144, %dma_start3A_145] : memref<10x1000xi32, #tpu.memory_space<vmem>> -> memref<1x1000xi32, #tpu.memory_space<vmem>>
    %dma_start3A_147 = tpu.memref_squeeze %dma_start3A_146 : memref<1x1000xi32, #tpu.memory_space<vmem>> -> memref<1000xi32, #tpu.memory_space<vmem>>
    %dma_start3A_148 = tpu.memref_slice %arg3[%add3A_143] : memref<640000xi32, #tpu.memory_space<hbm>> -> memref<1000xi32, #tpu.memory_space<hbm>>
    %dma_start3A_149 = arith.constant 0 : i32
    %dma_start3A_150 = tpu.memref_slice %arg6[%dma_start3A_144, %dma_start3A_149] : memref<10x1000xi32, #tpu.memory_space<vmem>> -> memref<1x1000xi32, #tpu.memory_space<vmem>>
    %dma_start3A_151 = tpu.memref_squeeze %dma_start3A_150 : memref<1x1000xi32, #tpu.memory_space<vmem>> -> memref<1000xi32, #tpu.memory_space<vmem>>
    %dma_start3A_152 = tpu.memref_slice %arg3[%add3A_143] : memref<640000xi32, #tpu.memory_space<hbm>> -> memref<1000xi32, #tpu.memory_space<hbm>>
    tpu.enqueue_dma source(%dma_start3A_152 : memref<1000xi32, #tpu.memory_space<hbm>>) target(%dma_start3A_151 : memref<1000xi32, #tpu.memory_space<vmem>>) target_semaphore(%arg14 : memref<!tpu.dma_semaphore, #tpu.memory_space<semaphore_mem>>)
    %mul3A_153 = arith.constant 10000 : i32
    %mul3A_154 = arith.muli %add3A, %mul3A_153 : i32
    %add3A_155 = arith.constant 320000 : i32
    %add3A_156 = arith.addi %add3A_155, %mul3A_154 : i32
    %add3A_157 = arith.constant 5000 : i32
    %add3A_158 = arith.addi %add3A_156, %add3A_157 : i32
    %dma_start3A_159 = arith.constant 5 : i32
    %dma_start3A_160 = arith.constant 0 : i32
    %dma_start3A_161 = tpu.memref_slice %arg7[%dma_start3A_159, %dma_start3A_160] : memref<10x1000xi32, #tpu.memory_space<vmem>> -> memref<1x1000xi32, #tpu.memory_space<vmem>>
    %dma_start3A_162 = tpu.memref_squeeze %dma_start3A_161 : memref<1x1000xi32, #tpu.memory_space<vmem>> -> memref<1000xi32, #tpu.memory_space<vmem>>
    %dma_start3A_163 = tpu.memref_slice %arg3[%add3A_158] : memref<640000xi32, #tpu.memory_space<hbm>> -> memref<1000xi32, #tpu.memory_space<hbm>>
    %dma_start3A_164 = arith.constant 0 : i32
    %dma_start3A_165 = tpu.memref_slice %arg7[%dma_start3A_159, %dma_start3A_164] : memref<10x1000xi32, #tpu.memory_space<vmem>> -> memref<1x1000xi32, #tpu.memory_space<vmem>>
    %dma_start3A_166 = tpu.memref_squeeze %dma_start3A_165 : memref<1x1000xi32, #tpu.memory_space<vmem>> -> memref<1000xi32, #tpu.memory_space<vmem>>
    %dma_start3A_167 = tpu.memref_slice %arg3[%add3A_158] : memref<640000xi32, #tpu.memory_space<hbm>> -> memref<1000xi32, #tpu.memory_space<hbm>>
    tpu.enqueue_dma source(%dma_start3A_167 : memref<1000xi32, #tpu.memory_space<hbm>>) target(%dma_start3A_166 : memref<1000xi32, #tpu.memory_space<vmem>>) target_semaphore(%arg14 : memref<!tpu.dma_semaphore, #tpu.memory_space<semaphore_mem>>)
    %mul3A_168 = arith.constant 10000 : i32
    %mul3A_169 = arith.muli %add3A, %mul3A_168 : i32
    %add3A_170 = arith.constant 6000 : i32
    %add3A_171 = arith.addi %mul3A_169, %add3A_170 : i32
    %dma_start3A_172 = arith.constant 6 : i32
    %dma_start3A_173 = arith.constant 0 : i32
    %dma_start3A_174 = tpu.memref_slice %arg6[%dma_start3A_172, %dma_start3A_173] : memref<10x1000xi32, #tpu.memory_space<vmem>> -> memref<1x1000xi32, #tpu.memory_space<vmem>>
    %dma_start3A_175 = tpu.memref_squeeze %dma_start3A_174 : memref<1x1000xi32, #tpu.memory_space<vmem>> -> memref<1000xi32, #tpu.memory_space<vmem>>
    %dma_start3A_176 = tpu.memref_slice %arg3[%add3A_171] : memref<640000xi32, #tpu.memory_space<hbm>> -> memref<1000xi32, #tpu.memory_space<hbm>>
    %dma_start3A_177 = arith.constant 0 : i32
    %dma_start3A_178 = tpu.memref_slice %arg6[%dma_start3A_172, %dma_start3A_177] : memref<10x1000xi32, #tpu.memory_space<vmem>> -> memref<1x1000xi32, #tpu.memory_space<vmem>>
    %dma_start3A_179 = tpu.memref_squeeze %dma_start3A_178 : memref<1x1000xi32, #tpu.memory_space<vmem>> -> memref<1000xi32, #tpu.memory_space<vmem>>
    %dma_start3A_180 = tpu.memref_slice %arg3[%add3A_171] : memref<640000xi32, #tpu.memory_space<hbm>> -> memref<1000xi32, #tpu.memory_space<hbm>>
    tpu.enqueue_dma source(%dma_start3A_180 : memref<1000xi32, #tpu.memory_space<hbm>>) target(%dma_start3A_179 : memref<1000xi32, #tpu.memory_space<vmem>>) target_semaphore(%arg14 : memref<!tpu.dma_semaphore, #tpu.memory_space<semaphore_mem>>)
    %mul3A_181 = arith.constant 10000 : i32
    %mul3A_182 = arith.muli %add3A, %mul3A_181 : i32
    %add3A_183 = arith.constant 320000 : i32
    %add3A_184 = arith.addi %add3A_183, %mul3A_182 : i32
    %add3A_185 = arith.constant 6000 : i32
    %add3A_186 = arith.addi %add3A_184, %add3A_185 : i32
    %dma_start3A_187 = arith.constant 6 : i32
    %dma_start3A_188 = arith.constant 0 : i32
    %dma_start3A_189 = tpu.memref_slice %arg7[%dma_start3A_187, %dma_start3A_188] : memref<10x1000xi32, #tpu.memory_space<vmem>> -> memref<1x1000xi32, #tpu.memory_space<vmem>>
    %dma_start3A_190 = tpu.memref_squeeze %dma_start3A_189 : memref<1x1000xi32, #tpu.memory_space<vmem>> -> memref<1000xi32, #tpu.memory_space<vmem>>
    %dma_start3A_191 = tpu.memref_slice %arg3[%add3A_186] : memref<640000xi32, #tpu.memory_space<hbm>> -> memref<1000xi32, #tpu.memory_space<hbm>>
    %dma_start3A_192 = arith.constant 0 : i32
    %dma_start3A_193 = tpu.memref_slice %arg7[%dma_start3A_187, %dma_start3A_192] : memref<10x1000xi32, #tpu.memory_space<vmem>> -> memref<1x1000xi32, #tpu.memory_space<vmem>>
    %dma_start3A_194 = tpu.memref_squeeze %dma_start3A_193 : memref<1x1000xi32, #tpu.memory_space<vmem>> -> memref<1000xi32, #tpu.memory_space<vmem>>
    %dma_start3A_195 = tpu.memref_slice %arg3[%add3A_186] : memref<640000xi32, #tpu.memory_space<hbm>> -> memref<1000xi32, #tpu.memory_space<hbm>>
    tpu.enqueue_dma source(%dma_start3A_195 : memref<1000xi32, #tpu.memory_space<hbm>>) target(%dma_start3A_194 : memref<1000xi32, #tpu.memory_space<vmem>>) target_semaphore(%arg14 : memref<!tpu.dma_semaphore, #tpu.memory_space<semaphore_mem>>)
    %mul3A_196 = arith.constant 10000 : i32
    %mul3A_197 = arith.muli %add3A, %mul3A_196 : i32
    %add3A_198 = arith.constant 7000 : i32
    %add3A_199 = arith.addi %mul3A_197, %add3A_198 : i32
    %dma_start3A_200 = arith.constant 7 : i32
    %dma_start3A_201 = arith.constant 0 : i32
    %dma_start3A_202 = tpu.memref_slice %arg6[%dma_start3A_200, %dma_start3A_201] : memref<10x1000xi32, #tpu.memory_space<vmem>> -> memref<1x1000xi32, #tpu.memory_space<vmem>>
    %dma_start3A_203 = tpu.memref_squeeze %dma_start3A_202 : memref<1x1000xi32, #tpu.memory_space<vmem>> -> memref<1000xi32, #tpu.memory_space<vmem>>
    %dma_start3A_204 = tpu.memref_slice %arg3[%add3A_199] : memref<640000xi32, #tpu.memory_space<hbm>> -> memref<1000xi32, #tpu.memory_space<hbm>>
    %dma_start3A_205 = arith.constant 0 : i32
    %dma_start3A_206 = tpu.memref_slice %arg6[%dma_start3A_200, %dma_start3A_205] : memref<10x1000xi32, #tpu.memory_space<vmem>> -> memref<1x1000xi32, #tpu.memory_space<vmem>>
    %dma_start3A_207 = tpu.memref_squeeze %dma_start3A_206 : memref<1x1000xi32, #tpu.memory_space<vmem>> -> memref<1000xi32, #tpu.memory_space<vmem>>
    %dma_start3A_208 = tpu.memref_slice %arg3[%add3A_199] : memref<640000xi32, #tpu.memory_space<hbm>> -> memref<1000xi32, #tpu.memory_space<hbm>>
    tpu.enqueue_dma source(%dma_start3A_208 : memref<1000xi32, #tpu.memory_space<hbm>>) target(%dma_start3A_207 : memref<1000xi32, #tpu.memory_space<vmem>>) target_semaphore(%arg14 : memref<!tpu.dma_semaphore, #tpu.memory_space<semaphore_mem>>)
    %mul3A_209 = arith.constant 10000 : i32
    %mul3A_210 = arith.muli %add3A, %mul3A_209 : i32
    %add3A_211 = arith.constant 320000 : i32
    %add3A_212 = arith.addi %add3A_211, %mul3A_210 : i32
    %add3A_213 = arith.constant 7000 : i32
    %add3A_214 = arith.addi %add3A_212, %add3A_213 : i32
    %dma_start3A_215 = arith.constant 7 : i32
    %dma_start3A_216 = arith.constant 0 : i32
    %dma_start3A_217 = tpu.memref_slice %arg7[%dma_start3A_215, %dma_start3A_216] : memref<10x1000xi32, #tpu.memory_space<vmem>> -> memref<1x1000xi32, #tpu.memory_space<vmem>>
    %dma_start3A_218 = tpu.memref_squeeze %dma_start3A_217 : memref<1x1000xi32, #tpu.memory_space<vmem>> -> memref<1000xi32, #tpu.memory_space<vmem>>
    %dma_start3A_219 = tpu.memref_slice %arg3[%add3A_214] : memref<640000xi32, #tpu.memory_space<hbm>> -> memref<1000xi32, #tpu.memory_space<hbm>>
    %dma_start3A_220 = arith.constant 0 : i32
    %dma_start3A_221 = tpu.memref_slice %arg7[%dma_start3A_215, %dma_start3A_220] : memref<10x1000xi32, #tpu.memory_space<vmem>> -> memref<1x1000xi32, #tpu.memory_space<vmem>>
    %dma_start3A_222 = tpu.memref_squeeze %dma_start3A_221 : memref<1x1000xi32, #tpu.memory_space<vmem>> -> memref<1000xi32, #tpu.memory_space<vmem>>
    %dma_start3A_223 = tpu.memref_slice %arg3[%add3A_214] : memref<640000xi32, #tpu.memory_space<hbm>> -> memref<1000xi32, #tpu.memory_space<hbm>>
    tpu.enqueue_dma source(%dma_start3A_223 : memref<1000xi32, #tpu.memory_space<hbm>>) target(%dma_start3A_222 : memref<1000xi32, #tpu.memory_space<vmem>>) target_semaphore(%arg14 : memref<!tpu.dma_semaphore, #tpu.memory_space<semaphore_mem>>)
    %mul3A_224 = arith.constant 10000 : i32
    %mul3A_225 = arith.muli %add3A, %mul3A_224 : i32
    %add3A_226 = arith.constant 8000 : i32
    %add3A_227 = arith.addi %mul3A_225, %add3A_226 : i32
    %dma_start3A_228 = arith.constant 8 : i32
    %dma_start3A_229 = arith.constant 0 : i32
    %dma_start3A_230 = tpu.memref_slice %arg6[%dma_start3A_228, %dma_start3A_229] : memref<10x1000xi32, #tpu.memory_space<vmem>> -> memref<1x1000xi32, #tpu.memory_space<vmem>>
    %dma_start3A_231 = tpu.memref_squeeze %dma_start3A_230 : memref<1x1000xi32, #tpu.memory_space<vmem>> -> memref<1000xi32, #tpu.memory_space<vmem>>
    %dma_start3A_232 = tpu.memref_slice %arg3[%add3A_227] : memref<640000xi32, #tpu.memory_space<hbm>> -> memref<1000xi32, #tpu.memory_space<hbm>>
    %dma_start3A_233 = arith.constant 0 : i32
    %dma_start3A_234 = tpu.memref_slice %arg6[%dma_start3A_228, %dma_start3A_233] : memref<10x1000xi32, #tpu.memory_space<vmem>> -> memref<1x1000xi32, #tpu.memory_space<vmem>>
    %dma_start3A_235 = tpu.memref_squeeze %dma_start3A_234 : memref<1x1000xi32, #tpu.memory_space<vmem>> -> memref<1000xi32, #tpu.memory_space<vmem>>
    %dma_start3A_236 = tpu.memref_slice %arg3[%add3A_227] : memref<640000xi32, #tpu.memory_space<hbm>> -> memref<1000xi32, #tpu.memory_space<hbm>>
    tpu.enqueue_dma source(%dma_start3A_236 : memref<1000xi32, #tpu.memory_space<hbm>>) target(%dma_start3A_235 : memref<1000xi32, #tpu.memory_space<vmem>>) target_semaphore(%arg14 : memref<!tpu.dma_semaphore, #tpu.memory_space<semaphore_mem>>)
    %mul3A_237 = arith.constant 10000 : i32
    %mul3A_238 = arith.muli %add3A, %mul3A_237 : i32
    %add3A_239 = arith.constant 320000 : i32
    %add3A_240 = arith.addi %add3A_239, %mul3A_238 : i32
    %add3A_241 = arith.constant 8000 : i32
    %add3A_242 = arith.addi %add3A_240, %add3A_241 : i32
    %dma_start3A_243 = arith.constant 8 : i32
    %dma_start3A_244 = arith.constant 0 : i32
    %dma_start3A_245 = tpu.memref_slice %arg7[%dma_start3A_243, %dma_start3A_244] : memref<10x1000xi32, #tpu.memory_space<vmem>> -> memref<1x1000xi32, #tpu.memory_space<vmem>>
    %dma_start3A_246 = tpu.memref_squeeze %dma_start3A_245 : memref<1x1000xi32, #tpu.memory_space<vmem>> -> memref<1000xi32, #tpu.memory_space<vmem>>
    %dma_start3A_247 = tpu.memref_slice %arg3[%add3A_242] : memref<640000xi32, #tpu.memory_space<hbm>> -> memref<1000xi32, #tpu.memory_space<hbm>>
    %dma_start3A_248 = arith.constant 0 : i32
    %dma_start3A_249 = tpu.memref_slice %arg7[%dma_start3A_243, %dma_start3A_248] : memref<10x1000xi32, #tpu.memory_space<vmem>> -> memref<1x1000xi32, #tpu.memory_space<vmem>>
    %dma_start3A_250 = tpu.memref_squeeze %dma_start3A_249 : memref<1x1000xi32, #tpu.memory_space<vmem>> -> memref<1000xi32, #tpu.memory_space<vmem>>
    %dma_start3A_251 = tpu.memref_slice %arg3[%add3A_242] : memref<640000xi32, #tpu.memory_space<hbm>> -> memref<1000xi32, #tpu.memory_space<hbm>>
    tpu.enqueue_dma source(%dma_start3A_251 : memref<1000xi32, #tpu.memory_space<hbm>>) target(%dma_start3A_250 : memref<1000xi32, #tpu.memory_space<vmem>>) target_semaphore(%arg14 : memref<!tpu.dma_semaphore, #tpu.memory_space<semaphore_mem>>)
    %mul3A_252 = arith.constant 10000 : i32
    %mul3A_253 = arith.muli %add3A, %mul3A_252 : i32
    %add3A_254 = arith.constant 9000 : i32
    %add3A_255 = arith.addi %mul3A_253, %add3A_254 : i32
    %dma_start3A_256 = arith.constant 9 : i32
    %dma_start3A_257 = arith.constant 0 : i32
    %dma_start3A_258 = tpu.memref_slice %arg6[%dma_start3A_256, %dma_start3A_257] : memref<10x1000xi32, #tpu.memory_space<vmem>> -> memref<1x1000xi32, #tpu.memory_space<vmem>>
    %dma_start3A_259 = tpu.memref_squeeze %dma_start3A_258 : memref<1x1000xi32, #tpu.memory_space<vmem>> -> memref<1000xi32, #tpu.memory_space<vmem>>
    %dma_start3A_260 = tpu.memref_slice %arg3[%add3A_255] : memref<640000xi32, #tpu.memory_space<hbm>> -> memref<1000xi32, #tpu.memory_space<hbm>>
    %dma_start3A_261 = arith.constant 0 : i32
    %dma_start3A_262 = tpu.memref_slice %arg6[%dma_start3A_256, %dma_start3A_261] : memref<10x1000xi32, #tpu.memory_space<vmem>> -> memref<1x1000xi32, #tpu.memory_space<vmem>>
    %dma_start3A_263 = tpu.memref_squeeze %dma_start3A_262 : memref<1x1000xi32, #tpu.memory_space<vmem>> -> memref<1000xi32, #tpu.memory_space<vmem>>
    %dma_start3A_264 = tpu.memref_slice %arg3[%add3A_255] : memref<640000xi32, #tpu.memory_space<hbm>> -> memref<1000xi32, #tpu.memory_space<hbm>>
    tpu.enqueue_dma source(%dma_start3A_264 : memref<1000xi32, #tpu.memory_space<hbm>>) target(%dma_start3A_263 : memref<1000xi32, #tpu.memory_space<vmem>>) target_semaphore(%arg14 : memref<!tpu.dma_semaphore, #tpu.memory_space<semaphore_mem>>)
    %mul3A_265 = arith.constant 10000 : i32
    %mul3A_266 = arith.muli %add3A, %mul3A_265 : i32
    %add3A_267 = arith.constant 320000 : i32
    %add3A_268 = arith.addi %add3A_267, %mul3A_266 : i32
    %add3A_269 = arith.constant 9000 : i32
    %add3A_270 = arith.addi %add3A_268, %add3A_269 : i32
    %dma_start3A_271 = arith.constant 9 : i32
    %dma_start3A_272 = arith.constant 0 : i32
    %dma_start3A_273 = tpu.memref_slice %arg7[%dma_start3A_271, %dma_start3A_272] : memref<10x1000xi32, #tpu.memory_space<vmem>> -> memref<1x1000xi32, #tpu.memory_space<vmem>>
    %dma_start3A_274 = tpu.memref_squeeze %dma_start3A_273 : memref<1x1000xi32, #tpu.memory_space<vmem>> -> memref<1000xi32, #tpu.memory_space<vmem>>
    %dma_start3A_275 = tpu.memref_slice %arg3[%add3A_270] : memref<640000xi32, #tpu.memory_space<hbm>> -> memref<1000xi32, #tpu.memory_space<hbm>>
    %dma_start3A_276 = arith.constant 0 : i32
    %dma_start3A_277 = tpu.memref_slice %arg7[%dma_start3A_271, %dma_start3A_276] : memref<10x1000xi32, #tpu.memory_space<vmem>> -> memref<1x1000xi32, #tpu.memory_space<vmem>>
    %dma_start3A_278 = tpu.memref_squeeze %dma_start3A_277 : memref<1x1000xi32, #tpu.memory_space<vmem>> -> memref<1000xi32, #tpu.memory_space<vmem>>
    %dma_start3A_279 = tpu.memref_slice %arg3[%add3A_270] : memref<640000xi32, #tpu.memory_space<hbm>> -> memref<1000xi32, #tpu.memory_space<hbm>>
    tpu.enqueue_dma source(%dma_start3A_279 : memref<1000xi32, #tpu.memory_space<hbm>>) target(%dma_start3A_278 : memref<1000xi32, #tpu.memory_space<vmem>>) target_semaphore(%arg14 : memref<!tpu.dma_semaphore, #tpu.memory_space<semaphore_mem>>)
    %mul3A_280 = arith.constant 632 : i32
    %mul3A_281 = arith.muli %arg1, %mul3A_280 : i32
    %mul3A_282 = arith.constant 632 : i32
    %mul3A_283 = arith.muli %arg1, %mul3A_282 : i32
    "tpu.region"() ({
      %run_scoped3A = tpu.sem_alloc : memref<!tpu.dma_semaphore, #tpu.memory_space<semaphore_mem>>
      %dma_start3A_752 = arith.constant 0 : i32
      %dma_start3A_753 = tpu.memref_slice %arg12[%mul3A_283, %dma_start3A_752] : memref<10112x16xf32, #tpu.memory_space<vmem_shared>> -> memref<632x16xf32, #tpu.memory_space<vmem_shared>>
      %dma_start3A_754 = arith.constant 0 : i32
      %dma_start3A_755 = tpu.memref_slice %arg2[%mul3A_281, %dma_start3A_754] : memref<10112x16xf32, #tpu.memory_space<hbm>> -> memref<632x16xf32, #tpu.memory_space<hbm>>
      tpu.enqueue_dma source(%dma_start3A_755 : memref<632x16xf32, #tpu.memory_space<hbm>>) target(%dma_start3A_753 : memref<632x16xf32, #tpu.memory_space<vmem_shared>>) target_semaphore(%run_scoped3A : memref<!tpu.dma_semaphore, #tpu.memory_space<semaphore_mem>>)
      %dma_wait3A_756 = arith.constant 0 : i32
      %dma_wait3A_757 = tpu.memref_slice %arg12[%mul3A_283, %dma_wait3A_756] : memref<10112x16xf32, #tpu.memory_space<vmem_shared>> -> memref<632x16xf32, #tpu.memory_space<vmem_shared>>
      %dma_wait3A_758 = arith.constant 0 : i32
      %dma_wait3A_759 = tpu.memref_slice %arg2[%mul3A_281, %dma_wait3A_758] : memref<10112x16xf32, #tpu.memory_space<hbm>> -> memref<632x16xf32, #tpu.memory_space<hbm>>
      tpu.wait_dma2 semaphore(%run_scoped3A : memref<!tpu.dma_semaphore, #tpu.memory_space<semaphore_mem>>) src(%dma_wait3A_759 : memref<632x16xf32, #tpu.memory_space<hbm>>) dst(%dma_wait3A_757 : memref<632x16xf32, #tpu.memory_space<vmem_shared>>)
      tpu.yield
    }) : () -> ()
    %mul3A_284 = arith.constant 632 : i32
    %mul3A_285 = arith.muli %arg1, %mul3A_284 : i32
    %mul3A_286 = arith.constant 632 : i32
    %mul3A_287 = arith.muli %arg1, %mul3A_286 : i32
    "tpu.region"() ({
      %run_scoped3A = tpu.sem_alloc : memref<!tpu.dma_semaphore, #tpu.memory_space<semaphore_mem>>
      %dma_start3A_752 = arith.constant 0 : i32
      %dma_start3A_753 = tpu.memref_slice %arg13[%mul3A_287, %dma_start3A_752] : memref<10112x16xf32, #tpu.memory_space<vmem_shared>> -> memref<632x16xf32, #tpu.memory_space<vmem_shared>>
      %dma_start3A_754 = arith.constant 0 : i32
      %dma_start3A_755 = tpu.memref_slice %arg4[%mul3A_285, %dma_start3A_754] : memref<10112x16xf32, #tpu.memory_space<hbm>> -> memref<632x16xf32, #tpu.memory_space<hbm>>
      tpu.enqueue_dma source(%dma_start3A_755 : memref<632x16xf32, #tpu.memory_space<hbm>>) target(%dma_start3A_753 : memref<632x16xf32, #tpu.memory_space<vmem_shared>>) target_semaphore(%run_scoped3A : memref<!tpu.dma_semaphore, #tpu.memory_space<semaphore_mem>>)
      %dma_wait3A_756 = arith.constant 0 : i32
      %dma_wait3A_757 = tpu.memref_slice %arg13[%mul3A_287, %dma_wait3A_756] : memref<10112x16xf32, #tpu.memory_space<vmem_shared>> -> memref<632x16xf32, #tpu.memory_space<vmem_shared>>
      %dma_wait3A_758 = arith.constant 0 : i32
      %dma_wait3A_759 = tpu.memref_slice %arg4[%mul3A_285, %dma_wait3A_758] : memref<10112x16xf32, #tpu.memory_space<hbm>> -> memref<632x16xf32, #tpu.memory_space<hbm>>
      tpu.wait_dma2 semaphore(%run_scoped3A : memref<!tpu.dma_semaphore, #tpu.memory_space<semaphore_mem>>) src(%dma_wait3A_759 : memref<632x16xf32, #tpu.memory_space<hbm>>) dst(%dma_wait3A_757 : memref<632x16xf32, #tpu.memory_space<vmem_shared>>)
      tpu.yield
    }) : () -> ()
    %dma_wait3A = arith.constant 0 : i32
    %dma_wait3A_288 = arith.constant 0 : i32
    %dma_wait3A_289 = tpu.memref_slice %arg6[%dma_wait3A, %dma_wait3A_288] : memref<10x1000xi32, #tpu.memory_space<vmem>> -> memref<1x1000xi32, #tpu.memory_space<vmem>>
    %dma_wait3A_290 = tpu.memref_squeeze %dma_wait3A_289 : memref<1x1000xi32, #tpu.memory_space<vmem>> -> memref<1000xi32, #tpu.memory_space<vmem>>
    %dma_wait3A_291 = tpu.memref_slice %arg3[%add3A_4] : memref<640000xi32, #tpu.memory_space<hbm>> -> memref<1000xi32, #tpu.memory_space<hbm>>
    %dma_wait3A_292 = arith.constant 0 : i32
    %dma_wait3A_293 = tpu.memref_slice %arg6[%dma_wait3A, %dma_wait3A_292] : memref<10x1000xi32, #tpu.memory_space<vmem>> -> memref<1x1000xi32, #tpu.memory_space<vmem>>
    %dma_wait3A_294 = tpu.memref_squeeze %dma_wait3A_293 : memref<1x1000xi32, #tpu.memory_space<vmem>> -> memref<1000xi32, #tpu.memory_space<vmem>>
    %dma_wait3A_295 = tpu.memref_slice %arg3[%add3A_4] : memref<640000xi32, #tpu.memory_space<hbm>> -> memref<1000xi32, #tpu.memory_space<hbm>>
    tpu.wait_dma2 semaphore(%arg14 : memref<!tpu.dma_semaphore, #tpu.memory_space<semaphore_mem>>) src(%dma_wait3A_295 : memref<1000xi32, #tpu.memory_space<hbm>>) dst(%dma_wait3A_294 : memref<1000xi32, #tpu.memory_space<vmem>>)
    %dma_wait3A_296 = arith.constant 0 : i32
    %dma_wait3A_297 = arith.constant 0 : i32
    %dma_wait3A_298 = tpu.memref_slice %arg7[%dma_wait3A_296, %dma_wait3A_297] : memref<10x1000xi32, #tpu.memory_space<vmem>> -> memref<1x1000xi32, #tpu.memory_space<vmem>>
    %dma_wait3A_299 = tpu.memref_squeeze %dma_wait3A_298 : memref<1x1000xi32, #tpu.memory_space<vmem>> -> memref<1000xi32, #tpu.memory_space<vmem>>
    %dma_wait3A_300 = tpu.memref_slice %arg3[%add3A_18] : memref<640000xi32, #tpu.memory_space<hbm>> -> memref<1000xi32, #tpu.memory_space<hbm>>
    %dma_wait3A_301 = arith.constant 0 : i32
    %dma_wait3A_302 = tpu.memref_slice %arg7[%dma_wait3A_296, %dma_wait3A_301] : memref<10x1000xi32, #tpu.memory_space<vmem>> -> memref<1x1000xi32, #tpu.memory_space<vmem>>
    %dma_wait3A_303 = tpu.memref_squeeze %dma_wait3A_302 : memref<1x1000xi32, #tpu.memory_space<vmem>> -> memref<1000xi32, #tpu.memory_space<vmem>>
    %dma_wait3A_304 = tpu.memref_slice %arg3[%add3A_18] : memref<640000xi32, #tpu.memory_space<hbm>> -> memref<1000xi32, #tpu.memory_space<hbm>>
    tpu.wait_dma2 semaphore(%arg14 : memref<!tpu.dma_semaphore, #tpu.memory_space<semaphore_mem>>) src(%dma_wait3A_304 : memref<1000xi32, #tpu.memory_space<hbm>>) dst(%dma_wait3A_303 : memref<1000xi32, #tpu.memory_space<vmem>>)
    %dma_wait3A_305 = arith.constant 1 : i32
    %dma_wait3A_306 = arith.constant 0 : i32
    %dma_wait3A_307 = tpu.memref_slice %arg6[%dma_wait3A_305, %dma_wait3A_306] : memref<10x1000xi32, #tpu.memory_space<vmem>> -> memref<1x1000xi32, #tpu.memory_space<vmem>>
    %dma_wait3A_308 = tpu.memref_squeeze %dma_wait3A_307 : memref<1x1000xi32, #tpu.memory_space<vmem>> -> memref<1000xi32, #tpu.memory_space<vmem>>
    %dma_wait3A_309 = tpu.memref_slice %arg3[%add3A_31] : memref<640000xi32, #tpu.memory_space<hbm>> -> memref<1000xi32, #tpu.memory_space<hbm>>
    %dma_wait3A_310 = arith.constant 0 : i32
    %dma_wait3A_311 = tpu.memref_slice %arg6[%dma_wait3A_305, %dma_wait3A_310] : memref<10x1000xi32, #tpu.memory_space<vmem>> -> memref<1x1000xi32, #tpu.memory_space<vmem>>
    %dma_wait3A_312 = tpu.memref_squeeze %dma_wait3A_311 : memref<1x1000xi32, #tpu.memory_space<vmem>> -> memref<1000xi32, #tpu.memory_space<vmem>>
    %dma_wait3A_313 = tpu.memref_slice %arg3[%add3A_31] : memref<640000xi32, #tpu.memory_space<hbm>> -> memref<1000xi32, #tpu.memory_space<hbm>>
    tpu.wait_dma2 semaphore(%arg14 : memref<!tpu.dma_semaphore, #tpu.memory_space<semaphore_mem>>) src(%dma_wait3A_313 : memref<1000xi32, #tpu.memory_space<hbm>>) dst(%dma_wait3A_312 : memref<1000xi32, #tpu.memory_space<vmem>>)
    %dma_wait3A_314 = arith.constant 1 : i32
    %dma_wait3A_315 = arith.constant 0 : i32
    %dma_wait3A_316 = tpu.memref_slice %arg7[%dma_wait3A_314, %dma_wait3A_315] : memref<10x1000xi32, #tpu.memory_space<vmem>> -> memref<1x1000xi32, #tpu.memory_space<vmem>>
    %dma_wait3A_317 = tpu.memref_squeeze %dma_wait3A_316 : memref<1x1000xi32, #tpu.memory_space<vmem>> -> memref<1000xi32, #tpu.memory_space<vmem>>
    %dma_wait3A_318 = tpu.memref_slice %arg3[%add3A_46] : memref<640000xi32, #tpu.memory_space<hbm>> -> memref<1000xi32, #tpu.memory_space<hbm>>
    %dma_wait3A_319 = arith.constant 0 : i32
    %dma_wait3A_320 = tpu.memref_slice %arg7[%dma_wait3A_314, %dma_wait3A_319] : memref<10x1000xi32, #tpu.memory_space<vmem>> -> memref<1x1000xi32, #tpu.memory_space<vmem>>
    %dma_wait3A_321 = tpu.memref_squeeze %dma_wait3A_320 : memref<1x1000xi32, #tpu.memory_space<vmem>> -> memref<1000xi32, #tpu.memory_space<vmem>>
    %dma_wait3A_322 = tpu.memref_slice %arg3[%add3A_46] : memref<640000xi32, #tpu.memory_space<hbm>> -> memref<1000xi32, #tpu.memory_space<hbm>>
    tpu.wait_dma2 semaphore(%arg14 : memref<!tpu.dma_semaphore, #tpu.memory_space<semaphore_mem>>) src(%dma_wait3A_322 : memref<1000xi32, #tpu.memory_space<hbm>>) dst(%dma_wait3A_321 : memref<1000xi32, #tpu.memory_space<vmem>>)
    %dma_wait3A_323 = arith.constant 2 : i32
    %dma_wait3A_324 = arith.constant 0 : i32
    %dma_wait3A_325 = tpu.memref_slice %arg6[%dma_wait3A_323, %dma_wait3A_324] : memref<10x1000xi32, #tpu.memory_space<vmem>> -> memref<1x1000xi32, #tpu.memory_space<vmem>>
    %dma_wait3A_326 = tpu.memref_squeeze %dma_wait3A_325 : memref<1x1000xi32, #tpu.memory_space<vmem>> -> memref<1000xi32, #tpu.memory_space<vmem>>
    %dma_wait3A_327 = tpu.memref_slice %arg3[%add3A_59] : memref<640000xi32, #tpu.memory_space<hbm>> -> memref<1000xi32, #tpu.memory_space<hbm>>
    %dma_wait3A_328 = arith.constant 0 : i32
    %dma_wait3A_329 = tpu.memref_slice %arg6[%dma_wait3A_323, %dma_wait3A_328] : memref<10x1000xi32, #tpu.memory_space<vmem>> -> memref<1x1000xi32, #tpu.memory_space<vmem>>
    %dma_wait3A_330 = tpu.memref_squeeze %dma_wait3A_329 : memref<1x1000xi32, #tpu.memory_space<vmem>> -> memref<1000xi32, #tpu.memory_space<vmem>>
    %dma_wait3A_331 = tpu.memref_slice %arg3[%add3A_59] : memref<640000xi32, #tpu.memory_space<hbm>> -> memref<1000xi32, #tpu.memory_space<hbm>>
    tpu.wait_dma2 semaphore(%arg14 : memref<!tpu.dma_semaphore, #tpu.memory_space<semaphore_mem>>) src(%dma_wait3A_331 : memref<1000xi32, #tpu.memory_space<hbm>>) dst(%dma_wait3A_330 : memref<1000xi32, #tpu.memory_space<vmem>>)
    %dma_wait3A_332 = arith.constant 2 : i32
    %dma_wait3A_333 = arith.constant 0 : i32
    %dma_wait3A_334 = tpu.memref_slice %arg7[%dma_wait3A_332, %dma_wait3A_333] : memref<10x1000xi32, #tpu.memory_space<vmem>> -> memref<1x1000xi32, #tpu.memory_space<vmem>>
    %dma_wait3A_335 = tpu.memref_squeeze %dma_wait3A_334 : memref<1x1000xi32, #tpu.memory_space<vmem>> -> memref<1000xi32, #tpu.memory_space<vmem>>
    %dma_wait3A_336 = tpu.memref_slice %arg3[%add3A_74] : memref<640000xi32, #tpu.memory_space<hbm>> -> memref<1000xi32, #tpu.memory_space<hbm>>
    %dma_wait3A_337 = arith.constant 0 : i32
    %dma_wait3A_338 = tpu.memref_slice %arg7[%dma_wait3A_332, %dma_wait3A_337] : memref<10x1000xi32, #tpu.memory_space<vmem>> -> memref<1x1000xi32, #tpu.memory_space<vmem>>
    %dma_wait3A_339 = tpu.memref_squeeze %dma_wait3A_338 : memref<1x1000xi32, #tpu.memory_space<vmem>> -> memref<1000xi32, #tpu.memory_space<vmem>>
    %dma_wait3A_340 = tpu.memref_slice %arg3[%add3A_74] : memref<640000xi32, #tpu.memory_space<hbm>> -> memref<1000xi32, #tpu.memory_space<hbm>>
    tpu.wait_dma2 semaphore(%arg14 : memref<!tpu.dma_semaphore, #tpu.memory_space<semaphore_mem>>) src(%dma_wait3A_340 : memref<1000xi32, #tpu.memory_space<hbm>>) dst(%dma_wait3A_339 : memref<1000xi32, #tpu.memory_space<vmem>>)
    %dma_wait3A_341 = arith.constant 3 : i32
    %dma_wait3A_342 = arith.constant 0 : i32
    %dma_wait3A_343 = tpu.memref_slice %arg6[%dma_wait3A_341, %dma_wait3A_342] : memref<10x1000xi32, #tpu.memory_space<vmem>> -> memref<1x1000xi32, #tpu.memory_space<vmem>>
    %dma_wait3A_344 = tpu.memref_squeeze %dma_wait3A_343 : memref<1x1000xi32, #tpu.memory_space<vmem>> -> memref<1000xi32, #tpu.memory_space<vmem>>
    %dma_wait3A_345 = tpu.memref_slice %arg3[%add3A_87] : memref<640000xi32, #tpu.memory_space<hbm>> -> memref<1000xi32, #tpu.memory_space<hbm>>
    %dma_wait3A_346 = arith.constant 0 : i32
    %dma_wait3A_347 = tpu.memref_slice %arg6[%dma_wait3A_341, %dma_wait3A_346] : memref<10x1000xi32, #tpu.memory_space<vmem>> -> memref<1x1000xi32, #tpu.memory_space<vmem>>
    %dma_wait3A_348 = tpu.memref_squeeze %dma_wait3A_347 : memref<1x1000xi32, #tpu.memory_space<vmem>> -> memref<1000xi32, #tpu.memory_space<vmem>>
    %dma_wait3A_349 = tpu.memref_slice %arg3[%add3A_87] : memref<640000xi32, #tpu.memory_space<hbm>> -> memref<1000xi32, #tpu.memory_space<hbm>>
    tpu.wait_dma2 semaphore(%arg14 : memref<!tpu.dma_semaphore, #tpu.memory_space<semaphore_mem>>) src(%dma_wait3A_349 : memref<1000xi32, #tpu.memory_space<hbm>>) dst(%dma_wait3A_348 : memref<1000xi32, #tpu.memory_space<vmem>>)
    %dma_wait3A_350 = arith.constant 3 : i32
    %dma_wait3A_351 = arith.constant 0 : i32
    %dma_wait3A_352 = tpu.memref_slice %arg7[%dma_wait3A_350, %dma_wait3A_351] : memref<10x1000xi32, #tpu.memory_space<vmem>> -> memref<1x1000xi32, #tpu.memory_space<vmem>>
    %dma_wait3A_353 = tpu.memref_squeeze %dma_wait3A_352 : memref<1x1000xi32, #tpu.memory_space<vmem>> -> memref<1000xi32, #tpu.memory_space<vmem>>
    %dma_wait3A_354 = tpu.memref_slice %arg3[%add3A_102] : memref<640000xi32, #tpu.memory_space<hbm>> -> memref<1000xi32, #tpu.memory_space<hbm>>
    %dma_wait3A_355 = arith.constant 0 : i32
    %dma_wait3A_356 = tpu.memref_slice %arg7[%dma_wait3A_350, %dma_wait3A_355] : memref<10x1000xi32, #tpu.memory_space<vmem>> -> memref<1x1000xi32, #tpu.memory_space<vmem>>
    %dma_wait3A_357 = tpu.memref_squeeze %dma_wait3A_356 : memref<1x1000xi32, #tpu.memory_space<vmem>> -> memref<1000xi32, #tpu.memory_space<vmem>>
    %dma_wait3A_358 = tpu.memref_slice %arg3[%add3A_102] : memref<640000xi32, #tpu.memory_space<hbm>> -> memref<1000xi32, #tpu.memory_space<hbm>>
    tpu.wait_dma2 semaphore(%arg14 : memref<!tpu.dma_semaphore, #tpu.memory_space<semaphore_mem>>) src(%dma_wait3A_358 : memref<1000xi32, #tpu.memory_space<hbm>>) dst(%dma_wait3A_357 : memref<1000xi32, #tpu.memory_space<vmem>>)
    %dma_wait3A_359 = arith.constant 4 : i32
    %dma_wait3A_360 = arith.constant 0 : i32
    %dma_wait3A_361 = tpu.memref_slice %arg6[%dma_wait3A_359, %dma_wait3A_360] : memref<10x1000xi32, #tpu.memory_space<vmem>> -> memref<1x1000xi32, #tpu.memory_space<vmem>>
    %dma_wait3A_362 = tpu.memref_squeeze %dma_wait3A_361 : memref<1x1000xi32, #tpu.memory_space<vmem>> -> memref<1000xi32, #tpu.memory_space<vmem>>
    %dma_wait3A_363 = tpu.memref_slice %arg3[%add3A_115] : memref<640000xi32, #tpu.memory_space<hbm>> -> memref<1000xi32, #tpu.memory_space<hbm>>
    %dma_wait3A_364 = arith.constant 0 : i32
    %dma_wait3A_365 = tpu.memref_slice %arg6[%dma_wait3A_359, %dma_wait3A_364] : memref<10x1000xi32, #tpu.memory_space<vmem>> -> memref<1x1000xi32, #tpu.memory_space<vmem>>
    %dma_wait3A_366 = tpu.memref_squeeze %dma_wait3A_365 : memref<1x1000xi32, #tpu.memory_space<vmem>> -> memref<1000xi32, #tpu.memory_space<vmem>>
    %dma_wait3A_367 = tpu.memref_slice %arg3[%add3A_115] : memref<640000xi32, #tpu.memory_space<hbm>> -> memref<1000xi32, #tpu.memory_space<hbm>>
    tpu.wait_dma2 semaphore(%arg14 : memref<!tpu.dma_semaphore, #tpu.memory_space<semaphore_mem>>) src(%dma_wait3A_367 : memref<1000xi32, #tpu.memory_space<hbm>>) dst(%dma_wait3A_366 : memref<1000xi32, #tpu.memory_space<vmem>>)
    %dma_wait3A_368 = arith.constant 4 : i32
    %dma_wait3A_369 = arith.constant 0 : i32
    %dma_wait3A_370 = tpu.memref_slice %arg7[%dma_wait3A_368, %dma_wait3A_369] : memref<10x1000xi32, #tpu.memory_space<vmem>> -> memref<1x1000xi32, #tpu.memory_space<vmem>>
    %dma_wait3A_371 = tpu.memref_squeeze %dma_wait3A_370 : memref<1x1000xi32, #tpu.memory_space<vmem>> -> memref<1000xi32, #tpu.memory_space<vmem>>
    %dma_wait3A_372 = tpu.memref_slice %arg3[%add3A_130] : memref<640000xi32, #tpu.memory_space<hbm>> -> memref<1000xi32, #tpu.memory_space<hbm>>
    %dma_wait3A_373 = arith.constant 0 : i32
    %dma_wait3A_374 = tpu.memref_slice %arg7[%dma_wait3A_368, %dma_wait3A_373] : memref<10x1000xi32, #tpu.memory_space<vmem>> -> memref<1x1000xi32, #tpu.memory_space<vmem>>
    %dma_wait3A_375 = tpu.memref_squeeze %dma_wait3A_374 : memref<1x1000xi32, #tpu.memory_space<vmem>> -> memref<1000xi32, #tpu.memory_space<vmem>>
    %dma_wait3A_376 = tpu.memref_slice %arg3[%add3A_130] : memref<640000xi32, #tpu.memory_space<hbm>> -> memref<1000xi32, #tpu.memory_space<hbm>>
    tpu.wait_dma2 semaphore(%arg14 : memref<!tpu.dma_semaphore, #tpu.memory_space<semaphore_mem>>) src(%dma_wait3A_376 : memref<1000xi32, #tpu.memory_space<hbm>>) dst(%dma_wait3A_375 : memref<1000xi32, #tpu.memory_space<vmem>>)
    %dma_wait3A_377 = arith.constant 5 : i32
    %dma_wait3A_378 = arith.constant 0 : i32
    %dma_wait3A_379 = tpu.memref_slice %arg6[%dma_wait3A_377, %dma_wait3A_378] : memref<10x1000xi32, #tpu.memory_space<vmem>> -> memref<1x1000xi32, #tpu.memory_space<vmem>>
    %dma_wait3A_380 = tpu.memref_squeeze %dma_wait3A_379 : memref<1x1000xi32, #tpu.memory_space<vmem>> -> memref<1000xi32, #tpu.memory_space<vmem>>
    %dma_wait3A_381 = tpu.memref_slice %arg3[%add3A_143] : memref<640000xi32, #tpu.memory_space<hbm>> -> memref<1000xi32, #tpu.memory_space<hbm>>
    %dma_wait3A_382 = arith.constant 0 : i32
    %dma_wait3A_383 = tpu.memref_slice %arg6[%dma_wait3A_377, %dma_wait3A_382] : memref<10x1000xi32, #tpu.memory_space<vmem>> -> memref<1x1000xi32, #tpu.memory_space<vmem>>
    %dma_wait3A_384 = tpu.memref_squeeze %dma_wait3A_383 : memref<1x1000xi32, #tpu.memory_space<vmem>> -> memref<1000xi32, #tpu.memory_space<vmem>>
    %dma_wait3A_385 = tpu.memref_slice %arg3[%add3A_143] : memref<640000xi32, #tpu.memory_space<hbm>> -> memref<1000xi32, #tpu.memory_space<hbm>>
    tpu.wait_dma2 semaphore(%arg14 : memref<!tpu.dma_semaphore, #tpu.memory_space<semaphore_mem>>) src(%dma_wait3A_385 : memref<1000xi32, #tpu.memory_space<hbm>>) dst(%dma_wait3A_384 : memref<1000xi32, #tpu.memory_space<vmem>>)
    %dma_wait3A_386 = arith.constant 5 : i32
    %dma_wait3A_387 = arith.constant 0 : i32
    %dma_wait3A_388 = tpu.memref_slice %arg7[%dma_wait3A_386, %dma_wait3A_387] : memref<10x1000xi32, #tpu.memory_space<vmem>> -> memref<1x1000xi32, #tpu.memory_space<vmem>>
    %dma_wait3A_389 = tpu.memref_squeeze %dma_wait3A_388 : memref<1x1000xi32, #tpu.memory_space<vmem>> -> memref<1000xi32, #tpu.memory_space<vmem>>
    %dma_wait3A_390 = tpu.memref_slice %arg3[%add3A_158] : memref<640000xi32, #tpu.memory_space<hbm>> -> memref<1000xi32, #tpu.memory_space<hbm>>
    %dma_wait3A_391 = arith.constant 0 : i32
    %dma_wait3A_392 = tpu.memref_slice %arg7[%dma_wait3A_386, %dma_wait3A_391] : memref<10x1000xi32, #tpu.memory_space<vmem>> -> memref<1x1000xi32, #tpu.memory_space<vmem>>
    %dma_wait3A_393 = tpu.memref_squeeze %dma_wait3A_392 : memref<1x1000xi32, #tpu.memory_space<vmem>> -> memref<1000xi32, #tpu.memory_space<vmem>>
    %dma_wait3A_394 = tpu.memref_slice %arg3[%add3A_158] : memref<640000xi32, #tpu.memory_space<hbm>> -> memref<1000xi32, #tpu.memory_space<hbm>>
    tpu.wait_dma2 semaphore(%arg14 : memref<!tpu.dma_semaphore, #tpu.memory_space<semaphore_mem>>) src(%dma_wait3A_394 : memref<1000xi32, #tpu.memory_space<hbm>>) dst(%dma_wait3A_393 : memref<1000xi32, #tpu.memory_space<vmem>>)
    %dma_wait3A_395 = arith.constant 6 : i32
    %dma_wait3A_396 = arith.constant 0 : i32
    %dma_wait3A_397 = tpu.memref_slice %arg6[%dma_wait3A_395, %dma_wait3A_396] : memref<10x1000xi32, #tpu.memory_space<vmem>> -> memref<1x1000xi32, #tpu.memory_space<vmem>>
    %dma_wait3A_398 = tpu.memref_squeeze %dma_wait3A_397 : memref<1x1000xi32, #tpu.memory_space<vmem>> -> memref<1000xi32, #tpu.memory_space<vmem>>
    %dma_wait3A_399 = tpu.memref_slice %arg3[%add3A_171] : memref<640000xi32, #tpu.memory_space<hbm>> -> memref<1000xi32, #tpu.memory_space<hbm>>
    %dma_wait3A_400 = arith.constant 0 : i32
    %dma_wait3A_401 = tpu.memref_slice %arg6[%dma_wait3A_395, %dma_wait3A_400] : memref<10x1000xi32, #tpu.memory_space<vmem>> -> memref<1x1000xi32, #tpu.memory_space<vmem>>
    %dma_wait3A_402 = tpu.memref_squeeze %dma_wait3A_401 : memref<1x1000xi32, #tpu.memory_space<vmem>> -> memref<1000xi32, #tpu.memory_space<vmem>>
    %dma_wait3A_403 = tpu.memref_slice %arg3[%add3A_171] : memref<640000xi32, #tpu.memory_space<hbm>> -> memref<1000xi32, #tpu.memory_space<hbm>>
    tpu.wait_dma2 semaphore(%arg14 : memref<!tpu.dma_semaphore, #tpu.memory_space<semaphore_mem>>) src(%dma_wait3A_403 : memref<1000xi32, #tpu.memory_space<hbm>>) dst(%dma_wait3A_402 : memref<1000xi32, #tpu.memory_space<vmem>>)
    %dma_wait3A_404 = arith.constant 6 : i32
    %dma_wait3A_405 = arith.constant 0 : i32
    %dma_wait3A_406 = tpu.memref_slice %arg7[%dma_wait3A_404, %dma_wait3A_405] : memref<10x1000xi32, #tpu.memory_space<vmem>> -> memref<1x1000xi32, #tpu.memory_space<vmem>>
    %dma_wait3A_407 = tpu.memref_squeeze %dma_wait3A_406 : memref<1x1000xi32, #tpu.memory_space<vmem>> -> memref<1000xi32, #tpu.memory_space<vmem>>
    %dma_wait3A_408 = tpu.memref_slice %arg3[%add3A_186] : memref<640000xi32, #tpu.memory_space<hbm>> -> memref<1000xi32, #tpu.memory_space<hbm>>
    %dma_wait3A_409 = arith.constant 0 : i32
    %dma_wait3A_410 = tpu.memref_slice %arg7[%dma_wait3A_404, %dma_wait3A_409] : memref<10x1000xi32, #tpu.memory_space<vmem>> -> memref<1x1000xi32, #tpu.memory_space<vmem>>
    %dma_wait3A_411 = tpu.memref_squeeze %dma_wait3A_410 : memref<1x1000xi32, #tpu.memory_space<vmem>> -> memref<1000xi32, #tpu.memory_space<vmem>>
    %dma_wait3A_412 = tpu.memref_slice %arg3[%add3A_186] : memref<640000xi32, #tpu.memory_space<hbm>> -> memref<1000xi32, #tpu.memory_space<hbm>>
    tpu.wait_dma2 semaphore(%arg14 : memref<!tpu.dma_semaphore, #tpu.memory_space<semaphore_mem>>) src(%dma_wait3A_412 : memref<1000xi32, #tpu.memory_space<hbm>>) dst(%dma_wait3A_411 : memref<1000xi32, #tpu.memory_space<vmem>>)
    %dma_wait3A_413 = arith.constant 7 : i32
    %dma_wait3A_414 = arith.constant 0 : i32
    %dma_wait3A_415 = tpu.memref_slice %arg6[%dma_wait3A_413, %dma_wait3A_414] : memref<10x1000xi32, #tpu.memory_space<vmem>> -> memref<1x1000xi32, #tpu.memory_space<vmem>>
    %dma_wait3A_416 = tpu.memref_squeeze %dma_wait3A_415 : memref<1x1000xi32, #tpu.memory_space<vmem>> -> memref<1000xi32, #tpu.memory_space<vmem>>
    %dma_wait3A_417 = tpu.memref_slice %arg3[%add3A_199] : memref<640000xi32, #tpu.memory_space<hbm>> -> memref<1000xi32, #tpu.memory_space<hbm>>
    %dma_wait3A_418 = arith.constant 0 : i32
    %dma_wait3A_419 = tpu.memref_slice %arg6[%dma_wait3A_413, %dma_wait3A_418] : memref<10x1000xi32, #tpu.memory_space<vmem>> -> memref<1x1000xi32, #tpu.memory_space<vmem>>
    %dma_wait3A_420 = tpu.memref_squeeze %dma_wait3A_419 : memref<1x1000xi32, #tpu.memory_space<vmem>> -> memref<1000xi32, #tpu.memory_space<vmem>>
    %dma_wait3A_421 = tpu.memref_slice %arg3[%add3A_199] : memref<640000xi32, #tpu.memory_space<hbm>> -> memref<1000xi32, #tpu.memory_space<hbm>>
    tpu.wait_dma2 semaphore(%arg14 : memref<!tpu.dma_semaphore, #tpu.memory_space<semaphore_mem>>) src(%dma_wait3A_421 : memref<1000xi32, #tpu.memory_space<hbm>>) dst(%dma_wait3A_420 : memref<1000xi32, #tpu.memory_space<vmem>>)
    %dma_wait3A_422 = arith.constant 7 : i32
    %dma_wait3A_423 = arith.constant 0 : i32
    %dma_wait3A_424 = tpu.memref_slice %arg7[%dma_wait3A_422, %dma_wait3A_423] : memref<10x1000xi32, #tpu.memory_space<vmem>> -> memref<1x1000xi32, #tpu.memory_space<vmem>>
    %dma_wait3A_425 = tpu.memref_squeeze %dma_wait3A_424 : memref<1x1000xi32, #tpu.memory_space<vmem>> -> memref<1000xi32, #tpu.memory_space<vmem>>
    %dma_wait3A_426 = tpu.memref_slice %arg3[%add3A_214] : memref<640000xi32, #tpu.memory_space<hbm>> -> memref<1000xi32, #tpu.memory_space<hbm>>
    %dma_wait3A_427 = arith.constant 0 : i32
    %dma_wait3A_428 = tpu.memref_slice %arg7[%dma_wait3A_422, %dma_wait3A_427] : memref<10x1000xi32, #tpu.memory_space<vmem>> -> memref<1x1000xi32, #tpu.memory_space<vmem>>
    %dma_wait3A_429 = tpu.memref_squeeze %dma_wait3A_428 : memref<1x1000xi32, #tpu.memory_space<vmem>> -> memref<1000xi32, #tpu.memory_space<vmem>>
    %dma_wait3A_430 = tpu.memref_slice %arg3[%add3A_214] : memref<640000xi32, #tpu.memory_space<hbm>> -> memref<1000xi32, #tpu.memory_space<hbm>>
    tpu.wait_dma2 semaphore(%arg14 : memref<!tpu.dma_semaphore, #tpu.memory_space<semaphore_mem>>) src(%dma_wait3A_430 : memref<1000xi32, #tpu.memory_space<hbm>>) dst(%dma_wait3A_429 : memref<1000xi32, #tpu.memory_space<vmem>>)
    %dma_wait3A_431 = arith.constant 8 : i32
    %dma_wait3A_432 = arith.constant 0 : i32
    %dma_wait3A_433 = tpu.memref_slice %arg6[%dma_wait3A_431, %dma_wait3A_432] : memref<10x1000xi32, #tpu.memory_space<vmem>> -> memref<1x1000xi32, #tpu.memory_space<vmem>>
    %dma_wait3A_434 = tpu.memref_squeeze %dma_wait3A_433 : memref<1x1000xi32, #tpu.memory_space<vmem>> -> memref<1000xi32, #tpu.memory_space<vmem>>
    %dma_wait3A_435 = tpu.memref_slice %arg3[%add3A_227] : memref<640000xi32, #tpu.memory_space<hbm>> -> memref<1000xi32, #tpu.memory_space<hbm>>
    %dma_wait3A_436 = arith.constant 0 : i32
    %dma_wait3A_437 = tpu.memref_slice %arg6[%dma_wait3A_431, %dma_wait3A_436] : memref<10x1000xi32, #tpu.memory_space<vmem>> -> memref<1x1000xi32, #tpu.memory_space<vmem>>
    %dma_wait3A_438 = tpu.memref_squeeze %dma_wait3A_437 : memref<1x1000xi32, #tpu.memory_space<vmem>> -> memref<1000xi32, #tpu.memory_space<vmem>>
    %dma_wait3A_439 = tpu.memref_slice %arg3[%add3A_227] : memref<640000xi32, #tpu.memory_space<hbm>> -> memref<1000xi32, #tpu.memory_space<hbm>>
    tpu.wait_dma2 semaphore(%arg14 : memref<!tpu.dma_semaphore, #tpu.memory_space<semaphore_mem>>) src(%dma_wait3A_439 : memref<1000xi32, #tpu.memory_space<hbm>>) dst(%dma_wait3A_438 : memref<1000xi32, #tpu.memory_space<vmem>>)
    %dma_wait3A_440 = arith.constant 8 : i32
    %dma_wait3A_441 = arith.constant 0 : i32
    %dma_wait3A_442 = tpu.memref_slice %arg7[%dma_wait3A_440, %dma_wait3A_441] : memref<10x1000xi32, #tpu.memory_space<vmem>> -> memref<1x1000xi32, #tpu.memory_space<vmem>>
    %dma_wait3A_443 = tpu.memref_squeeze %dma_wait3A_442 : memref<1x1000xi32, #tpu.memory_space<vmem>> -> memref<1000xi32, #tpu.memory_space<vmem>>
    %dma_wait3A_444 = tpu.memref_slice %arg3[%add3A_242] : memref<640000xi32, #tpu.memory_space<hbm>> -> memref<1000xi32, #tpu.memory_space<hbm>>
    %dma_wait3A_445 = arith.constant 0 : i32
    %dma_wait3A_446 = tpu.memref_slice %arg7[%dma_wait3A_440, %dma_wait3A_445] : memref<10x1000xi32, #tpu.memory_space<vmem>> -> memref<1x1000xi32, #tpu.memory_space<vmem>>
    %dma_wait3A_447 = tpu.memref_squeeze %dma_wait3A_446 : memref<1x1000xi32, #tpu.memory_space<vmem>> -> memref<1000xi32, #tpu.memory_space<vmem>>
    %dma_wait3A_448 = tpu.memref_slice %arg3[%add3A_242] : memref<640000xi32, #tpu.memory_space<hbm>> -> memref<1000xi32, #tpu.memory_space<hbm>>
    tpu.wait_dma2 semaphore(%arg14 : memref<!tpu.dma_semaphore, #tpu.memory_space<semaphore_mem>>) src(%dma_wait3A_448 : memref<1000xi32, #tpu.memory_space<hbm>>) dst(%dma_wait3A_447 : memref<1000xi32, #tpu.memory_space<vmem>>)
    %dma_wait3A_449 = arith.constant 9 : i32
    %dma_wait3A_450 = arith.constant 0 : i32
    %dma_wait3A_451 = tpu.memref_slice %arg6[%dma_wait3A_449, %dma_wait3A_450] : memref<10x1000xi32, #tpu.memory_space<vmem>> -> memref<1x1000xi32, #tpu.memory_space<vmem>>
    %dma_wait3A_452 = tpu.memref_squeeze %dma_wait3A_451 : memref<1x1000xi32, #tpu.memory_space<vmem>> -> memref<1000xi32, #tpu.memory_space<vmem>>
    %dma_wait3A_453 = tpu.memref_slice %arg3[%add3A_255] : memref<640000xi32, #tpu.memory_space<hbm>> -> memref<1000xi32, #tpu.memory_space<hbm>>
    %dma_wait3A_454 = arith.constant 0 : i32
    %dma_wait3A_455 = tpu.memref_slice %arg6[%dma_wait3A_449, %dma_wait3A_454] : memref<10x1000xi32, #tpu.memory_space<vmem>> -> memref<1x1000xi32, #tpu.memory_space<vmem>>
    %dma_wait3A_456 = tpu.memref_squeeze %dma_wait3A_455 : memref<1x1000xi32, #tpu.memory_space<vmem>> -> memref<1000xi32, #tpu.memory_space<vmem>>
    %dma_wait3A_457 = tpu.memref_slice %arg3[%add3A_255] : memref<640000xi32, #tpu.memory_space<hbm>> -> memref<1000xi32, #tpu.memory_space<hbm>>
    tpu.wait_dma2 semaphore(%arg14 : memref<!tpu.dma_semaphore, #tpu.memory_space<semaphore_mem>>) src(%dma_wait3A_457 : memref<1000xi32, #tpu.memory_space<hbm>>) dst(%dma_wait3A_456 : memref<1000xi32, #tpu.memory_space<vmem>>)
    %dma_wait3A_458 = arith.constant 9 : i32
    %dma_wait3A_459 = arith.constant 0 : i32
    %dma_wait3A_460 = tpu.memref_slice %arg7[%dma_wait3A_458, %dma_wait3A_459] : memref<10x1000xi32, #tpu.memory_space<vmem>> -> memref<1x1000xi32, #tpu.memory_space<vmem>>
    %dma_wait3A_461 = tpu.memref_squeeze %dma_wait3A_460 : memref<1x1000xi32, #tpu.memory_space<vmem>> -> memref<1000xi32, #tpu.memory_space<vmem>>
    %dma_wait3A_462 = tpu.memref_slice %arg3[%add3A_270] : memref<640000xi32, #tpu.memory_space<hbm>> -> memref<1000xi32, #tpu.memory_space<hbm>>
    %dma_wait3A_463 = arith.constant 0 : i32
    %dma_wait3A_464 = tpu.memref_slice %arg7[%dma_wait3A_458, %dma_wait3A_463] : memref<10x1000xi32, #tpu.memory_space<vmem>> -> memref<1x1000xi32, #tpu.memory_space<vmem>>
    %dma_wait3A_465 = tpu.memref_squeeze %dma_wait3A_464 : memref<1x1000xi32, #tpu.memory_space<vmem>> -> memref<1000xi32, #tpu.memory_space<vmem>>
    %dma_wait3A_466 = tpu.memref_slice %arg3[%add3A_270] : memref<640000xi32, #tpu.memory_space<hbm>> -> memref<1000xi32, #tpu.memory_space<hbm>>
    tpu.wait_dma2 semaphore(%arg14 : memref<!tpu.dma_semaphore, #tpu.memory_space<semaphore_mem>>) src(%dma_wait3A_466 : memref<1000xi32, #tpu.memory_space<hbm>>) dst(%dma_wait3A_465 : memref<1000xi32, #tpu.memory_space<vmem>>)
    %barrier3A = arith.constant 0 : index
    tpu.barrier barrier_id(%barrier3A)
    %dma_start3A_467 = arith.constant 0 : i32
    %dma_start3A_468 = arith.constant 0 : i32
    %dma_start3A_469 = tpu.memref_slice %arg6[%dma_start3A_467, %dma_start3A_468] : memref<10x1000xi32, #tpu.memory_space<vmem>> -> memref<1x1000xi32, #tpu.memory_space<vmem>>
    %dma_start3A_470 = tpu.memref_squeeze %dma_start3A_469 : memref<1x1000xi32, #tpu.memory_space<vmem>> -> memref<1000xi32, #tpu.memory_space<vmem>>
    %dma_start3A_471 = arith.constant 0 : i32
    %dma_start3A_472 = arith.constant 0 : i32
    %dma_start3A_473 = tpu.memref_slice %arg12[%dma_start3A_471, %dma_start3A_472] : memref<10112x16xf32, #tpu.memory_space<vmem_shared>> -> memref<10112x16xf32, #tpu.memory_space<vmem_shared>>
    tpu.enqueue_indirect_dma source(%dma_start3A_473 : memref<10112x16xf32, #tpu.memory_space<vmem_shared>>) target(%arg8 : memref<1000x16xf32, #tpu.memory_space<vmem>>) offsets(%dma_start3A_470 : memref<1000xi32, #tpu.memory_space<vmem>>) semaphore(%arg15 : memref<!tpu.dma_semaphore, #tpu.memory_space<semaphore_mem>>)
    %dma_wait3A_474 = arith.constant 0 : i32
    %dma_wait3A_475 = arith.constant 0 : i32
    %dma_wait3A_476 = tpu.memref_slice %arg6[%dma_wait3A_474, %dma_wait3A_475] : memref<10x1000xi32, #tpu.memory_space<vmem>> -> memref<1x1000xi32, #tpu.memory_space<vmem>>
    %dma_wait3A_477 = tpu.memref_squeeze %dma_wait3A_476 : memref<1x1000xi32, #tpu.memory_space<vmem>> -> memref<1000xi32, #tpu.memory_space<vmem>>
    %dma_wait3A_478 = arith.constant 0 : i32
    %dma_wait3A_479 = arith.constant 0 : i32
    %dma_wait3A_480 = tpu.memref_slice %arg12[%dma_wait3A_478, %dma_wait3A_479] : memref<10112x16xf32, #tpu.memory_space<vmem_shared>> -> memref<10112x16xf32, #tpu.memory_space<vmem_shared>>
    tpu.wait_indirect_dma semaphore(%arg15 : memref<!tpu.dma_semaphore, #tpu.memory_space<semaphore_mem>>) src(%dma_wait3A_480 : memref<10112x16xf32, #tpu.memory_space<vmem_shared>>) dst(%arg8 : memref<1000x16xf32, #tpu.memory_space<vmem>>)
    %dma_start3A_481 = arith.constant 1 : i32
    %dma_start3A_482 = arith.constant 0 : i32
    %dma_start3A_483 = tpu.memref_slice %arg6[%dma_start3A_481, %dma_start3A_482] : memref<10x1000xi32, #tpu.memory_space<vmem>> -> memref<1x1000xi32, #tpu.memory_space<vmem>>
    %dma_start3A_484 = tpu.memref_squeeze %dma_start3A_483 : memref<1x1000xi32, #tpu.memory_space<vmem>> -> memref<1000xi32, #tpu.memory_space<vmem>>
    %dma_start3A_485 = arith.constant 0 : i32
    %dma_start3A_486 = arith.constant 0 : i32
    %dma_start3A_487 = tpu.memref_slice %arg12[%dma_start3A_485, %dma_start3A_486] : memref<10112x16xf32, #tpu.memory_space<vmem_shared>> -> memref<10112x16xf32, #tpu.memory_space<vmem_shared>>
    tpu.enqueue_indirect_dma source(%dma_start3A_487 : memref<10112x16xf32, #tpu.memory_space<vmem_shared>>) target(%arg9 : memref<1000x16xf32, #tpu.memory_space<vmem>>) offsets(%dma_start3A_484 : memref<1000xi32, #tpu.memory_space<vmem>>) semaphore(%arg15 : memref<!tpu.dma_semaphore, #tpu.memory_space<semaphore_mem>>)
    %dma_start3A_488 = arith.constant 0 : i32
    %dma_start3A_489 = arith.constant 0 : i32
    %dma_start3A_490 = tpu.memref_slice %arg7[%dma_start3A_488, %dma_start3A_489] : memref<10x1000xi32, #tpu.memory_space<vmem>> -> memref<1x1000xi32, #tpu.memory_space<vmem>>
    %dma_start3A_491 = tpu.memref_squeeze %dma_start3A_490 : memref<1x1000xi32, #tpu.memory_space<vmem>> -> memref<1000xi32, #tpu.memory_space<vmem>>
    %dma_start3A_492 = arith.constant 0 : i32
    %dma_start3A_493 = arith.constant 0 : i32
    %dma_start3A_494 = tpu.memref_slice %arg13[%dma_start3A_492, %dma_start3A_493] : memref<10112x16xf32, #tpu.memory_space<vmem_shared>> -> memref<10112x16xf32, #tpu.memory_space<vmem_shared>>
    tpu.enqueue_indirect_dma source(%arg8 : memref<1000x16xf32, #tpu.memory_space<vmem>>) target(%dma_start3A_494 : memref<10112x16xf32, #tpu.memory_space<vmem_shared>>) offsets(%dma_start3A_491 : memref<1000xi32, #tpu.memory_space<vmem>>) semaphore(%arg16 : memref<!tpu.dma_semaphore, #tpu.memory_space<semaphore_mem>>) {add = true}
    %dma_wait3A_495 = arith.constant 1 : i32
    %dma_wait3A_496 = arith.constant 0 : i32
    %dma_wait3A_497 = tpu.memref_slice %arg6[%dma_wait3A_495, %dma_wait3A_496] : memref<10x1000xi32, #tpu.memory_space<vmem>> -> memref<1x1000xi32, #tpu.memory_space<vmem>>
    %dma_wait3A_498 = tpu.memref_squeeze %dma_wait3A_497 : memref<1x1000xi32, #tpu.memory_space<vmem>> -> memref<1000xi32, #tpu.memory_space<vmem>>
    %dma_wait3A_499 = arith.constant 0 : i32
    %dma_wait3A_500 = arith.constant 0 : i32
    %dma_wait3A_501 = tpu.memref_slice %arg12[%dma_wait3A_499, %dma_wait3A_500] : memref<10112x16xf32, #tpu.memory_space<vmem_shared>> -> memref<10112x16xf32, #tpu.memory_space<vmem_shared>>
    tpu.wait_indirect_dma semaphore(%arg15 : memref<!tpu.dma_semaphore, #tpu.memory_space<semaphore_mem>>) src(%dma_wait3A_501 : memref<10112x16xf32, #tpu.memory_space<vmem_shared>>) dst(%arg9 : memref<1000x16xf32, #tpu.memory_space<vmem>>)
    %dma_start3A_502 = arith.constant 2 : i32
    %dma_start3A_503 = arith.constant 0 : i32
    %dma_start3A_504 = tpu.memref_slice %arg6[%dma_start3A_502, %dma_start3A_503] : memref<10x1000xi32, #tpu.memory_space<vmem>> -> memref<1x1000xi32, #tpu.memory_space<vmem>>
    %dma_start3A_505 = tpu.memref_squeeze %dma_start3A_504 : memref<1x1000xi32, #tpu.memory_space<vmem>> -> memref<1000xi32, #tpu.memory_space<vmem>>
    %dma_start3A_506 = arith.constant 0 : i32
    %dma_start3A_507 = arith.constant 0 : i32
    %dma_start3A_508 = tpu.memref_slice %arg12[%dma_start3A_506, %dma_start3A_507] : memref<10112x16xf32, #tpu.memory_space<vmem_shared>> -> memref<10112x16xf32, #tpu.memory_space<vmem_shared>>
    tpu.enqueue_indirect_dma source(%dma_start3A_508 : memref<10112x16xf32, #tpu.memory_space<vmem_shared>>) target(%arg10 : memref<1000x16xf32, #tpu.memory_space<vmem>>) offsets(%dma_start3A_505 : memref<1000xi32, #tpu.memory_space<vmem>>) semaphore(%arg15 : memref<!tpu.dma_semaphore, #tpu.memory_space<semaphore_mem>>)
    %dma_start3A_509 = arith.constant 1 : i32
    %dma_start3A_510 = arith.constant 0 : i32
    %dma_start3A_511 = tpu.memref_slice %arg7[%dma_start3A_509, %dma_start3A_510] : memref<10x1000xi32, #tpu.memory_space<vmem>> -> memref<1x1000xi32, #tpu.memory_space<vmem>>
    %dma_start3A_512 = tpu.memref_squeeze %dma_start3A_511 : memref<1x1000xi32, #tpu.memory_space<vmem>> -> memref<1000xi32, #tpu.memory_space<vmem>>
    %dma_start3A_513 = arith.constant 0 : i32
    %dma_start3A_514 = arith.constant 0 : i32
    %dma_start3A_515 = tpu.memref_slice %arg13[%dma_start3A_513, %dma_start3A_514] : memref<10112x16xf32, #tpu.memory_space<vmem_shared>> -> memref<10112x16xf32, #tpu.memory_space<vmem_shared>>
    tpu.enqueue_indirect_dma source(%arg9 : memref<1000x16xf32, #tpu.memory_space<vmem>>) target(%dma_start3A_515 : memref<10112x16xf32, #tpu.memory_space<vmem_shared>>) offsets(%dma_start3A_512 : memref<1000xi32, #tpu.memory_space<vmem>>) semaphore(%arg16 : memref<!tpu.dma_semaphore, #tpu.memory_space<semaphore_mem>>) {add = true}
    %dma_wait3A_516 = arith.constant 2 : i32
    %dma_wait3A_517 = arith.constant 0 : i32
    %dma_wait3A_518 = tpu.memref_slice %arg6[%dma_wait3A_516, %dma_wait3A_517] : memref<10x1000xi32, #tpu.memory_space<vmem>> -> memref<1x1000xi32, #tpu.memory_space<vmem>>
    %dma_wait3A_519 = tpu.memref_squeeze %dma_wait3A_518 : memref<1x1000xi32, #tpu.memory_space<vmem>> -> memref<1000xi32, #tpu.memory_space<vmem>>
    %dma_wait3A_520 = arith.constant 0 : i32
    %dma_wait3A_521 = arith.constant 0 : i32
    %dma_wait3A_522 = tpu.memref_slice %arg12[%dma_wait3A_520, %dma_wait3A_521] : memref<10112x16xf32, #tpu.memory_space<vmem_shared>> -> memref<10112x16xf32, #tpu.memory_space<vmem_shared>>
    tpu.wait_indirect_dma semaphore(%arg15 : memref<!tpu.dma_semaphore, #tpu.memory_space<semaphore_mem>>) src(%dma_wait3A_522 : memref<10112x16xf32, #tpu.memory_space<vmem_shared>>) dst(%arg10 : memref<1000x16xf32, #tpu.memory_space<vmem>>)
    %dma_start3A_523 = arith.constant 3 : i32
    %dma_start3A_524 = arith.constant 0 : i32
    %dma_start3A_525 = tpu.memref_slice %arg6[%dma_start3A_523, %dma_start3A_524] : memref<10x1000xi32, #tpu.memory_space<vmem>> -> memref<1x1000xi32, #tpu.memory_space<vmem>>
    %dma_start3A_526 = tpu.memref_squeeze %dma_start3A_525 : memref<1x1000xi32, #tpu.memory_space<vmem>> -> memref<1000xi32, #tpu.memory_space<vmem>>
    %dma_start3A_527 = arith.constant 0 : i32
    %dma_start3A_528 = arith.constant 0 : i32
    %dma_start3A_529 = tpu.memref_slice %arg12[%dma_start3A_527, %dma_start3A_528] : memref<10112x16xf32, #tpu.memory_space<vmem_shared>> -> memref<10112x16xf32, #tpu.memory_space<vmem_shared>>
    tpu.enqueue_indirect_dma source(%dma_start3A_529 : memref<10112x16xf32, #tpu.memory_space<vmem_shared>>) target(%arg11 : memref<1000x16xf32, #tpu.memory_space<vmem>>) offsets(%dma_start3A_526 : memref<1000xi32, #tpu.memory_space<vmem>>) semaphore(%arg15 : memref<!tpu.dma_semaphore, #tpu.memory_space<semaphore_mem>>)
    %dma_start3A_530 = arith.constant 2 : i32
    %dma_start3A_531 = arith.constant 0 : i32
    %dma_start3A_532 = tpu.memref_slice %arg7[%dma_start3A_530, %dma_start3A_531] : memref<10x1000xi32, #tpu.memory_space<vmem>> -> memref<1x1000xi32, #tpu.memory_space<vmem>>
    %dma_start3A_533 = tpu.memref_squeeze %dma_start3A_532 : memref<1x1000xi32, #tpu.memory_space<vmem>> -> memref<1000xi32, #tpu.memory_space<vmem>>
    %dma_start3A_534 = arith.constant 0 : i32
    %dma_start3A_535 = arith.constant 0 : i32
    %dma_start3A_536 = tpu.memref_slice %arg13[%dma_start3A_534, %dma_start3A_535] : memref<10112x16xf32, #tpu.memory_space<vmem_shared>> -> memref<10112x16xf32, #tpu.memory_space<vmem_shared>>
    tpu.enqueue_indirect_dma source(%arg10 : memref<1000x16xf32, #tpu.memory_space<vmem>>) target(%dma_start3A_536 : memref<10112x16xf32, #tpu.memory_space<vmem_shared>>) offsets(%dma_start3A_533 : memref<1000xi32, #tpu.memory_space<vmem>>) semaphore(%arg16 : memref<!tpu.dma_semaphore, #tpu.memory_space<semaphore_mem>>) {add = true}
    %dma_wait3A_537 = arith.constant 3 : i32
    %dma_wait3A_538 = arith.constant 0 : i32
    %dma_wait3A_539 = tpu.memref_slice %arg6[%dma_wait3A_537, %dma_wait3A_538] : memref<10x1000xi32, #tpu.memory_space<vmem>> -> memref<1x1000xi32, #tpu.memory_space<vmem>>
    %dma_wait3A_540 = tpu.memref_squeeze %dma_wait3A_539 : memref<1x1000xi32, #tpu.memory_space<vmem>> -> memref<1000xi32, #tpu.memory_space<vmem>>
    %dma_wait3A_541 = arith.constant 0 : i32
    %dma_wait3A_542 = arith.constant 0 : i32
    %dma_wait3A_543 = tpu.memref_slice %arg12[%dma_wait3A_541, %dma_wait3A_542] : memref<10112x16xf32, #tpu.memory_space<vmem_shared>> -> memref<10112x16xf32, #tpu.memory_space<vmem_shared>>
    tpu.wait_indirect_dma semaphore(%arg15 : memref<!tpu.dma_semaphore, #tpu.memory_space<semaphore_mem>>) src(%dma_wait3A_543 : memref<10112x16xf32, #tpu.memory_space<vmem_shared>>) dst(%arg11 : memref<1000x16xf32, #tpu.memory_space<vmem>>)
    %dma_wait3A_544 = arith.constant 0 : i32
    %dma_wait3A_545 = arith.constant 0 : i32
    %dma_wait3A_546 = tpu.memref_slice %arg7[%dma_wait3A_544, %dma_wait3A_545] : memref<10x1000xi32, #tpu.memory_space<vmem>> -> memref<1x1000xi32, #tpu.memory_space<vmem>>
    %dma_wait3A_547 = tpu.memref_squeeze %dma_wait3A_546 : memref<1x1000xi32, #tpu.memory_space<vmem>> -> memref<1000xi32, #tpu.memory_space<vmem>>
    %dma_wait3A_548 = arith.constant 0 : i32
    %dma_wait3A_549 = arith.constant 0 : i32
    %dma_wait3A_550 = tpu.memref_slice %arg13[%dma_wait3A_548, %dma_wait3A_549] : memref<10112x16xf32, #tpu.memory_space<vmem_shared>> -> memref<10112x16xf32, #tpu.memory_space<vmem_shared>>
    tpu.wait_indirect_dma semaphore(%arg16 : memref<!tpu.dma_semaphore, #tpu.memory_space<semaphore_mem>>) src(%arg8 : memref<1000x16xf32, #tpu.memory_space<vmem>>) dst(%dma_wait3A_550 : memref<10112x16xf32, #tpu.memory_space<vmem_shared>>)
    %dma_start3A_551 = arith.constant 4 : i32
    %dma_start3A_552 = arith.constant 0 : i32
    %dma_start3A_553 = tpu.memref_slice %arg6[%dma_start3A_551, %dma_start3A_552] : memref<10x1000xi32, #tpu.memory_space<vmem>> -> memref<1x1000xi32, #tpu.memory_space<vmem>>
    %dma_start3A_554 = tpu.memref_squeeze %dma_start3A_553 : memref<1x1000xi32, #tpu.memory_space<vmem>> -> memref<1000xi32, #tpu.memory_space<vmem>>
    %dma_start3A_555 = arith.constant 0 : i32
    %dma_start3A_556 = arith.constant 0 : i32
    %dma_start3A_557 = tpu.memref_slice %arg12[%dma_start3A_555, %dma_start3A_556] : memref<10112x16xf32, #tpu.memory_space<vmem_shared>> -> memref<10112x16xf32, #tpu.memory_space<vmem_shared>>
    tpu.enqueue_indirect_dma source(%dma_start3A_557 : memref<10112x16xf32, #tpu.memory_space<vmem_shared>>) target(%arg8 : memref<1000x16xf32, #tpu.memory_space<vmem>>) offsets(%dma_start3A_554 : memref<1000xi32, #tpu.memory_space<vmem>>) semaphore(%arg15 : memref<!tpu.dma_semaphore, #tpu.memory_space<semaphore_mem>>)
    %dma_start3A_558 = arith.constant 3 : i32
    %dma_start3A_559 = arith.constant 0 : i32
    %dma_start3A_560 = tpu.memref_slice %arg7[%dma_start3A_558, %dma_start3A_559] : memref<10x1000xi32, #tpu.memory_space<vmem>> -> memref<1x1000xi32, #tpu.memory_space<vmem>>
    %dma_start3A_561 = tpu.memref_squeeze %dma_start3A_560 : memref<1x1000xi32, #tpu.memory_space<vmem>> -> memref<1000xi32, #tpu.memory_space<vmem>>
    %dma_start3A_562 = arith.constant 0 : i32
    %dma_start3A_563 = arith.constant 0 : i32
    %dma_start3A_564 = tpu.memref_slice %arg13[%dma_start3A_562, %dma_start3A_563] : memref<10112x16xf32, #tpu.memory_space<vmem_shared>> -> memref<10112x16xf32, #tpu.memory_space<vmem_shared>>
    tpu.enqueue_indirect_dma source(%arg11 : memref<1000x16xf32, #tpu.memory_space<vmem>>) target(%dma_start3A_564 : memref<10112x16xf32, #tpu.memory_space<vmem_shared>>) offsets(%dma_start3A_561 : memref<1000xi32, #tpu.memory_space<vmem>>) semaphore(%arg16 : memref<!tpu.dma_semaphore, #tpu.memory_space<semaphore_mem>>) {add = true}
    %dma_wait3A_565 = arith.constant 4 : i32
    %dma_wait3A_566 = arith.constant 0 : i32
    %dma_wait3A_567 = tpu.memref_slice %arg6[%dma_wait3A_565, %dma_wait3A_566] : memref<10x1000xi32, #tpu.memory_space<vmem>> -> memref<1x1000xi32, #tpu.memory_space<vmem>>
    %dma_wait3A_568 = tpu.memref_squeeze %dma_wait3A_567 : memref<1x1000xi32, #tpu.memory_space<vmem>> -> memref<1000xi32, #tpu.memory_space<vmem>>
    %dma_wait3A_569 = arith.constant 0 : i32
    %dma_wait3A_570 = arith.constant 0 : i32
    %dma_wait3A_571 = tpu.memref_slice %arg12[%dma_wait3A_569, %dma_wait3A_570] : memref<10112x16xf32, #tpu.memory_space<vmem_shared>> -> memref<10112x16xf32, #tpu.memory_space<vmem_shared>>
    tpu.wait_indirect_dma semaphore(%arg15 : memref<!tpu.dma_semaphore, #tpu.memory_space<semaphore_mem>>) src(%dma_wait3A_571 : memref<10112x16xf32, #tpu.memory_space<vmem_shared>>) dst(%arg8 : memref<1000x16xf32, #tpu.memory_space<vmem>>)
    %dma_wait3A_572 = arith.constant 1 : i32
    %dma_wait3A_573 = arith.constant 0 : i32
    %dma_wait3A_574 = tpu.memref_slice %arg7[%dma_wait3A_572, %dma_wait3A_573] : memref<10x1000xi32, #tpu.memory_space<vmem>> -> memref<1x1000xi32, #tpu.memory_space<vmem>>
    %dma_wait3A_575 = tpu.memref_squeeze %dma_wait3A_574 : memref<1x1000xi32, #tpu.memory_space<vmem>> -> memref<1000xi32, #tpu.memory_space<vmem>>
    %dma_wait3A_576 = arith.constant 0 : i32
    %dma_wait3A_577 = arith.constant 0 : i32
    %dma_wait3A_578 = tpu.memref_slice %arg13[%dma_wait3A_576, %dma_wait3A_577] : memref<10112x16xf32, #tpu.memory_space<vmem_shared>> -> memref<10112x16xf32, #tpu.memory_space<vmem_shared>>
    tpu.wait_indirect_dma semaphore(%arg16 : memref<!tpu.dma_semaphore, #tpu.memory_space<semaphore_mem>>) src(%arg9 : memref<1000x16xf32, #tpu.memory_space<vmem>>) dst(%dma_wait3A_578 : memref<10112x16xf32, #tpu.memory_space<vmem_shared>>)
    %dma_start3A_579 = arith.constant 5 : i32
    %dma_start3A_580 = arith.constant 0 : i32
    %dma_start3A_581 = tpu.memref_slice %arg6[%dma_start3A_579, %dma_start3A_580] : memref<10x1000xi32, #tpu.memory_space<vmem>> -> memref<1x1000xi32, #tpu.memory_space<vmem>>
    %dma_start3A_582 = tpu.memref_squeeze %dma_start3A_581 : memref<1x1000xi32, #tpu.memory_space<vmem>> -> memref<1000xi32, #tpu.memory_space<vmem>>
    %dma_start3A_583 = arith.constant 0 : i32
    %dma_start3A_584 = arith.constant 0 : i32
    %dma_start3A_585 = tpu.memref_slice %arg12[%dma_start3A_583, %dma_start3A_584] : memref<10112x16xf32, #tpu.memory_space<vmem_shared>> -> memref<10112x16xf32, #tpu.memory_space<vmem_shared>>
    tpu.enqueue_indirect_dma source(%dma_start3A_585 : memref<10112x16xf32, #tpu.memory_space<vmem_shared>>) target(%arg9 : memref<1000x16xf32, #tpu.memory_space<vmem>>) offsets(%dma_start3A_582 : memref<1000xi32, #tpu.memory_space<vmem>>) semaphore(%arg15 : memref<!tpu.dma_semaphore, #tpu.memory_space<semaphore_mem>>)
    %dma_start3A_586 = arith.constant 4 : i32
    %dma_start3A_587 = arith.constant 0 : i32
    %dma_start3A_588 = tpu.memref_slice %arg7[%dma_start3A_586, %dma_start3A_587] : memref<10x1000xi32, #tpu.memory_space<vmem>> -> memref<1x1000xi32, #tpu.memory_space<vmem>>
    %dma_start3A_589 = tpu.memref_squeeze %dma_start3A_588 : memref<1x1000xi32, #tpu.memory_space<vmem>> -> memref<1000xi32, #tpu.memory_space<vmem>>
    %dma_start3A_590 = arith.constant 0 : i32
    %dma_start3A_591 = arith.constant 0 : i32
    %dma_start3A_592 = tpu.memref_slice %arg13[%dma_start3A_590, %dma_start3A_591] : memref<10112x16xf32, #tpu.memory_space<vmem_shared>> -> memref<10112x16xf32, #tpu.memory_space<vmem_shared>>
    tpu.enqueue_indirect_dma source(%arg8 : memref<1000x16xf32, #tpu.memory_space<vmem>>) target(%dma_start3A_592 : memref<10112x16xf32, #tpu.memory_space<vmem_shared>>) offsets(%dma_start3A_589 : memref<1000xi32, #tpu.memory_space<vmem>>) semaphore(%arg16 : memref<!tpu.dma_semaphore, #tpu.memory_space<semaphore_mem>>) {add = true}
    %dma_wait3A_593 = arith.constant 5 : i32
    %dma_wait3A_594 = arith.constant 0 : i32
    %dma_wait3A_595 = tpu.memref_slice %arg6[%dma_wait3A_593, %dma_wait3A_594] : memref<10x1000xi32, #tpu.memory_space<vmem>> -> memref<1x1000xi32, #tpu.memory_space<vmem>>
    %dma_wait3A_596 = tpu.memref_squeeze %dma_wait3A_595 : memref<1x1000xi32, #tpu.memory_space<vmem>> -> memref<1000xi32, #tpu.memory_space<vmem>>
    %dma_wait3A_597 = arith.constant 0 : i32
    %dma_wait3A_598 = arith.constant 0 : i32
    %dma_wait3A_599 = tpu.memref_slice %arg12[%dma_wait3A_597, %dma_wait3A_598] : memref<10112x16xf32, #tpu.memory_space<vmem_shared>> -> memref<10112x16xf32, #tpu.memory_space<vmem_shared>>
    tpu.wait_indirect_dma semaphore(%arg15 : memref<!tpu.dma_semaphore, #tpu.memory_space<semaphore_mem>>) src(%dma_wait3A_599 : memref<10112x16xf32, #tpu.memory_space<vmem_shared>>) dst(%arg9 : memref<1000x16xf32, #tpu.memory_space<vmem>>)
    %dma_wait3A_600 = arith.constant 2 : i32
    %dma_wait3A_601 = arith.constant 0 : i32
    %dma_wait3A_602 = tpu.memref_slice %arg7[%dma_wait3A_600, %dma_wait3A_601] : memref<10x1000xi32, #tpu.memory_space<vmem>> -> memref<1x1000xi32, #tpu.memory_space<vmem>>
    %dma_wait3A_603 = tpu.memref_squeeze %dma_wait3A_602 : memref<1x1000xi32, #tpu.memory_space<vmem>> -> memref<1000xi32, #tpu.memory_space<vmem>>
    %dma_wait3A_604 = arith.constant 0 : i32
    %dma_wait3A_605 = arith.constant 0 : i32
    %dma_wait3A_606 = tpu.memref_slice %arg13[%dma_wait3A_604, %dma_wait3A_605] : memref<10112x16xf32, #tpu.memory_space<vmem_shared>> -> memref<10112x16xf32, #tpu.memory_space<vmem_shared>>
    tpu.wait_indirect_dma semaphore(%arg16 : memref<!tpu.dma_semaphore, #tpu.memory_space<semaphore_mem>>) src(%arg10 : memref<1000x16xf32, #tpu.memory_space<vmem>>) dst(%dma_wait3A_606 : memref<10112x16xf32, #tpu.memory_space<vmem_shared>>)
    %dma_start3A_607 = arith.constant 6 : i32
    %dma_start3A_608 = arith.constant 0 : i32
    %dma_start3A_609 = tpu.memref_slice %arg6[%dma_start3A_607, %dma_start3A_608] : memref<10x1000xi32, #tpu.memory_space<vmem>> -> memref<1x1000xi32, #tpu.memory_space<vmem>>
    %dma_start3A_610 = tpu.memref_squeeze %dma_start3A_609 : memref<1x1000xi32, #tpu.memory_space<vmem>> -> memref<1000xi32, #tpu.memory_space<vmem>>
    %dma_start3A_611 = arith.constant 0 : i32
    %dma_start3A_612 = arith.constant 0 : i32
    %dma_start3A_613 = tpu.memref_slice %arg12[%dma_start3A_611, %dma_start3A_612] : memref<10112x16xf32, #tpu.memory_space<vmem_shared>> -> memref<10112x16xf32, #tpu.memory_space<vmem_shared>>
    tpu.enqueue_indirect_dma source(%dma_start3A_613 : memref<10112x16xf32, #tpu.memory_space<vmem_shared>>) target(%arg10 : memref<1000x16xf32, #tpu.memory_space<vmem>>) offsets(%dma_start3A_610 : memref<1000xi32, #tpu.memory_space<vmem>>) semaphore(%arg15 : memref<!tpu.dma_semaphore, #tpu.memory_space<semaphore_mem>>)
    %dma_start3A_614 = arith.constant 5 : i32
    %dma_start3A_615 = arith.constant 0 : i32
    %dma_start3A_616 = tpu.memref_slice %arg7[%dma_start3A_614, %dma_start3A_615] : memref<10x1000xi32, #tpu.memory_space<vmem>> -> memref<1x1000xi32, #tpu.memory_space<vmem>>
    %dma_start3A_617 = tpu.memref_squeeze %dma_start3A_616 : memref<1x1000xi32, #tpu.memory_space<vmem>> -> memref<1000xi32, #tpu.memory_space<vmem>>
    %dma_start3A_618 = arith.constant 0 : i32
    %dma_start3A_619 = arith.constant 0 : i32
    %dma_start3A_620 = tpu.memref_slice %arg13[%dma_start3A_618, %dma_start3A_619] : memref<10112x16xf32, #tpu.memory_space<vmem_shared>> -> memref<10112x16xf32, #tpu.memory_space<vmem_shared>>
    tpu.enqueue_indirect_dma source(%arg9 : memref<1000x16xf32, #tpu.memory_space<vmem>>) target(%dma_start3A_620 : memref<10112x16xf32, #tpu.memory_space<vmem_shared>>) offsets(%dma_start3A_617 : memref<1000xi32, #tpu.memory_space<vmem>>) semaphore(%arg16 : memref<!tpu.dma_semaphore, #tpu.memory_space<semaphore_mem>>) {add = true}
    %dma_wait3A_621 = arith.constant 6 : i32
    %dma_wait3A_622 = arith.constant 0 : i32
    %dma_wait3A_623 = tpu.memref_slice %arg6[%dma_wait3A_621, %dma_wait3A_622] : memref<10x1000xi32, #tpu.memory_space<vmem>> -> memref<1x1000xi32, #tpu.memory_space<vmem>>
    %dma_wait3A_624 = tpu.memref_squeeze %dma_wait3A_623 : memref<1x1000xi32, #tpu.memory_space<vmem>> -> memref<1000xi32, #tpu.memory_space<vmem>>
    %dma_wait3A_625 = arith.constant 0 : i32
    %dma_wait3A_626 = arith.constant 0 : i32
    %dma_wait3A_627 = tpu.memref_slice %arg12[%dma_wait3A_625, %dma_wait3A_626] : memref<10112x16xf32, #tpu.memory_space<vmem_shared>> -> memref<10112x16xf32, #tpu.memory_space<vmem_shared>>
    tpu.wait_indirect_dma semaphore(%arg15 : memref<!tpu.dma_semaphore, #tpu.memory_space<semaphore_mem>>) src(%dma_wait3A_627 : memref<10112x16xf32, #tpu.memory_space<vmem_shared>>) dst(%arg10 : memref<1000x16xf32, #tpu.memory_space<vmem>>)
    %dma_wait3A_628 = arith.constant 3 : i32
    %dma_wait3A_629 = arith.constant 0 : i32
    %dma_wait3A_630 = tpu.memref_slice %arg7[%dma_wait3A_628, %dma_wait3A_629] : memref<10x1000xi32, #tpu.memory_space<vmem>> -> memref<1x1000xi32, #tpu.memory_space<vmem>>
    %dma_wait3A_631 = tpu.memref_squeeze %dma_wait3A_630 : memref<1x1000xi32, #tpu.memory_space<vmem>> -> memref<1000xi32, #tpu.memory_space<vmem>>
    %dma_wait3A_632 = arith.constant 0 : i32
    %dma_wait3A_633 = arith.constant 0 : i32
    %dma_wait3A_634 = tpu.memref_slice %arg13[%dma_wait3A_632, %dma_wait3A_633] : memref<10112x16xf32, #tpu.memory_space<vmem_shared>> -> memref<10112x16xf32, #tpu.memory_space<vmem_shared>>
    tpu.wait_indirect_dma semaphore(%arg16 : memref<!tpu.dma_semaphore, #tpu.memory_space<semaphore_mem>>) src(%arg11 : memref<1000x16xf32, #tpu.memory_space<vmem>>) dst(%dma_wait3A_634 : memref<10112x16xf32, #tpu.memory_space<vmem_shared>>)
    %dma_start3A_635 = arith.constant 7 : i32
    %dma_start3A_636 = arith.constant 0 : i32
    %dma_start3A_637 = tpu.memref_slice %arg6[%dma_start3A_635, %dma_start3A_636] : memref<10x1000xi32, #tpu.memory_space<vmem>> -> memref<1x1000xi32, #tpu.memory_space<vmem>>
    %dma_start3A_638 = tpu.memref_squeeze %dma_start3A_637 : memref<1x1000xi32, #tpu.memory_space<vmem>> -> memref<1000xi32, #tpu.memory_space<vmem>>
    %dma_start3A_639 = arith.constant 0 : i32
    %dma_start3A_640 = arith.constant 0 : i32
    %dma_start3A_641 = tpu.memref_slice %arg12[%dma_start3A_639, %dma_start3A_640] : memref<10112x16xf32, #tpu.memory_space<vmem_shared>> -> memref<10112x16xf32, #tpu.memory_space<vmem_shared>>
    tpu.enqueue_indirect_dma source(%dma_start3A_641 : memref<10112x16xf32, #tpu.memory_space<vmem_shared>>) target(%arg11 : memref<1000x16xf32, #tpu.memory_space<vmem>>) offsets(%dma_start3A_638 : memref<1000xi32, #tpu.memory_space<vmem>>) semaphore(%arg15 : memref<!tpu.dma_semaphore, #tpu.memory_space<semaphore_mem>>)
    %dma_start3A_642 = arith.constant 6 : i32
    %dma_start3A_643 = arith.constant 0 : i32
    %dma_start3A_644 = tpu.memref_slice %arg7[%dma_start3A_642, %dma_start3A_643] : memref<10x1000xi32, #tpu.memory_space<vmem>> -> memref<1x1000xi32, #tpu.memory_space<vmem>>
    %dma_start3A_645 = tpu.memref_squeeze %dma_start3A_644 : memref<1x1000xi32, #tpu.memory_space<vmem>> -> memref<1000xi32, #tpu.memory_space<vmem>>
    %dma_start3A_646 = arith.constant 0 : i32
    %dma_start3A_647 = arith.constant 0 : i32
    %dma_start3A_648 = tpu.memref_slice %arg13[%dma_start3A_646, %dma_start3A_647] : memref<10112x16xf32, #tpu.memory_space<vmem_shared>> -> memref<10112x16xf32, #tpu.memory_space<vmem_shared>>
    tpu.enqueue_indirect_dma source(%arg10 : memref<1000x16xf32, #tpu.memory_space<vmem>>) target(%dma_start3A_648 : memref<10112x16xf32, #tpu.memory_space<vmem_shared>>) offsets(%dma_start3A_645 : memref<1000xi32, #tpu.memory_space<vmem>>) semaphore(%arg16 : memref<!tpu.dma_semaphore, #tpu.memory_space<semaphore_mem>>) {add = true}
    %dma_wait3A_649 = arith.constant 7 : i32
    %dma_wait3A_650 = arith.constant 0 : i32
    %dma_wait3A_651 = tpu.memref_slice %arg6[%dma_wait3A_649, %dma_wait3A_650] : memref<10x1000xi32, #tpu.memory_space<vmem>> -> memref<1x1000xi32, #tpu.memory_space<vmem>>
    %dma_wait3A_652 = tpu.memref_squeeze %dma_wait3A_651 : memref<1x1000xi32, #tpu.memory_space<vmem>> -> memref<1000xi32, #tpu.memory_space<vmem>>
    %dma_wait3A_653 = arith.constant 0 : i32
    %dma_wait3A_654 = arith.constant 0 : i32
    %dma_wait3A_655 = tpu.memref_slice %arg12[%dma_wait3A_653, %dma_wait3A_654] : memref<10112x16xf32, #tpu.memory_space<vmem_shared>> -> memref<10112x16xf32, #tpu.memory_space<vmem_shared>>
    tpu.wait_indirect_dma semaphore(%arg15 : memref<!tpu.dma_semaphore, #tpu.memory_space<semaphore_mem>>) src(%dma_wait3A_655 : memref<10112x16xf32, #tpu.memory_space<vmem_shared>>) dst(%arg11 : memref<1000x16xf32, #tpu.memory_space<vmem>>)
    %dma_wait3A_656 = arith.constant 4 : i32
    %dma_wait3A_657 = arith.constant 0 : i32
    %dma_wait3A_658 = tpu.memref_slice %arg7[%dma_wait3A_656, %dma_wait3A_657] : memref<10x1000xi32, #tpu.memory_space<vmem>> -> memref<1x1000xi32, #tpu.memory_space<vmem>>
    %dma_wait3A_659 = tpu.memref_squeeze %dma_wait3A_658 : memref<1x1000xi32, #tpu.memory_space<vmem>> -> memref<1000xi32, #tpu.memory_space<vmem>>
    %dma_wait3A_660 = arith.constant 0 : i32
    %dma_wait3A_661 = arith.constant 0 : i32
    %dma_wait3A_662 = tpu.memref_slice %arg13[%dma_wait3A_660, %dma_wait3A_661] : memref<10112x16xf32, #tpu.memory_space<vmem_shared>> -> memref<10112x16xf32, #tpu.memory_space<vmem_shared>>
    tpu.wait_indirect_dma semaphore(%arg16 : memref<!tpu.dma_semaphore, #tpu.memory_space<semaphore_mem>>) src(%arg8 : memref<1000x16xf32, #tpu.memory_space<vmem>>) dst(%dma_wait3A_662 : memref<10112x16xf32, #tpu.memory_space<vmem_shared>>)
    %dma_start3A_663 = arith.constant 8 : i32
    %dma_start3A_664 = arith.constant 0 : i32
    %dma_start3A_665 = tpu.memref_slice %arg6[%dma_start3A_663, %dma_start3A_664] : memref<10x1000xi32, #tpu.memory_space<vmem>> -> memref<1x1000xi32, #tpu.memory_space<vmem>>
    %dma_start3A_666 = tpu.memref_squeeze %dma_start3A_665 : memref<1x1000xi32, #tpu.memory_space<vmem>> -> memref<1000xi32, #tpu.memory_space<vmem>>
    %dma_start3A_667 = arith.constant 0 : i32
    %dma_start3A_668 = arith.constant 0 : i32
    %dma_start3A_669 = tpu.memref_slice %arg12[%dma_start3A_667, %dma_start3A_668] : memref<10112x16xf32, #tpu.memory_space<vmem_shared>> -> memref<10112x16xf32, #tpu.memory_space<vmem_shared>>
    tpu.enqueue_indirect_dma source(%dma_start3A_669 : memref<10112x16xf32, #tpu.memory_space<vmem_shared>>) target(%arg8 : memref<1000x16xf32, #tpu.memory_space<vmem>>) offsets(%dma_start3A_666 : memref<1000xi32, #tpu.memory_space<vmem>>) semaphore(%arg15 : memref<!tpu.dma_semaphore, #tpu.memory_space<semaphore_mem>>)
    %dma_start3A_670 = arith.constant 7 : i32
    %dma_start3A_671 = arith.constant 0 : i32
    %dma_start3A_672 = tpu.memref_slice %arg7[%dma_start3A_670, %dma_start3A_671] : memref<10x1000xi32, #tpu.memory_space<vmem>> -> memref<1x1000xi32, #tpu.memory_space<vmem>>
    %dma_start3A_673 = tpu.memref_squeeze %dma_start3A_672 : memref<1x1000xi32, #tpu.memory_space<vmem>> -> memref<1000xi32, #tpu.memory_space<vmem>>
    %dma_start3A_674 = arith.constant 0 : i32
    %dma_start3A_675 = arith.constant 0 : i32
    %dma_start3A_676 = tpu.memref_slice %arg13[%dma_start3A_674, %dma_start3A_675] : memref<10112x16xf32, #tpu.memory_space<vmem_shared>> -> memref<10112x16xf32, #tpu.memory_space<vmem_shared>>
    tpu.enqueue_indirect_dma source(%arg11 : memref<1000x16xf32, #tpu.memory_space<vmem>>) target(%dma_start3A_676 : memref<10112x16xf32, #tpu.memory_space<vmem_shared>>) offsets(%dma_start3A_673 : memref<1000xi32, #tpu.memory_space<vmem>>) semaphore(%arg16 : memref<!tpu.dma_semaphore, #tpu.memory_space<semaphore_mem>>) {add = true}
    %dma_wait3A_677 = arith.constant 8 : i32
    %dma_wait3A_678 = arith.constant 0 : i32
    %dma_wait3A_679 = tpu.memref_slice %arg6[%dma_wait3A_677, %dma_wait3A_678] : memref<10x1000xi32, #tpu.memory_space<vmem>> -> memref<1x1000xi32, #tpu.memory_space<vmem>>
    %dma_wait3A_680 = tpu.memref_squeeze %dma_wait3A_679 : memref<1x1000xi32, #tpu.memory_space<vmem>> -> memref<1000xi32, #tpu.memory_space<vmem>>
    %dma_wait3A_681 = arith.constant 0 : i32
    %dma_wait3A_682 = arith.constant 0 : i32
    %dma_wait3A_683 = tpu.memref_slice %arg12[%dma_wait3A_681, %dma_wait3A_682] : memref<10112x16xf32, #tpu.memory_space<vmem_shared>> -> memref<10112x16xf32, #tpu.memory_space<vmem_shared>>
    tpu.wait_indirect_dma semaphore(%arg15 : memref<!tpu.dma_semaphore, #tpu.memory_space<semaphore_mem>>) src(%dma_wait3A_683 : memref<10112x16xf32, #tpu.memory_space<vmem_shared>>) dst(%arg8 : memref<1000x16xf32, #tpu.memory_space<vmem>>)
    %dma_wait3A_684 = arith.constant 5 : i32
    %dma_wait3A_685 = arith.constant 0 : i32
    %dma_wait3A_686 = tpu.memref_slice %arg7[%dma_wait3A_684, %dma_wait3A_685] : memref<10x1000xi32, #tpu.memory_space<vmem>> -> memref<1x1000xi32, #tpu.memory_space<vmem>>
    %dma_wait3A_687 = tpu.memref_squeeze %dma_wait3A_686 : memref<1x1000xi32, #tpu.memory_space<vmem>> -> memref<1000xi32, #tpu.memory_space<vmem>>
    %dma_wait3A_688 = arith.constant 0 : i32
    %dma_wait3A_689 = arith.constant 0 : i32
    %dma_wait3A_690 = tpu.memref_slice %arg13[%dma_wait3A_688, %dma_wait3A_689] : memref<10112x16xf32, #tpu.memory_space<vmem_shared>> -> memref<10112x16xf32, #tpu.memory_space<vmem_shared>>
    tpu.wait_indirect_dma semaphore(%arg16 : memref<!tpu.dma_semaphore, #tpu.memory_space<semaphore_mem>>) src(%arg9 : memref<1000x16xf32, #tpu.memory_space<vmem>>) dst(%dma_wait3A_690 : memref<10112x16xf32, #tpu.memory_space<vmem_shared>>)
    %dma_start3A_691 = arith.constant 9 : i32
    %dma_start3A_692 = arith.constant 0 : i32
    %dma_start3A_693 = tpu.memref_slice %arg6[%dma_start3A_691, %dma_start3A_692] : memref<10x1000xi32, #tpu.memory_space<vmem>> -> memref<1x1000xi32, #tpu.memory_space<vmem>>
    %dma_start3A_694 = tpu.memref_squeeze %dma_start3A_693 : memref<1x1000xi32, #tpu.memory_space<vmem>> -> memref<1000xi32, #tpu.memory_space<vmem>>
    %dma_start3A_695 = arith.constant 0 : i32
    %dma_start3A_696 = arith.constant 0 : i32
    %dma_start3A_697 = tpu.memref_slice %arg12[%dma_start3A_695, %dma_start3A_696] : memref<10112x16xf32, #tpu.memory_space<vmem_shared>> -> memref<10112x16xf32, #tpu.memory_space<vmem_shared>>
    tpu.enqueue_indirect_dma source(%dma_start3A_697 : memref<10112x16xf32, #tpu.memory_space<vmem_shared>>) target(%arg9 : memref<1000x16xf32, #tpu.memory_space<vmem>>) offsets(%dma_start3A_694 : memref<1000xi32, #tpu.memory_space<vmem>>) semaphore(%arg15 : memref<!tpu.dma_semaphore, #tpu.memory_space<semaphore_mem>>)
    %dma_start3A_698 = arith.constant 8 : i32
    %dma_start3A_699 = arith.constant 0 : i32
    %dma_start3A_700 = tpu.memref_slice %arg7[%dma_start3A_698, %dma_start3A_699] : memref<10x1000xi32, #tpu.memory_space<vmem>> -> memref<1x1000xi32, #tpu.memory_space<vmem>>
    %dma_start3A_701 = tpu.memref_squeeze %dma_start3A_700 : memref<1x1000xi32, #tpu.memory_space<vmem>> -> memref<1000xi32, #tpu.memory_space<vmem>>
    %dma_start3A_702 = arith.constant 0 : i32
    %dma_start3A_703 = arith.constant 0 : i32
    %dma_start3A_704 = tpu.memref_slice %arg13[%dma_start3A_702, %dma_start3A_703] : memref<10112x16xf32, #tpu.memory_space<vmem_shared>> -> memref<10112x16xf32, #tpu.memory_space<vmem_shared>>
    tpu.enqueue_indirect_dma source(%arg8 : memref<1000x16xf32, #tpu.memory_space<vmem>>) target(%dma_start3A_704 : memref<10112x16xf32, #tpu.memory_space<vmem_shared>>) offsets(%dma_start3A_701 : memref<1000xi32, #tpu.memory_space<vmem>>) semaphore(%arg16 : memref<!tpu.dma_semaphore, #tpu.memory_space<semaphore_mem>>) {add = true}
    %dma_wait3A_705 = arith.constant 9 : i32
    %dma_wait3A_706 = arith.constant 0 : i32
    %dma_wait3A_707 = tpu.memref_slice %arg6[%dma_wait3A_705, %dma_wait3A_706] : memref<10x1000xi32, #tpu.memory_space<vmem>> -> memref<1x1000xi32, #tpu.memory_space<vmem>>
    %dma_wait3A_708 = tpu.memref_squeeze %dma_wait3A_707 : memref<1x1000xi32, #tpu.memory_space<vmem>> -> memref<1000xi32, #tpu.memory_space<vmem>>
    %dma_wait3A_709 = arith.constant 0 : i32
    %dma_wait3A_710 = arith.constant 0 : i32
    %dma_wait3A_711 = tpu.memref_slice %arg12[%dma_wait3A_709, %dma_wait3A_710] : memref<10112x16xf32, #tpu.memory_space<vmem_shared>> -> memref<10112x16xf32, #tpu.memory_space<vmem_shared>>
    tpu.wait_indirect_dma semaphore(%arg15 : memref<!tpu.dma_semaphore, #tpu.memory_space<semaphore_mem>>) src(%dma_wait3A_711 : memref<10112x16xf32, #tpu.memory_space<vmem_shared>>) dst(%arg9 : memref<1000x16xf32, #tpu.memory_space<vmem>>)
    %dma_start3A_712 = arith.constant 9 : i32
    %dma_start3A_713 = arith.constant 0 : i32
    %dma_start3A_714 = tpu.memref_slice %arg7[%dma_start3A_712, %dma_start3A_713] : memref<10x1000xi32, #tpu.memory_space<vmem>> -> memref<1x1000xi32, #tpu.memory_space<vmem>>
    %dma_start3A_715 = tpu.memref_squeeze %dma_start3A_714 : memref<1x1000xi32, #tpu.memory_space<vmem>> -> memref<1000xi32, #tpu.memory_space<vmem>>
    %dma_start3A_716 = arith.constant 0 : i32
    %dma_start3A_717 = arith.constant 0 : i32
    %dma_start3A_718 = tpu.memref_slice %arg13[%dma_start3A_716, %dma_start3A_717] : memref<10112x16xf32, #tpu.memory_space<vmem_shared>> -> memref<10112x16xf32, #tpu.memory_space<vmem_shared>>
    tpu.enqueue_indirect_dma source(%arg9 : memref<1000x16xf32, #tpu.memory_space<vmem>>) target(%dma_start3A_718 : memref<10112x16xf32, #tpu.memory_space<vmem_shared>>) offsets(%dma_start3A_715 : memref<1000xi32, #tpu.memory_space<vmem>>) semaphore(%arg16 : memref<!tpu.dma_semaphore, #tpu.memory_space<semaphore_mem>>) {add = true}
    %dma_wait3A_719 = arith.constant 6 : i32
    %dma_wait3A_720 = arith.constant 0 : i32
    %dma_wait3A_721 = tpu.memref_slice %arg7[%dma_wait3A_719, %dma_wait3A_720] : memref<10x1000xi32, #tpu.memory_space<vmem>> -> memref<1x1000xi32, #tpu.memory_space<vmem>>
    %dma_wait3A_722 = tpu.memref_squeeze %dma_wait3A_721 : memref<1x1000xi32, #tpu.memory_space<vmem>> -> memref<1000xi32, #tpu.memory_space<vmem>>
    %dma_wait3A_723 = arith.constant 0 : i32
    %dma_wait3A_724 = arith.constant 0 : i32
    %dma_wait3A_725 = tpu.memref_slice %arg13[%dma_wait3A_723, %dma_wait3A_724] : memref<10112x16xf32, #tpu.memory_space<vmem_shared>> -> memref<10112x16xf32, #tpu.memory_space<vmem_shared>>
    tpu.wait_indirect_dma semaphore(%arg16 : memref<!tpu.dma_semaphore, #tpu.memory_space<semaphore_mem>>) src(%arg10 : memref<1000x16xf32, #tpu.memory_space<vmem>>) dst(%dma_wait3A_725 : memref<10112x16xf32, #tpu.memory_space<vmem_shared>>)
    %dma_wait3A_726 = arith.constant 7 : i32
    %dma_wait3A_727 = arith.constant 0 : i32
    %dma_wait3A_728 = tpu.memref_slice %arg7[%dma_wait3A_726, %dma_wait3A_727] : memref<10x1000xi32, #tpu.memory_space<vmem>> -> memref<1x1000xi32, #tpu.memory_space<vmem>>
    %dma_wait3A_729 = tpu.memref_squeeze %dma_wait3A_728 : memref<1x1000xi32, #tpu.memory_space<vmem>> -> memref<1000xi32, #tpu.memory_space<vmem>>
    %dma_wait3A_730 = arith.constant 0 : i32
    %dma_wait3A_731 = arith.constant 0 : i32
    %dma_wait3A_732 = tpu.memref_slice %arg13[%dma_wait3A_730, %dma_wait3A_731] : memref<10112x16xf32, #tpu.memory_space<vmem_shared>> -> memref<10112x16xf32, #tpu.memory_space<vmem_shared>>
    tpu.wait_indirect_dma semaphore(%arg16 : memref<!tpu.dma_semaphore, #tpu.memory_space<semaphore_mem>>) src(%arg11 : memref<1000x16xf32, #tpu.memory_space<vmem>>) dst(%dma_wait3A_732 : memref<10112x16xf32, #tpu.memory_space<vmem_shared>>)
    %dma_wait3A_733 = arith.constant 8 : i32
    %dma_wait3A_734 = arith.constant 0 : i32
    %dma_wait3A_735 = tpu.memref_slice %arg7[%dma_wait3A_733, %dma_wait3A_734] : memref<10x1000xi32, #tpu.memory_space<vmem>> -> memref<1x1000xi32, #tpu.memory_space<vmem>>
    %dma_wait3A_736 = tpu.memref_squeeze %dma_wait3A_735 : memref<1x1000xi32, #tpu.memory_space<vmem>> -> memref<1000xi32, #tpu.memory_space<vmem>>
    %dma_wait3A_737 = arith.constant 0 : i32
    %dma_wait3A_738 = arith.constant 0 : i32
    %dma_wait3A_739 = tpu.memref_slice %arg13[%dma_wait3A_737, %dma_wait3A_738] : memref<10112x16xf32, #tpu.memory_space<vmem_shared>> -> memref<10112x16xf32, #tpu.memory_space<vmem_shared>>
    tpu.wait_indirect_dma semaphore(%arg16 : memref<!tpu.dma_semaphore, #tpu.memory_space<semaphore_mem>>) src(%arg8 : memref<1000x16xf32, #tpu.memory_space<vmem>>) dst(%dma_wait3A_739 : memref<10112x16xf32, #tpu.memory_space<vmem_shared>>)
    %dma_wait3A_740 = arith.constant 9 : i32
    %dma_wait3A_741 = arith.constant 0 : i32
    %dma_wait3A_742 = tpu.memref_slice %arg7[%dma_wait3A_740, %dma_wait3A_741] : memref<10x1000xi32, #tpu.memory_space<vmem>> -> memref<1x1000xi32, #tpu.memory_space<vmem>>
    %dma_wait3A_743 = tpu.memref_squeeze %dma_wait3A_742 : memref<1x1000xi32, #tpu.memory_space<vmem>> -> memref<1000xi32, #tpu.memory_space<vmem>>
    %dma_wait3A_744 = arith.constant 0 : i32
    %dma_wait3A_745 = arith.constant 0 : i32
    %dma_wait3A_746 = tpu.memref_slice %arg13[%dma_wait3A_744, %dma_wait3A_745] : memref<10112x16xf32, #tpu.memory_space<vmem_shared>> -> memref<10112x16xf32, #tpu.memory_space<vmem_shared>>
    tpu.wait_indirect_dma semaphore(%arg16 : memref<!tpu.dma_semaphore, #tpu.memory_space<semaphore_mem>>) src(%arg9 : memref<1000x16xf32, #tpu.memory_space<vmem>>) dst(%dma_wait3A_746 : memref<10112x16xf32, #tpu.memory_space<vmem_shared>>)
    %barrier3A_747 = arith.constant 0 : index
    tpu.barrier barrier_id(%barrier3A_747)
    %mul3A_748 = arith.constant 632 : i32
    %mul3A_749 = arith.muli %arg1, %mul3A_748 : i32
    %mul3A_750 = arith.constant 632 : i32
    %mul3A_751 = arith.muli %arg1, %mul3A_750 : i32
    "tpu.region"() ({
      %run_scoped3A = tpu.sem_alloc : memref<!tpu.dma_semaphore, #tpu.memory_space<semaphore_mem>>
      %dma_start3A_752 = arith.constant 0 : i32
      %dma_start3A_753 = tpu.memref_slice %arg5[%arg0, %mul3A_751, %dma_start3A_752] : memref<2x10112x16xf32, #tpu.memory_space<hbm>> -> memref<1x632x16xf32, #tpu.memory_space<hbm>>
      %dma_start3A_754 = tpu.memref_squeeze %dma_start3A_753 : memref<1x632x16xf32, #tpu.memory_space<hbm>> -> memref<632x16xf32, #tpu.memory_space<hbm>>
      %dma_start3A_755 = arith.constant 0 : i32
      %dma_start3A_756 = tpu.memref_slice %arg13[%mul3A_749, %dma_start3A_755] : memref<10112x16xf32, #tpu.memory_space<vmem_shared>> -> memref<632x16xf32, #tpu.memory_space<vmem_shared>>
      tpu.enqueue_dma source(%dma_start3A_756 : memref<632x16xf32, #tpu.memory_space<vmem_shared>>) target(%dma_start3A_754 : memref<632x16xf32, #tpu.memory_space<hbm>>) target_semaphore(%run_scoped3A : memref<!tpu.dma_semaphore, #tpu.memory_space<semaphore_mem>>)
      %dma_wait3A_757 = arith.constant 0 : i32
      %dma_wait3A_758 = tpu.memref_slice %arg5[%arg0, %mul3A_751, %dma_wait3A_757] : memref<2x10112x16xf32, #tpu.memory_space<hbm>> -> memref<1x632x16xf32, #tpu.memory_space<hbm>>
      %dma_wait3A_759 = tpu.memref_squeeze %dma_wait3A_758 : memref<1x632x16xf32, #tpu.memory_space<hbm>> -> memref<632x16xf32, #tpu.memory_space<hbm>>
      %dma_wait3A_760 = arith.constant 0 : i32
      %dma_wait3A_761 = tpu.memref_slice %arg13[%mul3A_749, %dma_wait3A_760] : memref<10112x16xf32, #tpu.memory_space<vmem_shared>> -> memref<632x16xf32, #tpu.memory_space<vmem_shared>>
      tpu.wait_dma2 semaphore(%run_scoped3A : memref<!tpu.dma_semaphore, #tpu.memory_space<semaphore_mem>>) src(%dma_wait3A_761 : memref<632x16xf32, #tpu.memory_space<vmem_shared>>) dst(%dma_wait3A_759 : memref<632x16xf32, #tpu.memory_space<hbm>>)
      tpu.yield
    }) : () -> ()
    return
  }
}

module attributes {stable_mosaic.version = 14 : i64} {
  func.func @_tc0_body(%arg0: memref<10000x128xf32, #tpu.memory_space<vmem>>, %arg1: memref<128x16xf32, #tpu.memory_space<vmem>>, %arg2: memref<1x16xf32, #tpu.memory_space<vmem>>, %arg3: memref<1x16xf32, #tpu.memory_space<vmem>>, %arg4: memref<16x16xf32, #tpu.memory_space<vmem>>, %arg5: memref<1x16xf32, #tpu.memory_space<vmem>>, %arg6: memref<10000x16xf32, #tpu.memory_space<vmem>>) attributes {dimension_semantics = [], scalar_prefetch = 0 : i64, scratch_operands = 0 : i64, tpu.core_type = #tpu.core_type<tc>} {
    %get3A = arith.constant 0 : index
    %get3A_0 = arith.constant 0 : index
    %get3A_1 = vector.load %arg3[%get3A, %get3A_0] : memref<1x16xf32, #tpu.memory_space<vmem>>, vector<1x16xf32>
    %get3A_2 = arith.constant 0 : index
    %get3A_3 = arith.constant 0 : index
    %get3A_4 = vector.load %arg4[%get3A_2, %get3A_3] : memref<16x16xf32, #tpu.memory_space<vmem>>, vector<16x16xf32>
    %dot_general3A = arith.constant dense<0.000000e+00> : vector<1x16xf32>
    %dot_general3A_5 = tpu.matmul %get3A_1, %get3A_4, %dot_general3A {dimension_numbers = #tpu.dot_dimension_numbers<[1], [0], [0], [1], [0, 0, 1, 1], [], []>, transpose_lhs_hint = false} : vector<1x16xf32>, vector<16x16xf32>, vector<1x16xf32> -> vector<1x16xf32>
    %get3A_6 = arith.constant 0 : index
    %get3A_7 = arith.constant 0 : index
    %get3A_8 = vector.load %arg5[%get3A_6, %get3A_7] : memref<1x16xf32, #tpu.memory_space<vmem>>, vector<1x16xf32>
    %add3A = arith.addf %dot_general3A_5, %get3A_8 : vector<1x16xf32>
    %get3A_9 = arith.constant 0 : index
    %get3A_10 = arith.constant 0 : index
    %get3A_11 = vector.load %arg0[%get3A_9, %get3A_10] : memref<10000x128xf32, #tpu.memory_space<vmem>>, vector<10000x128xf32>
    %get3A_12 = arith.constant 0 : index
    %get3A_13 = arith.constant 0 : index
    %get3A_14 = vector.load %arg1[%get3A_12, %get3A_13] : memref<128x16xf32, #tpu.memory_space<vmem>>, vector<128x16xf32>
    %dot_general3A_15 = arith.constant dense<0.000000e+00> : vector<10000x16xf32>
    %dot_general3A_16 = tpu.matmul %get3A_11, %get3A_14, %dot_general3A_15 {dimension_numbers = #tpu.dot_dimension_numbers<[1], [0], [0], [1], [0, 0, 1, 1], [], []>, transpose_lhs_hint = false} : vector<10000x128xf32>, vector<128x16xf32>, vector<10000x16xf32> -> vector<10000x16xf32>
    %get3A_17 = arith.constant 0 : index
    %get3A_18 = arith.constant 0 : index
    %get3A_19 = vector.load %arg2[%get3A_17, %get3A_18] : memref<1x16xf32, #tpu.memory_space<vmem>>, vector<1x16xf32>
    %add3A_20 = vector.broadcast %get3A_19 : vector<1x16xf32> to vector<10000x16xf32>
    %add3A_21 = arith.addf %dot_general3A_16, %add3A_20 : vector<10000x16xf32>
    %add3A_22 = vector.broadcast %add3A : vector<1x16xf32> to vector<10000x16xf32>
    %add3A_23 = arith.addf %add3A_21, %add3A_22 : vector<10000x16xf32>
    %swap3A = arith.constant 0 : index
    %swap3A_24 = arith.constant 0 : index
    %swap3A_25 = vector.load %arg6[%swap3A, %swap3A_24] : memref<10000x16xf32, #tpu.memory_space<vmem>>, vector<10000x16xf32>
    tpu.vector_store %arg6[%swap3A, %swap3A_24], %add3A_23 {strides = array<i32>} : memref<10000x16xf32, #tpu.memory_space<vmem>>, vector<10000x16xf32>,
    return
  }
}

module attributes {stable_mosaic.version = 14 : i64} {
  func.func @_tc1_body(%arg0: memref<10000x16xf32, #tpu.memory_space<vmem>>, %arg1: memref<32x10112xf32, #tpu.memory_space<vmem>>, %arg2: memref<10112x16xf32, #tpu.memory_space<vmem>>, %arg3: memref<10000x16xf32, #tpu.memory_space<vmem>>) attributes {dimension_semantics = [], scalar_prefetch = 0 : i64, scratch_operands = 0 : i64, tpu.core_type = #tpu.core_type<tc>} {
    %get3A = arith.constant 0 : index
    %get3A_0 = arith.constant 0 : index
    %get3A_1 = vector.load %arg1[%get3A, %get3A_0] : memref<32x10112xf32, #tpu.memory_space<vmem>>, vector<32x10112xf32>
    %reduce_sum3A = arith.constant dense<0.000000e+00> : vector<10112xf32>
    %reduce_sum3A_2 = vector.multi_reduction <add>, %get3A_1, %reduce_sum3A [0] : vector<32x10112xf32> to vector<10112xf32>
    %slice3A = vector.extract_strided_slice %reduce_sum3A_2 {offsets = [0], sizes = [10000], strides = [1]} : vector<10112xf32> to vector<10000xf32>
    %add3A = arith.constant 1.000000e+00 : f32
    %add3A_3 = vector.broadcast %add3A : f32 to vector<10000xf32>
    %add3A_4 = arith.addf %slice3A, %add3A_3 : vector<10000xf32>
    %rsqrt3A = math.rsqrt %add3A_4 : vector<10000xf32>
    %broadcast_in_dim3A = vector.shape_cast %rsqrt3A : vector<10000xf32> to vector<10000x1xf32>
    %broadcast_in_dim3A_5 = vector.shape_cast %broadcast_in_dim3A : vector<10000x1xf32> to vector<10000x1xf32>
    %broadcast_in_dim3A_6 = vector.broadcast %broadcast_in_dim3A_5 : vector<10000x1xf32> to vector<10000x16xf32>
    %swap3A = arith.constant 0 : index
    %swap3A_7 = arith.constant 0 : index
    %swap3A_8 = vector.load %arg3[%swap3A, %swap3A_7] : memref<10000x16xf32, #tpu.memory_space<vmem>>, vector<10000x16xf32>
    tpu.vector_store %arg3[%swap3A, %swap3A_7], %broadcast_in_dim3A_6 {strides = array<i32>} : memref<10000x16xf32, #tpu.memory_space<vmem>>, vector<10000x16xf32>,
    %get3A_9 = arith.constant 0 : index
    %get3A_10 = arith.constant 0 : index
    %get3A_11 = vector.load %arg0[%get3A_9, %get3A_10] : memref<10000x16xf32, #tpu.memory_space<vmem>>, vector<10000x16xf32>
    %mul3A = arith.mulf %broadcast_in_dim3A_6, %get3A_11 : vector<10000x16xf32>
    %swap3A_12 = arith.constant 0 : index
    %swap3A_13 = arith.constant 0 : index
    %swap3A_14 = vector.load %arg2[%swap3A_12, %swap3A_13] : memref<10112x16xf32, #tpu.memory_space<vmem>>, vector<10000x16xf32>
    tpu.vector_store %arg2[%swap3A_12, %swap3A_13], %mul3A {strides = array<i32>} : memref<10112x16xf32, #tpu.memory_space<vmem>>, vector<10000x16xf32>,
    %broadcast_in_dim3A_15 = arith.constant 0.000000e+00 : f32
    %broadcast_in_dim3A_16 = vector.broadcast %broadcast_in_dim3A_15 : f32 to vector<112x16xf32>
    %swap3A_17 = arith.constant 10000 : index
    %swap3A_18 = arith.constant 0 : index
    %swap3A_19 = vector.load %arg2[%swap3A_17, %swap3A_18] : memref<10112x16xf32, #tpu.memory_space<vmem>>, vector<112x16xf32>
    tpu.vector_store %arg2[%swap3A_17, %swap3A_18], %broadcast_in_dim3A_16 {strides = array<i32>} : memref<10112x16xf32, #tpu.memory_space<vmem>>, vector<112x16xf32>,
    return
  }
}

module attributes {stable_mosaic.version = 14 : i64} {
  func.func @_tc2_body(%arg0: memref<2x10112x16xf32, #tpu.memory_space<vmem>>, %arg1: memref<10112x16xf32, #tpu.memory_space<vmem>>, %arg2: memref<10000x16xf32, #tpu.memory_space<vmem>>, %arg3: memref<1x16xf32, #tpu.memory_space<vmem>>, %arg4: memref<16x16xf32, #tpu.memory_space<vmem>>, %arg5: memref<1x16xf32, #tpu.memory_space<vmem>>, %arg6: memref<16x16xf32, #tpu.memory_space<vmem>>, %arg7: memref<1x16xf32, #tpu.memory_space<vmem>>, %arg8: memref<16x16xf32, #tpu.memory_space<vmem>>, %arg9: memref<1x16xf32, #tpu.memory_space<vmem>>, %arg10: memref<16x16xf32, #tpu.memory_space<vmem>>, %arg11: memref<1x16xf32, #tpu.memory_space<vmem>>, %arg12: memref<10112x16xf32, #tpu.memory_space<vmem>>) attributes {dimension_semantics = [], scalar_prefetch = 0 : i64, scratch_operands = 0 : i64, tpu.core_type = #tpu.core_type<tc>} {
    %get3A = arith.constant 0 : index
    %get3A_0 = arith.constant 0 : index
    %get3A_1 = arith.constant 0 : index
    %get3A_2 = vector.load %arg0[%get3A, %get3A_0, %get3A_1] : memref<2x10112x16xf32, #tpu.memory_space<vmem>>, vector<2x10112x16xf32>
    %get3A_3 = arith.constant 0 : index
    %get3A_4 = arith.constant 0 : index
    %get3A_5 = vector.load %arg2[%get3A_3, %get3A_4] : memref<10000x16xf32, #tpu.memory_space<vmem>>, vector<10000x16xf32>
    %slice3A = vector.extract_strided_slice %get3A_2 {offsets = [0, 0, 0], sizes = [1, 10000, 16], strides = [1, 1, 1]} : vector<2x10112x16xf32> to vector<1x10000x16xf32>
    %squeeze3A = vector.shape_cast %slice3A : vector<1x10000x16xf32> to vector<10000x16xf32>
    %slice3A_6 = vector.extract_strided_slice %get3A_2 {offsets = [1, 0, 0], sizes = [1, 10000, 16], strides = [1, 1, 1]} : vector<2x10112x16xf32> to vector<1x10000x16xf32>
    %squeeze3A_7 = vector.shape_cast %slice3A_6 : vector<1x10000x16xf32> to vector<10000x16xf32>
    %add3A = arith.addf %squeeze3A, %squeeze3A_7 : vector<10000x16xf32>
    %get3A_8 = arith.constant 0 : index
    %get3A_9 = arith.constant 0 : index
    %get3A_10 = vector.load %arg1[%get3A_8, %get3A_9] : memref<10112x16xf32, #tpu.memory_space<vmem>>, vector<10000x16xf32>
    %add3A_11 = arith.addf %add3A, %get3A_10 : vector<10000x16xf32>
    %mul3A = arith.mulf %get3A_5, %add3A_11 : vector<10000x16xf32>
    %reduce_max3A = arith.constant dense<0xFF800000> : vector<16xf32>
    %reduce_max3A_12 = vector.multi_reduction <maximumf>, %mul3A, %reduce_max3A [0] : vector<10000x16xf32> to vector<16xf32>
    %broadcast_in_dim3A = vector.shape_cast %reduce_max3A_12 : vector<16xf32> to vector<1x16xf32>
    %get3A_13 = arith.constant 0 : index
    %get3A_14 = arith.constant 0 : index
    %get3A_15 = vector.load %arg3[%get3A_13, %get3A_14] : memref<1x16xf32, #tpu.memory_space<vmem>>, vector<1x16xf32>
    %get3A_16 = arith.constant 0 : index
    %get3A_17 = arith.constant 0 : index
    %get3A_18 = vector.load %arg4[%get3A_16, %get3A_17] : memref<16x16xf32, #tpu.memory_space<vmem>>, vector<16x16xf32>
    %dot_general3A = arith.constant dense<0.000000e+00> : vector<1x16xf32>
    %dot_general3A_19 = tpu.matmul %get3A_15, %get3A_18, %dot_general3A {dimension_numbers = #tpu.dot_dimension_numbers<[1], [0], [0], [1], [0, 0, 1, 1], [], []>, transpose_lhs_hint = false} : vector<1x16xf32>, vector<16x16xf32>, vector<1x16xf32> -> vector<1x16xf32>
    %get3A_20 = arith.constant 0 : index
    %get3A_21 = arith.constant 0 : index
    %get3A_22 = vector.load %arg5[%get3A_20, %get3A_21] : memref<1x16xf32, #tpu.memory_space<vmem>>, vector<1x16xf32>
    %add3A_23 = arith.addf %dot_general3A_19, %get3A_22 : vector<1x16xf32>
    %get3A_24 = arith.constant 0 : index
    %get3A_25 = arith.constant 0 : index
    %get3A_26 = vector.load %arg6[%get3A_24, %get3A_25] : memref<16x16xf32, #tpu.memory_space<vmem>>, vector<16x16xf32>
    %dot_general3A_27 = arith.constant dense<0.000000e+00> : vector<1x16xf32>
    %dot_general3A_28 = tpu.matmul %broadcast_in_dim3A, %get3A_26, %dot_general3A_27 {dimension_numbers = #tpu.dot_dimension_numbers<[1], [0], [0], [1], [0, 0, 1, 1], [], []>, transpose_lhs_hint = false} : vector<1x16xf32>, vector<16x16xf32>, vector<1x16xf32> -> vector<1x16xf32>
    %add3A_29 = arith.addf %add3A_23, %dot_general3A_28 : vector<1x16xf32>
    %get3A_30 = arith.constant 0 : index
    %get3A_31 = arith.constant 0 : index
    %get3A_32 = vector.load %arg7[%get3A_30, %get3A_31] : memref<1x16xf32, #tpu.memory_space<vmem>>, vector<1x16xf32>
    %add3A_33 = arith.addf %add3A_29, %get3A_32 : vector<1x16xf32>
    %max3A = arith.constant 0.000000e+00 : f32
    %max3A_34 = vector.broadcast %max3A : f32 to vector<10000x16xf32>
    %max3A_35 = arith.maximumf %mul3A, %max3A_34 : vector<10000x16xf32>
    %get3A_36 = arith.constant 0 : index
    %get3A_37 = arith.constant 0 : index
    %get3A_38 = vector.load %arg8[%get3A_36, %get3A_37] : memref<16x16xf32, #tpu.memory_space<vmem>>, vector<16x16xf32>
    %dot_general3A_39 = arith.constant dense<0.000000e+00> : vector<10000x16xf32>
    %dot_general3A_40 = tpu.matmul %max3A_35, %get3A_38, %dot_general3A_39 {dimension_numbers = #tpu.dot_dimension_numbers<[1], [0], [0], [1], [0, 0, 1, 1], [], []>, transpose_lhs_hint = false} : vector<10000x16xf32>, vector<16x16xf32>, vector<10000x16xf32> -> vector<10000x16xf32>
    %get3A_41 = arith.constant 0 : index
    %get3A_42 = arith.constant 0 : index
    %get3A_43 = vector.load %arg9[%get3A_41, %get3A_42] : memref<1x16xf32, #tpu.memory_space<vmem>>, vector<1x16xf32>
    %add3A_44 = vector.broadcast %get3A_43 : vector<1x16xf32> to vector<10000x16xf32>
    %add3A_45 = arith.addf %dot_general3A_40, %add3A_44 : vector<10000x16xf32>
    %get3A_46 = arith.constant 0 : index
    %get3A_47 = arith.constant 0 : index
    %get3A_48 = vector.load %arg10[%get3A_46, %get3A_47] : memref<16x16xf32, #tpu.memory_space<vmem>>, vector<16x16xf32>
    %dot_general3A_49 = arith.constant dense<0.000000e+00> : vector<1x16xf32>
    %dot_general3A_50 = tpu.matmul %add3A_33, %get3A_48, %dot_general3A_49 {dimension_numbers = #tpu.dot_dimension_numbers<[1], [0], [0], [1], [0, 0, 1, 1], [], []>, transpose_lhs_hint = false} : vector<1x16xf32>, vector<16x16xf32>, vector<1x16xf32> -> vector<1x16xf32>
    %add3A_51 = vector.broadcast %dot_general3A_50 : vector<1x16xf32> to vector<10000x16xf32>
    %add3A_52 = arith.addf %add3A_45, %add3A_51 : vector<10000x16xf32>
    %get3A_53 = arith.constant 0 : index
    %get3A_54 = arith.constant 0 : index
    %get3A_55 = vector.load %arg11[%get3A_53, %get3A_54] : memref<1x16xf32, #tpu.memory_space<vmem>>, vector<1x16xf32>
    %add3A_56 = vector.broadcast %get3A_55 : vector<1x16xf32> to vector<10000x16xf32>
    %add3A_57 = arith.addf %add3A_52, %add3A_56 : vector<10000x16xf32>
    %mul3A_58 = arith.mulf %get3A_5, %add3A_57 : vector<10000x16xf32>
    %swap3A = arith.constant 0 : index
    %swap3A_59 = arith.constant 0 : index
    %swap3A_60 = vector.load %arg12[%swap3A, %swap3A_59] : memref<10112x16xf32, #tpu.memory_space<vmem>>, vector<10000x16xf32>
    tpu.vector_store %arg12[%swap3A, %swap3A_59], %mul3A_58 {strides = array<i32>} : memref<10112x16xf32, #tpu.memory_space<vmem>>, vector<10000x16xf32>,
    %broadcast_in_dim3A_61 = arith.constant 0.000000e+00 : f32
    %broadcast_in_dim3A_62 = vector.broadcast %broadcast_in_dim3A_61 : f32 to vector<112x16xf32>
    %swap3A_63 = arith.constant 10000 : index
    %swap3A_64 = arith.constant 0 : index
    %swap3A_65 = vector.load %arg12[%swap3A_63, %swap3A_64] : memref<10112x16xf32, #tpu.memory_space<vmem>>, vector<112x16xf32>
    tpu.vector_store %arg12[%swap3A_63, %swap3A_64], %broadcast_in_dim3A_62 {strides = array<i32>} : memref<10112x16xf32, #tpu.memory_space<vmem>>, vector<112x16xf32>,
    return
  }
}

module attributes {stable_mosaic.version = 14 : i64} {
  func.func @_tc3_body(%arg0: memref<2x10112x16xf32, #tpu.memory_space<vmem>>, %arg1: memref<10112x16xf32, #tpu.memory_space<vmem>>, %arg2: memref<10000x16xf32, #tpu.memory_space<vmem>>, %arg3: memref<10000x16xf32, #tpu.memory_space<vmem>>) attributes {dimension_semantics = [], scalar_prefetch = 0 : i64, scratch_operands = 0 : i64, tpu.core_type = #tpu.core_type<tc>} {
    %get3A = arith.constant 0 : index
    %get3A_0 = arith.constant 0 : index
    %get3A_1 = arith.constant 0 : index
    %get3A_2 = vector.load %arg0[%get3A, %get3A_0, %get3A_1] : memref<2x10112x16xf32, #tpu.memory_space<vmem>>, vector<2x10112x16xf32>
    %get3A_3 = arith.constant 0 : index
    %get3A_4 = arith.constant 0 : index
    %get3A_5 = vector.load %arg2[%get3A_3, %get3A_4] : memref<10000x16xf32, #tpu.memory_space<vmem>>, vector<10000x16xf32>
    %slice3A = vector.extract_strided_slice %get3A_2 {offsets = [0, 0, 0], sizes = [1, 10000, 16], strides = [1, 1, 1]} : vector<2x10112x16xf32> to vector<1x10000x16xf32>
    %squeeze3A = vector.shape_cast %slice3A : vector<1x10000x16xf32> to vector<10000x16xf32>
    %slice3A_6 = vector.extract_strided_slice %get3A_2 {offsets = [1, 0, 0], sizes = [1, 10000, 16], strides = [1, 1, 1]} : vector<2x10112x16xf32> to vector<1x10000x16xf32>
    %squeeze3A_7 = vector.shape_cast %slice3A_6 : vector<1x10000x16xf32> to vector<10000x16xf32>
    %add3A = arith.addf %squeeze3A, %squeeze3A_7 : vector<10000x16xf32>
    %get3A_8 = arith.constant 0 : index
    %get3A_9 = arith.constant 0 : index
    %get3A_10 = vector.load %arg1[%get3A_8, %get3A_9] : memref<10112x16xf32, #tpu.memory_space<vmem>>, vector<10000x16xf32>
    %add3A_11 = arith.addf %add3A, %get3A_10 : vector<10000x16xf32>
    %mul3A = arith.mulf %get3A_5, %add3A_11 : vector<10000x16xf32>
    %logistic3A = arith.negf %mul3A : vector<10000x16xf32>
    %logistic3A_12 = math.exp %logistic3A : vector<10000x16xf32>
    %logistic3A_13 = arith.constant 1.000000e+00 : f32
    %logistic3A_14 = vector.broadcast %logistic3A_13 : f32 to vector<10000x16xf32>
    %logistic3A_15 = arith.addf %logistic3A_14, %logistic3A_12 : vector<10000x16xf32>
    %logistic3A_16 = arith.divf %logistic3A_14, %logistic3A_15 : vector<10000x16xf32>
    %swap3A = arith.constant 0 : index
    %swap3A_17 = arith.constant 0 : index
    %swap3A_18 = vector.load %arg3[%swap3A, %swap3A_17] : memref<10000x16xf32, #tpu.memory_space<vmem>>, vector<10000x16xf32>
    tpu.vector_store %arg3[%swap3A, %swap3A_17], %logistic3A_16 {strides = array<i32>} : memref<10000x16xf32, #tpu.memory_space<vmem>>, vector<10000x16xf32>,
    return
  }
}

</mosaic_0001>

<sc_bundles>
// kernel: kernel.12.cloned.1.call-start
scs
__scs_entry_jumppad:
0x0: {  	(pc) =	sbr.rel $0x88, $3  }
0x1: {  	(tag) =	ssettag $0x0;
	lr =	simm.s32 $0x1  }
0x2: {  	[smem:$0x3F92] =	sst lr;
	_ =	strace $0xD0000000  }
0x3: {  	_ = 	snop  }
0x4: {  	_ = 	snop  }
0x5: {  	_ = 	snop  }
0x6: {  	_ = 	snop  }
0x7: {  	_ = 	snop  }
__scs_overlays_trampoline_lowered:
0x8: {  	[smem:$0x3FA1] =	sst s0  }
0x9: {  	[smem:$0x3FA2] =	sst s1  }
0xa: {  	[smem:$0x3FA3] =	sst s2  }
0xb: {  	[smem:$0x3FA4] =	sst s3  }
0xc: {  	[smem:$0x3FA5] =	sst s4  }
0xd: {  	[smem:$0x3FA6] =	sst s5  }
0xe: {  	[smem:$0x3FA7] =	sst s6  }
0xf: {  	[smem:$0x3FA8] =	sst s7  }
0x10: {  	[smem:$0x3FA9] =	sst s8  }
0x11: {  	[smem:$0x3FAA] =	sst s9;
	s0 =	simm.s32 @!p0 $0x0  }
0x12: {  	s1 =	sld [smem:$0x3F90];
	s0 =	simm.s32 @p0 $0x1  }
0x13: {  	[smem:$0x3FAB] =	sst s0;
	s0 =	simm.s32 @!p1 $0x0  }
0x14: {  	s2 =	sld [smem:$0x3F8F];
	s0 =	simm.s32 @p1 $0x1  }
0x15: {  	[smem:$0x3FAC] =	sst s0;
	s0 =	simm.s32 @!p2 $0x0  }
0x16: {  	s3 =	sld [smem:$0x3FDB];
	s0 =	simm.s32 @p2 $0x1  }
0x17: {  	s4 =	simm.s32 $0x1BF5;
	[smem:$0x3FAE] =	sst s0  }
0x18: {  	s0 =	sld [smem:$0x3F91];
	_ =	swait.ge [sflag:s4], $0x0  }
0x19: {  	s7 =	sld [smem:$0x3F92]  }
0x1a: {  	s8 =	sadd.s32 $0xFFFFE003, lr  }
0x1b: {  	s9 =	sadd.s32 $0xFFFFFEF7, lr;
	s5 =	simm.s32 $0xFFFFFFFF;
	p2 =	slt.u32 s8, $0xFFFFF086  }
0x1c: {  	p1 =	slt.u32 s9, $0xF7A;
	s5 =	simm.s32 @!p2 $0x0  }
0x1d: {  	s5 =	simm.s32 @p1 $0x1;
	p0 =	seq.s32 s7, s2  }
0x1e: {  	s7 =	smul.u32 @!p0 $0xF7A, s2;
	p2 =	seq.s32 @!p0 s5, $0x0  }
0x1f: {  	s9 =	smul.u32 $0xF7A, s1;
	s8 =	simm.s32 @!p0 $0x1BF5;
	p2 =	por !p2, p0  }
0x20: {  	[sflag:s8] =	ssyncset.s32 @!p0 $0xFFFFF086;
	s6 =	sadd.s32 @!p0 s3, s7;
	s7 =	simm.s32 @!p0 $0x108  }
0x21: {  	s3 =	sadd.s32 s3, s9;
	s6 =	sadd.s32 @!p0 $0x88, s6;
	s7 =	simm.s32 @p2 $0x1082  }
0x22: {  	[simem:s7], [sflag:s8] =	dma.local @!p0 [hbm:s6], $0xF7A  }
0x23: {  	s9 =	sor.u32 $0xD0000000, s2;
	s6 =	simm.s32 $0x108;
	_ =	swait.ge @!p0 [sflag:s8], $0x0  }
0x24: {  	s3 =	sadd.s32 $0x88, s3;
	s6 =	simm.s32 @!p1 $0x1082;
	[sflag:s4] =	ssyncset.s32 $0xFFFFF086  }
0x25: {  	[simem:s6], [sflag:s4] =	dma.local [hbm:s3], $0xF7A  }
0x26: {  	[smem:$0x3F92] =	sst s1;
	(tag) =	ssettag s2;
	_ =	strace s9  }
0x27: {  	s1 =	sld [smem:$0x3FA2]  }
0x28: {  	s2 =	sld [smem:$0x3FA3]  }
0x29: {  	s4 =	sld [smem:$0x3FA5]  }
0x2a: {  	p0 =	seq.s32 s5, $0x0;
	s5 =	sld [smem:$0x3FA6]  }
0x2b: {  	s6 =	sld [smem:$0x3FA7]  }
0x2c: {  	s7 =	sld [smem:$0x3FA8]  }
0x2d: {  	s3 =	simm.s32 $0x108;
	s8 =	sld [smem:$0x3FA9]  }
0x2e: {  	s3 =	simm.s32 @!p0 $0x1082;
	s9 =	sld [smem:$0x3FAA]  }
0x2f: {  	lr =	sadd.s32 s0, s3;
	s0 =	sld [smem:$0x3FA1]  }
0x30: {  	s3 =	sld [smem:$0x3FA4]  }
0x31: {  	[smem:$0x3FAD] =	sst s10  }
0x32: {  	s10 =	sld [smem:$0x3FAB];
	_ =	sdelay $0x3  }
0x33: {  	p0 =	seq.s32 s10, $0x1;
	s10 =	sld [smem:$0x3FAD];
	_ =	sdelay $0x3  }
0x34: {  	[smem:$0x3FAD] =	sst s10  }
0x35: {  	s10 =	sld [smem:$0x3FAC];
	_ =	sdelay $0x3  }
0x36: {  	p1 =	seq.s32 s10, $0x1;
	s10 =	sld [smem:$0x3FAD];
	_ =	sdelay $0x3  }
0x37: {  	[smem:$0x3FAD] =	sst s10  }
0x38: {  	s10 =	sld [smem:$0x3FAE]  }
0x39: {  	_ = 	snop;
	(pc) =	sbr.ind lr, $3  }
0x3a: {  	_ = 	snop  }
0x3b: {  	_ = 	snop  }
0x3c: {  	p2 =	seq.s32 s10, $0x1;
	s10 =	sld [smem:$0x3FAD]  }
0x3d: {  	_ =	shalt  }
0x3e: {  	_ =	shalt  }
0x3f: {  	_ =	shalt  }
0x40: {  	_ =	shalt  }
0x41: {  	_ =	shalt  }
0x42: {  	_ =	shalt  }
0x43: {  	_ =	shalt  }
0x44: {  	_ =	shalt  }
0x45: {  	_ =	shalt  }
0x46: {  	_ =	shalt  }
0x47: {  	_ =	shalt  }
0x48: {  	_ =	shalt  }
0x49: {  	_ =	shalt  }
0x4a: {  	_ =	shalt  }
0x4b: {  	_ =	shalt  }
0x4c: {  	_ =	shalt  }
0x4d: {  	_ =	shalt  }
0x4e: {  	_ =	shalt  }
0x4f: {  	_ =	shalt  }
0x50: {  	_ =	shalt  }
0x51: {  	_ =	shalt  }
0x52: {  	_ =	shalt  }
0x53: {  	_ =	shalt  }
0x54: {  	_ =	shalt  }
0x55: {  	_ =	shalt  }
0x56: {  	_ =	shalt  }
0x57: {  	_ =	shalt  }
0x58: {  	_ =	shalt  }
0x59: {  	_ =	shalt  }
0x5a: {  	_ =	shalt  }
0x5b: {  	_ =	shalt  }
0x5c: {  	_ =	shalt  }
0x5d: {  	_ =	shalt  }
0x5e: {  	_ =	shalt  }
0x5f: {  	_ =	shalt  }
0x60: {  	_ =	shalt  }
0x61: {  	_ =	shalt  }
0x62: {  	_ =	shalt  }
0x63: {  	_ =	shalt  }
0x64: {  	_ =	shalt  }
0x65: {  	_ =	shalt  }
0x66: {  	_ =	shalt  }
0x67: {  	_ =	shalt  }
0x68: {  	_ =	shalt  }
0x69: {  	_ =	shalt  }
0x6a: {  	_ =	shalt  }
0x6b: {  	_ =	shalt  }
0x6c: {  	_ =	shalt  }
0x6d: {  	_ =	shalt  }
0x6e: {  	_ =	shalt  }
0x6f: {  	_ =	shalt  }
0x70: {  	_ =	shalt  }
0x71: {  	_ =	shalt  }
0x72: {  	_ =	shalt  }
0x73: {  	_ =	shalt  }
0x74: {  	_ =	shalt  }
0x75: {  	_ =	shalt  }
0x76: {  	_ =	shalt  }
0x77: {  	_ =	shalt  }
0x78: {  	_ =	shalt  }
0x79: {  	_ =	shalt  }
0x7a: {  	_ =	shalt  }
0x7b: {  	_ =	shalt  }
0x7c: {  	_ =	shalt  }
0x7d: {  	_ =	shalt  }
0x7e: {  	_ =	shalt  }
0x7f: {  	_ =	shalt  }
0x80: {  	_ =	shalt  }
0x81: {  	_ =	shalt  }
0x82: {  	_ =	shalt  }
0x83: {  	_ =	shalt  }
0x84: {  	_ =	shalt  }
0x85: {  	_ =	shalt  }
0x86: {  	_ =	shalt  }
0x87: {  	_ =	shalt  }
.Lfunc_end0:
.L_simem_size_0:
called_computation.1_lowered:
.L_overlay_start_0:
0x88: {  	s2 =	sld [smem:$0x3FD9]  }
0x89: {  	s3 =	sld [smem:$0x3FFE];
	_ =	sdelay $0x1  }
0x8a: {  	s1 =	srdreg.scid  }
0x8b: {  	s0 =	sand.u32 $0x1, s1  }
0x8c: {  	s17 =	sshll.u32 s0, $0xA;
	s2 =	sadd.s32 s3, s2  }
0x8d: {  	s2 =	sadd.s32 s2, s17  }
0x8e: {  	[smem:$0x3FB9] =	sst s2  }
0x8f: {  	_ = 	snop  }
0x90: {  	s2 =	sld [smem:$0x3FD0];
	(tm) =	ssettm $0x1  }
0x91: {  	s18 =	sld [smem:$0x3FFB];
	_ =	sdelay $0x3  }
0x92: {  	_ =	strace s18  }
0x93: {  	s3 =	sld [smem:$0x3FFC];
	_ =	sdelay $0x3  }
0x94: {  	_ =	strace s3  }
0x95: {  	s3 =	sld [smem:$0x3FFD];
	_ =	sdelay $0x3  }
0x96: {  	_ =	strace s3  }
0x97: {  	_ =	strace $0x8FFFFFFF  }
0x98: {  	s19 =	sld [smem:$0x3FDB];
	_ =	sdelay $0x1  }
0x99: {  	s4 =	simm.s32 $_scs_section_size  }
0x9a: {  	s5 =	simm.s32 $_size__tile_overlayer_lowered;
	s6 =	simm.s32 $_tile_overlayer_lowered  }
0x9b: {  	s22 =	simm.s32 $0x1BFF;
	s21 =	sshll.u32 s6, $0x1;
	s3 =	sadd.s32 s4, s19  }
0x9c: {  	s7 =	simm.s32 $0x0;
	s20 =	sshll.u32 s5, $0x1;
	s5 =	sadd.s32 s21, s3  }
0x9d: {  	[timem:s7], [sflag:s22] =	dma.local [hbm:s5], s20  }
0x9e: {  	_ =	swait.ge [sflag:s22], s20  }
0x9f: {  	s4 =	ssub.s32 $0x0, s20;
	[sflag:s22] =	ssyncset.done $0x0  }
0xa0: {  	[sflag:s22] =	ssyncadd.s32 s4;
	_ =	sdelay $0x1  }
0xa1: {  	s23 =	simm.s32 $0x1B8B  }
0xa2: {  	_ =	swait.ge [sflag:s23], $0x1  }
0xa3: {  	[sflag:s23] =	ssyncset.done $0x0  }
0xa4: {  	s25 =	simm.s32 $0x1B8E;
	s24 =	sld [smem:$0x3FFE];
	[sflag:s23] =	ssyncadd.s32 $0xFFFFFFFF  }
0xa5: {  	s26 =	simm.s32 $execute0_lowered;
	[smem:$0x3FD2] =	sst s25  }
0xa6: {  	s5 =	sshll.u32 s26, $0x1;
	_ =	strace $0x80000049;
	[dreg:$0x1] =	wrdreg $0xFFFFFFFF  }
0xa7: {  	s28 =	simm.s32 $_size_execute0_lowered;
	s3 =	sadd.s32 s3, s5;
	[dreg:$0x0] =	wrdreg $0x0  }
0xa8: {  	s5 =	sshll.u32 s28, $0x1;
	[dreg:$0x2] =	wrdreg s3  }
0xa9: {  	[dreg:$0x3] =	wrdreg s5  }
0xaa: {  	[dreg:$0x4] =	wrdreg $0xC0  }
0xab: {  	_ =	task [dreg:s7], $0x5FFFF  }
0xac: {  	[dreg:$0x1] =	wrdreg $0xFFFFFFFF  }
0xad: {  	[dreg:$0x0] =	wrdreg $0x60  }
0xae: {  	[dreg:$0x2] =	wrdreg s2  }
0xaf: {  	[dreg:$0x3] =	wrdreg s24  }
0xb0: {  	[dreg:$0x4] =	wrdreg $0x148200  }
0xb1: {  	[dreg:$0x5] =	wrdreg $0x16FA00  }
0xb2: {  	[dreg:$0x6] =	wrdreg $0x9  }
0xb3: {  	_ =	task.clear_ibuf [dreg:s7], $0x7FFFF;
	_ =	strace $0x90000049  }
0xb4: {  	s29 =	simm.s32 $0x9;
	_ =	strace $0x8000004B  }
0xb5: {  	_ =	swait.ge [sflag:s29], $0x1  }
0xb6: {  	[sflag:s29] =	ssyncadd.s32 $0xFFFFFFFF  }
0xb7: {  	_ =	strace $0x9000004B  }
0xb8: {  	_ =	sfence  }
0xb9: {  	s30 =	sld [smem:$0x0];
	_ =	sdelay $0x2  }
0xba: {  	s31 =	sshll.u32 s1, $0xD;
	s1 =	sshrl.u32 s1, $0x2  }
0xbb: {  	s3 =	sand.u32 $0x4000, s31;
	s1 =	sadd.s32 s1, s30  }
0xbc: {  	s0 =	sor.u32 s3, s0;
	s1 =	sshll.u32 s1, $0x11  }
0xbd: {  	s0 =	sor.u32 s1, s0  }
0xbe: {  	s0 =	sadd.s32 $0x8F2B, s0  }
0xbf: {  	[sflag:s0] =	ssyncadd.remote.s32 $0x1  }
0xc0: {  	_ =	sfence.sel $0xFFFF  }
0xc1: {  	[dreg:$0x0] =	wrdreg $0xFFFFFFFF;
	(pc) =	sbr.abs _section_cstart, $3  }
0xc2: {  	[dreg:$0x1] =	wrdreg $0xFFFFFFFF  }
0xc3: {  	_ =	task.clear_ibuf [dreg:s7], $0x2FFFF;
	_ =	strace $0x9FFFFFFF  }
0xc4: {  	(tm) =	ssettm $0x7FFFFFFF  }
0xc5: {  	_ =	shalt  }
tec
execute0_lowered:
.L_overlay_start_1:
0x0: {  	(tag) =	ssettag $0x1  }
0x1: {  	s0 =	srdreg.scid  }
0x2: {  	s8 =	sand.u32 $0x1, s0  }
0x3: {  	s1 =	rddreg [dreg:$0x0];
	s11 =	stileid.u32;
	s3 =	sshll.u32 s8, $0x4  }
0x4: {  	s2 =	rddreg [dreg:$0x2];
	s4 =	sor.u32 s11, s3  }
0x5: {  	s0 =	rddreg [dreg:$0x1];
	s5 =	smul.u32 $0x2710, s4;
	s4 =	simm.s32 $0x0  }
0x6: {  	s6 =	sadd.s32 $0x3200, s0;
	[smem:$0x7FF] =	sst s4  }
0x7: {  	s3 =	rddreg [dreg:$0x3];
	s7 =	sshrl.u32 s5, $0x3;
	_ =	strace $0x8000004A  }
0x8: {  	s25 =	sadd.s32 $0x3E8, s5;
	s10 =	sadd.s32 $0x4E5E8, s5;
	s12 =	sadd.s32 s6, s7  }
0x9: {  	s7 =	sshrl.u32 s25, $0x3;
	s9 =	sadd.s32 $0x9C40, s12;
	[dreg:$0x1c] =	wrdreg s12  }
0xa: {  	[tilespmem:s4], [sflag:$0x1] =	stream.linear.gather [hbm4b:s12+s4], $0x3E8, $0x38;
	[tilespmem:$0x19720] =	vst v63  }
0xb: {  	s26 =	sshrl.u32 s10, $0x3;
	s7 =	sadd.s32 s6, s7;
	[dreg:$0x5] =	wrdreg s9  }
0xc: {  	s14 =	sadd.s32 $0x4EDB8, s5;
	s28 =	sadd.s32 s6, s26;
	[dreg:$0x6] =	wrdreg s7  }
0xd: {  	s15 =	sshrl.u32 s14, $0x3;
	s13 =	sadd.s32 $0x9D3A, s12;
	[dreg:$0x7] =	wrdreg s28  }
0xe: {  	s16 =	sadd.s32 s6, s15;
	[dreg:$0x9] =	wrdreg s13  }
0xf: {  	s20 =	sadd.s32 $0x4F588, s5;
	s17 =	sadd.s32 $0x1F4, s12;
	[dreg:$0xb] =	wrdreg s16  }
0x10: {  	s21 =	sshrl.u32 s20, $0x3;
	s19 =	sadd.s32 $0x9E34, s12;
	[dreg:$0xc] =	wrdreg s17  }
0x11: {  	s22 =	sadd.s32 s6, s21;
	[dreg:$0xd] =	wrdreg s19  }
0x12: {  	s23 =	sadd.s32 $0x2EE, s12;
	[dreg:$0xf] =	wrdreg s22  }
0x13: {  	s25 =	sadd.s32 $0x9F2E, s12;
	[dreg:$0x10] =	wrdreg s23  }
0x14: {  	s14 =	sadd.s32 $0xA028, s12;
	[dreg:$0x11] =	wrdreg s25  }
0x15: {  	s10 =	sadd.s32 $0xBB8, s5;
	s9 =	sadd.s32 $0xFA, s12;
	[dreg:$0x15] =	wrdreg s14  }
0x16: {  	s7 =	sshrl.u32 s10, $0x3;
	s10 =	sadd.s32 $0x3E8, s12;
	[dreg:$0x8] =	wrdreg s9  }
0x17: {  	[dreg:$0x14] =	wrdreg s10  }
0x18: {  	s18 =	sadd.s32 $0x1388, s5;
	s7 =	sadd.s32 s6, s7;
	s15 =	rddreg [dreg:$0x5]  }
0x19: {  	s10 =	simm.s32 $0x2710;
	[dreg:$0xa] =	wrdreg s7;
	s7 =	sshrl.u32 s18, $0x3  }
0x1a: {  	[tilespmem:s10], [sflag:$0x1] =	stream.linear.gather [hbm4b:s15+s4], $0x3E8, $0x38;
	[tilespmem:$0x19720] =	vst v63  }
0x1b: {  	s24 =	sadd.s32 $0x1B58, s5;
	s16 =	rddreg [dreg:$0x6];
	s7 =	sadd.s32 s6, s7  }
0x1c: {  	[dreg:$0xe] =	wrdreg s7;
	s7 =	sshrl.u32 s24, $0x3  }
0x1d: {  	s13 =	sadd.s32 $0x2328, s5;
	s17 =	rddreg [dreg:$0x7];
	s7 =	sadd.s32 s6, s7  }
0x1e: {  	[dreg:$0x12] =	wrdreg s7;
	s7 =	sshrl.u32 s13, $0x3  }
0x1f: {  	s19 =	rddreg [dreg:$0x9];
	s7 =	sadd.s32 s6, s7  }
0x20: {  	[dreg:$0x16] =	wrdreg s7;
	s7 =	simm.s32 $0x3E8  }
0x21: {  	[tilespmem:s7], [sflag:$0x1] =	stream.linear.gather [hbm4b:s16+s4], $0x3E8, $0x38;
	[tilespmem:$0x19720] =	vst v63  }
0x22: {  	s12 =	simm.s32 $0x2AF8;
	s21 =	rddreg [dreg:$0xb]  }
0x23: {  	[tilespmem:s12], [sflag:$0x1] =	stream.linear.gather [hbm4b:s17+s4], $0x3E8, $0x38;
	[tilespmem:$0x19720] =	vst v63  }
0x24: {  	s18 =	rddreg [dreg:$0x8];
	s13 =	simm.s32 $0x7D0  }
0x25: {  	[tilespmem:s13], [sflag:$0x1] =	stream.linear.gather [hbm4b:s18+s4], $0x3E8, $0x38;
	[tilespmem:$0x19720] =	vst v63  }
0x26: {  	s14 =	simm.s32 $0x2EE0;
	s22 =	rddreg [dreg:$0xc]  }
0x27: {  	[tilespmem:s14], [sflag:$0x1] =	stream.linear.gather [hbm4b:s19+s4], $0x3E8, $0x38;
	[tilespmem:$0x19720] =	vst v63  }
0x28: {  	s15 =	simm.s32 $0xBB8;
	s20 =	rddreg [dreg:$0xa]  }
0x29: {  	[tilespmem:s15], [sflag:$0x1] =	stream.linear.gather [hbm4b:s20+s4], $0x3E8, $0x38;
	[tilespmem:$0x19720] =	vst v63  }
0x2a: {  	s26 =	sadd.s32 $0x4FD58, s5;
	s23 =	rddreg [dreg:$0xd];
	s16 =	simm.s32 $0x32C8  }
0x2b: {  	[tilespmem:s16], [sflag:$0x1] =	stream.linear.gather [hbm4b:s21+s4], $0x3E8, $0x38;
	[tilespmem:$0x19720] =	vst v63  }
0x2c: {  	s28 =	sshrl.u32 s26, $0x3;
	s25 =	rddreg [dreg:$0xf];
	s17 =	simm.s32 $0xFA0  }
0x2d: {  	[tilespmem:s17], [sflag:$0x1] =	stream.linear.gather [hbm4b:s22+s4], $0x3E8, $0x38;
	[tilespmem:$0x19720] =	vst v63  }
0x2e: {  	s5 =	sadd.s32 $0x50528, s5;
	s26 =	rddreg [dreg:$0x10];
	s18 =	simm.s32 $0x36B0  }
0x2f: {  	[tilespmem:s18], [sflag:$0x1] =	stream.linear.gather [hbm4b:s23+s4], $0x3E8, $0x38;
	[tilespmem:$0x19720] =	vst v63  }
0x30: {  	s9 =	sadd.s32 s6, s28;
	s24 =	rddreg [dreg:$0xe];
	s19 =	simm.s32 $0x1388  }
0x31: {  	[tilespmem:s19], [sflag:$0x1] =	stream.linear.gather [hbm4b:s24+s4], $0x3E8, $0x38;
	[tilespmem:$0x19720] =	vst v63  }
0x32: {  	s5 =	sshrl.u32 s5, $0x3;
	s28 =	rddreg [dreg:$0x11];
	s20 =	simm.s32 $0x3A98  }
0x33: {  	[tilespmem:s20], [sflag:$0x1] =	stream.linear.gather [hbm4b:s25+s4], $0x3E8, $0x38;
	[tilespmem:$0x19720] =	vst v63  }
0x34: {  	[dreg:$0x13] =	wrdreg s9;
	s5 =	sadd.s32 s6, s5;
	s21 =	simm.s32 $0x1770  }
0x35: {  	[tilespmem:s21], [sflag:$0x1] =	stream.linear.gather [hbm4b:s26+s4], $0x3E8, $0x38;
	[tilespmem:$0x19720] =	vst v63  }
0x36: {  	[dreg:$0x17] =	wrdreg s5;
	s22 =	simm.s32 $0x3E80  }
0x37: {  	[tilespmem:s22], [sflag:$0x1] =	stream.linear.gather [hbm4b:s28+s4], $0x3E8, $0x38;
	[tilespmem:$0x19720] =	vst v63  }
0x38: {  	s9 =	rddreg [dreg:$0x12];
	s23 =	simm.s32 $0x1B58  }
0x39: {  	[tilespmem:s23], [sflag:$0x1] =	stream.linear.gather [hbm4b:s9+s4], $0x3E8, $0x38;
	[tilespmem:$0x19720] =	vst v63  }
0x3a: {  	s24 =	rddreg [dreg:$0x13];
	s25 =	simm.s32 $0x4268  }
0x3b: {  	[tilespmem:s25], [sflag:$0x1] =	stream.linear.gather [hbm4b:s24+s4], $0x3E8, $0x38;
	[tilespmem:$0x19720] =	vst v63  }
0x3c: {  	s26 =	rddreg [dreg:$0x14];
	s28 =	simm.s32 $0x1F40  }
0x3d: {  	[tilespmem:s28], [sflag:$0x1] =	stream.linear.gather [hbm4b:s26+s4], $0x3E8, $0x38;
	[tilespmem:$0x19720] =	vst v63  }
0x3e: {  	s9 =	rddreg [dreg:$0x15];
	s24 =	simm.s32 $0x4650  }
0x3f: {  	[tilespmem:s24], [sflag:$0x1] =	stream.linear.gather [hbm4b:s9+s4], $0x3E8, $0x38;
	[tilespmem:$0x19720] =	vst v63  }
0x40: {  	s6 =	smul.u32 $0x2780, s11;
	s25 =	rddreg [dreg:$0x16];
	s26 =	simm.s32 $0x2328  }
0x41: {  	[tilespmem:s26], [sflag:$0x1] =	stream.linear.gather [hbm4b:s25+s4], $0x3E8, $0x38;
	[tilespmem:$0x19720] =	vst v63  }
0x42: {  	s5 =	sshrl.u32 s6, $0x3;
	s9 =	rddreg [dreg:$0x17];
	s24 =	simm.s32 $0x4A38  }
0x43: {  	[tilespmem:s24], [sflag:$0x1] =	stream.linear.gather [hbm4b:s9+s4], $0x3E8, $0x38;
	[tilespmem:$0x19720] =	vst v63  }
0x44: {  	s1 =	sadd.s32 s1, s5;
	s25 =	sadd.s32 s6, s2;
	s9 =	smul.u32 $0x27800, s8  }
0x45: {  	[dreg:$0x18] =	wrdreg s1;
	s25 =	sshrl.u32 s25, $0x3  }
0x46: {  	s5 =	sadd.s32 s5, s0;
	[dreg:$0x1b] =	wrdreg s25;
	s9 =	sadd.s32 s6, s9  }
0x47: {  	s25 =	sadd.s32 $0x16C00, s5;
	s5 =	rddreg [dreg:$0x1b];
	s1 =	sshrl.u32 s9, $0x3  }
0x48: {  	[dreg:$0x19] =	wrdreg s25;
	s0 =	sadd.s32 s1, s0  }
0x49: {  	s25 =	sshll.u32 s11, $0x6;
	s9 =	rddreg [dreg:$0x18];
	s0 =	sadd.s32 $0x1BC00, s0  }
0x4a: {  	s11 =	sor.u32 $0x1C04, s25;
	s25 =	simm.s32 $0x4;
	[dreg:$0x1a] =	wrdreg s0  }
0x4b: {  	[spmem:s5], [sflag:s11] =	dma.local [hbm:s9], $0x4F0  }
0x4c: {  	_ =	swait.ge [sflag:s25], $0x4F0  }
0x4d: {  	s9 =	sadd.s32 s6, s3;
	[sflag:s25] =	ssyncset.done $0x0  }
0x4e: {  	s5 =	sshrl.u32 s9, $0x3;
	s0 =	rddreg [dreg:$0x19];
	[sflag:s25] =	ssyncadd.s32 $0xFFFFFB10  }
0x4f: {  	[spmem:s5], [sflag:s11] =	dma.local [hbm:s0], $0x4F0  }
0x50: {  	_ =	swait.ge [sflag:s25], $0x4F0  }
0x51: {  	[sflag:s25] =	ssyncset.done $0x0  }
0x52: {  	s29 =	simm.s32 $0x1;
	[sflag:s25] =	ssyncadd.s32 $0xFFFFFB10  }
0x53: {  	_ =	swait.ge [sflag:s29], $0x3E8  }
0x54: {  	[sflag:s29] =	ssyncset.done $0x0  }
0x55: {  	[sflag:s29] =	ssyncadd.s32 $0xFFFFFC18  }
0x56: {  	_ =	swait.ge [sflag:s29], $0x3E8  }
0x57: {  	[sflag:s29] =	ssyncset.done $0x0  }
0x58: {  	[sflag:s29] =	ssyncadd.s32 $0xFFFFFC18  }
0x59: {  	_ =	swait.ge [sflag:s29], $0x3E8  }
0x5a: {  	[sflag:s29] =	ssyncset.done $0x0  }
0x5b: {  	[sflag:s29] =	ssyncadd.s32 $0xFFFFFC18  }
0x5c: {  	_ =	swait.ge [sflag:s29], $0x3E8  }
0x5d: {  	[sflag:s29] =	ssyncset.done $0x0  }
0x5e: {  	[sflag:s29] =	ssyncadd.s32 $0xFFFFFC18  }
0x5f: {  	_ =	swait.ge [sflag:s29], $0x3E8  }
0x60: {  	[sflag:s29] =	ssyncset.done $0x0  }
0x61: {  	[sflag:s29] =	ssyncadd.s32 $0xFFFFFC18  }
0x62: {  	_ =	swait.ge [sflag:s29], $0x3E8  }
0x63: {  	[sflag:s29] =	ssyncset.done $0x0  }
0x64: {  	[sflag:s29] =	ssyncadd.s32 $0xFFFFFC18  }
0x65: {  	_ =	swait.ge [sflag:s29], $0x3E8  }
0x66: {  	[sflag:s29] =	ssyncset.done $0x0  }
0x67: {  	[sflag:s29] =	ssyncadd.s32 $0xFFFFFC18  }
0x68: {  	_ =	swait.ge [sflag:s29], $0x3E8  }
0x69: {  	[sflag:s29] =	ssyncset.done $0x0  }
0x6a: {  	[sflag:s29] =	ssyncadd.s32 $0xFFFFFC18  }
0x6b: {  	_ =	swait.ge [sflag:s29], $0x3E8  }
0x6c: {  	[sflag:s29] =	ssyncset.done $0x0  }
0x6d: {  	[sflag:s29] =	ssyncadd.s32 $0xFFFFFC18  }
0x6e: {  	_ =	swait.ge [sflag:s29], $0x3E8  }
0x6f: {  	[sflag:s29] =	ssyncset.done $0x0  }
0x70: {  	[sflag:s29] =	ssyncadd.s32 $0xFFFFFC18  }
0x71: {  	_ =	swait.ge [sflag:s29], $0x3E8  }
0x72: {  	[sflag:s29] =	ssyncset.done $0x0  }
0x73: {  	[sflag:s29] =	ssyncadd.s32 $0xFFFFFC18  }
0x74: {  	_ =	swait.ge [sflag:s29], $0x3E8  }
0x75: {  	[sflag:s29] =	ssyncset.done $0x0  }
0x76: {  	[sflag:s29] =	ssyncadd.s32 $0xFFFFFC18  }
0x77: {  	_ =	swait.ge [sflag:s29], $0x3E8  }
0x78: {  	[sflag:s29] =	ssyncset.done $0x0  }
0x79: {  	[sflag:s29] =	ssyncadd.s32 $0xFFFFFC18  }
0x7a: {  	_ =	swait.ge [sflag:s29], $0x3E8  }
0x7b: {  	[sflag:s29] =	ssyncset.done $0x0  }
0x7c: {  	[sflag:s29] =	ssyncadd.s32 $0xFFFFFC18  }
0x7d: {  	_ =	swait.ge [sflag:s29], $0x3E8  }
0x7e: {  	[sflag:s29] =	ssyncset.done $0x0  }
0x7f: {  	[sflag:s29] =	ssyncadd.s32 $0xFFFFFC18  }
0x80: {  	_ =	swait.ge [sflag:s29], $0x3E8  }
0x81: {  	[sflag:s29] =	ssyncset.done $0x0  }
0x82: {  	[sflag:s29] =	ssyncadd.s32 $0xFFFFFC18  }
0x83: {  	_ =	swait.ge [sflag:s29], $0x3E8  }
0x84: {  	[sflag:s29] =	ssyncset.done $0x0  }
0x85: {  	[sflag:s29] =	ssyncadd.s32 $0xFFFFFC18  }
0x86: {  	_ =	swait.ge [sflag:s29], $0x3E8  }
0x87: {  	[sflag:s29] =	ssyncset.done $0x0  }
0x88: {  	[sflag:s29] =	ssyncadd.s32 $0xFFFFFC18  }
0x89: {  	_ =	swait.ge [sflag:s29], $0x3E8  }
0x8a: {  	[sflag:s29] =	ssyncset.done $0x0  }
0x8b: {  	[sflag:s29] =	ssyncadd.s32 $0xFFFFFC18  }
0x8c: {  	_ =	swait.ge [sflag:s29], $0x3E8  }
0x8d: {  	[sflag:s29] =	ssyncset.done $0x0  }
0x8e: {  	[sflag:s29] =	ssyncadd.s32 $0xFFFFFC18  }
0x8f: {  	s30 =	simm.s32 $0x4E20;
	s31 =	simm.s32 $0x2;
	[bflag:$0x0] =	sbarrier.arrive $0xFFFF  }
0x90: {  	[tilespmem:s30], [sflag:$0x2] =	stream.indirect.gather [spmem:s2], $0x10, s4, s7, $0xb8;
	[tilespmem:$0x19720] =	vst v63  }
0x91: {  	_ =	swait.ge [sflag:s31], $0x3E80  }
0x92: {  	[sflag:s31] =	ssyncset.done $0x0  }
0x93: {  	s1 =	simm.s32 $0x8CA0;
	[sflag:s31] =	ssyncadd.s32 $0xFFFFC180  }
0x94: {  	[tilespmem:s1], [sflag:$0x2] =	stream.indirect.gather [spmem:s2], $0x10, s7, s7, $0xb8;
	[tilespmem:$0x19720] =	vst v63  }
0x95: {  	_ = 	snop  }
0x96: {  	[spmem:s3] =	stream.indirect.scatter.add.f32 [tilespmem:s30], [sflag:$0x3], $0x10, s10, s7, $0xb8;
	[tilespmem:$0x19720] =	vst v63  }
0x97: {  	_ =	swait.ge [sflag:s31], $0x3E80  }
0x98: {  	[sflag:s31] =	ssyncset.done $0x0  }
0x99: {  	s10 =	simm.s32 $0xCB20;
	[sflag:s31] =	ssyncadd.s32 $0xFFFFC180  }
0x9a: {  	[tilespmem:s10], [sflag:$0x2] =	stream.indirect.gather [spmem:s2], $0x10, s13, s7, $0xb8;
	[tilespmem:$0x19720] =	vst v63  }
0x9b: {  	_ = 	snop  }
0x9c: {  	[spmem:s3] =	stream.indirect.scatter.add.f32 [tilespmem:s1], [sflag:$0x3], $0x10, s12, s7, $0xb8;
	[tilespmem:$0x19720] =	vst v63  }
0x9d: {  	_ =	swait.ge [sflag:s31], $0x3E80  }
0x9e: {  	[sflag:s31] =	ssyncset.done $0x0  }
0x9f: {  	s13 =	simm.s32 $0x109A0;
	[sflag:s31] =	ssyncadd.s32 $0xFFFFC180  }
0xa0: {  	[tilespmem:s13], [sflag:$0x2] =	stream.indirect.gather [spmem:s2], $0x10, s15, s7, $0xb8;
	[tilespmem:$0x19720] =	vst v63  }
0xa1: {  	_ = 	snop  }
0xa2: {  	[spmem:s3] =	stream.indirect.scatter.add.f32 [tilespmem:s10], [sflag:$0x3], $0x10, s14, s7, $0xb8;
	[tilespmem:$0x19720] =	vst v63  }
0xa3: {  	_ =	swait.ge [sflag:s31], $0x3E80  }
0xa4: {  	[sflag:s31] =	ssyncset.done $0x0  }
0xa5: {  	s6 =	simm.s32 $0x3;
	[sflag:s31] =	ssyncadd.s32 $0xFFFFC180  }
0xa6: {  	_ =	swait.ge [sflag:s6], $0x3E80  }
0xa7: {  	[sflag:s6] =	ssyncset.done $0x0  }
0xa8: {  	[sflag:s6] =	ssyncadd.s32 $0xFFFFC180  }
0xa9: {  	[tilespmem:s30], [sflag:$0x2] =	stream.indirect.gather [spmem:s2], $0x10, s17, s7, $0xb8;
	[tilespmem:$0x19720] =	vst v63  }
0xaa: {  	_ = 	snop  }
0xab: {  	[spmem:s3] =	stream.indirect.scatter.add.f32 [tilespmem:s13], [sflag:$0x3], $0x10, s16, s7, $0xb8;
	[tilespmem:$0x19720] =	vst v63  }
0xac: {  	_ =	swait.ge [sflag:s31], $0x3E80  }
0xad: {  	[sflag:s31] =	ssyncset.done $0x0  }
0xae: {  	[sflag:s31] =	ssyncadd.s32 $0xFFFFC180  }
0xaf: {  	_ =	swait.ge [sflag:s6], $0x3E80  }
0xb0: {  	[sflag:s6] =	ssyncset.done $0x0  }
0xb1: {  	[sflag:s6] =	ssyncadd.s32 $0xFFFFC180  }
0xb2: {  	[tilespmem:s1], [sflag:$0x2] =	stream.indirect.gather [spmem:s2], $0x10, s19, s7, $0xb8;
	[tilespmem:$0x19720] =	vst v63  }
0xb3: {  	_ = 	snop  }
0xb4: {  	[spmem:s3] =	stream.indirect.scatter.add.f32 [tilespmem:s30], [sflag:$0x3], $0x10, s18, s7, $0xb8;
	[tilespmem:$0x19720] =	vst v63  }
0xb5: {  	_ =	swait.ge [sflag:s31], $0x3E80  }
0xb6: {  	[sflag:s31] =	ssyncset.done $0x0  }
0xb7: {  	[sflag:s31] =	ssyncadd.s32 $0xFFFFC180  }
0xb8: {  	_ =	swait.ge [sflag:s6], $0x3E80  }
0xb9: {  	[sflag:s6] =	ssyncset.done $0x0  }
0xba: {  	[sflag:s6] =	ssyncadd.s32 $0xFFFFC180  }
0xbb: {  	[tilespmem:s10], [sflag:$0x2] =	stream.indirect.gather [spmem:s2], $0x10, s21, s7, $0xb8;
	[tilespmem:$0x19720] =	vst v63  }
0xbc: {  	_ = 	snop  }
0xbd: {  	[spmem:s3] =	stream.indirect.scatter.add.f32 [tilespmem:s1], [sflag:$0x3], $0x10, s20, s7, $0xb8;
	[tilespmem:$0x19720] =	vst v63  }
0xbe: {  	_ =	swait.ge [sflag:s31], $0x3E80  }
0xbf: {  	[sflag:s31] =	ssyncset.done $0x0  }
0xc0: {  	[sflag:s31] =	ssyncadd.s32 $0xFFFFC180  }
0xc1: {  	_ =	swait.ge [sflag:s6], $0x3E80  }
0xc2: {  	[sflag:s6] =	ssyncset.done $0x0  }
0xc3: {  	[sflag:s6] =	ssyncadd.s32 $0xFFFFC180  }
0xc4: {  	[tilespmem:s13], [sflag:$0x2] =	stream.indirect.gather [spmem:s2], $0x10, s23, s7, $0xb8;
	[tilespmem:$0x19720] =	vst v63  }
0xc5: {  	_ = 	snop  }
0xc6: {  	[spmem:s3] =	stream.indirect.scatter.add.f32 [tilespmem:s10], [sflag:$0x3], $0x10, s22, s7, $0xb8;
	[tilespmem:$0x19720] =	vst v63  }
0xc7: {  	_ =	swait.ge [sflag:s31], $0x3E80  }
0xc8: {  	[sflag:s31] =	ssyncset.done $0x0  }
0xc9: {  	[sflag:s31] =	ssyncadd.s32 $0xFFFFC180  }
0xca: {  	_ =	swait.ge [sflag:s6], $0x3E80  }
0xcb: {  	[sflag:s6] =	ssyncset.done $0x0  }
0xcc: {  	[sflag:s6] =	ssyncadd.s32 $0xFFFFC180  }
0xcd: {  	[tilespmem:s30], [sflag:$0x2] =	stream.indirect.gather [spmem:s2], $0x10, s28, s7, $0xb8;
	[tilespmem:$0x19720] =	vst v63  }
0xce: {  	s22 =	simm.s32 $0x4268  }
0xcf: {  	[spmem:s3] =	stream.indirect.scatter.add.f32 [tilespmem:s13], [sflag:$0x3], $0x10, s22, s7, $0xb8;
	[tilespmem:$0x19720] =	vst v63  }
0xd0: {  	_ =	swait.ge [sflag:s31], $0x3E80  }
0xd1: {  	[sflag:s31] =	ssyncset.done $0x0  }
0xd2: {  	[sflag:s31] =	ssyncadd.s32 $0xFFFFC180  }
0xd3: {  	_ =	swait.ge [sflag:s6], $0x3E80  }
0xd4: {  	[sflag:s6] =	ssyncset.done $0x0  }
0xd5: {  	[sflag:s6] =	ssyncadd.s32 $0xFFFFC180  }
0xd6: {  	[tilespmem:s1], [sflag:$0x2] =	stream.indirect.gather [spmem:s2], $0x10, s26, s7, $0xb8;
	[tilespmem:$0x19720] =	vst v63  }
0xd7: {  	s23 =	simm.s32 $0x4650  }
0xd8: {  	[spmem:s3] =	stream.indirect.scatter.add.f32 [tilespmem:s30], [sflag:$0x3], $0x10, s23, s7, $0xb8;
	[tilespmem:$0x19720] =	vst v63  }
0xd9: {  	_ =	swait.ge [sflag:s31], $0x3E80  }
0xda: {  	[sflag:s31] =	ssyncset.done $0x0  }
0xdb: {  	[sflag:s31] =	ssyncadd.s32 $0xFFFFC180  }
0xdc: {  	[spmem:s3] =	stream.indirect.scatter.add.f32 [tilespmem:s1], [sflag:$0x3], $0x10, s24, s7, $0xb8;
	[tilespmem:$0x19720] =	vst v63  }
0xdd: {  	_ =	swait.ge [sflag:s6], $0x3E80  }
0xde: {  	[sflag:s6] =	ssyncset.done $0x0  }
0xdf: {  	[sflag:s6] =	ssyncadd.s32 $0xFFFFC180  }
0xe0: {  	_ =	swait.ge [sflag:s6], $0x3E80  }
0xe1: {  	[sflag:s6] =	ssyncset.done $0x0  }
0xe2: {  	[sflag:s6] =	ssyncadd.s32 $0xFFFFC180  }
0xe3: {  	_ =	swait.ge [sflag:s6], $0x3E80  }
0xe4: {  	s8 =	ssub.s32 $0x2, s8;
	[sflag:s6] =	ssyncset.done $0x0  }
0xe5: {  	s28 =	sshrl.u32 s8, $0x1;
	[sflag:s6] =	ssyncadd.s32 $0xFFFFC180  }
0xe6: {  	s8 =	ssub.s32 s8, s28;
	_ =	swait.ge [sflag:s6], $0x3E80  }
0xe7: {  	s8 =	smax.u32 s8, $0x1;
	[sflag:s6] =	ssyncset.done $0x0  }
0xe8: {  	p0 =	sne.s32 s8, $0x1;
	[sflag:s6] =	ssyncadd.s32 $0xFFFFC180  }
.Ltmp0:
0xe9: {  	[bflag:$0x0] =	sbarrier.arrive $0xFFFF;
	(pc) =	sbr.rel @!p0 .LBB2_3-.Ltmp0, $4  }
0xea: {  	s26 =	rddreg [dreg:$0x1a]  }
0xeb: {  	[dreg:$0x1d] =	wrdreg s11  }
0xec: {  	s8 =	sadd.s32 $0xFFFFFFFF, s8;
	[dreg:$0x1e] =	wrdreg s5  }
0xed: {  	[hbm:s26], [sflag:s11] =	dma.local [spmem:s5], $0x4F0  }
0xee: {  	s14 =	simm.s32 $0x2AF8  }
0xef: {  	s15 =	simm.s32 $0x7D0;
	s16 =	simm.s32 $0x2EE0;
	s17 =	simm.s32 $0xBB8  }
0xf0: {  	s18 =	simm.s32 $0x32C8;
	s19 =	simm.s32 $0xFA0;
	s20 =	simm.s32 $0x36B0  }
0xf1: {  	s21 =	simm.s32 $0x1388;
	s22 =	simm.s32 $0x3A98;
	s23 =	simm.s32 $0x1770  }
0xf2: {  	s24 =	simm.s32 $0x3E80;
	s28 =	simm.s32 $0x1B58;
	s5 =	simm.s32 $0x1F40  }
.LBB2_2:
0xf3: {  	_ =	swait.ge [sflag:s25], $0x4F0  }
0xf4: {  	s10 =	rddreg [dreg:$0x6]  }
0xf5: {  	[sflag:s25] =	ssyncset.done $0x0;
	s11 =	rddreg [dreg:$0x5]  }
0xf6: {  	s9 =	rddreg [dreg:$0x1c];
	[sflag:s25] =	ssyncadd.s32 $0xFFFFFB10  }
0xf7: {  	[tilespmem:s4], [sflag:$0x1] =	stream.linear.gather [hbm4b:s9+s4], $0x3E8, $0x38;
	[tilespmem:$0x19720] =	vst v63  }
0xf8: {  	s13 =	simm.s32 $0x2710;
	s12 =	rddreg [dreg:$0x7]  }
0xf9: {  	[tilespmem:s13], [sflag:$0x1] =	stream.linear.gather [hbm4b:s11+s4], $0x3E8, $0x38;
	[tilespmem:$0x19720] =	vst v63  }
0xfa: {  	s26 =	rddreg [dreg:$0x8]  }
0xfb: {  	[tilespmem:s7], [sflag:$0x1] =	stream.linear.gather [hbm4b:s10+s4], $0x3E8, $0x38;
	[tilespmem:$0x19720] =	vst v63  }
0xfc: {  	s0 =	rddreg [dreg:$0x9]  }
0xfd: {  	[tilespmem:s14], [sflag:$0x1] =	stream.linear.gather [hbm4b:s12+s4], $0x3E8, $0x38;
	[tilespmem:$0x19720] =	vst v63  }
0xfe: {  	s9 =	rddreg [dreg:$0x18]  }
0xff: {  	[tilespmem:s15], [sflag:$0x1] =	stream.linear.gather [hbm4b:s26+s4], $0x3E8, $0x38;
	[tilespmem:$0x19720] =	vst v63  }
0x100: {  	s11 =	rddreg [dreg:$0x17]  }
0x101: {  	[tilespmem:s16], [sflag:$0x1] =	stream.linear.gather [hbm4b:s0+s4], $0x3E8, $0x38;
	[tilespmem:$0x19720] =	vst v63  }
0x102: {  	s12 =	rddreg [dreg:$0xa]  }
0x103: {  	[tilespmem:s17], [sflag:$0x1] =	stream.linear.gather [hbm4b:s12+s4], $0x3E8, $0x38;
	[tilespmem:$0x19720] =	vst v63  }
0x104: {  	s26 =	rddreg [dreg:$0xb]  }
0x105: {  	[tilespmem:s18], [sflag:$0x1] =	stream.linear.gather [hbm4b:s26+s4], $0x3E8, $0x38;
	[tilespmem:$0x19720] =	vst v63  }
0x106: {  	s0 =	rddreg [dreg:$0xc]  }
0x107: {  	[tilespmem:s19], [sflag:$0x1] =	stream.linear.gather [hbm4b:s0+s4], $0x3E8, $0x38;
	[tilespmem:$0x19720] =	vst v63  }
0x108: {  	s12 =	rddreg [dreg:$0xd]  }
0x109: {  	[tilespmem:s20], [sflag:$0x1] =	stream.linear.gather [hbm4b:s12+s4], $0x3E8, $0x38;
	[tilespmem:$0x19720] =	vst v63  }
0x10a: {  	s26 =	rddreg [dreg:$0xe]  }
0x10b: {  	[tilespmem:s21], [sflag:$0x1] =	stream.linear.gather [hbm4b:s26+s4], $0x3E8, $0x38;
	[tilespmem:$0x19720] =	vst v63  }
0x10c: {  	s0 =	rddreg [dreg:$0xf]  }
0x10d: {  	[tilespmem:s22], [sflag:$0x1] =	stream.linear.gather [hbm4b:s0+s4], $0x3E8, $0x38;
	[tilespmem:$0x19720] =	vst v63  }
0x10e: {  	s12 =	rddreg [dreg:$0x10]  }
0x10f: {  	[tilespmem:s23], [sflag:$0x1] =	stream.linear.gather [hbm4b:s12+s4], $0x3E8, $0x38;
	[tilespmem:$0x19720] =	vst v63  }
0x110: {  	s26 =	rddreg [dreg:$0x11]  }
0x111: {  	[tilespmem:s24], [sflag:$0x1] =	stream.linear.gather [hbm4b:s26+s4], $0x3E8, $0x38;
	[tilespmem:$0x19720] =	vst v63  }
0x112: {  	s0 =	rddreg [dreg:$0x12]  }
0x113: {  	[tilespmem:s28], [sflag:$0x1] =	stream.linear.gather [hbm4b:s0+s4], $0x3E8, $0x38;
	[tilespmem:$0x19720] =	vst v63  }
0x114: {  	s12 =	rddreg [dreg:$0x13];
	s0 =	simm.s32 $0x4268  }
0x115: {  	[tilespmem:s0], [sflag:$0x1] =	stream.linear.gather [hbm4b:s12+s4], $0x3E8, $0x38;
	[tilespmem:$0x19720] =	vst v63  }
0x116: {  	s26 =	rddreg [dreg:$0x14]  }
0x117: {  	[tilespmem:s5], [sflag:$0x1] =	stream.linear.gather [hbm4b:s26+s4], $0x3E8, $0x38;
	[tilespmem:$0x19720] =	vst v63  }
0x118: {  	s10 =	rddreg [dreg:$0x15];
	s26 =	simm.s32 $0x4650  }
0x119: {  	[tilespmem:s26], [sflag:$0x1] =	stream.linear.gather [hbm4b:s10+s4], $0x3E8, $0x38;
	[tilespmem:$0x19720] =	vst v63  }
0x11a: {  	s12 =	rddreg [dreg:$0x16];
	s26 =	simm.s32 $0x2328  }
0x11b: {  	[tilespmem:s26], [sflag:$0x1] =	stream.linear.gather [hbm4b:s12+s4], $0x3E8, $0x38;
	[tilespmem:$0x19720] =	vst v63  }
0x11c: {  	s10 =	rddreg [dreg:$0x1b];
	s12 =	simm.s32 $0x4A38  }
0x11d: {  	[tilespmem:s12], [sflag:$0x1] =	stream.linear.gather [hbm4b:s11+s4], $0x3E8, $0x38;
	[tilespmem:$0x19720] =	vst v63  }
0x11e: {  	s11 =	rddreg [dreg:$0x1d]  }
0x11f: {  	[spmem:s10], [sflag:s11] =	dma.local [hbm:s9], $0x4F0  }
0x120: {  	_ =	swait.ge [sflag:s25], $0x4F0  }
0x121: {  	[sflag:s25] =	ssyncset.done $0x0;
	s9 =	rddreg [dreg:$0x19]  }
0x122: {  	s10 =	rddreg [dreg:$0x1e];
	[sflag:s25] =	ssyncadd.s32 $0xFFFFFB10  }
0x123: {  	[spmem:s10], [sflag:s11] =	dma.local [hbm:s9], $0x4F0  }
0x124: {  	_ =	swait.ge [sflag:s25], $0x4F0  }
0x125: {  	[sflag:s25] =	ssyncset.done $0x0  }
0x126: {  	[sflag:s25] =	ssyncadd.s32 $0xFFFFFB10  }
0x127: {  	_ =	swait.ge [sflag:s29], $0x3E8  }
0x128: {  	[sflag:s29] =	ssyncset.done $0x0  }
0x129: {  	[sflag:s29] =	ssyncadd.s32 $0xFFFFFC18  }
0x12a: {  	_ =	swait.ge [sflag:s29], $0x3E8  }
0x12b: {  	[sflag:s29] =	ssyncset.done $0x0  }
0x12c: {  	[sflag:s29] =	ssyncadd.s32 $0xFFFFFC18  }
0x12d: {  	_ =	swait.ge [sflag:s29], $0x3E8  }
0x12e: {  	[sflag:s29] =	ssyncset.done $0x0  }
0x12f: {  	[sflag:s29] =	ssyncadd.s32 $0xFFFFFC18  }
0x130: {  	_ =	swait.ge [sflag:s29], $0x3E8  }
0x131: {  	[sflag:s29] =	ssyncset.done $0x0  }
0x132: {  	[sflag:s29] =	ssyncadd.s32 $0xFFFFFC18  }
0x133: {  	_ =	swait.ge [sflag:s29], $0x3E8  }
0x134: {  	[sflag:s29] =	ssyncset.done $0x0  }
0x135: {  	[sflag:s29] =	ssyncadd.s32 $0xFFFFFC18  }
0x136: {  	_ =	swait.ge [sflag:s29], $0x3E8  }
0x137: {  	[sflag:s29] =	ssyncset.done $0x0  }
0x138: {  	[sflag:s29] =	ssyncadd.s32 $0xFFFFFC18  }
0x139: {  	_ =	swait.ge [sflag:s29], $0x3E8  }
0x13a: {  	[sflag:s29] =	ssyncset.done $0x0  }
0x13b: {  	[sflag:s29] =	ssyncadd.s32 $0xFFFFFC18  }
0x13c: {  	_ =	swait.ge [sflag:s29], $0x3E8  }
0x13d: {  	[sflag:s29] =	ssyncset.done $0x0  }
0x13e: {  	[sflag:s29] =	ssyncadd.s32 $0xFFFFFC18  }
0x13f: {  	_ =	swait.ge [sflag:s29], $0x3E8  }
0x140: {  	[sflag:s29] =	ssyncset.done $0x0  }
0x141: {  	[sflag:s29] =	ssyncadd.s32 $0xFFFFFC18  }
0x142: {  	_ =	swait.ge [sflag:s29], $0x3E8  }
0x143: {  	[sflag:s29] =	ssyncset.done $0x0  }
0x144: {  	[sflag:s29] =	ssyncadd.s32 $0xFFFFFC18  }
0x145: {  	_ =	swait.ge [sflag:s29], $0x3E8  }
0x146: {  	[sflag:s29] =	ssyncset.done $0x0  }
0x147: {  	[sflag:s29] =	ssyncadd.s32 $0xFFFFFC18  }
0x148: {  	_ =	swait.ge [sflag:s29], $0x3E8  }
0x149: {  	[sflag:s29] =	ssyncset.done $0x0  }
0x14a: {  	[sflag:s29] =	ssyncadd.s32 $0xFFFFFC18  }
0x14b: {  	_ =	swait.ge [sflag:s29], $0x3E8  }
0x14c: {  	[sflag:s29] =	ssyncset.done $0x0  }
0x14d: {  	[sflag:s29] =	ssyncadd.s32 $0xFFFFFC18  }
0x14e: {  	_ =	swait.ge [sflag:s29], $0x3E8  }
0x14f: {  	[sflag:s29] =	ssyncset.done $0x0  }
0x150: {  	[sflag:s29] =	ssyncadd.s32 $0xFFFFFC18  }
0x151: {  	_ =	swait.ge [sflag:s29], $0x3E8  }
0x152: {  	[sflag:s29] =	ssyncset.done $0x0  }
0x153: {  	[sflag:s29] =	ssyncadd.s32 $0xFFFFFC18  }
0x154: {  	_ =	swait.ge [sflag:s29], $0x3E8  }
0x155: {  	[sflag:s29] =	ssyncset.done $0x0  }
0x156: {  	[sflag:s29] =	ssyncadd.s32 $0xFFFFFC18  }
0x157: {  	_ =	swait.ge [sflag:s29], $0x3E8  }
0x158: {  	[sflag:s29] =	ssyncset.done $0x0  }
0x159: {  	[sflag:s29] =	ssyncadd.s32 $0xFFFFFC18  }
0x15a: {  	_ =	swait.ge [sflag:s29], $0x3E8  }
0x15b: {  	[sflag:s29] =	ssyncset.done $0x0  }
0x15c: {  	[sflag:s29] =	ssyncadd.s32 $0xFFFFFC18  }
0x15d: {  	_ =	swait.ge [sflag:s29], $0x3E8  }
0x15e: {  	[sflag:s29] =	ssyncset.done $0x0  }
0x15f: {  	[sflag:s29] =	ssyncadd.s32 $0xFFFFFC18  }
0x160: {  	_ =	swait.ge [sflag:s29], $0x3E8  }
0x161: {  	[sflag:s29] =	ssyncset.done $0x0  }
0x162: {  	[sflag:s29] =	ssyncadd.s32 $0xFFFFFC18  }
0x163: {  	[bflag:$0x0] =	sbarrier.arrive $0xFFFF  }
0x164: {  	[tilespmem:s30], [sflag:$0x2] =	stream.indirect.gather [spmem:s2], $0x10, s4, s7, $0xb8;
	[tilespmem:$0x19720] =	vst v63  }
0x165: {  	_ =	swait.ge [sflag:s31], $0x3E80  }
0x166: {  	[sflag:s31] =	ssyncset.done $0x0  }
0x167: {  	[sflag:s31] =	ssyncadd.s32 $0xFFFFC180  }
0x168: {  	[tilespmem:s1], [sflag:$0x2] =	stream.indirect.gather [spmem:s2], $0x10, s7, s7, $0xb8;
	[tilespmem:$0x19720] =	vst v63  }
0x169: {  	_ = 	snop  }
0x16a: {  	[spmem:s3] =	stream.indirect.scatter.add.f32 [tilespmem:s30], [sflag:$0x3], $0x10, s13, s7, $0xb8;
	[tilespmem:$0x19720] =	vst v63  }
0x16b: {  	_ =	swait.ge [sflag:s31], $0x3E80  }
0x16c: {  	[sflag:s31] =	ssyncset.done $0x0  }
0x16d: {  	s9 =	simm.s32 $0xCB20;
	[sflag:s31] =	ssyncadd.s32 $0xFFFFC180  }
0x16e: {  	[tilespmem:s9], [sflag:$0x2] =	stream.indirect.gather [spmem:s2], $0x10, s15, s7, $0xb8;
	[tilespmem:$0x19720] =	vst v63  }
0x16f: {  	_ = 	snop  }
0x170: {  	[spmem:s3] =	stream.indirect.scatter.add.f32 [tilespmem:s1], [sflag:$0x3], $0x10, s14, s7, $0xb8;
	[tilespmem:$0x19720] =	vst v63  }
0x171: {  	_ =	swait.ge [sflag:s31], $0x3E80  }
0x172: {  	[sflag:s31] =	ssyncset.done $0x0  }
0x173: {  	s13 =	simm.s32 $0x109A0;
	[sflag:s31] =	ssyncadd.s32 $0xFFFFC180  }
0x174: {  	[tilespmem:s13], [sflag:$0x2] =	stream.indirect.gather [spmem:s2], $0x10, s17, s7, $0xb8;
	[tilespmem:$0x19720] =	vst v63  }
0x175: {  	_ = 	snop  }
0x176: {  	[spmem:s3] =	stream.indirect.scatter.add.f32 [tilespmem:s9], [sflag:$0x3], $0x10, s16, s7, $0xb8;
	[tilespmem:$0x19720] =	vst v63  }
0x177: {  	_ =	swait.ge [sflag:s31], $0x3E80  }
0x178: {  	[sflag:s31] =	ssyncset.done $0x0  }
0x179: {  	[sflag:s31] =	ssyncadd.s32 $0xFFFFC180  }
0x17a: {  	_ =	swait.ge [sflag:s6], $0x3E80  }
0x17b: {  	[sflag:s6] =	ssyncset.done $0x0  }
0x17c: {  	[sflag:s6] =	ssyncadd.s32 $0xFFFFC180  }
0x17d: {  	[tilespmem:s30], [sflag:$0x2] =	stream.indirect.gather [spmem:s2], $0x10, s19, s7, $0xb8;
	[tilespmem:$0x19720] =	vst v63  }
0x17e: {  	_ = 	snop  }
0x17f: {  	[spmem:s3] =	stream.indirect.scatter.add.f32 [tilespmem:s13], [sflag:$0x3], $0x10, s18, s7, $0xb8;
	[tilespmem:$0x19720] =	vst v63  }
0x180: {  	_ =	swait.ge [sflag:s31], $0x3E80  }
0x181: {  	[sflag:s31] =	ssyncset.done $0x0  }
0x182: {  	[sflag:s31] =	ssyncadd.s32 $0xFFFFC180  }
0x183: {  	_ =	swait.ge [sflag:s6], $0x3E80  }
0x184: {  	[sflag:s6] =	ssyncset.done $0x0  }
0x185: {  	[sflag:s6] =	ssyncadd.s32 $0xFFFFC180  }
0x186: {  	[tilespmem:s1], [sflag:$0x2] =	stream.indirect.gather [spmem:s2], $0x10, s21, s7, $0xb8;
	[tilespmem:$0x19720] =	vst v63  }
0x187: {  	_ = 	snop  }
0x188: {  	[spmem:s3] =	stream.indirect.scatter.add.f32 [tilespmem:s30], [sflag:$0x3], $0x10, s20, s7, $0xb8;
	[tilespmem:$0x19720] =	vst v63  }
0x189: {  	_ =	swait.ge [sflag:s31], $0x3E80  }
0x18a: {  	[sflag:s31] =	ssyncset.done $0x0  }
0x18b: {  	[sflag:s31] =	ssyncadd.s32 $0xFFFFC180  }
0x18c: {  	_ =	swait.ge [sflag:s6], $0x3E80  }
0x18d: {  	[sflag:s6] =	ssyncset.done $0x0  }
0x18e: {  	[sflag:s6] =	ssyncadd.s32 $0xFFFFC180  }
0x18f: {  	[tilespmem:s9], [sflag:$0x2] =	stream.indirect.gather [spmem:s2], $0x10, s23, s7, $0xb8;
	[tilespmem:$0x19720] =	vst v63  }
0x190: {  	_ = 	snop  }
0x191: {  	[spmem:s3] =	stream.indirect.scatter.add.f32 [tilespmem:s1], [sflag:$0x3], $0x10, s22, s7, $0xb8;
	[tilespmem:$0x19720] =	vst v63  }
0x192: {  	_ =	swait.ge [sflag:s31], $0x3E80  }
0x193: {  	[sflag:s31] =	ssyncset.done $0x0  }
0x194: {  	[sflag:s31] =	ssyncadd.s32 $0xFFFFC180  }
0x195: {  	_ =	swait.ge [sflag:s6], $0x3E80  }
0x196: {  	[sflag:s6] =	ssyncset.done $0x0  }
0x197: {  	[sflag:s6] =	ssyncadd.s32 $0xFFFFC180  }
0x198: {  	[tilespmem:s13], [sflag:$0x2] =	stream.indirect.gather [spmem:s2], $0x10, s28, s7, $0xb8;
	[tilespmem:$0x19720] =	vst v63  }
0x199: {  	_ = 	snop  }
0x19a: {  	[spmem:s3] =	stream.indirect.scatter.add.f32 [tilespmem:s9], [sflag:$0x3], $0x10, s24, s7, $0xb8;
	[tilespmem:$0x19720] =	vst v63  }
0x19b: {  	_ =	swait.ge [sflag:s31], $0x3E80  }
0x19c: {  	[sflag:s31] =	ssyncset.done $0x0  }
0x19d: {  	[sflag:s31] =	ssyncadd.s32 $0xFFFFC180  }
0x19e: {  	_ =	swait.ge [sflag:s6], $0x3E80  }
0x19f: {  	[sflag:s6] =	ssyncset.done $0x0  }
0x1a0: {  	[sflag:s6] =	ssyncadd.s32 $0xFFFFC180  }
0x1a1: {  	[tilespmem:s30], [sflag:$0x2] =	stream.indirect.gather [spmem:s2], $0x10, s5, s7, $0xb8;
	[tilespmem:$0x19720] =	vst v63  }
0x1a2: {  	_ = 	snop  }
0x1a3: {  	[spmem:s3] =	stream.indirect.scatter.add.f32 [tilespmem:s13], [sflag:$0x3], $0x10, s0, s7, $0xb8;
	[tilespmem:$0x19720] =	vst v63  }
0x1a4: {  	_ =	swait.ge [sflag:s31], $0x3E80  }
0x1a5: {  	[sflag:s31] =	ssyncset.done $0x0  }
0x1a6: {  	[sflag:s31] =	ssyncadd.s32 $0xFFFFC180  }
0x1a7: {  	_ =	swait.ge [sflag:s6], $0x3E80  }
0x1a8: {  	[sflag:s6] =	ssyncset.done $0x0  }
0x1a9: {  	[sflag:s6] =	ssyncadd.s32 $0xFFFFC180  }
0x1aa: {  	[tilespmem:s1], [sflag:$0x2] =	stream.indirect.gather [spmem:s2], $0x10, s26, s7, $0xb8;
	[tilespmem:$0x19720] =	vst v63  }
0x1ab: {  	s13 =	simm.s32 $0x4650  }
0x1ac: {  	[spmem:s3] =	stream.indirect.scatter.add.f32 [tilespmem:s30], [sflag:$0x3], $0x10, s13, s7, $0xb8;
	[tilespmem:$0x19720] =	vst v63  }
0x1ad: {  	_ =	swait.ge [sflag:s31], $0x3E80  }
0x1ae: {  	[sflag:s31] =	ssyncset.done $0x0  }
0x1af: {  	[sflag:s31] =	ssyncadd.s32 $0xFFFFC180  }
0x1b0: {  	[spmem:s3] =	stream.indirect.scatter.add.f32 [tilespmem:s1], [sflag:$0x3], $0x10, s12, s7, $0xb8;
	[tilespmem:$0x19720] =	vst v63  }
0x1b1: {  	_ =	swait.ge [sflag:s6], $0x3E80  }
0x1b2: {  	[sflag:s6] =	ssyncset.done $0x0  }
0x1b3: {  	[sflag:s6] =	ssyncadd.s32 $0xFFFFC180  }
0x1b4: {  	_ =	swait.ge [sflag:s6], $0x3E80  }
0x1b5: {  	[sflag:s6] =	ssyncset.done $0x0  }
0x1b6: {  	[sflag:s6] =	ssyncadd.s32 $0xFFFFC180  }
0x1b7: {  	_ =	swait.ge [sflag:s6], $0x3E80  }
0x1b8: {  	[sflag:s6] =	ssyncset.done $0x0  }
0x1b9: {  	[sflag:s6] =	ssyncadd.s32 $0xFFFFC180  }
0x1ba: {  	p0 =	sne.s32 s8, $0x1;
	_ =	swait.ge [sflag:s6], $0x3E80  }
.Ltmp1:
0x1bb: {  	[sflag:s6] =	ssyncset.done $0x0;
	(pc) =	sbr.rel @p0 .LBB2_2-.Ltmp1, $4  }
0x1bc: {  	[sflag:s6] =	ssyncadd.s32 $0xFFFFC180  }
0x1bd: {  	[bflag:$0x0] =	sbarrier.arrive $0xFFFF  }
0x1be: {  	s8 =	sadd.s32 $0xFFFFFFFF, s8;
	s26 =	rddreg [dreg:$0x1a]  }
0x1bf: {  	[hbm:s26], [sflag:s11] =	dma.local [spmem:s10], $0x4F0  }
.LBB2_3:
0x1c0: {  	_ =	swait.ge [sflag:s25], $0x4F0  }
0x1c1: {  	[sflag:s25] =	ssyncset.done $0x0  }
0x1c2: {  	[sflag:s25] =	ssyncadd.s32 $0xFFFFFB10  }
0x1c3: {  	_ =	sfence.sel $0x180000  }
0x1c4: {  	[bflag:$0x0] =	sbarrier.arrive $0xFFFF  }
0x1c5: {  	_ =	strace $0x9000004A  }
0x1c6: {  	s0 =	stileid.u32;
	[bflag:$0x2] =	sbarrier.arrive $0xFFFF  }
0x1c7: {  	p0 =	sne.s32 s0, $0x0;
	s0 =	rddreg [dreg:$0x4]  }
0x1c8: {  	s0 =	sadd.s32 @!p0 $0x100000, s0  }
0x1c9: {  	[sflag:s0] =	ssyncadd.tile.s32 @!p0 $0x1;
	_ =	shalt  }
.Lfunc_end2:
_tile_overlayer_lowered:
.L_overlay_start_2:
0x1ca: {  	(tag) =	ssettag $0x2  }
0x1cb: {  	s0 =	rddreg [dreg:$0x0];
	s2 =	stileid.u32  }
0x1cc: {  	s1 =	rddreg [dreg:$0x1];
	p0 =	sne.s32 s2, $0x0  }
0x1cd: {  	s3 =	rddreg [dreg:$0x2];
	[bflag:$0x3] =	sbarrier.arrive $0xFFFF;
	s2 =	simm.s32 @!p0 $0x1C04  }
0x1ce: {  	[timem:s3], [sflag:s2] =	dma.local @!p0 [hbm:s0], s1  }
0x1cf: {  	s0 =	simm.s32 @!p0 $0x4  }
0x1d0: {  	_ =	swait.ge @!p0 [sflag:s0], s1  }
0x1d1: {  	s1 =	ssub.s32 @!p0 $0x0, s1;
	[sflag:s0] =	ssyncset.done @!p0 $0x0  }
0x1d2: {  	[sflag:s0] =	ssyncadd.s32 @!p0 s1  }
0x1d3: {  	[bflag:$0x3] =	sbarrier.arrive $0xFFFF  }
0x1d4: {  	_ =	shalt  }

// kernel: kernel.15.cloned.1.call-start
scs
__scs_entry_jumppad:
0x0: {  	(pc) =	sbr.rel $0x88, $3  }
0x1: {  	(tag) =	ssettag $0x0;
	lr =	simm.s32 $0x1  }
0x2: {  	[smem:$0x3F92] =	sst lr;
	_ =	strace $0xD0000000  }
0x3: {  	_ = 	snop  }
0x4: {  	_ = 	snop  }
0x5: {  	_ = 	snop  }
0x6: {  	_ = 	snop  }
0x7: {  	_ = 	snop  }
__scs_overlays_trampoline_lowered:
0x8: {  	[smem:$0x3FA1] =	sst s0  }
0x9: {  	[smem:$0x3FA2] =	sst s1  }
0xa: {  	[smem:$0x3FA3] =	sst s2  }
0xb: {  	[smem:$0x3FA4] =	sst s3  }
0xc: {  	[smem:$0x3FA5] =	sst s4  }
0xd: {  	[smem:$0x3FA6] =	sst s5  }
0xe: {  	[smem:$0x3FA7] =	sst s6  }
0xf: {  	[smem:$0x3FA8] =	sst s7  }
0x10: {  	[smem:$0x3FA9] =	sst s8  }
0x11: {  	[smem:$0x3FAA] =	sst s9;
	s0 =	simm.s32 @!p0 $0x0  }
0x12: {  	s1 =	sld [smem:$0x3F90];
	s0 =	simm.s32 @p0 $0x1  }
0x13: {  	[smem:$0x3FAB] =	sst s0;
	s0 =	simm.s32 @!p1 $0x0  }
0x14: {  	s2 =	sld [smem:$0x3F8F];
	s0 =	simm.s32 @p1 $0x1  }
0x15: {  	[smem:$0x3FAC] =	sst s0;
	s0 =	simm.s32 @!p2 $0x0  }
0x16: {  	s3 =	sld [smem:$0x3FDB];
	s0 =	simm.s32 @p2 $0x1  }
0x17: {  	s4 =	simm.s32 $0x1BF5;
	[smem:$0x3FAE] =	sst s0  }
0x18: {  	s0 =	sld [smem:$0x3F91];
	_ =	swait.ge [sflag:s4], $0x0  }
0x19: {  	s7 =	sld [smem:$0x3F92]  }
0x1a: {  	s8 =	sadd.s32 $0xFFFFE003, lr  }
0x1b: {  	s9 =	sadd.s32 $0xFFFFFEF7, lr;
	s5 =	simm.s32 $0xFFFFFFFF;
	p2 =	slt.u32 s8, $0xFFFFF086  }
0x1c: {  	p1 =	slt.u32 s9, $0xF7A;
	s5 =	simm.s32 @!p2 $0x0  }
0x1d: {  	s5 =	simm.s32 @p1 $0x1;
	p0 =	seq.s32 s7, s2  }
0x1e: {  	s7 =	smul.u32 @!p0 $0xF7A, s2;
	p2 =	seq.s32 @!p0 s5, $0x0  }
0x1f: {  	s9 =	smul.u32 $0xF7A, s1;
	s8 =	simm.s32 @!p0 $0x1BF5;
	p2 =	por !p2, p0  }
0x20: {  	[sflag:s8] =	ssyncset.s32 @!p0 $0xFFFFF086;
	s6 =	sadd.s32 @!p0 s3, s7;
	s7 =	simm.s32 @!p0 $0x108  }
0x21: {  	s3 =	sadd.s32 s3, s9;
	s6 =	sadd.s32 @!p0 $0x88, s6;
	s7 =	simm.s32 @p2 $0x1082  }
0x22: {  	[simem:s7], [sflag:s8] =	dma.local @!p0 [hbm:s6], $0xF7A  }
0x23: {  	s9 =	sor.u32 $0xD0000000, s2;
	s6 =	simm.s32 $0x108;
	_ =	swait.ge @!p0 [sflag:s8], $0x0  }
0x24: {  	s3 =	sadd.s32 $0x88, s3;
	s6 =	simm.s32 @!p1 $0x1082;
	[sflag:s4] =	ssyncset.s32 $0xFFFFF086  }
0x25: {  	[simem:s6], [sflag:s4] =	dma.local [hbm:s3], $0xF7A  }
0x26: {  	[smem:$0x3F92] =	sst s1;
	(tag) =	ssettag s2;
	_ =	strace s9  }
0x27: {  	s1 =	sld [smem:$0x3FA2]  }
0x28: {  	s2 =	sld [smem:$0x3FA3]  }
0x29: {  	s4 =	sld [smem:$0x3FA5]  }
0x2a: {  	p0 =	seq.s32 s5, $0x0;
	s5 =	sld [smem:$0x3FA6]  }
0x2b: {  	s6 =	sld [smem:$0x3FA7]  }
0x2c: {  	s7 =	sld [smem:$0x3FA8]  }
0x2d: {  	s3 =	simm.s32 $0x108;
	s8 =	sld [smem:$0x3FA9]  }
0x2e: {  	s3 =	simm.s32 @!p0 $0x1082;
	s9 =	sld [smem:$0x3FAA]  }
0x2f: {  	lr =	sadd.s32 s0, s3;
	s0 =	sld [smem:$0x3FA1]  }
0x30: {  	s3 =	sld [smem:$0x3FA4]  }
0x31: {  	[smem:$0x3FAD] =	sst s10  }
0x32: {  	s10 =	sld [smem:$0x3FAB];
	_ =	sdelay $0x3  }
0x33: {  	p0 =	seq.s32 s10, $0x1;
	s10 =	sld [smem:$0x3FAD];
	_ =	sdelay $0x3  }
0x34: {  	[smem:$0x3FAD] =	sst s10  }
0x35: {  	s10 =	sld [smem:$0x3FAC];
	_ =	sdelay $0x3  }
0x36: {  	p1 =	seq.s32 s10, $0x1;
	s10 =	sld [smem:$0x3FAD];
	_ =	sdelay $0x3  }
0x37: {  	[smem:$0x3FAD] =	sst s10  }
0x38: {  	s10 =	sld [smem:$0x3FAE]  }
0x39: {  	_ = 	snop;
	(pc) =	sbr.ind lr, $3  }
0x3a: {  	_ = 	snop  }
0x3b: {  	_ = 	snop  }
0x3c: {  	p2 =	seq.s32 s10, $0x1;
	s10 =	sld [smem:$0x3FAD]  }
0x3d: {  	_ =	shalt  }
0x3e: {  	_ =	shalt  }
0x3f: {  	_ =	shalt  }
0x40: {  	_ =	shalt  }
0x41: {  	_ =	shalt  }
0x42: {  	_ =	shalt  }
0x43: {  	_ =	shalt  }
0x44: {  	_ =	shalt  }
0x45: {  	_ =	shalt  }
0x46: {  	_ =	shalt  }
0x47: {  	_ =	shalt  }
0x48: {  	_ =	shalt  }
0x49: {  	_ =	shalt  }
0x4a: {  	_ =	shalt  }
0x4b: {  	_ =	shalt  }
0x4c: {  	_ =	shalt  }
0x4d: {  	_ =	shalt  }
0x4e: {  	_ =	shalt  }
0x4f: {  	_ =	shalt  }
0x50: {  	_ =	shalt  }
0x51: {  	_ =	shalt  }
0x52: {  	_ =	shalt  }
0x53: {  	_ =	shalt  }
0x54: {  	_ =	shalt  }
0x55: {  	_ =	shalt  }
0x56: {  	_ =	shalt  }
0x57: {  	_ =	shalt  }
0x58: {  	_ =	shalt  }
0x59: {  	_ =	shalt  }
0x5a: {  	_ =	shalt  }
0x5b: {  	_ =	shalt  }
0x5c: {  	_ =	shalt  }
0x5d: {  	_ =	shalt  }
0x5e: {  	_ =	shalt  }
0x5f: {  	_ =	shalt  }
0x60: {  	_ =	shalt  }
0x61: {  	_ =	shalt  }
0x62: {  	_ =	shalt  }
0x63: {  	_ =	shalt  }
0x64: {  	_ =	shalt  }
0x65: {  	_ =	shalt  }
0x66: {  	_ =	shalt  }
0x67: {  	_ =	shalt  }
0x68: {  	_ =	shalt  }
0x69: {  	_ =	shalt  }
0x6a: {  	_ =	shalt  }
0x6b: {  	_ =	shalt  }
0x6c: {  	_ =	shalt  }
0x6d: {  	_ =	shalt  }
0x6e: {  	_ =	shalt  }
0x6f: {  	_ =	shalt  }
0x70: {  	_ =	shalt  }
0x71: {  	_ =	shalt  }
0x72: {  	_ =	shalt  }
0x73: {  	_ =	shalt  }
0x74: {  	_ =	shalt  }
0x75: {  	_ =	shalt  }
0x76: {  	_ =	shalt  }
0x77: {  	_ =	shalt  }
0x78: {  	_ =	shalt  }
0x79: {  	_ =	shalt  }
0x7a: {  	_ =	shalt  }
0x7b: {  	_ =	shalt  }
0x7c: {  	_ =	shalt  }
0x7d: {  	_ =	shalt  }
0x7e: {  	_ =	shalt  }
0x7f: {  	_ =	shalt  }
0x80: {  	_ =	shalt  }
0x81: {  	_ =	shalt  }
0x82: {  	_ =	shalt  }
0x83: {  	_ =	shalt  }
0x84: {  	_ =	shalt  }
0x85: {  	_ =	shalt  }
0x86: {  	_ =	shalt  }
0x87: {  	_ =	shalt  }
.Lfunc_end0:
.L_simem_size_0:
called_computation.2_lowered:
.L_overlay_start_0:
0x88: {  	s2 =	sld [smem:$0x3FD9]  }
0x89: {  	s3 =	sld [smem:$0x3FFE];
	_ =	sdelay $0x1  }
0x8a: {  	s1 =	srdreg.scid  }
0x8b: {  	s0 =	sand.u32 $0x1, s1  }
0x8c: {  	s17 =	sshll.u32 s0, $0xA;
	s2 =	sadd.s32 s3, s2  }
0x8d: {  	s2 =	sadd.s32 s2, s17  }
0x8e: {  	[smem:$0x3FB9] =	sst s2  }
0x8f: {  	_ = 	snop  }
0x90: {  	s2 =	sld [smem:$0x3FD0];
	(tm) =	ssettm $0x1  }
0x91: {  	s18 =	sld [smem:$0x3FFB];
	_ =	sdelay $0x3  }
0x92: {  	_ =	strace s18  }
0x93: {  	s3 =	sld [smem:$0x3FFC];
	_ =	sdelay $0x3  }
0x94: {  	_ =	strace s3  }
0x95: {  	s3 =	sld [smem:$0x3FFD];
	_ =	sdelay $0x3  }
0x96: {  	_ =	strace s3  }
0x97: {  	_ =	strace $0x8FFFFFFF  }
0x98: {  	s19 =	sld [smem:$0x3FDB];
	_ =	sdelay $0x1  }
0x99: {  	s4 =	simm.s32 $_scs_section_size  }
0x9a: {  	s5 =	simm.s32 $_size__tile_overlayer_lowered;
	s6 =	simm.s32 $_tile_overlayer_lowered  }
0x9b: {  	s22 =	simm.s32 $0x1BFF;
	s21 =	sshll.u32 s6, $0x1;
	s3 =	sadd.s32 s4, s19  }
0x9c: {  	s7 =	simm.s32 $0x0;
	s20 =	sshll.u32 s5, $0x1;
	s5 =	sadd.s32 s21, s3  }
0x9d: {  	[timem:s7], [sflag:s22] =	dma.local [hbm:s5], s20  }
0x9e: {  	_ =	swait.ge [sflag:s22], s20  }
0x9f: {  	s4 =	ssub.s32 $0x0, s20;
	[sflag:s22] =	ssyncset.done $0x0  }
0xa0: {  	[sflag:s22] =	ssyncadd.s32 s4;
	_ =	sdelay $0x1  }
0xa1: {  	s23 =	simm.s32 $0x1B8B  }
0xa2: {  	_ =	swait.ge [sflag:s23], $0x1  }
0xa3: {  	[sflag:s23] =	ssyncset.done $0x0  }
0xa4: {  	s25 =	simm.s32 $0x1B8E;
	s24 =	sld [smem:$0x3FFE];
	[sflag:s23] =	ssyncadd.s32 $0xFFFFFFFF  }
0xa5: {  	s26 =	simm.s32 $execute0_lowered;
	[smem:$0x3FD2] =	sst s25  }
0xa6: {  	s5 =	sshll.u32 s26, $0x1;
	_ =	strace $0x8000004C;
	[dreg:$0x1] =	wrdreg $0xFFFFFFFF  }
0xa7: {  	s28 =	simm.s32 $_size_execute0_lowered;
	s3 =	sadd.s32 s3, s5;
	[dreg:$0x0] =	wrdreg $0x0  }
0xa8: {  	s5 =	sshll.u32 s28, $0x1;
	[dreg:$0x2] =	wrdreg s3  }
0xa9: {  	[dreg:$0x3] =	wrdreg s5  }
0xaa: {  	[dreg:$0x4] =	wrdreg $0xC0  }
0xab: {  	_ =	task [dreg:s7], $0x5FFFF  }
0xac: {  	[dreg:$0x1] =	wrdreg $0xFFFFFFFF  }
0xad: {  	[dreg:$0x0] =	wrdreg $0x60  }
0xae: {  	[dreg:$0x2] =	wrdreg s2  }
0xaf: {  	[dreg:$0x3] =	wrdreg s24  }
0xb0: {  	[dreg:$0x4] =	wrdreg $0x148200  }
0xb1: {  	[dreg:$0x5] =	wrdreg $0x16FA00  }
0xb2: {  	[dreg:$0x6] =	wrdreg $0x9  }
0xb3: {  	_ =	task.clear_ibuf [dreg:s7], $0x7FFFF;
	_ =	strace $0x9000004C  }
0xb4: {  	s29 =	simm.s32 $0x9;
	_ =	strace $0x8000004E  }
0xb5: {  	_ =	swait.ge [sflag:s29], $0x1  }
0xb6: {  	[sflag:s29] =	ssyncadd.s32 $0xFFFFFFFF  }
0xb7: {  	_ =	strace $0x9000004E  }
0xb8: {  	_ =	sfence  }
0xb9: {  	s30 =	sld [smem:$0x0];
	_ =	sdelay $0x2  }
0xba: {  	s31 =	sshll.u32 s1, $0xD;
	s1 =	sshrl.u32 s1, $0x2  }
0xbb: {  	s3 =	sand.u32 $0x4000, s31;
	s1 =	sadd.s32 s1, s30  }
0xbc: {  	s0 =	sor.u32 s3, s0;
	s1 =	sshll.u32 s1, $0x11  }
0xbd: {  	s0 =	sor.u32 s1, s0  }
0xbe: {  	s0 =	sadd.s32 $0x8F2B, s0  }
0xbf: {  	[sflag:s0] =	ssyncadd.remote.s32 $0x1  }
0xc0: {  	_ =	sfence.sel $0xFFFF  }
0xc1: {  	[dreg:$0x0] =	wrdreg $0xFFFFFFFF;
	(pc) =	sbr.abs _section_cstart, $3  }
0xc2: {  	[dreg:$0x1] =	wrdreg $0xFFFFFFFF  }
0xc3: {  	_ =	task.clear_ibuf [dreg:s7], $0x2FFFF;
	_ =	strace $0x9FFFFFFF  }
0xc4: {  	(tm) =	ssettm $0x7FFFFFFF  }
0xc5: {  	_ =	shalt  }
tec
execute0_lowered:
.L_overlay_start_1:
0x0: {  	(tag) =	ssettag $0x1  }
0x1: {  	s0 =	srdreg.scid  }
0x2: {  	s8 =	sand.u32 $0x1, s0  }
0x3: {  	s1 =	rddreg [dreg:$0x0];
	s11 =	stileid.u32;
	s3 =	sshll.u32 s8, $0x4  }
0x4: {  	s2 =	rddreg [dreg:$0x2];
	s4 =	sor.u32 s11, s3  }
0x5: {  	s0 =	rddreg [dreg:$0x1];
	s5 =	smul.u32 $0x2710, s4;
	s4 =	simm.s32 $0x0  }
0x6: {  	s6 =	sadd.s32 $0x3200, s0;
	[smem:$0x7FF] =	sst s4  }
0x7: {  	s3 =	rddreg [dreg:$0x3];
	s7 =	sshrl.u32 s5, $0x3;
	_ =	strace $0x8000004D  }
0x8: {  	s25 =	sadd.s32 $0x3E8, s5;
	s10 =	sadd.s32 $0x4E5E8, s5;
	s12 =	sadd.s32 s6, s7  }
0x9: {  	s7 =	sshrl.u32 s25, $0x3;
	s9 =	sadd.s32 $0x9C40, s12;
	[dreg:$0x1c] =	wrdreg s12  }
0xa: {  	[tilespmem:s4], [sflag:$0x1] =	stream.linear.gather [hbm4b:s12+s4], $0x3E8, $0x38;
	[tilespmem:$0x19720] =	vst v63  }
0xb: {  	s26 =	sshrl.u32 s10, $0x3;
	s7 =	sadd.s32 s6, s7;
	[dreg:$0x5] =	wrdreg s9  }
0xc: {  	s14 =	sadd.s32 $0x4EDB8, s5;
	s28 =	sadd.s32 s6, s26;
	[dreg:$0x6] =	wrdreg s7  }
0xd: {  	s15 =	sshrl.u32 s14, $0x3;
	s13 =	sadd.s32 $0x9D3A, s12;
	[dreg:$0x7] =	wrdreg s28  }
0xe: {  	s16 =	sadd.s32 s6, s15;
	[dreg:$0x9] =	wrdreg s13  }
0xf: {  	s20 =	sadd.s32 $0x4F588, s5;
	s17 =	sadd.s32 $0x1F4, s12;
	[dreg:$0xb] =	wrdreg s16  }
0x10: {  	s21 =	sshrl.u32 s20, $0x3;
	s19 =	sadd.s32 $0x9E34, s12;
	[dreg:$0xc] =	wrdreg s17  }
0x11: {  	s22 =	sadd.s32 s6, s21;
	[dreg:$0xd] =	wrdreg s19  }
0x12: {  	s23 =	sadd.s32 $0x2EE, s12;
	[dreg:$0xf] =	wrdreg s22  }
0x13: {  	s25 =	sadd.s32 $0x9F2E, s12;
	[dreg:$0x10] =	wrdreg s23  }
0x14: {  	s14 =	sadd.s32 $0xA028, s12;
	[dreg:$0x11] =	wrdreg s25  }
0x15: {  	s10 =	sadd.s32 $0xBB8, s5;
	s9 =	sadd.s32 $0xFA, s12;
	[dreg:$0x15] =	wrdreg s14  }
0x16: {  	s7 =	sshrl.u32 s10, $0x3;
	s10 =	sadd.s32 $0x3E8, s12;
	[dreg:$0x8] =	wrdreg s9  }
0x17: {  	[dreg:$0x14] =	wrdreg s10  }
0x18: {  	s18 =	sadd.s32 $0x1388, s5;
	s7 =	sadd.s32 s6, s7;
	s15 =	rddreg [dreg:$0x5]  }
0x19: {  	s10 =	simm.s32 $0x2710;
	[dreg:$0xa] =	wrdreg s7;
	s7 =	sshrl.u32 s18, $0x3  }
0x1a: {  	[tilespmem:s10], [sflag:$0x1] =	stream.linear.gather [hbm4b:s15+s4], $0x3E8, $0x38;
	[tilespmem:$0x19720] =	vst v63  }
0x1b: {  	s24 =	sadd.s32 $0x1B58, s5;
	s16 =	rddreg [dreg:$0x6];
	s7 =	sadd.s32 s6, s7  }
0x1c: {  	[dreg:$0xe] =	wrdreg s7;
	s7 =	sshrl.u32 s24, $0x3  }
0x1d: {  	s13 =	sadd.s32 $0x2328, s5;
	s17 =	rddreg [dreg:$0x7];
	s7 =	sadd.s32 s6, s7  }
0x1e: {  	[dreg:$0x12] =	wrdreg s7;
	s7 =	sshrl.u32 s13, $0x3  }
0x1f: {  	s19 =	rddreg [dreg:$0x9];
	s7 =	sadd.s32 s6, s7  }
0x20: {  	[dreg:$0x16] =	wrdreg s7;
	s7 =	simm.s32 $0x3E8  }
0x21: {  	[tilespmem:s7], [sflag:$0x1] =	stream.linear.gather [hbm4b:s16+s4], $0x3E8, $0x38;
	[tilespmem:$0x19720] =	vst v63  }
0x22: {  	s12 =	simm.s32 $0x2AF8;
	s21 =	rddreg [dreg:$0xb]  }
0x23: {  	[tilespmem:s12], [sflag:$0x1] =	stream.linear.gather [hbm4b:s17+s4], $0x3E8, $0x38;
	[tilespmem:$0x19720] =	vst v63  }
0x24: {  	s18 =	rddreg [dreg:$0x8];
	s13 =	simm.s32 $0x7D0  }
0x25: {  	[tilespmem:s13], [sflag:$0x1] =	stream.linear.gather [hbm4b:s18+s4], $0x3E8, $0x38;
	[tilespmem:$0x19720] =	vst v63  }
0x26: {  	s14 =	simm.s32 $0x2EE0;
	s22 =	rddreg [dreg:$0xc]  }
0x27: {  	[tilespmem:s14], [sflag:$0x1] =	stream.linear.gather [hbm4b:s19+s4], $0x3E8, $0x38;
	[tilespmem:$0x19720] =	vst v63  }
0x28: {  	s15 =	simm.s32 $0xBB8;
	s20 =	rddreg [dreg:$0xa]  }
0x29: {  	[tilespmem:s15], [sflag:$0x1] =	stream.linear.gather [hbm4b:s20+s4], $0x3E8, $0x38;
	[tilespmem:$0x19720] =	vst v63  }
0x2a: {  	s26 =	sadd.s32 $0x4FD58, s5;
	s23 =	rddreg [dreg:$0xd];
	s16 =	simm.s32 $0x32C8  }
0x2b: {  	[tilespmem:s16], [sflag:$0x1] =	stream.linear.gather [hbm4b:s21+s4], $0x3E8, $0x38;
	[tilespmem:$0x19720] =	vst v63  }
0x2c: {  	s28 =	sshrl.u32 s26, $0x3;
	s25 =	rddreg [dreg:$0xf];
	s17 =	simm.s32 $0xFA0  }
0x2d: {  	[tilespmem:s17], [sflag:$0x1] =	stream.linear.gather [hbm4b:s22+s4], $0x3E8, $0x38;
	[tilespmem:$0x19720] =	vst v63  }
0x2e: {  	s5 =	sadd.s32 $0x50528, s5;
	s26 =	rddreg [dreg:$0x10];
	s18 =	simm.s32 $0x36B0  }
0x2f: {  	[tilespmem:s18], [sflag:$0x1] =	stream.linear.gather [hbm4b:s23+s4], $0x3E8, $0x38;
	[tilespmem:$0x19720] =	vst v63  }
0x30: {  	s9 =	sadd.s32 s6, s28;
	s24 =	rddreg [dreg:$0xe];
	s19 =	simm.s32 $0x1388  }
0x31: {  	[tilespmem:s19], [sflag:$0x1] =	stream.linear.gather [hbm4b:s24+s4], $0x3E8, $0x38;
	[tilespmem:$0x19720] =	vst v63  }
0x32: {  	s5 =	sshrl.u32 s5, $0x3;
	s28 =	rddreg [dreg:$0x11];
	s20 =	simm.s32 $0x3A98  }
0x33: {  	[tilespmem:s20], [sflag:$0x1] =	stream.linear.gather [hbm4b:s25+s4], $0x3E8, $0x38;
	[tilespmem:$0x19720] =	vst v63  }
0x34: {  	[dreg:$0x13] =	wrdreg s9;
	s5 =	sadd.s32 s6, s5;
	s21 =	simm.s32 $0x1770  }
0x35: {  	[tilespmem:s21], [sflag:$0x1] =	stream.linear.gather [hbm4b:s26+s4], $0x3E8, $0x38;
	[tilespmem:$0x19720] =	vst v63  }
0x36: {  	[dreg:$0x17] =	wrdreg s5;
	s22 =	simm.s32 $0x3E80  }
0x37: {  	[tilespmem:s22], [sflag:$0x1] =	stream.linear.gather [hbm4b:s28+s4], $0x3E8, $0x38;
	[tilespmem:$0x19720] =	vst v63  }
0x38: {  	s9 =	rddreg [dreg:$0x12];
	s23 =	simm.s32 $0x1B58  }
0x39: {  	[tilespmem:s23], [sflag:$0x1] =	stream.linear.gather [hbm4b:s9+s4], $0x3E8, $0x38;
	[tilespmem:$0x19720] =	vst v63  }
0x3a: {  	s24 =	rddreg [dreg:$0x13];
	s25 =	simm.s32 $0x4268  }
0x3b: {  	[tilespmem:s25], [sflag:$0x1] =	stream.linear.gather [hbm4b:s24+s4], $0x3E8, $0x38;
	[tilespmem:$0x19720] =	vst v63  }
0x3c: {  	s26 =	rddreg [dreg:$0x14];
	s28 =	simm.s32 $0x1F40  }
0x3d: {  	[tilespmem:s28], [sflag:$0x1] =	stream.linear.gather [hbm4b:s26+s4], $0x3E8, $0x38;
	[tilespmem:$0x19720] =	vst v63  }
0x3e: {  	s9 =	rddreg [dreg:$0x15];
	s24 =	simm.s32 $0x4650  }
0x3f: {  	[tilespmem:s24], [sflag:$0x1] =	stream.linear.gather [hbm4b:s9+s4], $0x3E8, $0x38;
	[tilespmem:$0x19720] =	vst v63  }
0x40: {  	s6 =	smul.u32 $0x2780, s11;
	s25 =	rddreg [dreg:$0x16];
	s26 =	simm.s32 $0x2328  }
0x41: {  	[tilespmem:s26], [sflag:$0x1] =	stream.linear.gather [hbm4b:s25+s4], $0x3E8, $0x38;
	[tilespmem:$0x19720] =	vst v63  }
0x42: {  	s5 =	sshrl.u32 s6, $0x3;
	s9 =	rddreg [dreg:$0x17];
	s24 =	simm.s32 $0x4A38  }
0x43: {  	[tilespmem:s24], [sflag:$0x1] =	stream.linear.gather [hbm4b:s9+s4], $0x3E8, $0x38;
	[tilespmem:$0x19720] =	vst v63  }
0x44: {  	s1 =	sadd.s32 s1, s5;
	s25 =	sadd.s32 s6, s2;
	s9 =	smul.u32 $0x27800, s8  }
0x45: {  	[dreg:$0x18] =	wrdreg s1;
	s25 =	sshrl.u32 s25, $0x3  }
0x46: {  	s5 =	sadd.s32 s5, s0;
	[dreg:$0x1b] =	wrdreg s25;
	s9 =	sadd.s32 s6, s9  }
0x47: {  	s25 =	sadd.s32 $0x16C00, s5;
	s5 =	rddreg [dreg:$0x1b];
	s1 =	sshrl.u32 s9, $0x3  }
0x48: {  	[dreg:$0x19] =	wrdreg s25;
	s0 =	sadd.s32 s1, s0  }
0x49: {  	s25 =	sshll.u32 s11, $0x6;
	s9 =	rddreg [dreg:$0x18];
	s0 =	sadd.s32 $0x1BC00, s0  }
0x4a: {  	s11 =	sor.u32 $0x1C04, s25;
	s25 =	simm.s32 $0x4;
	[dreg:$0x1a] =	wrdreg s0  }
0x4b: {  	[spmem:s5], [sflag:s11] =	dma.local [hbm:s9], $0x4F0  }
0x4c: {  	_ =	swait.ge [sflag:s25], $0x4F0  }
0x4d: {  	s9 =	sadd.s32 s6, s3;
	[sflag:s25] =	ssyncset.done $0x0  }
0x4e: {  	s5 =	sshrl.u32 s9, $0x3;
	s0 =	rddreg [dreg:$0x19];
	[sflag:s25] =	ssyncadd.s32 $0xFFFFFB10  }
0x4f: {  	[spmem:s5], [sflag:s11] =	dma.local [hbm:s0], $0x4F0  }
0x50: {  	_ =	swait.ge [sflag:s25], $0x4F0  }
0x51: {  	[sflag:s25] =	ssyncset.done $0x0  }
0x52: {  	s29 =	simm.s32 $0x1;
	[sflag:s25] =	ssyncadd.s32 $0xFFFFFB10  }
0x53: {  	_ =	swait.ge [sflag:s29], $0x3E8  }
0x54: {  	[sflag:s29] =	ssyncset.done $0x0  }
0x55: {  	[sflag:s29] =	ssyncadd.s32 $0xFFFFFC18  }
0x56: {  	_ =	swait.ge [sflag:s29], $0x3E8  }
0x57: {  	[sflag:s29] =	ssyncset.done $0x0  }
0x58: {  	[sflag:s29] =	ssyncadd.s32 $0xFFFFFC18  }
0x59: {  	_ =	swait.ge [sflag:s29], $0x3E8  }
0x5a: {  	[sflag:s29] =	ssyncset.done $0x0  }
0x5b: {  	[sflag:s29] =	ssyncadd.s32 $0xFFFFFC18  }
0x5c: {  	_ =	swait.ge [sflag:s29], $0x3E8  }
0x5d: {  	[sflag:s29] =	ssyncset.done $0x0  }
0x5e: {  	[sflag:s29] =	ssyncadd.s32 $0xFFFFFC18  }
0x5f: {  	_ =	swait.ge [sflag:s29], $0x3E8  }
0x60: {  	[sflag:s29] =	ssyncset.done $0x0  }
0x61: {  	[sflag:s29] =	ssyncadd.s32 $0xFFFFFC18  }
0x62: {  	_ =	swait.ge [sflag:s29], $0x3E8  }
0x63: {  	[sflag:s29] =	ssyncset.done $0x0  }
0x64: {  	[sflag:s29] =	ssyncadd.s32 $0xFFFFFC18  }
0x65: {  	_ =	swait.ge [sflag:s29], $0x3E8  }
0x66: {  	[sflag:s29] =	ssyncset.done $0x0  }
0x67: {  	[sflag:s29] =	ssyncadd.s32 $0xFFFFFC18  }
0x68: {  	_ =	swait.ge [sflag:s29], $0x3E8  }
0x69: {  	[sflag:s29] =	ssyncset.done $0x0  }
0x6a: {  	[sflag:s29] =	ssyncadd.s32 $0xFFFFFC18  }
0x6b: {  	_ =	swait.ge [sflag:s29], $0x3E8  }
0x6c: {  	[sflag:s29] =	ssyncset.done $0x0  }
0x6d: {  	[sflag:s29] =	ssyncadd.s32 $0xFFFFFC18  }
0x6e: {  	_ =	swait.ge [sflag:s29], $0x3E8  }
0x6f: {  	[sflag:s29] =	ssyncset.done $0x0  }
0x70: {  	[sflag:s29] =	ssyncadd.s32 $0xFFFFFC18  }
0x71: {  	_ =	swait.ge [sflag:s29], $0x3E8  }
0x72: {  	[sflag:s29] =	ssyncset.done $0x0  }
0x73: {  	[sflag:s29] =	ssyncadd.s32 $0xFFFFFC18  }
0x74: {  	_ =	swait.ge [sflag:s29], $0x3E8  }
0x75: {  	[sflag:s29] =	ssyncset.done $0x0  }
0x76: {  	[sflag:s29] =	ssyncadd.s32 $0xFFFFFC18  }
0x77: {  	_ =	swait.ge [sflag:s29], $0x3E8  }
0x78: {  	[sflag:s29] =	ssyncset.done $0x0  }
0x79: {  	[sflag:s29] =	ssyncadd.s32 $0xFFFFFC18  }
0x7a: {  	_ =	swait.ge [sflag:s29], $0x3E8  }
0x7b: {  	[sflag:s29] =	ssyncset.done $0x0  }
0x7c: {  	[sflag:s29] =	ssyncadd.s32 $0xFFFFFC18  }
0x7d: {  	_ =	swait.ge [sflag:s29], $0x3E8  }
0x7e: {  	[sflag:s29] =	ssyncset.done $0x0  }
0x7f: {  	[sflag:s29] =	ssyncadd.s32 $0xFFFFFC18  }
0x80: {  	_ =	swait.ge [sflag:s29], $0x3E8  }
0x81: {  	[sflag:s29] =	ssyncset.done $0x0  }
0x82: {  	[sflag:s29] =	ssyncadd.s32 $0xFFFFFC18  }
0x83: {  	_ =	swait.ge [sflag:s29], $0x3E8  }
0x84: {  	[sflag:s29] =	ssyncset.done $0x0  }
0x85: {  	[sflag:s29] =	ssyncadd.s32 $0xFFFFFC18  }
0x86: {  	_ =	swait.ge [sflag:s29], $0x3E8  }
0x87: {  	[sflag:s29] =	ssyncset.done $0x0  }
0x88: {  	[sflag:s29] =	ssyncadd.s32 $0xFFFFFC18  }
0x89: {  	_ =	swait.ge [sflag:s29], $0x3E8  }
0x8a: {  	[sflag:s29] =	ssyncset.done $0x0  }
0x8b: {  	[sflag:s29] =	ssyncadd.s32 $0xFFFFFC18  }
0x8c: {  	_ =	swait.ge [sflag:s29], $0x3E8  }
0x8d: {  	[sflag:s29] =	ssyncset.done $0x0  }
0x8e: {  	[sflag:s29] =	ssyncadd.s32 $0xFFFFFC18  }
0x8f: {  	s30 =	simm.s32 $0x4E20;
	s31 =	simm.s32 $0x2;
	[bflag:$0x0] =	sbarrier.arrive $0xFFFF  }
0x90: {  	[tilespmem:s30], [sflag:$0x2] =	stream.indirect.gather [spmem:s2], $0x10, s4, s7, $0xb8;
	[tilespmem:$0x19720] =	vst v63  }
0x91: {  	_ =	swait.ge [sflag:s31], $0x3E80  }
0x92: {  	[sflag:s31] =	ssyncset.done $0x0  }
0x93: {  	s1 =	simm.s32 $0x8CA0;
	[sflag:s31] =	ssyncadd.s32 $0xFFFFC180  }
0x94: {  	[tilespmem:s1], [sflag:$0x2] =	stream.indirect.gather [spmem:s2], $0x10, s7, s7, $0xb8;
	[tilespmem:$0x19720] =	vst v63  }
0x95: {  	_ = 	snop  }
0x96: {  	[spmem:s3] =	stream.indirect.scatter.add.f32 [tilespmem:s30], [sflag:$0x3], $0x10, s10, s7, $0xb8;
	[tilespmem:$0x19720] =	vst v63  }
0x97: {  	_ =	swait.ge [sflag:s31], $0x3E80  }
0x98: {  	[sflag:s31] =	ssyncset.done $0x0  }
0x99: {  	s10 =	simm.s32 $0xCB20;
	[sflag:s31] =	ssyncadd.s32 $0xFFFFC180  }
0x9a: {  	[tilespmem:s10], [sflag:$0x2] =	stream.indirect.gather [spmem:s2], $0x10, s13, s7, $0xb8;
	[tilespmem:$0x19720] =	vst v63  }
0x9b: {  	_ = 	snop  }
0x9c: {  	[spmem:s3] =	stream.indirect.scatter.add.f32 [tilespmem:s1], [sflag:$0x3], $0x10, s12, s7, $0xb8;
	[tilespmem:$0x19720] =	vst v63  }
0x9d: {  	_ =	swait.ge [sflag:s31], $0x3E80  }
0x9e: {  	[sflag:s31] =	ssyncset.done $0x0  }
0x9f: {  	s13 =	simm.s32 $0x109A0;
	[sflag:s31] =	ssyncadd.s32 $0xFFFFC180  }
0xa0: {  	[tilespmem:s13], [sflag:$0x2] =	stream.indirect.gather [spmem:s2], $0x10, s15, s7, $0xb8;
	[tilespmem:$0x19720] =	vst v63  }
0xa1: {  	_ = 	snop  }
0xa2: {  	[spmem:s3] =	stream.indirect.scatter.add.f32 [tilespmem:s10], [sflag:$0x3], $0x10, s14, s7, $0xb8;
	[tilespmem:$0x19720] =	vst v63  }
0xa3: {  	_ =	swait.ge [sflag:s31], $0x3E80  }
0xa4: {  	[sflag:s31] =	ssyncset.done $0x0  }
0xa5: {  	s6 =	simm.s32 $0x3;
	[sflag:s31] =	ssyncadd.s32 $0xFFFFC180  }
0xa6: {  	_ =	swait.ge [sflag:s6], $0x3E80  }
0xa7: {  	[sflag:s6] =	ssyncset.done $0x0  }
0xa8: {  	[sflag:s6] =	ssyncadd.s32 $0xFFFFC180  }
0xa9: {  	[tilespmem:s30], [sflag:$0x2] =	stream.indirect.gather [spmem:s2], $0x10, s17, s7, $0xb8;
	[tilespmem:$0x19720] =	vst v63  }
0xaa: {  	_ = 	snop  }
0xab: {  	[spmem:s3] =	stream.indirect.scatter.add.f32 [tilespmem:s13], [sflag:$0x3], $0x10, s16, s7, $0xb8;
	[tilespmem:$0x19720] =	vst v63  }
0xac: {  	_ =	swait.ge [sflag:s31], $0x3E80  }
0xad: {  	[sflag:s31] =	ssyncset.done $0x0  }
0xae: {  	[sflag:s31] =	ssyncadd.s32 $0xFFFFC180  }
0xaf: {  	_ =	swait.ge [sflag:s6], $0x3E80  }
0xb0: {  	[sflag:s6] =	ssyncset.done $0x0  }
0xb1: {  	[sflag:s6] =	ssyncadd.s32 $0xFFFFC180  }
0xb2: {  	[tilespmem:s1], [sflag:$0x2] =	stream.indirect.gather [spmem:s2], $0x10, s19, s7, $0xb8;
	[tilespmem:$0x19720] =	vst v63  }
0xb3: {  	_ = 	snop  }
0xb4: {  	[spmem:s3] =	stream.indirect.scatter.add.f32 [tilespmem:s30], [sflag:$0x3], $0x10, s18, s7, $0xb8;
	[tilespmem:$0x19720] =	vst v63  }
0xb5: {  	_ =	swait.ge [sflag:s31], $0x3E80  }
0xb6: {  	[sflag:s31] =	ssyncset.done $0x0  }
0xb7: {  	[sflag:s31] =	ssyncadd.s32 $0xFFFFC180  }
0xb8: {  	_ =	swait.ge [sflag:s6], $0x3E80  }
0xb9: {  	[sflag:s6] =	ssyncset.done $0x0  }
0xba: {  	[sflag:s6] =	ssyncadd.s32 $0xFFFFC180  }
0xbb: {  	[tilespmem:s10], [sflag:$0x2] =	stream.indirect.gather [spmem:s2], $0x10, s21, s7, $0xb8;
	[tilespmem:$0x19720] =	vst v63  }
0xbc: {  	_ = 	snop  }
0xbd: {  	[spmem:s3] =	stream.indirect.scatter.add.f32 [tilespmem:s1], [sflag:$0x3], $0x10, s20, s7, $0xb8;
	[tilespmem:$0x19720] =	vst v63  }
0xbe: {  	_ =	swait.ge [sflag:s31], $0x3E80  }
0xbf: {  	[sflag:s31] =	ssyncset.done $0x0  }
0xc0: {  	[sflag:s31] =	ssyncadd.s32 $0xFFFFC180  }
0xc1: {  	_ =	swait.ge [sflag:s6], $0x3E80  }
0xc2: {  	[sflag:s6] =	ssyncset.done $0x0  }
0xc3: {  	[sflag:s6] =	ssyncadd.s32 $0xFFFFC180  }
0xc4: {  	[tilespmem:s13], [sflag:$0x2] =	stream.indirect.gather [spmem:s2], $0x10, s23, s7, $0xb8;
	[tilespmem:$0x19720] =	vst v63  }
0xc5: {  	_ = 	snop  }
0xc6: {  	[spmem:s3] =	stream.indirect.scatter.add.f32 [tilespmem:s10], [sflag:$0x3], $0x10, s22, s7, $0xb8;
	[tilespmem:$0x19720] =	vst v63  }
0xc7: {  	_ =	swait.ge [sflag:s31], $0x3E80  }
0xc8: {  	[sflag:s31] =	ssyncset.done $0x0  }
0xc9: {  	[sflag:s31] =	ssyncadd.s32 $0xFFFFC180  }
0xca: {  	_ =	swait.ge [sflag:s6], $0x3E80  }
0xcb: {  	[sflag:s6] =	ssyncset.done $0x0  }
0xcc: {  	[sflag:s6] =	ssyncadd.s32 $0xFFFFC180  }
0xcd: {  	[tilespmem:s30], [sflag:$0x2] =	stream.indirect.gather [spmem:s2], $0x10, s28, s7, $0xb8;
	[tilespmem:$0x19720] =	vst v63  }
0xce: {  	s22 =	simm.s32 $0x4268  }
0xcf: {  	[spmem:s3] =	stream.indirect.scatter.add.f32 [tilespmem:s13], [sflag:$0x3], $0x10, s22, s7, $0xb8;
	[tilespmem:$0x19720] =	vst v63  }
0xd0: {  	_ =	swait.ge [sflag:s31], $0x3E80  }
0xd1: {  	[sflag:s31] =	ssyncset.done $0x0  }
0xd2: {  	[sflag:s31] =	ssyncadd.s32 $0xFFFFC180  }
0xd3: {  	_ =	swait.ge [sflag:s6], $0x3E80  }
0xd4: {  	[sflag:s6] =	ssyncset.done $0x0  }
0xd5: {  	[sflag:s6] =	ssyncadd.s32 $0xFFFFC180  }
0xd6: {  	[tilespmem:s1], [sflag:$0x2] =	stream.indirect.gather [spmem:s2], $0x10, s26, s7, $0xb8;
	[tilespmem:$0x19720] =	vst v63  }
0xd7: {  	s23 =	simm.s32 $0x4650  }
0xd8: {  	[spmem:s3] =	stream.indirect.scatter.add.f32 [tilespmem:s30], [sflag:$0x3], $0x10, s23, s7, $0xb8;
	[tilespmem:$0x19720] =	vst v63  }
0xd9: {  	_ =	swait.ge [sflag:s31], $0x3E80  }
0xda: {  	[sflag:s31] =	ssyncset.done $0x0  }
0xdb: {  	[sflag:s31] =	ssyncadd.s32 $0xFFFFC180  }
0xdc: {  	[spmem:s3] =	stream.indirect.scatter.add.f32 [tilespmem:s1], [sflag:$0x3], $0x10, s24, s7, $0xb8;
	[tilespmem:$0x19720] =	vst v63  }
0xdd: {  	_ =	swait.ge [sflag:s6], $0x3E80  }
0xde: {  	[sflag:s6] =	ssyncset.done $0x0  }
0xdf: {  	[sflag:s6] =	ssyncadd.s32 $0xFFFFC180  }
0xe0: {  	_ =	swait.ge [sflag:s6], $0x3E80  }
0xe1: {  	[sflag:s6] =	ssyncset.done $0x0  }
0xe2: {  	[sflag:s6] =	ssyncadd.s32 $0xFFFFC180  }
0xe3: {  	_ =	swait.ge [sflag:s6], $0x3E80  }
0xe4: {  	s8 =	ssub.s32 $0x2, s8;
	[sflag:s6] =	ssyncset.done $0x0  }
0xe5: {  	s28 =	sshrl.u32 s8, $0x1;
	[sflag:s6] =	ssyncadd.s32 $0xFFFFC180  }
0xe6: {  	s8 =	ssub.s32 s8, s28;
	_ =	swait.ge [sflag:s6], $0x3E80  }
0xe7: {  	s8 =	smax.u32 s8, $0x1;
	[sflag:s6] =	ssyncset.done $0x0  }
0xe8: {  	p0 =	sne.s32 s8, $0x1;
	[sflag:s6] =	ssyncadd.s32 $0xFFFFC180  }
.Ltmp0:
0xe9: {  	[bflag:$0x0] =	sbarrier.arrive $0xFFFF;
	(pc) =	sbr.rel @!p0 .LBB2_3-.Ltmp0, $4  }
0xea: {  	s26 =	rddreg [dreg:$0x1a]  }
0xeb: {  	[dreg:$0x1d] =	wrdreg s11  }
0xec: {  	s8 =	sadd.s32 $0xFFFFFFFF, s8;
	[dreg:$0x1e] =	wrdreg s5  }
0xed: {  	[hbm:s26], [sflag:s11] =	dma.local [spmem:s5], $0x4F0  }
0xee: {  	s14 =	simm.s32 $0x2AF8  }
0xef: {  	s15 =	simm.s32 $0x7D0;
	s16 =	simm.s32 $0x2EE0;
	s17 =	simm.s32 $0xBB8  }
0xf0: {  	s18 =	simm.s32 $0x32C8;
	s19 =	simm.s32 $0xFA0;
	s20 =	simm.s32 $0x36B0  }
0xf1: {  	s21 =	simm.s32 $0x1388;
	s22 =	simm.s32 $0x3A98;
	s23 =	simm.s32 $0x1770  }
0xf2: {  	s24 =	simm.s32 $0x3E80;
	s28 =	simm.s32 $0x1B58;
	s5 =	simm.s32 $0x1F40  }
.LBB2_2:
0xf3: {  	_ =	swait.ge [sflag:s25], $0x4F0  }
0xf4: {  	s10 =	rddreg [dreg:$0x6]  }
0xf5: {  	[sflag:s25] =	ssyncset.done $0x0;
	s11 =	rddreg [dreg:$0x5]  }
0xf6: {  	s9 =	rddreg [dreg:$0x1c];
	[sflag:s25] =	ssyncadd.s32 $0xFFFFFB10  }
0xf7: {  	[tilespmem:s4], [sflag:$0x1] =	stream.linear.gather [hbm4b:s9+s4], $0x3E8, $0x38;
	[tilespmem:$0x19720] =	vst v63  }
0xf8: {  	s13 =	simm.s32 $0x2710;
	s12 =	rddreg [dreg:$0x7]  }
0xf9: {  	[tilespmem:s13], [sflag:$0x1] =	stream.linear.gather [hbm4b:s11+s4], $0x3E8, $0x38;
	[tilespmem:$0x19720] =	vst v63  }
0xfa: {  	s26 =	rddreg [dreg:$0x8]  }
0xfb: {  	[tilespmem:s7], [sflag:$0x1] =	stream.linear.gather [hbm4b:s10+s4], $0x3E8, $0x38;
	[tilespmem:$0x19720] =	vst v63  }
0xfc: {  	s0 =	rddreg [dreg:$0x9]  }
0xfd: {  	[tilespmem:s14], [sflag:$0x1] =	stream.linear.gather [hbm4b:s12+s4], $0x3E8, $0x38;
	[tilespmem:$0x19720] =	vst v63  }
0xfe: {  	s9 =	rddreg [dreg:$0x18]  }
0xff: {  	[tilespmem:s15], [sflag:$0x1] =	stream.linear.gather [hbm4b:s26+s4], $0x3E8, $0x38;
	[tilespmem:$0x19720] =	vst v63  }
0x100: {  	s11 =	rddreg [dreg:$0x17]  }
0x101: {  	[tilespmem:s16], [sflag:$0x1] =	stream.linear.gather [hbm4b:s0+s4], $0x3E8, $0x38;
	[tilespmem:$0x19720] =	vst v63  }
0x102: {  	s12 =	rddreg [dreg:$0xa]  }
0x103: {  	[tilespmem:s17], [sflag:$0x1] =	stream.linear.gather [hbm4b:s12+s4], $0x3E8, $0x38;
	[tilespmem:$0x19720] =	vst v63  }
0x104: {  	s26 =	rddreg [dreg:$0xb]  }
0x105: {  	[tilespmem:s18], [sflag:$0x1] =	stream.linear.gather [hbm4b:s26+s4], $0x3E8, $0x38;
	[tilespmem:$0x19720] =	vst v63  }
0x106: {  	s0 =	rddreg [dreg:$0xc]  }
0x107: {  	[tilespmem:s19], [sflag:$0x1] =	stream.linear.gather [hbm4b:s0+s4], $0x3E8, $0x38;
	[tilespmem:$0x19720] =	vst v63  }
0x108: {  	s12 =	rddreg [dreg:$0xd]  }
0x109: {  	[tilespmem:s20], [sflag:$0x1] =	stream.linear.gather [hbm4b:s12+s4], $0x3E8, $0x38;
	[tilespmem:$0x19720] =	vst v63  }
0x10a: {  	s26 =	rddreg [dreg:$0xe]  }
0x10b: {  	[tilespmem:s21], [sflag:$0x1] =	stream.linear.gather [hbm4b:s26+s4], $0x3E8, $0x38;
	[tilespmem:$0x19720] =	vst v63  }
0x10c: {  	s0 =	rddreg [dreg:$0xf]  }
0x10d: {  	[tilespmem:s22], [sflag:$0x1] =	stream.linear.gather [hbm4b:s0+s4], $0x3E8, $0x38;
	[tilespmem:$0x19720] =	vst v63  }
0x10e: {  	s12 =	rddreg [dreg:$0x10]  }
0x10f: {  	[tilespmem:s23], [sflag:$0x1] =	stream.linear.gather [hbm4b:s12+s4], $0x3E8, $0x38;
	[tilespmem:$0x19720] =	vst v63  }
0x110: {  	s26 =	rddreg [dreg:$0x11]  }
0x111: {  	[tilespmem:s24], [sflag:$0x1] =	stream.linear.gather [hbm4b:s26+s4], $0x3E8, $0x38;
	[tilespmem:$0x19720] =	vst v63  }
0x112: {  	s0 =	rddreg [dreg:$0x12]  }
0x113: {  	[tilespmem:s28], [sflag:$0x1] =	stream.linear.gather [hbm4b:s0+s4], $0x3E8, $0x38;
	[tilespmem:$0x19720] =	vst v63  }
0x114: {  	s12 =	rddreg [dreg:$0x13];
	s0 =	simm.s32 $0x4268  }
0x115: {  	[tilespmem:s0], [sflag:$0x1] =	stream.linear.gather [hbm4b:s12+s4], $0x3E8, $0x38;
	[tilespmem:$0x19720] =	vst v63  }
0x116: {  	s26 =	rddreg [dreg:$0x14]  }
0x117: {  	[tilespmem:s5], [sflag:$0x1] =	stream.linear.gather [hbm4b:s26+s4], $0x3E8, $0x38;
	[tilespmem:$0x19720] =	vst v63  }
0x118: {  	s10 =	rddreg [dreg:$0x15];
	s26 =	simm.s32 $0x4650  }
0x119: {  	[tilespmem:s26], [sflag:$0x1] =	stream.linear.gather [hbm4b:s10+s4], $0x3E8, $0x38;
	[tilespmem:$0x19720] =	vst v63  }
0x11a: {  	s12 =	rddreg [dreg:$0x16];
	s26 =	simm.s32 $0x2328  }
0x11b: {  	[tilespmem:s26], [sflag:$0x1] =	stream.linear.gather [hbm4b:s12+s4], $0x3E8, $0x38;
	[tilespmem:$0x19720] =	vst v63  }
0x11c: {  	s10 =	rddreg [dreg:$0x1b];
	s12 =	simm.s32 $0x4A38  }
0x11d: {  	[tilespmem:s12], [sflag:$0x1] =	stream.linear.gather [hbm4b:s11+s4], $0x3E8, $0x38;
	[tilespmem:$0x19720] =	vst v63  }
0x11e: {  	s11 =	rddreg [dreg:$0x1d]  }
0x11f: {  	[spmem:s10], [sflag:s11] =	dma.local [hbm:s9], $0x4F0  }
0x120: {  	_ =	swait.ge [sflag:s25], $0x4F0  }
0x121: {  	[sflag:s25] =	ssyncset.done $0x0;
	s9 =	rddreg [dreg:$0x19]  }
0x122: {  	s10 =	rddreg [dreg:$0x1e];
	[sflag:s25] =	ssyncadd.s32 $0xFFFFFB10  }
0x123: {  	[spmem:s10], [sflag:s11] =	dma.local [hbm:s9], $0x4F0  }
0x124: {  	_ =	swait.ge [sflag:s25], $0x4F0  }
0x125: {  	[sflag:s25] =	ssyncset.done $0x0  }
0x126: {  	[sflag:s25] =	ssyncadd.s32 $0xFFFFFB10  }
0x127: {  	_ =	swait.ge [sflag:s29], $0x3E8  }
0x128: {  	[sflag:s29] =	ssyncset.done $0x0  }
0x129: {  	[sflag:s29] =	ssyncadd.s32 $0xFFFFFC18  }
0x12a: {  	_ =	swait.ge [sflag:s29], $0x3E8  }
0x12b: {  	[sflag:s29] =	ssyncset.done $0x0  }
0x12c: {  	[sflag:s29] =	ssyncadd.s32 $0xFFFFFC18  }
0x12d: {  	_ =	swait.ge [sflag:s29], $0x3E8  }
0x12e: {  	[sflag:s29] =	ssyncset.done $0x0  }
0x12f: {  	[sflag:s29] =	ssyncadd.s32 $0xFFFFFC18  }
0x130: {  	_ =	swait.ge [sflag:s29], $0x3E8  }
0x131: {  	[sflag:s29] =	ssyncset.done $0x0  }
0x132: {  	[sflag:s29] =	ssyncadd.s32 $0xFFFFFC18  }
0x133: {  	_ =	swait.ge [sflag:s29], $0x3E8  }
0x134: {  	[sflag:s29] =	ssyncset.done $0x0  }
0x135: {  	[sflag:s29] =	ssyncadd.s32 $0xFFFFFC18  }
0x136: {  	_ =	swait.ge [sflag:s29], $0x3E8  }
0x137: {  	[sflag:s29] =	ssyncset.done $0x0  }
0x138: {  	[sflag:s29] =	ssyncadd.s32 $0xFFFFFC18  }
0x139: {  	_ =	swait.ge [sflag:s29], $0x3E8  }
0x13a: {  	[sflag:s29] =	ssyncset.done $0x0  }
0x13b: {  	[sflag:s29] =	ssyncadd.s32 $0xFFFFFC18  }
0x13c: {  	_ =	swait.ge [sflag:s29], $0x3E8  }
0x13d: {  	[sflag:s29] =	ssyncset.done $0x0  }
0x13e: {  	[sflag:s29] =	ssyncadd.s32 $0xFFFFFC18  }
0x13f: {  	_ =	swait.ge [sflag:s29], $0x3E8  }
0x140: {  	[sflag:s29] =	ssyncset.done $0x0  }
0x141: {  	[sflag:s29] =	ssyncadd.s32 $0xFFFFFC18  }
0x142: {  	_ =	swait.ge [sflag:s29], $0x3E8  }
0x143: {  	[sflag:s29] =	ssyncset.done $0x0  }
0x144: {  	[sflag:s29] =	ssyncadd.s32 $0xFFFFFC18  }
0x145: {  	_ =	swait.ge [sflag:s29], $0x3E8  }
0x146: {  	[sflag:s29] =	ssyncset.done $0x0  }
0x147: {  	[sflag:s29] =	ssyncadd.s32 $0xFFFFFC18  }
0x148: {  	_ =	swait.ge [sflag:s29], $0x3E8  }
0x149: {  	[sflag:s29] =	ssyncset.done $0x0  }
0x14a: {  	[sflag:s29] =	ssyncadd.s32 $0xFFFFFC18  }
0x14b: {  	_ =	swait.ge [sflag:s29], $0x3E8  }
0x14c: {  	[sflag:s29] =	ssyncset.done $0x0  }
0x14d: {  	[sflag:s29] =	ssyncadd.s32 $0xFFFFFC18  }
0x14e: {  	_ =	swait.ge [sflag:s29], $0x3E8  }
0x14f: {  	[sflag:s29] =	ssyncset.done $0x0  }
0x150: {  	[sflag:s29] =	ssyncadd.s32 $0xFFFFFC18  }
0x151: {  	_ =	swait.ge [sflag:s29], $0x3E8  }
0x152: {  	[sflag:s29] =	ssyncset.done $0x0  }
0x153: {  	[sflag:s29] =	ssyncadd.s32 $0xFFFFFC18  }
0x154: {  	_ =	swait.ge [sflag:s29], $0x3E8  }
0x155: {  	[sflag:s29] =	ssyncset.done $0x0  }
0x156: {  	[sflag:s29] =	ssyncadd.s32 $0xFFFFFC18  }
0x157: {  	_ =	swait.ge [sflag:s29], $0x3E8  }
0x158: {  	[sflag:s29] =	ssyncset.done $0x0  }
0x159: {  	[sflag:s29] =	ssyncadd.s32 $0xFFFFFC18  }
0x15a: {  	_ =	swait.ge [sflag:s29], $0x3E8  }
0x15b: {  	[sflag:s29] =	ssyncset.done $0x0  }
0x15c: {  	[sflag:s29] =	ssyncadd.s32 $0xFFFFFC18  }
0x15d: {  	_ =	swait.ge [sflag:s29], $0x3E8  }
0x15e: {  	[sflag:s29] =	ssyncset.done $0x0  }
0x15f: {  	[sflag:s29] =	ssyncadd.s32 $0xFFFFFC18  }
0x160: {  	_ =	swait.ge [sflag:s29], $0x3E8  }
0x161: {  	[sflag:s29] =	ssyncset.done $0x0  }
0x162: {  	[sflag:s29] =	ssyncadd.s32 $0xFFFFFC18  }
0x163: {  	[bflag:$0x0] =	sbarrier.arrive $0xFFFF  }
0x164: {  	[tilespmem:s30], [sflag:$0x2] =	stream.indirect.gather [spmem:s2], $0x10, s4, s7, $0xb8;
	[tilespmem:$0x19720] =	vst v63  }
0x165: {  	_ =	swait.ge [sflag:s31], $0x3E80  }
0x166: {  	[sflag:s31] =	ssyncset.done $0x0  }
0x167: {  	[sflag:s31] =	ssyncadd.s32 $0xFFFFC180  }
0x168: {  	[tilespmem:s1], [sflag:$0x2] =	stream.indirect.gather [spmem:s2], $0x10, s7, s7, $0xb8;
	[tilespmem:$0x19720] =	vst v63  }
0x169: {  	_ = 	snop  }
0x16a: {  	[spmem:s3] =	stream.indirect.scatter.add.f32 [tilespmem:s30], [sflag:$0x3], $0x10, s13, s7, $0xb8;
	[tilespmem:$0x19720] =	vst v63  }
0x16b: {  	_ =	swait.ge [sflag:s31], $0x3E80  }
0x16c: {  	[sflag:s31] =	ssyncset.done $0x0  }
0x16d: {  	s9 =	simm.s32 $0xCB20;
	[sflag:s31] =	ssyncadd.s32 $0xFFFFC180  }
0x16e: {  	[tilespmem:s9], [sflag:$0x2] =	stream.indirect.gather [spmem:s2], $0x10, s15, s7, $0xb8;
	[tilespmem:$0x19720] =	vst v63  }
0x16f: {  	_ = 	snop  }
0x170: {  	[spmem:s3] =	stream.indirect.scatter.add.f32 [tilespmem:s1], [sflag:$0x3], $0x10, s14, s7, $0xb8;
	[tilespmem:$0x19720] =	vst v63  }
0x171: {  	_ =	swait.ge [sflag:s31], $0x3E80  }
0x172: {  	[sflag:s31] =	ssyncset.done $0x0  }
0x173: {  	s13 =	simm.s32 $0x109A0;
	[sflag:s31] =	ssyncadd.s32 $0xFFFFC180  }
0x174: {  	[tilespmem:s13], [sflag:$0x2] =	stream.indirect.gather [spmem:s2], $0x10, s17, s7, $0xb8;
	[tilespmem:$0x19720] =	vst v63  }
0x175: {  	_ = 	snop  }
0x176: {  	[spmem:s3] =	stream.indirect.scatter.add.f32 [tilespmem:s9], [sflag:$0x3], $0x10, s16, s7, $0xb8;
	[tilespmem:$0x19720] =	vst v63  }
0x177: {  	_ =	swait.ge [sflag:s31], $0x3E80  }
0x178: {  	[sflag:s31] =	ssyncset.done $0x0  }
0x179: {  	[sflag:s31] =	ssyncadd.s32 $0xFFFFC180  }
0x17a: {  	_ =	swait.ge [sflag:s6], $0x3E80  }
0x17b: {  	[sflag:s6] =	ssyncset.done $0x0  }
0x17c: {  	[sflag:s6] =	ssyncadd.s32 $0xFFFFC180  }
0x17d: {  	[tilespmem:s30], [sflag:$0x2] =	stream.indirect.gather [spmem:s2], $0x10, s19, s7, $0xb8;
	[tilespmem:$0x19720] =	vst v63  }
0x17e: {  	_ = 	snop  }
0x17f: {  	[spmem:s3] =	stream.indirect.scatter.add.f32 [tilespmem:s13], [sflag:$0x3], $0x10, s18, s7, $0xb8;
	[tilespmem:$0x19720] =	vst v63  }
0x180: {  	_ =	swait.ge [sflag:s31], $0x3E80  }
0x181: {  	[sflag:s31] =	ssyncset.done $0x0  }
0x182: {  	[sflag:s31] =	ssyncadd.s32 $0xFFFFC180  }
0x183: {  	_ =	swait.ge [sflag:s6], $0x3E80  }
0x184: {  	[sflag:s6] =	ssyncset.done $0x0  }
0x185: {  	[sflag:s6] =	ssyncadd.s32 $0xFFFFC180  }
0x186: {  	[tilespmem:s1], [sflag:$0x2] =	stream.indirect.gather [spmem:s2], $0x10, s21, s7, $0xb8;
	[tilespmem:$0x19720] =	vst v63  }
0x187: {  	_ = 	snop  }
0x188: {  	[spmem:s3] =	stream.indirect.scatter.add.f32 [tilespmem:s30], [sflag:$0x3], $0x10, s20, s7, $0xb8;
	[tilespmem:$0x19720] =	vst v63  }
0x189: {  	_ =	swait.ge [sflag:s31], $0x3E80  }
0x18a: {  	[sflag:s31] =	ssyncset.done $0x0  }
0x18b: {  	[sflag:s31] =	ssyncadd.s32 $0xFFFFC180  }
0x18c: {  	_ =	swait.ge [sflag:s6], $0x3E80  }
0x18d: {  	[sflag:s6] =	ssyncset.done $0x0  }
0x18e: {  	[sflag:s6] =	ssyncadd.s32 $0xFFFFC180  }
0x18f: {  	[tilespmem:s9], [sflag:$0x2] =	stream.indirect.gather [spmem:s2], $0x10, s23, s7, $0xb8;
	[tilespmem:$0x19720] =	vst v63  }
0x190: {  	_ = 	snop  }
0x191: {  	[spmem:s3] =	stream.indirect.scatter.add.f32 [tilespmem:s1], [sflag:$0x3], $0x10, s22, s7, $0xb8;
	[tilespmem:$0x19720] =	vst v63  }
0x192: {  	_ =	swait.ge [sflag:s31], $0x3E80  }
0x193: {  	[sflag:s31] =	ssyncset.done $0x0  }
0x194: {  	[sflag:s31] =	ssyncadd.s32 $0xFFFFC180  }
0x195: {  	_ =	swait.ge [sflag:s6], $0x3E80  }
0x196: {  	[sflag:s6] =	ssyncset.done $0x0  }
0x197: {  	[sflag:s6] =	ssyncadd.s32 $0xFFFFC180  }
0x198: {  	[tilespmem:s13], [sflag:$0x2] =	stream.indirect.gather [spmem:s2], $0x10, s28, s7, $0xb8;
	[tilespmem:$0x19720] =	vst v63  }
0x199: {  	_ = 	snop  }
0x19a: {  	[spmem:s3] =	stream.indirect.scatter.add.f32 [tilespmem:s9], [sflag:$0x3], $0x10, s24, s7, $0xb8;
	[tilespmem:$0x19720] =	vst v63  }
0x19b: {  	_ =	swait.ge [sflag:s31], $0x3E80  }
0x19c: {  	[sflag:s31] =	ssyncset.done $0x0  }
0x19d: {  	[sflag:s31] =	ssyncadd.s32 $0xFFFFC180  }
0x19e: {  	_ =	swait.ge [sflag:s6], $0x3E80  }
0x19f: {  	[sflag:s6] =	ssyncset.done $0x0  }
0x1a0: {  	[sflag:s6] =	ssyncadd.s32 $0xFFFFC180  }
0x1a1: {  	[tilespmem:s30], [sflag:$0x2] =	stream.indirect.gather [spmem:s2], $0x10, s5, s7, $0xb8;
	[tilespmem:$0x19720] =	vst v63  }
0x1a2: {  	_ = 	snop  }
0x1a3: {  	[spmem:s3] =	stream.indirect.scatter.add.f32 [tilespmem:s13], [sflag:$0x3], $0x10, s0, s7, $0xb8;
	[tilespmem:$0x19720] =	vst v63  }
0x1a4: {  	_ =	swait.ge [sflag:s31], $0x3E80  }
0x1a5: {  	[sflag:s31] =	ssyncset.done $0x0  }
0x1a6: {  	[sflag:s31] =	ssyncadd.s32 $0xFFFFC180  }
0x1a7: {  	_ =	swait.ge [sflag:s6], $0x3E80  }
0x1a8: {  	[sflag:s6] =	ssyncset.done $0x0  }
0x1a9: {  	[sflag:s6] =	ssyncadd.s32 $0xFFFFC180  }
0x1aa: {  	[tilespmem:s1], [sflag:$0x2] =	stream.indirect.gather [spmem:s2], $0x10, s26, s7, $0xb8;
	[tilespmem:$0x19720] =	vst v63  }
0x1ab: {  	s13 =	simm.s32 $0x4650  }
0x1ac: {  	[spmem:s3] =	stream.indirect.scatter.add.f32 [tilespmem:s30], [sflag:$0x3], $0x10, s13, s7, $0xb8;
	[tilespmem:$0x19720] =	vst v63  }
0x1ad: {  	_ =	swait.ge [sflag:s31], $0x3E80  }
0x1ae: {  	[sflag:s31] =	ssyncset.done $0x0  }
0x1af: {  	[sflag:s31] =	ssyncadd.s32 $0xFFFFC180  }
0x1b0: {  	[spmem:s3] =	stream.indirect.scatter.add.f32 [tilespmem:s1], [sflag:$0x3], $0x10, s12, s7, $0xb8;
	[tilespmem:$0x19720] =	vst v63  }
0x1b1: {  	_ =	swait.ge [sflag:s6], $0x3E80  }
0x1b2: {  	[sflag:s6] =	ssyncset.done $0x0  }
0x1b3: {  	[sflag:s6] =	ssyncadd.s32 $0xFFFFC180  }
0x1b4: {  	_ =	swait.ge [sflag:s6], $0x3E80  }
0x1b5: {  	[sflag:s6] =	ssyncset.done $0x0  }
0x1b6: {  	[sflag:s6] =	ssyncadd.s32 $0xFFFFC180  }
0x1b7: {  	_ =	swait.ge [sflag:s6], $0x3E80  }
0x1b8: {  	[sflag:s6] =	ssyncset.done $0x0  }
0x1b9: {  	[sflag:s6] =	ssyncadd.s32 $0xFFFFC180  }
0x1ba: {  	p0 =	sne.s32 s8, $0x1;
	_ =	swait.ge [sflag:s6], $0x3E80  }
.Ltmp1:
0x1bb: {  	[sflag:s6] =	ssyncset.done $0x0;
	(pc) =	sbr.rel @p0 .LBB2_2-.Ltmp1, $4  }
0x1bc: {  	[sflag:s6] =	ssyncadd.s32 $0xFFFFC180  }
0x1bd: {  	[bflag:$0x0] =	sbarrier.arrive $0xFFFF  }
0x1be: {  	s8 =	sadd.s32 $0xFFFFFFFF, s8;
	s26 =	rddreg [dreg:$0x1a]  }
0x1bf: {  	[hbm:s26], [sflag:s11] =	dma.local [spmem:s10], $0x4F0  }
.LBB2_3:
0x1c0: {  	_ =	swait.ge [sflag:s25], $0x4F0  }
0x1c1: {  	[sflag:s25] =	ssyncset.done $0x0  }
0x1c2: {  	[sflag:s25] =	ssyncadd.s32 $0xFFFFFB10  }
0x1c3: {  	_ =	sfence.sel $0x180000  }
0x1c4: {  	[bflag:$0x0] =	sbarrier.arrive $0xFFFF  }
0x1c5: {  	_ =	strace $0x9000004D  }
0x1c6: {  	s0 =	stileid.u32;
	[bflag:$0x2] =	sbarrier.arrive $0xFFFF  }
0x1c7: {  	p0 =	sne.s32 s0, $0x0;
	s0 =	rddreg [dreg:$0x4]  }
0x1c8: {  	s0 =	sadd.s32 @!p0 $0x100000, s0  }
0x1c9: {  	[sflag:s0] =	ssyncadd.tile.s32 @!p0 $0x1;
	_ =	shalt  }
.Lfunc_end2:
_tile_overlayer_lowered:
.L_overlay_start_2:
0x1ca: {  	(tag) =	ssettag $0x2  }
0x1cb: {  	s0 =	rddreg [dreg:$0x0];
	s2 =	stileid.u32  }
0x1cc: {  	s1 =	rddreg [dreg:$0x1];
	p0 =	sne.s32 s2, $0x0  }
0x1cd: {  	s3 =	rddreg [dreg:$0x2];
	[bflag:$0x3] =	sbarrier.arrive $0xFFFF;
	s2 =	simm.s32 @!p0 $0x1C04  }
0x1ce: {  	[timem:s3], [sflag:s2] =	dma.local @!p0 [hbm:s0], s1  }
0x1cf: {  	s0 =	simm.s32 @!p0 $0x4  }
0x1d0: {  	_ =	swait.ge @!p0 [sflag:s0], s1  }
0x1d1: {  	s1 =	ssub.s32 @!p0 $0x0, s1;
	[sflag:s0] =	ssyncset.done @!p0 $0x0  }
0x1d2: {  	[sflag:s0] =	ssyncadd.s32 @!p0 s1  }
0x1d3: {  	[bflag:$0x3] =	sbarrier.arrive $0xFFFF  }
0x1d4: {  	_ =	shalt  }

// kernel: kernel.9.cloned.1.call-start
scs
__scs_entry_jumppad:
0x0: {  	(pc) =	sbr.rel $0x88, $3  }
0x1: {  	(tag) =	ssettag $0x0;
	lr =	simm.s32 $0x1  }
0x2: {  	[smem:$0x3F92] =	sst lr;
	_ =	strace $0xD0000000  }
0x3: {  	_ = 	snop  }
0x4: {  	_ = 	snop  }
0x5: {  	_ = 	snop  }
0x6: {  	_ = 	snop  }
0x7: {  	_ = 	snop  }
__scs_overlays_trampoline_lowered:
0x8: {  	[smem:$0x3FA1] =	sst s0  }
0x9: {  	[smem:$0x3FA2] =	sst s1  }
0xa: {  	[smem:$0x3FA3] =	sst s2  }
0xb: {  	[smem:$0x3FA4] =	sst s3  }
0xc: {  	[smem:$0x3FA5] =	sst s4  }
0xd: {  	[smem:$0x3FA6] =	sst s5  }
0xe: {  	[smem:$0x3FA7] =	sst s6  }
0xf: {  	[smem:$0x3FA8] =	sst s7  }
0x10: {  	[smem:$0x3FA9] =	sst s8  }
0x11: {  	[smem:$0x3FAA] =	sst s9;
	s0 =	simm.s32 @!p0 $0x0  }
0x12: {  	s1 =	sld [smem:$0x3F90];
	s0 =	simm.s32 @p0 $0x1  }
0x13: {  	[smem:$0x3FAB] =	sst s0;
	s0 =	simm.s32 @!p1 $0x0  }
0x14: {  	s2 =	sld [smem:$0x3F8F];
	s0 =	simm.s32 @p1 $0x1  }
0x15: {  	[smem:$0x3FAC] =	sst s0;
	s0 =	simm.s32 @!p2 $0x0  }
0x16: {  	s3 =	sld [smem:$0x3FDB];
	s0 =	simm.s32 @p2 $0x1  }
0x17: {  	s4 =	simm.s32 $0x1BF5;
	[smem:$0x3FAE] =	sst s0  }
0x18: {  	s0 =	sld [smem:$0x3F91];
	_ =	swait.ge [sflag:s4], $0x0  }
0x19: {  	s7 =	sld [smem:$0x3F92]  }
0x1a: {  	s8 =	sadd.s32 $0xFFFFE003, lr  }
0x1b: {  	s9 =	sadd.s32 $0xFFFFFEF7, lr;
	s5 =	simm.s32 $0xFFFFFFFF;
	p2 =	slt.u32 s8, $0xFFFFF086  }
0x1c: {  	p1 =	slt.u32 s9, $0xF7A;
	s5 =	simm.s32 @!p2 $0x0  }
0x1d: {  	s5 =	simm.s32 @p1 $0x1;
	p0 =	seq.s32 s7, s2  }
0x1e: {  	s7 =	smul.u32 @!p0 $0xF7A, s2;
	p2 =	seq.s32 @!p0 s5, $0x0  }
0x1f: {  	s9 =	smul.u32 $0xF7A, s1;
	s8 =	simm.s32 @!p0 $0x1BF5;
	p2 =	por !p2, p0  }
0x20: {  	[sflag:s8] =	ssyncset.s32 @!p0 $0xFFFFF086;
	s6 =	sadd.s32 @!p0 s3, s7;
	s7 =	simm.s32 @!p0 $0x108  }
0x21: {  	s3 =	sadd.s32 s3, s9;
	s6 =	sadd.s32 @!p0 $0x88, s6;
	s7 =	simm.s32 @p2 $0x1082  }
0x22: {  	[simem:s7], [sflag:s8] =	dma.local @!p0 [hbm:s6], $0xF7A  }
0x23: {  	s9 =	sor.u32 $0xD0000000, s2;
	s6 =	simm.s32 $0x108;
	_ =	swait.ge @!p0 [sflag:s8], $0x0  }
0x24: {  	s3 =	sadd.s32 $0x88, s3;
	s6 =	simm.s32 @!p1 $0x1082;
	[sflag:s4] =	ssyncset.s32 $0xFFFFF086  }
0x25: {  	[simem:s6], [sflag:s4] =	dma.local [hbm:s3], $0xF7A  }
0x26: {  	[smem:$0x3F92] =	sst s1;
	(tag) =	ssettag s2;
	_ =	strace s9  }
0x27: {  	s1 =	sld [smem:$0x3FA2]  }
0x28: {  	s2 =	sld [smem:$0x3FA3]  }
0x29: {  	s4 =	sld [smem:$0x3FA5]  }
0x2a: {  	p0 =	seq.s32 s5, $0x0;
	s5 =	sld [smem:$0x3FA6]  }
0x2b: {  	s6 =	sld [smem:$0x3FA7]  }
0x2c: {  	s7 =	sld [smem:$0x3FA8]  }
0x2d: {  	s3 =	simm.s32 $0x108;
	s8 =	sld [smem:$0x3FA9]  }
0x2e: {  	s3 =	simm.s32 @!p0 $0x1082;
	s9 =	sld [smem:$0x3FAA]  }
0x2f: {  	lr =	sadd.s32 s0, s3;
	s0 =	sld [smem:$0x3FA1]  }
0x30: {  	s3 =	sld [smem:$0x3FA4]  }
0x31: {  	[smem:$0x3FAD] =	sst s10  }
0x32: {  	s10 =	sld [smem:$0x3FAB];
	_ =	sdelay $0x3  }
0x33: {  	p0 =	seq.s32 s10, $0x1;
	s10 =	sld [smem:$0x3FAD];
	_ =	sdelay $0x3  }
0x34: {  	[smem:$0x3FAD] =	sst s10  }
0x35: {  	s10 =	sld [smem:$0x3FAC];
	_ =	sdelay $0x3  }
0x36: {  	p1 =	seq.s32 s10, $0x1;
	s10 =	sld [smem:$0x3FAD];
	_ =	sdelay $0x3  }
0x37: {  	[smem:$0x3FAD] =	sst s10  }
0x38: {  	s10 =	sld [smem:$0x3FAE]  }
0x39: {  	_ = 	snop;
	(pc) =	sbr.ind lr, $3  }
0x3a: {  	_ = 	snop  }
0x3b: {  	_ = 	snop  }
0x3c: {  	p2 =	seq.s32 s10, $0x1;
	s10 =	sld [smem:$0x3FAD]  }
0x3d: {  	_ =	shalt  }
0x3e: {  	_ =	shalt  }
0x3f: {  	_ =	shalt  }
0x40: {  	_ =	shalt  }
0x41: {  	_ =	shalt  }
0x42: {  	_ =	shalt  }
0x43: {  	_ =	shalt  }
0x44: {  	_ =	shalt  }
0x45: {  	_ =	shalt  }
0x46: {  	_ =	shalt  }
0x47: {  	_ =	shalt  }
0x48: {  	_ =	shalt  }
0x49: {  	_ =	shalt  }
0x4a: {  	_ =	shalt  }
0x4b: {  	_ =	shalt  }
0x4c: {  	_ =	shalt  }
0x4d: {  	_ =	shalt  }
0x4e: {  	_ =	shalt  }
0x4f: {  	_ =	shalt  }
0x50: {  	_ =	shalt  }
0x51: {  	_ =	shalt  }
0x52: {  	_ =	shalt  }
0x53: {  	_ =	shalt  }
0x54: {  	_ =	shalt  }
0x55: {  	_ =	shalt  }
0x56: {  	_ =	shalt  }
0x57: {  	_ =	shalt  }
0x58: {  	_ =	shalt  }
0x59: {  	_ =	shalt  }
0x5a: {  	_ =	shalt  }
0x5b: {  	_ =	shalt  }
0x5c: {  	_ =	shalt  }
0x5d: {  	_ =	shalt  }
0x5e: {  	_ =	shalt  }
0x5f: {  	_ =	shalt  }
0x60: {  	_ =	shalt  }
0x61: {  	_ =	shalt  }
0x62: {  	_ =	shalt  }
0x63: {  	_ =	shalt  }
0x64: {  	_ =	shalt  }
0x65: {  	_ =	shalt  }
0x66: {  	_ =	shalt  }
0x67: {  	_ =	shalt  }
0x68: {  	_ =	shalt  }
0x69: {  	_ =	shalt  }
0x6a: {  	_ =	shalt  }
0x6b: {  	_ =	shalt  }
0x6c: {  	_ =	shalt  }
0x6d: {  	_ =	shalt  }
0x6e: {  	_ =	shalt  }
0x6f: {  	_ =	shalt  }
0x70: {  	_ =	shalt  }
0x71: {  	_ =	shalt  }
0x72: {  	_ =	shalt  }
0x73: {  	_ =	shalt  }
0x74: {  	_ =	shalt  }
0x75: {  	_ =	shalt  }
0x76: {  	_ =	shalt  }
0x77: {  	_ =	shalt  }
0x78: {  	_ =	shalt  }
0x79: {  	_ =	shalt  }
0x7a: {  	_ =	shalt  }
0x7b: {  	_ =	shalt  }
0x7c: {  	_ =	shalt  }
0x7d: {  	_ =	shalt  }
0x7e: {  	_ =	shalt  }
0x7f: {  	_ =	shalt  }
0x80: {  	_ =	shalt  }
0x81: {  	_ =	shalt  }
0x82: {  	_ =	shalt  }
0x83: {  	_ =	shalt  }
0x84: {  	_ =	shalt  }
0x85: {  	_ =	shalt  }
0x86: {  	_ =	shalt  }
0x87: {  	_ =	shalt  }
.Lfunc_end0:
.L_simem_size_0:
called_computation_lowered:
.L_overlay_start_0:
0x88: {  	s2 =	sld [smem:$0x3FD9]  }
0x89: {  	s3 =	sld [smem:$0x3FFE];
	_ =	sdelay $0x1  }
0x8a: {  	s1 =	srdreg.scid  }
0x8b: {  	s0 =	sand.u32 $0x1, s1  }
0x8c: {  	s16 =	sshll.u32 s0, $0xA;
	s2 =	sadd.s32 s3, s2  }
0x8d: {  	s2 =	sadd.s32 s2, s16  }
0x8e: {  	[smem:$0x3FB9] =	sst s2  }
0x8f: {  	_ = 	snop  }
0x90: {  	(tm) =	ssettm $0x1  }
0x91: {  	s17 =	sld [smem:$0x3FFB];
	_ =	sdelay $0x3  }
0x92: {  	_ =	strace s17  }
0x93: {  	s2 =	sld [smem:$0x3FFC];
	_ =	sdelay $0x3  }
0x94: {  	_ =	strace s2  }
0x95: {  	s2 =	sld [smem:$0x3FFD];
	_ =	sdelay $0x3  }
0x96: {  	_ =	strace s2  }
0x97: {  	_ =	strace $0x8FFFFFFF  }
0x98: {  	s18 =	sld [smem:$0x3FDB];
	_ =	sdelay $0x1  }
0x99: {  	s19 =	simm.s32 $_scs_section_size  }
0x9a: {  	s4 =	simm.s32 $_size__tile_overlayer_lowered;
	s5 =	simm.s32 $_tile_overlayer_lowered  }
0x9b: {  	s22 =	simm.s32 $0x1BFF;
	s21 =	sshll.u32 s5, $0x1;
	s2 =	sadd.s32 s19, s18  }
0x9c: {  	s6 =	simm.s32 $0x0;
	s20 =	sshll.u32 s4, $0x1;
	s4 =	sadd.s32 s21, s2  }
0x9d: {  	[timem:s6], [sflag:s22] =	dma.local [hbm:s4], s20  }
0x9e: {  	_ =	swait.ge [sflag:s22], s20  }
0x9f: {  	s3 =	ssub.s32 $0x0, s20;
	[sflag:s22] =	ssyncset.done $0x0  }
0xa0: {  	[sflag:s22] =	ssyncadd.s32 s3;
	_ =	sdelay $0x1  }
0xa1: {  	s23 =	simm.s32 $0x1B8B  }
0xa2: {  	_ =	swait.ge [sflag:s23], $0x1  }
0xa3: {  	[sflag:s23] =	ssyncset.done $0x0  }
0xa4: {  	s25 =	simm.s32 $0x1B8E;
	s24 =	sld [smem:$0x3FFE];
	[sflag:s23] =	ssyncadd.s32 $0xFFFFFFFF  }
0xa5: {  	s26 =	simm.s32 $execute0_lowered;
	[smem:$0x3FD2] =	sst s25  }
0xa6: {  	s4 =	sshll.u32 s26, $0x1;
	_ =	strace $0x80000046;
	[dreg:$0x1] =	wrdreg $0xFFFFFFFF  }
0xa7: {  	s28 =	simm.s32 $_size_execute0_lowered;
	s2 =	sadd.s32 s2, s4;
	[dreg:$0x0] =	wrdreg $0x0  }
0xa8: {  	s4 =	sshll.u32 s28, $0x1;
	[dreg:$0x2] =	wrdreg s2  }
0xa9: {  	[dreg:$0x3] =	wrdreg s4  }
0xaa: {  	[dreg:$0x4] =	wrdreg $0xC0  }
0xab: {  	_ =	task [dreg:s6], $0x5FFFF  }
0xac: {  	[dreg:$0x1] =	wrdreg $0xFFFFFFFF  }
0xad: {  	[dreg:$0x0] =	wrdreg $0x60  }
0xae: {  	[dreg:$0x2] =	wrdreg s24  }
0xaf: {  	[dreg:$0x3] =	wrdreg $0x9  }
0xb0: {  	_ =	task.clear_ibuf [dreg:s6], $0x4FFFF;
	_ =	strace $0x90000046  }
0xb1: {  	s29 =	simm.s32 $0x9;
	_ =	strace $0x80000048  }
0xb2: {  	_ =	swait.ge [sflag:s29], $0x1  }
0xb3: {  	[sflag:s29] =	ssyncadd.s32 $0xFFFFFFFF  }
0xb4: {  	_ =	strace $0x90000048  }
0xb5: {  	_ =	sfence  }
0xb6: {  	s30 =	sld [smem:$0x0];
	_ =	sdelay $0x2  }
0xb7: {  	s31 =	sshll.u32 s1, $0xD;
	s1 =	sshrl.u32 s1, $0x2  }
0xb8: {  	s3 =	sand.u32 $0x4000, s31;
	s1 =	sadd.s32 s1, s30  }
0xb9: {  	s0 =	sor.u32 s3, s0;
	s1 =	sshll.u32 s1, $0x11  }
0xba: {  	s0 =	sor.u32 s1, s0  }
0xbb: {  	s0 =	sadd.s32 $0x8F2B, s0  }
0xbc: {  	[sflag:s0] =	ssyncadd.remote.s32 $0x1  }
0xbd: {  	_ =	sfence.sel $0xFFFF  }
0xbe: {  	[dreg:$0x0] =	wrdreg $0xFFFFFFFF;
	(pc) =	sbr.abs _section_cstart, $3  }
0xbf: {  	[dreg:$0x1] =	wrdreg $0xFFFFFFFF  }
0xc0: {  	_ =	task.clear_ibuf [dreg:s6], $0x2FFFF;
	_ =	strace $0x9FFFFFFF  }
0xc1: {  	(tm) =	ssettm $0x7FFFFFFF  }
tec
execute0_lowered:
.L_overlay_start_1:
0x0: {  	(tag) =	ssettag $0x1  }
0x1: {  	s0 =	srdreg.scid  }
0x2: {  	s4 =	rddreg [dreg:$0x0];
	s2 =	simm.s32 $0x0;
	s3 =	sand.u32 $0x1, s0  }
0x3: {  	s8 =	simm.s32 $0x80;
	s0 =	stileid.u32;
	s1 =	sshll.u32 s3, $0x4  }
0x4: {  	s9 =	simm.s32 $0x400;
	s10 =	simm.s32 $0x0;
	s5 =	sor.u32 s0, s1  }
0x5: {  	[smem:$0x7FF] =	sst s2;
	s7 =	sshll.u32 s0, $0x7;
	s6 =	sshrl.u32 s5, $0x3  }
0x6: {  	s3 =	ssub.s32 $0x2, s3;
	s1 =	rddreg [dreg:$0x1];
	s6 =	smul.u32 $0x13C00, s6  }
0x7: {  	s7 =	sand.u32 $0x380, s7;
	s30 =	sshrl.u32 s3, $0x1;
	s5 =	smul.u32 $0x2710, s5  }
0x8: {  	_ =	strace $0x80000047;
	s31 =	ssub.s32 s3, s30;
	s6 =	sor.u32 s7, s6  }
0x9: {  	s5 =	sshrl.u32 s5, $0x3;
	s7 =	simm.s32 $0x2780;
	s6 =	sshrl.u32 s6, $0x3  }
0xa: {  	s6 =	sadd.s32 s6, s4;
	s4 =	sadd.s32 s4, s5;
	s5 =	smax.u32 s31, $0x1  }
0xb: {  	v0 =	vimm.f32 $0.0e+00;
	v1 =	vimm.f32 $1.000000000e+00;
	s3 =	sadd.s32 $0xCE40, s4;
	s4 =	sadd.s32 $0x16C00, s6;
	s6 =	simm.s32 $0x1  }
.LBB2_1:
0xc: {  	[tilespmem:s2], [sflag:$0x1] =	stream.linear.gather [hbm4b:s3+s2], $0x2710, $0x38;
	[tilespmem:$0x4F00] =	vst v63  }
0xd: {  	_ =	swait.ge [sflag:s6], $0x2710  }
0xe: {  	[sflag:s6] =	ssyncset.done $0x0  }
0xf: {  	s11 =	simm.s32 $0x0;
	[sflag:s6] =	ssyncadd.s32 $0xFFFFD8F0  }
.LBB2_2:
0x10: {  	p0 =	sne.s32 s11, $0x9DC0  }
.Ltmp0:
0x11: {  	_ = 	snop;
	(pc) =	sbr.rel @p0 .LBB2_2-.Ltmp0, $3  }
0x12: {  	_ =	sdelay $0x1  }
0x13: {  	s12 =	sshra.s32 s11, $0x2  }
0x14: {  	s11 =	sadd.s32 $0x40, s11;
	[tilespmem:s12+$0x2780] =	vst v0  }
0x15: {  	s12 =	simm.s32 $0x0;
	s11 =	simm.s32 $0x40  }
.LBB2_4:
0x16: {  	p0 =	sne.s32 s11, $0x9C00;
	v2 =	vld [tilespmem:s12+$0x0];
	_ =	sdelay $0x3  }
.Ltmp1:
0x17: {  	(pc) =	sbr.rel @p0 .LBB2_4-.Ltmp1, $2  }
0x18: {  	_ =	sdelay $0x2  }
0x19: {  	s12 =	sshra.s32 s11, $0x2;
	s11 =	sadd.s32 $0x40, s11;
	[tilespmem:v2+s7+$0x0] =	vst.idx.add.f32.msk $0xffff, v1  }
0x1a: {  	v2 =	vld [tilespmem:s12+$0x0];
	_ =	sdelay $0x5  }
0x1b: {  	s10 =	sadd.s32 $0x1, s10  }
0x1c: {  	p0 =	sne.s32 s10, s5  }
.Ltmp2:
0x1d: {  	[tilespmem:v2+s7+$0x0] =	vst.idx.add.f32.msk $0xffff, v1;
	(pc) =	sbr.rel @p0 .LBB2_1-.Ltmp2, $4  }
0x1e: {  	[hbm4b:s4+s8] =	stream.strided.scatter [tilespmem:s7], [sflag:$0x1], $0x2780, s9, s8, $0x38;
	[tilespmem:$0x4F00] =	vst v63  }
0x1f: {  	_ =	swait.ge [sflag:s6], $0x2780  }
0x20: {  	[sflag:s6] =	ssyncset.done $0x0  }
0x21: {  	[sflag:s6] =	ssyncadd.s32 $0xFFFFD880  }
0x22: {  	_ =	sfence.sel $0x180000  }
0x23: {  	[bflag:$0x0] =	sbarrier.arrive $0xFFFF  }
0x24: {  	p0 =	sne.s32 s0, $0x0;
	_ =	strace $0x90000047  }
0x25: {  	s0 =	sadd.s32 @!p0 $0x100000, s1;
	[bflag:$0x2] =	sbarrier.arrive $0xFFFF  }
0x26: {  	[sflag:s0] =	ssyncadd.tile.s32 @!p0 $0x1;
	_ =	shalt  }
.Lfunc_end2:
_tile_overlayer_lowered:
.L_overlay_start_2:
0x27: {  	(tag) =	ssettag $0x2  }
0x28: {  	s0 =	rddreg [dreg:$0x0];
	s2 =	stileid.u32  }
0x29: {  	s1 =	rddreg [dreg:$0x1];
	p0 =	sne.s32 s2, $0x0  }
0x2a: {  	s3 =	rddreg [dreg:$0x2];
	[bflag:$0x3] =	sbarrier.arrive $0xFFFF;
	s2 =	simm.s32 @!p0 $0x1C01  }
0x2b: {  	[timem:s3], [sflag:s2] =	dma.local @!p0 [hbm:s0], s1  }
0x2c: {  	s0 =	simm.s32 @!p0 $0x1  }
0x2d: {  	_ =	swait.ge @!p0 [sflag:s0], s1  }
0x2e: {  	s1 =	ssub.s32 @!p0 $0x0, s1;
	[sflag:s0] =	ssyncset.done @!p0 $0x0  }
0x2f: {  	[sflag:s0] =	ssyncadd.s32 @!p0 s1  }
0x30: {  	[bflag:$0x3] =	sbarrier.arrive $0xFFFF  }
0x31: {  	_ =	shalt  }

</sc_bundles>
